<compile_context>
chip_gen: v7x
topology: tpu7x:2x2x1
jax: 0.10.2.dev20260603
libtpu: 0.0.44.dev20260713+nightly
codegen_flags: <defaults>
</compile_context>

<pallas_src>
import functools

import jax
import jax.numpy as jnp
from jax import lax
from jax.experimental import pallas as pl
from jax.experimental.pallas import tpu as pltpu
from jax.experimental.pallas import tpu_sc as plsc

N = 10000
NA = 10240
D_IN = 128
DH = 16
DOUT = 7

E_RAW = 320000
NTILES = 32
CB = 125
CHUNKS = 80
RPT = N // 16
RPTA = NA // 16
NBUF = 12
LOOK = 6
DEAD = N + 16

_MESH = dict(core_axis_name="c", subcore_axis_name="s")


def _redirect_edge0(idx_v, val):
    lane = lax.iota(jnp.int32, 16)
    row = idx_v[0, pl.ds(0, 16)]
    idx_v[0, pl.ds(0, 16)] = jnp.where(lane == 0, val, row)


@functools.partial(
    pl.kernel,
    out_type=jax.ShapeDtypeStruct((2, NA), jnp.float32),
    mesh=plsc.VectorSubcoreMesh(**_MESH),
    compiler_params=pltpu.CompilerParams(use_tc_tiling_on_sc=False),
    scratch_types=[
        pltpu.VMEM((CHUNKS, CB), jnp.int32),
        pltpu.VMEM((CB,), jnp.float32),
        pltpu.VMEM((RPTA,), jnp.float32),
        pltpu.VMEM_SHARED((NA,), jnp.float32),
        pltpu.SemaphoreType.DMA,
    ],
)
def _sc_deg(ei_hbm, out_hbm, dst_v, ones_v, zero_v, acc_sh, sem_s):
    c = lax.axis_index("c")
    s = lax.axis_index("s")
    wid = s * 2 + c

    for k in range(CB // 16 + 1):
        o = min(k * 16, CB - 16)
        ones_v[pl.ds(o, 16)] = jnp.full((16,), 1.0, jnp.float32)

    def zb(i, _):
        zero_v[pl.ds(i * 16, 16)] = jnp.zeros((16,), jnp.float32)
        return 0

    lax.fori_loop(0, RPTA // 16, zb, 0)
    pltpu.sync_copy(zero_v, acc_sh.at[pl.ds(s * RPTA, RPTA)])
    pltpu.sync_copy(ei_hbm.at[1, wid], dst_v)

    @pl.when(wid == 0)
    def _():
        _redirect_edge0(dst_v, DEAD)

    plsc.subcore_barrier()

    def body(i, _):
        pltpu.async_copy(ones_v, acc_sh.at[dst_v.at[i]], sem_s, add=True)
        return 0

    lax.fori_loop(0, CHUNKS, body, 0)

    def drain(i, _):
        pltpu.make_async_copy(ones_v, acc_sh.at[dst_v.at[i]], sem_s).wait()
        return 0

    lax.fori_loop(0, CHUNKS, drain, 0)
    plsc.subcore_barrier()
    pltpu.sync_copy(acc_sh.at[pl.ds(s * RPTA, RPTA)],
                    out_hbm.at[c, pl.ds(s * RPTA, RPTA)])


NP8 = NA * DH // 128
RP8 = RPTA * DH // 128


@functools.partial(
    pl.kernel,
    out_type=jax.ShapeDtypeStruct((2, NA, DH), jnp.float32),
    mesh=plsc.VectorSubcoreMesh(**_MESH),
    compiler_params=pltpu.CompilerParams(use_tc_tiling_on_sc=False),
    scratch_types=[
        pltpu.VMEM((CHUNKS, CB), jnp.int32),
        pltpu.VMEM((CHUNKS, CB), jnp.int32),
        pltpu.VMEM((NBUF, CB, DH), jnp.float32),
        pltpu.VMEM((RPTA, DH), jnp.float32),
        pltpu.VMEM_SHARED((NA, DH), jnp.float32),
        [pltpu.SemaphoreType.DMA] * NBUF,
        [pltpu.SemaphoreType.DMA] * NBUF,
    ],
)
def _sc_agg(hs_hbm, ei_hbm, out_hbm,
            src_v, dst_v, rows_v, zero_v, acc_sh, sem_g, sem_s):
    c = lax.axis_index("c")
    s = lax.axis_index("s")
    wid = s * 2 + c

    def zb(i, _):
        zero_v[i] = jnp.zeros((DH,), jnp.float32)
        return 0

    lax.fori_loop(0, RPTA, zb, 0)
    pltpu.sync_copy(zero_v, acc_sh.at[pl.ds(s * RPTA, RPTA)])
    pltpu.sync_copy(ei_hbm.at[0, wid], src_v)
    pltpu.sync_copy(ei_hbm.at[1, wid], dst_v)

    @pl.when(wid == 0)
    def _():
        _redirect_edge0(src_v, 0)
        _redirect_edge0(dst_v, DEAD)

    plsc.subcore_barrier()

    def gather(j, b):
        return pltpu.async_copy(hs_hbm.at[src_v.at[j]], rows_v.at[b],
                                sem_g[b])

    def scat(j, b, issue):
        if issue:
            return pltpu.async_copy(rows_v.at[b], acc_sh.at[dst_v.at[j]],
                                    sem_s[b], add=True)
        return pltpu.make_async_copy(rows_v.at[b], acc_sh.at[dst_v.at[j]],
                                     sem_s[b])

    for j in range(LOOK):
        gather(j, j % NBUF)

    def body(blk, _):
        base = blk * NBUF
        for p in range(NBUF):
            jj = base + p

            @pl.when(jj < CHUNKS)
            def _step():
                @pl.when(jj >= NBUF - LOOK)
                def _free():
                    scat(jj - (NBUF - LOOK), (p + LOOK) % NBUF,
                         False).wait()

                @pl.when(jj + LOOK < CHUNKS)
                def _prefetch():
                    gather(jj + LOOK, (p + LOOK) % NBUF)

                pltpu.make_async_copy(hs_hbm.at[src_v.at[jj]],
                                      rows_v.at[p], sem_g[p]).wait()
                scat(jj, p, True)

        return 0

    lax.fori_loop(0, (CHUNKS + NBUF - 1) // NBUF, body, 0)
    for j in range(max(0, CHUNKS - (NBUF - LOOK)), CHUNKS):
        scat(j, j % NBUF, False).wait()
    plsc.subcore_barrier()

    pltpu.sync_copy(acc_sh.at[pl.ds(s * RPTA, RPTA)],
                    out_hbm.at[c, pl.ds(s * RPTA, RPTA)])


BR = 1000


BP = 128


def _mm1_body(x_ref, w_ref, o_ref):
    outs = [
        jnp.dot(x_ref[:, s, :], w_ref[...],
                preferred_element_type=jnp.float32)
        for s in range(8)
    ]
    o_ref[...] = jnp.concatenate(outs, axis=1)


_mm1 = pl.pallas_call(
    _mm1_body,
    grid=(NP8 // BP,),
    in_specs=[
        pl.BlockSpec((BP, 8, D_IN), lambda i: (i, 0, 0)),
        pl.BlockSpec((D_IN, DH), lambda i: (0, 0)),
    ],
    out_specs=pl.BlockSpec((BP, 128), lambda i: (i, 0)),
    out_shape=jax.ShapeDtypeStruct((NP8, 128), jnp.float32),
)


def _mm2_body(h_ref, w_ref, o_ref):
    o_ref[...] = jnp.dot(h_ref[...], w_ref[...],
                         preferred_element_type=jnp.float32)


_mm2 = pl.pallas_call(
    _mm2_body,
    grid=(NP8 // BP,),
    in_specs=[
        pl.BlockSpec((BP, 128), lambda i: (i, 0)),
        pl.BlockSpec((128, 128), lambda i: (0, 0)),
    ],
    out_specs=pl.BlockSpec((BP, 128), lambda i: (i, 0)),
    out_shape=jax.ShapeDtypeStruct((NP8, 128), jnp.float32),
)


def _head_body(e_ref, wl_ref, bl_ref, logp_ref):
    h3 = jnp.maximum(e_ref[...], 0.0)
    logits = jnp.dot(h3, wl_ref[...],
                     preferred_element_type=jnp.float32) + bl_ref[...]
    m = jnp.max(logits, axis=1, keepdims=True)
    ex = jnp.exp(logits - m)
    lse = jnp.log(jnp.sum(ex, axis=1, keepdims=True)) + m
    logp_ref[...] = logits - lse


_head = pl.pallas_call(
    _head_body,
    grid=(N // BR,),
    in_specs=[
        pl.BlockSpec((BR, DH), lambda i: (i, 0)),
        pl.BlockSpec((DH, DOUT), lambda i: (0, 0)),
        pl.BlockSpec((1, DOUT), lambda i: (0, 0)),
    ],
    out_specs=pl.BlockSpec((BR, DOUT), lambda i: (i, 0)),
    out_shape=jax.ShapeDtypeStruct((N, DOUT), jnp.float32),
)


@jax.jit
def kernel(x, edge_index, W1, b1, W2, b2, Wl, bl):
    ei4 = edge_index.reshape(2, NTILES, CHUNKS, CB)

    degp = _sc_deg(ei4)
    dis = lax.rsqrt(degp[0] + degp[1] + 1.0)
    disp = jnp.broadcast_to(dis[:, None], (NA, DH)).reshape(NP8, 128)
    hs1p = _mm1(x.reshape(N // 8, 8, D_IN), W1) * disp
    a1 = _sc_agg(hs1p.reshape(NA, DH), ei4).reshape(2, NP8, 128)
    b1p = jnp.tile(b1, NA).reshape(NP8, 128)
    h2p = jnp.maximum(disp * (a1[0] + a1[1] + hs1p) + b1p, 0.0)
    hs2p = _mm2(h2p, jnp.kron(jnp.eye(8, dtype=jnp.float32), W2)) * disp
    a2 = _sc_agg(hs2p.reshape(NA, DH), ei4).reshape(2, NP8, 128)
    b2p = jnp.tile(b2, NA).reshape(NP8, 128)
    embp = disp * (a2[0] + a2[1] + hs2p) + b2p
    emb = embp.reshape(NA, DH)[:N]
    logp = _head(emb, Wl, bl.reshape(1, DOUT))
    return logp, emb

# --- scband reference (transcript-rebuilt; emitter-appended) ---
"""Pipeline reference for scband-gcn-81819126989480 (READ-ONLY COPY).

The authoritative reference and input builder live on the scoring server;
editing this copy changes nothing except your own understanding.
"""

import jax, jax.numpy as jnp
import numpy as np

N = 10000
E = 320000
D_IN = 128
D_H = 16
D_OUT = 7


def setup_inputs(seed: int = 0) -> dict:
    key = jax.random.key(seed)
    ks = jax.random.split(key, 8)
    x = jax.random.normal(ks[0], (N, D_IN), dtype=jnp.float32)
    edge_index = jax.random.randint(ks[1], (2, E), 0, N, dtype=jnp.int32)
    W1 = jax.random.normal(ks[2], (D_IN, D_H), dtype=jnp.float32) * (1.0 / np.sqrt(D_IN))
    b1 = jnp.zeros((D_H,), dtype=jnp.float32)
    W2 = jax.random.normal(ks[3], (D_H, D_H), dtype=jnp.float32) * (1.0 / np.sqrt(D_H))
    b2 = jnp.zeros((D_H,), dtype=jnp.float32)
    Wl = jax.random.normal(ks[4], (D_H, D_OUT), dtype=jnp.float32) * (1.0 / np.sqrt(D_H))
    bl = jnp.zeros((D_OUT,), dtype=jnp.float32)
    return {"x": x, "edge_index": edge_index, "W1": W1, "b1": b1, "W2": W2, "b2": b2, "Wl": Wl, "bl": bl}


def _gcn_conv(x, edge_index, W, b):
    # Faithful PyG GCNConv: add self-loops, symmetric normalization, linear, scatter-add, bias.
    Nn = x.shape[0]
    src = edge_index[0]
    dst = edge_index[1]
    loop = jnp.arange(Nn, dtype=src.dtype)
    src = jnp.concatenate([src, loop])
    dst = jnp.concatenate([dst, loop])
    deg = jnp.zeros((Nn,), dtype=jnp.float32).at[dst].add(1.0)
    deg_inv_sqrt = jnp.where(deg > 0, jax.lax.rsqrt(jnp.maximum(deg, 1e-12)), 0.0)
    norm = deg_inv_sqrt[src] * deg_inv_sqrt[dst]
    h = x @ W
    msg = h[src] * norm[:, None]
    out = jnp.zeros((Nn, W.shape[1]), dtype=jnp.float32).at[dst].add(msg)
    return out + b


def reference(x, edge_index, W1, b1, W2, b2, Wl, bl):
    # Module drops the first edge: edge_index.T[1:].T
    ei = edge_index[:, 1:]
    h = _gcn_conv(x, ei, W1, b1)
    h = jax.nn.relu(h)
    # F.dropout in eval mode (inference) is identity
    h2 = _gcn_conv(h, ei, W2, b2)
    emb = h2
    h3 = jax.nn.relu(h2)
    logits = h3 @ Wl + bl
    return (jax.nn.log_softmax(logits, axis=1), emb)

if __name__ == "__main__":
    import jax
    _d = setup_inputs()
    print(jax.jit(kernel)(*tuple(_d.values())))

</pallas_src>

<mosaic_0001>
#map = affine_map<(d0, d1) -> (0, 0, 0, 0)>
#map1 = affine_map<(d0, d1) -> (0, 0)>
module attributes {stable_mosaic.version = 14 : i64} {
  func.func @_sc_deg(%arg0: i32, %arg1: i32, %arg2: memref<2x32x80x125xi32, #tpu.memory_space<hbm>>, %arg3: memref<2x10240xf32, #tpu.memory_space<hbm>>, %arg4: memref<80x125xi32, #tpu.memory_space<vmem>>, %arg5: memref<125xf32, #tpu.memory_space<vmem>>, %arg6: memref<640xf32, #tpu.memory_space<vmem>>, %arg7: memref<10240xf32, #tpu.memory_space<vmem_shared>>, %arg8: memref<!tpu.dma_semaphore, #tpu.memory_space<semaphore_mem>>) attributes {dimension_semantics = [#tpu.dimension_semantics<core_parallel>, #tpu.dimension_semantics<subcore_parallel>], iteration_bounds = array<i64: 2, 16>, scalar_prefetch = 0 : i64, scratch_operands = 5 : i64, tpu.core_type = #tpu.core_type<sc_vector_subcore>, window_params = [{transform_indices = #map}, {transform_indices = #map1}]} {
    %mul3A = arith.constant 2 : i32
    %mul3A_0 = arith.muli %arg1, %mul3A : i32
    %add3A = arith.addi %mul3A_0, %arg0 : i32
    %broadcast_in_dim3A = arith.constant 1.000000e+00 : f32
    %broadcast_in_dim3A_1 = vector.broadcast %broadcast_in_dim3A : f32 to vector<16xf32>
    %swap3A = arith.constant 0 : index
    %swap3A_2 = tpu.vector_load %arg5[%swap3A] {strides = array<i32>} : memref<125xf32, #tpu.memory_space<vmem>>, vector<16xf32>,
    %swap3A_3 = vector.shape_cast %swap3A_2 : vector<16xf32> to vector<16xf32>
    %swap3A_4 = vector.shape_cast %broadcast_in_dim3A_1 : vector<16xf32> to vector<16xf32>
    tpu.vector_store %arg5[%swap3A], %swap3A_4 {strides = array<i32>} : memref<125xf32, #tpu.memory_space<vmem>>, vector<16xf32>,
    %broadcast_in_dim3A_5 = arith.constant 1.000000e+00 : f32
    %broadcast_in_dim3A_6 = vector.broadcast %broadcast_in_dim3A_5 : f32 to vector<16xf32>
    %swap3A_7 = arith.constant 16 : index
    %swap3A_8 = tpu.vector_load %arg5[%swap3A_7] {strides = array<i32>} : memref<125xf32, #tpu.memory_space<vmem>>, vector<16xf32>,
    %swap3A_9 = vector.shape_cast %swap3A_8 : vector<16xf32> to vector<16xf32>
    %swap3A_10 = vector.shape_cast %broadcast_in_dim3A_6 : vector<16xf32> to vector<16xf32>
    tpu.vector_store %arg5[%swap3A_7], %swap3A_10 {strides = array<i32>} : memref<125xf32, #tpu.memory_space<vmem>>, vector<16xf32>,
    %broadcast_in_dim3A_11 = arith.constant 1.000000e+00 : f32
    %broadcast_in_dim3A_12 = vector.broadcast %broadcast_in_dim3A_11 : f32 to vector<16xf32>
    %swap3A_13 = arith.constant 32 : index
    %swap3A_14 = tpu.vector_load %arg5[%swap3A_13] {strides = array<i32>} : memref<125xf32, #tpu.memory_space<vmem>>, vector<16xf32>,
    %swap3A_15 = vector.shape_cast %swap3A_14 : vector<16xf32> to vector<16xf32>
    %swap3A_16 = vector.shape_cast %broadcast_in_dim3A_12 : vector<16xf32> to vector<16xf32>
    tpu.vector_store %arg5[%swap3A_13], %swap3A_16 {strides = array<i32>} : memref<125xf32, #tpu.memory_space<vmem>>, vector<16xf32>,
    %broadcast_in_dim3A_17 = arith.constant 1.000000e+00 : f32
    %broadcast_in_dim3A_18 = vector.broadcast %broadcast_in_dim3A_17 : f32 to vector<16xf32>
    %swap3A_19 = arith.constant 48 : index
    %swap3A_20 = tpu.vector_load %arg5[%swap3A_19] {strides = array<i32>} : memref<125xf32, #tpu.memory_space<vmem>>, vector<16xf32>,
    %swap3A_21 = vector.shape_cast %swap3A_20 : vector<16xf32> to vector<16xf32>
    %swap3A_22 = vector.shape_cast %broadcast_in_dim3A_18 : vector<16xf32> to vector<16xf32>
    tpu.vector_store %arg5[%swap3A_19], %swap3A_22 {strides = array<i32>} : memref<125xf32, #tpu.memory_space<vmem>>, vector<16xf32>,
    %broadcast_in_dim3A_23 = arith.constant 1.000000e+00 : f32
    %broadcast_in_dim3A_24 = vector.broadcast %broadcast_in_dim3A_23 : f32 to vector<16xf32>
    %swap3A_25 = arith.constant 64 : index
    %swap3A_26 = tpu.vector_load %arg5[%swap3A_25] {strides = array<i32>} : memref<125xf32, #tpu.memory_space<vmem>>, vector<16xf32>,
    %swap3A_27 = vector.shape_cast %swap3A_26 : vector<16xf32> to vector<16xf32>
    %swap3A_28 = vector.shape_cast %broadcast_in_dim3A_24 : vector<16xf32> to vector<16xf32>
    tpu.vector_store %arg5[%swap3A_25], %swap3A_28 {strides = array<i32>} : memref<125xf32, #tpu.memory_space<vmem>>, vector<16xf32>,
    %broadcast_in_dim3A_29 = arith.constant 1.000000e+00 : f32
    %broadcast_in_dim3A_30 = vector.broadcast %broadcast_in_dim3A_29 : f32 to vector<16xf32>
    %swap3A_31 = arith.constant 80 : index
    %swap3A_32 = tpu.vector_load %arg5[%swap3A_31] {strides = array<i32>} : memref<125xf32, #tpu.memory_space<vmem>>, vector<16xf32>,
    %swap3A_33 = vector.shape_cast %swap3A_32 : vector<16xf32> to vector<16xf32>
    %swap3A_34 = vector.shape_cast %broadcast_in_dim3A_30 : vector<16xf32> to vector<16xf32>
    tpu.vector_store %arg5[%swap3A_31], %swap3A_34 {strides = array<i32>} : memref<125xf32, #tpu.memory_space<vmem>>, vector<16xf32>,
    %broadcast_in_dim3A_35 = arith.constant 1.000000e+00 : f32
    %broadcast_in_dim3A_36 = vector.broadcast %broadcast_in_dim3A_35 : f32 to vector<16xf32>
    %swap3A_37 = arith.constant 96 : index
    %swap3A_38 = tpu.vector_load %arg5[%swap3A_37] {strides = array<i32>} : memref<125xf32, #tpu.memory_space<vmem>>, vector<16xf32>,
    %swap3A_39 = vector.shape_cast %swap3A_38 : vector<16xf32> to vector<16xf32>
    %swap3A_40 = vector.shape_cast %broadcast_in_dim3A_36 : vector<16xf32> to vector<16xf32>
    tpu.vector_store %arg5[%swap3A_37], %swap3A_40 {strides = array<i32>} : memref<125xf32, #tpu.memory_space<vmem>>, vector<16xf32>,
    %broadcast_in_dim3A_41 = arith.constant 1.000000e+00 : f32
    %broadcast_in_dim3A_42 = vector.broadcast %broadcast_in_dim3A_41 : f32 to vector<16xf32>
    %swap3A_43 = arith.constant 109 : index
    %swap3A_44 = tpu.vector_load %arg5[%swap3A_43] {strides = array<i32>} : memref<125xf32, #tpu.memory_space<vmem>>, vector<16xf32>,
    %swap3A_45 = vector.shape_cast %swap3A_44 : vector<16xf32> to vector<16xf32>
    %swap3A_46 = vector.shape_cast %broadcast_in_dim3A_42 : vector<16xf32> to vector<16xf32>
    tpu.vector_store %arg5[%swap3A_43], %swap3A_46 {strides = array<i32>} : memref<125xf32, #tpu.memory_space<vmem>>, vector<16xf32>,
    %scan3A = arith.constant 0 : i32
    %scan3A_47 = arith.constant 0 : i32
    %scan3A_48 = arith.constant 40 : i32
    %scan3A_49 = arith.addi %scan3A_47, %scan3A_48 : i32
    %scan3A_50 = arith.constant 1 : i32
    %scan3A_51 = scf.for %scan3A_76 = %scan3A_47 to %scan3A_49 step %scan3A_50 iter_args(%scan3A_77 = %scan3A) -> (i32)  : i32 {
      %broadcast_in_dim3A_78 = arith.constant 0.000000e+00 : f32
      %broadcast_in_dim3A_79 = vector.broadcast %broadcast_in_dim3A_78 : f32 to vector<16xf32>
      %mul3A_80 = arith.constant 16 : i32
      %mul3A_81 = arith.muli %scan3A_76, %mul3A_80 : i32
      %swap3A_82 = arith.index_cast %mul3A_81 : i32 to index
      %swap3A_83 = tpu.vector_load %arg6[%swap3A_82] {strides = array<i32>} : memref<640xf32, #tpu.memory_space<vmem>>, vector<16xf32>,
      %swap3A_84 = vector.shape_cast %swap3A_83 : vector<16xf32> to vector<16xf32>
      %swap3A_85 = vector.shape_cast %broadcast_in_dim3A_79 : vector<16xf32> to vector<16xf32>
      tpu.vector_store %arg6[%swap3A_82], %swap3A_85 {strides = array<i32>} : memref<640xf32, #tpu.memory_space<vmem>>, vector<16xf32>,
      %scan3A_86 = arith.constant 0 : i32
      scf.yield %scan3A_86 : i32
    }
    %scan3A_52 = arith.constant 40 : i32
    %mul3A_53 = arith.constant 640 : i32
    %mul3A_54 = arith.muli %arg1, %mul3A_53 : i32
    "tpu.region"() ({
      %run_scoped3A_76 = tpu.sem_alloc : memref<!tpu.dma_semaphore, #tpu.memory_space<semaphore_mem>>
      %dma_start3A = tpu.memref_slice %arg7[%mul3A_54] : memref<10240xf32, #tpu.memory_space<vmem_shared>> -> memref<640xf32, #tpu.memory_space<vmem_shared>>
      %dma_start3A_77 = tpu.memref_slice %arg7[%mul3A_54] : memref<10240xf32, #tpu.memory_space<vmem_shared>> -> memref<640xf32, #tpu.memory_space<vmem_shared>>
      tpu.enqueue_dma source(%arg6 : memref<640xf32, #tpu.memory_space<vmem>>) target(%dma_start3A_77 : memref<640xf32, #tpu.memory_space<vmem_shared>>) target_semaphore(%run_scoped3A_76 : memref<!tpu.dma_semaphore, #tpu.memory_space<semaphore_mem>>)
      %dma_wait3A = tpu.memref_slice %arg7[%mul3A_54] : memref<10240xf32, #tpu.memory_space<vmem_shared>> -> memref<640xf32, #tpu.memory_space<vmem_shared>>
      %dma_wait3A_78 = tpu.memref_slice %arg7[%mul3A_54] : memref<10240xf32, #tpu.memory_space<vmem_shared>> -> memref<640xf32, #tpu.memory_space<vmem_shared>>
      tpu.wait_dma2 semaphore(%run_scoped3A_76 : memref<!tpu.dma_semaphore, #tpu.memory_space<semaphore_mem>>) src(%arg6 : memref<640xf32, #tpu.memory_space<vmem>>) dst(%dma_wait3A_78 : memref<640xf32, #tpu.memory_space<vmem_shared>>)
      tpu.yield
    }) : () -> ()
    %run_scoped3A = arith.constant 1 : i32
    "tpu.region"() ({
      %run_scoped3A_76 = tpu.sem_alloc : memref<!tpu.dma_semaphore, #tpu.memory_space<semaphore_mem>>
      %dma_start3A = arith.constant 0 : i32
      %dma_start3A_77 = arith.constant 0 : i32
      %dma_start3A_78 = tpu.memref_slice %arg2[%run_scoped3A, %add3A, %dma_start3A, %dma_start3A_77] : memref<2x32x80x125xi32, #tpu.memory_space<hbm>> -> memref<1x1x80x125xi32, #tpu.memory_space<hbm>>
      %dma_start3A_79 = tpu.memref_squeeze %dma_start3A_78 : memref<1x1x80x125xi32, #tpu.memory_space<hbm>> -> memref<80x125xi32, #tpu.memory_space<hbm>>
      %dma_start3A_80 = arith.constant 0 : i32
      %dma_start3A_81 = arith.constant 0 : i32
      %dma_start3A_82 = tpu.memref_slice %arg2[%run_scoped3A, %add3A, %dma_start3A_80, %dma_start3A_81] : memref<2x32x80x125xi32, #tpu.memory_space<hbm>> -> memref<1x1x80x125xi32, #tpu.memory_space<hbm>>
      %dma_start3A_83 = tpu.memref_squeeze %dma_start3A_82 : memref<1x1x80x125xi32, #tpu.memory_space<hbm>> -> memref<80x125xi32, #tpu.memory_space<hbm>>
      tpu.enqueue_dma source(%dma_start3A_83 : memref<80x125xi32, #tpu.memory_space<hbm>>) target(%arg4 : memref<80x125xi32, #tpu.memory_space<vmem>>) target_semaphore(%run_scoped3A_76 : memref<!tpu.dma_semaphore, #tpu.memory_space<semaphore_mem>>)
      %dma_wait3A = arith.constant 0 : i32
      %dma_wait3A_84 = arith.constant 0 : i32
      %dma_wait3A_85 = tpu.memref_slice %arg2[%run_scoped3A, %add3A, %dma_wait3A, %dma_wait3A_84] : memref<2x32x80x125xi32, #tpu.memory_space<hbm>> -> memref<1x1x80x125xi32, #tpu.memory_space<hbm>>
      %dma_wait3A_86 = tpu.memref_squeeze %dma_wait3A_85 : memref<1x1x80x125xi32, #tpu.memory_space<hbm>> -> memref<80x125xi32, #tpu.memory_space<hbm>>
      %dma_wait3A_87 = arith.constant 0 : i32
      %dma_wait3A_88 = arith.constant 0 : i32
      %dma_wait3A_89 = tpu.memref_slice %arg2[%run_scoped3A, %add3A, %dma_wait3A_87, %dma_wait3A_88] : memref<2x32x80x125xi32, #tpu.memory_space<hbm>> -> memref<1x1x80x125xi32, #tpu.memory_space<hbm>>
      %dma_wait3A_90 = tpu.memref_squeeze %dma_wait3A_89 : memref<1x1x80x125xi32, #tpu.memory_space<hbm>> -> memref<80x125xi32, #tpu.memory_space<hbm>>
      tpu.wait_dma2 semaphore(%run_scoped3A_76 : memref<!tpu.dma_semaphore, #tpu.memory_space<semaphore_mem>>) src(%dma_wait3A_90 : memref<80x125xi32, #tpu.memory_space<hbm>>) dst(%arg4 : memref<80x125xi32, #tpu.memory_space<vmem>>)
      tpu.yield
    }) : () -> ()
    %eq3A = arith.constant 0 : i32
    %eq3A_55 = arith.cmpi eq, %add3A, %eq3A : i32
    %convert_element_type3A = arith.extui %eq3A_55 : i1 to i32
    %cond3A = arith.constant 0 : i32
    %cond3A_56 = arith.cmpi ne, %convert_element_type3A, %cond3A : i32
    scf.if %cond3A_56 {
      %iota3A = tpu.iota {dimensions = array<i32: 0>} : vector<16xi32>
      %get3A = arith.constant 0 : i32
      %get3A_76 = arith.index_cast %get3A : i32 to index
      %get3A_77 = arith.constant 0 : index
      %get3A_78 = tpu.vector_load %arg4[%get3A_76, %get3A_77] {strides = array<i32>} : memref<80x125xi32, #tpu.memory_space<vmem>>, vector<1x16xi32>,
      %get3A_79 = vector.shape_cast %get3A_78 : vector<1x16xi32> to vector<16xi32>
      %eq3A_80 = arith.constant 0 : i32
      %eq3A_81 = vector.broadcast %eq3A_80 : i32 to vector<16xi32>
      %eq3A_82 = arith.cmpi eq, %iota3A, %eq3A_81 : vector<16xi32>
      %jit3A = arith.constant 10016 : i32
      %broadcast_in_dim3A_83 = vector.broadcast %jit3A : i32 to vector<16xi32>
      %select_n3A = arith.select %eq3A_82, %broadcast_in_dim3A_83, %get3A_79 : vector<16xi1>, vector<16xi32>
      %swap3A_84 = arith.constant 0 : i32
      %swap3A_85 = arith.index_cast %swap3A_84 : i32 to index
      %swap3A_86 = arith.constant 0 : index
      %swap3A_87 = tpu.vector_load %arg4[%swap3A_85, %swap3A_86] {strides = array<i32>} : memref<80x125xi32, #tpu.memory_space<vmem>>, vector<1x16xi32>,
      %swap3A_88 = vector.shape_cast %swap3A_87 : vector<1x16xi32> to vector<16xi32>
      %swap3A_89 = vector.shape_cast %select_n3A : vector<16xi32> to vector<1x16xi32>
      tpu.vector_store %arg4[%swap3A_85, %swap3A_86], %swap3A_89 {strides = array<i32>} : memref<80x125xi32, #tpu.memory_space<vmem>>, vector<1x16xi32>,
    } else {
    }
    %barrier3A = arith.constant 0 : index
    tpu.barrier barrier_id(%barrier3A)
    %scan3A_57 = arith.constant 0 : i32
    %scan3A_58 = arith.constant 0 : i32
    %scan3A_59 = arith.constant 80 : i32
    %scan3A_60 = arith.addi %scan3A_58, %scan3A_59 : i32
    %scan3A_61 = arith.constant 1 : i32
    %scan3A_62 = scf.for %scan3A_76 = %scan3A_58 to %scan3A_60 step %scan3A_61 iter_args(%scan3A_77 = %scan3A_57) -> (i32)  : i32 {
      %dma_start3A = arith.constant 0 : i32
      %dma_start3A_78 = tpu.memref_slice %arg4[%scan3A_76, %dma_start3A] : memref<80x125xi32, #tpu.memory_space<vmem>> -> memref<1x125xi32, #tpu.memory_space<vmem>>
      %dma_start3A_79 = tpu.memref_squeeze %dma_start3A_78 : memref<1x125xi32, #tpu.memory_space<vmem>> -> memref<125xi32, #tpu.memory_space<vmem>>
      %dma_start3A_80 = arith.constant 0 : i32
      %dma_start3A_81 = tpu.memref_slice %arg7[%dma_start3A_80] : memref<10240xf32, #tpu.memory_space<vmem_shared>> -> memref<10240xf32, #tpu.memory_space<vmem_shared>>
      tpu.enqueue_indirect_dma source(%arg5 : memref<125xf32, #tpu.memory_space<vmem>>) target(%dma_start3A_81 : memref<10240xf32, #tpu.memory_space<vmem_shared>>) offsets(%dma_start3A_79 : memref<125xi32, #tpu.memory_space<vmem>>) semaphore(%arg8 : memref<!tpu.dma_semaphore, #tpu.memory_space<semaphore_mem>>) {add = true}
      %scan3A_82 = arith.constant 0 : i32
      scf.yield %scan3A_82 : i32
    }
    %scan3A_63 = arith.constant 80 : i32
    %scan3A_64 = arith.constant 0 : i32
    %scan3A_65 = arith.constant 0 : i32
    %scan3A_66 = arith.constant 80 : i32
    %scan3A_67 = arith.addi %scan3A_65, %scan3A_66 : i32
    %scan3A_68 = arith.constant 1 : i32
    %scan3A_69 = scf.for %scan3A_76 = %scan3A_65 to %scan3A_67 step %scan3A_68 iter_args(%scan3A_77 = %scan3A_64) -> (i32)  : i32 {
      %dma_wait3A = arith.constant 0 : i32
      %dma_wait3A_78 = tpu.memref_slice %arg4[%scan3A_76, %dma_wait3A] : memref<80x125xi32, #tpu.memory_space<vmem>> -> memref<1x125xi32, #tpu.memory_space<vmem>>
      %dma_wait3A_79 = tpu.memref_squeeze %dma_wait3A_78 : memref<1x125xi32, #tpu.memory_space<vmem>> -> memref<125xi32, #tpu.memory_space<vmem>>
      %dma_wait3A_80 = arith.constant 0 : i32
      %dma_wait3A_81 = tpu.memref_slice %arg7[%dma_wait3A_80] : memref<10240xf32, #tpu.memory_space<vmem_shared>> -> memref<10240xf32, #tpu.memory_space<vmem_shared>>
      tpu.wait_indirect_dma semaphore(%arg8 : memref<!tpu.dma_semaphore, #tpu.memory_space<semaphore_mem>>) src(%arg5 : memref<125xf32, #tpu.memory_space<vmem>>) dst(%dma_wait3A_81 : memref<10240xf32, #tpu.memory_space<vmem_shared>>)
      %scan3A_82 = arith.constant 0 : i32
      scf.yield %scan3A_82 : i32
    }
    %scan3A_70 = arith.constant 80 : i32
    %barrier3A_71 = arith.constant 0 : index
    tpu.barrier barrier_id(%barrier3A_71)
    %mul3A_72 = arith.constant 640 : i32
    %mul3A_73 = arith.muli %arg1, %mul3A_72 : i32
    %mul3A_74 = arith.constant 640 : i32
    %mul3A_75 = arith.muli %arg1, %mul3A_74 : i32
    "tpu.region"() ({
      %run_scoped3A_76 = tpu.sem_alloc : memref<!tpu.dma_semaphore, #tpu.memory_space<semaphore_mem>>
      %dma_start3A = tpu.memref_slice %arg3[%arg0, %mul3A_75] : memref<2x10240xf32, #tpu.memory_space<hbm>> -> memref<1x640xf32, #tpu.memory_space<hbm>>
      %dma_start3A_77 = tpu.memref_squeeze %dma_start3A : memref<1x640xf32, #tpu.memory_space<hbm>> -> memref<640xf32, #tpu.memory_space<hbm>>
      %dma_start3A_78 = tpu.memref_slice %arg7[%mul3A_73] : memref<10240xf32, #tpu.memory_space<vmem_shared>> -> memref<640xf32, #tpu.memory_space<vmem_shared>>
      tpu.enqueue_dma source(%dma_start3A_78 : memref<640xf32, #tpu.memory_space<vmem_shared>>) target(%dma_start3A_77 : memref<640xf32, #tpu.memory_space<hbm>>) target_semaphore(%run_scoped3A_76 : memref<!tpu.dma_semaphore, #tpu.memory_space<semaphore_mem>>)
      %dma_wait3A = tpu.memref_slice %arg3[%arg0, %mul3A_75] : memref<2x10240xf32, #tpu.memory_space<hbm>> -> memref<1x640xf32, #tpu.memory_space<hbm>>
      %dma_wait3A_79 = tpu.memref_squeeze %dma_wait3A : memref<1x640xf32, #tpu.memory_space<hbm>> -> memref<640xf32, #tpu.memory_space<hbm>>
      %dma_wait3A_80 = tpu.memref_slice %arg7[%mul3A_73] : memref<10240xf32, #tpu.memory_space<vmem_shared>> -> memref<640xf32, #tpu.memory_space<vmem_shared>>
      tpu.wait_dma2 semaphore(%run_scoped3A_76 : memref<!tpu.dma_semaphore, #tpu.memory_space<semaphore_mem>>) src(%dma_wait3A_80 : memref<640xf32, #tpu.memory_space<vmem_shared>>) dst(%dma_wait3A_79 : memref<640xf32, #tpu.memory_space<hbm>>)
      tpu.yield
    }) : () -> ()
    return
  }
}

#map = affine_map<(d0, d1) -> (0, 0)>
#map1 = affine_map<(d0, d1) -> (0, 0, 0, 0)>
#map2 = affine_map<(d0, d1) -> (0, 0, 0)>
module attributes {stable_mosaic.version = 14 : i64} {
  func.func @_sc_agg(%arg0: i32, %arg1: i32, %arg2: memref<10240x16xf32, #tpu.memory_space<hbm>>, %arg3: memref<2x32x80x125xi32, #tpu.memory_space<hbm>>, %arg4: memref<2x10240x16xf32, #tpu.memory_space<hbm>>, %arg5: memref<80x125xi32, #tpu.memory_space<vmem>>, %arg6: memref<80x125xi32, #tpu.memory_space<vmem>>, %arg7: memref<12x125x16xf32, #tpu.memory_space<vmem>>, %arg8: memref<640x16xf32, #tpu.memory_space<vmem>>, %arg9: memref<10240x16xf32, #tpu.memory_space<vmem_shared>>, %arg10: memref<!tpu.dma_semaphore, #tpu.memory_space<semaphore_mem>>, %arg11: memref<!tpu.dma_semaphore, #tpu.memory_space<semaphore_mem>>, %arg12: memref<!tpu.dma_semaphore, #tpu.memory_space<semaphore_mem>>, %arg13: memref<!tpu.dma_semaphore, #tpu.memory_space<semaphore_mem>>, %arg14: memref<!tpu.dma_semaphore, #tpu.memory_space<semaphore_mem>>, %arg15: memref<!tpu.dma_semaphore, #tpu.memory_space<semaphore_mem>>, %arg16: memref<!tpu.dma_semaphore, #tpu.memory_space<semaphore_mem>>, %arg17: memref<!tpu.dma_semaphore, #tpu.memory_space<semaphore_mem>>, %arg18: memref<!tpu.dma_semaphore, #tpu.memory_space<semaphore_mem>>, %arg19: memref<!tpu.dma_semaphore, #tpu.memory_space<semaphore_mem>>, %arg20: memref<!tpu.dma_semaphore, #tpu.memory_space<semaphore_mem>>, %arg21: memref<!tpu.dma_semaphore, #tpu.memory_space<semaphore_mem>>, %arg22: memref<!tpu.dma_semaphore, #tpu.memory_space<semaphore_mem>>, %arg23: memref<!tpu.dma_semaphore, #tpu.memory_space<semaphore_mem>>, %arg24: memref<!tpu.dma_semaphore, #tpu.memory_space<semaphore_mem>>, %arg25: memref<!tpu.dma_semaphore, #tpu.memory_space<semaphore_mem>>, %arg26: memref<!tpu.dma_semaphore, #tpu.memory_space<semaphore_mem>>, %arg27: memref<!tpu.dma_semaphore, #tpu.memory_space<semaphore_mem>>, %arg28: memref<!tpu.dma_semaphore, #tpu.memory_space<semaphore_mem>>, %arg29: memref<!tpu.dma_semaphore, #tpu.memory_space<semaphore_mem>>, %arg30: memref<!tpu.dma_semaphore, #tpu.memory_space<semaphore_mem>>, %arg31: memref<!tpu.dma_semaphore, #tpu.memory_space<semaphore_mem>>, %arg32: memref<!tpu.dma_semaphore, #tpu.memory_space<semaphore_mem>>, %arg33: memref<!tpu.dma_semaphore, #tpu.memory_space<semaphore_mem>>) attributes {dimension_semantics = [#tpu.dimension_semantics<core_parallel>, #tpu.dimension_semantics<subcore_parallel>], iteration_bounds = array<i64: 2, 16>, scalar_prefetch = 0 : i64, scratch_operands = 29 : i64, tpu.core_type = #tpu.core_type<sc_vector_subcore>, window_params = [{transform_indices = #map}, {transform_indices = #map1}, {transform_indices = #map2}]} {
    %mul3A = arith.constant 2 : i32
    %mul3A_0 = arith.muli %arg1, %mul3A : i32
    %add3A = arith.addi %mul3A_0, %arg0 : i32
    %scan3A = arith.constant 0 : i32
    %scan3A_1 = arith.constant 0 : i32
    %scan3A_2 = arith.constant 640 : i32
    %scan3A_3 = arith.addi %scan3A_1, %scan3A_2 : i32
    %scan3A_4 = arith.constant 1 : i32
    %scan3A_5 = scf.for %scan3A_166 = %scan3A_1 to %scan3A_3 step %scan3A_4 iter_args(%scan3A_167 = %scan3A) -> (i32)  : i32 {
      %broadcast_in_dim3A = arith.constant 0.000000e+00 : f32
      %broadcast_in_dim3A_168 = vector.broadcast %broadcast_in_dim3A : f32 to vector<16xf32>
      %swap3A = arith.index_cast %scan3A_166 : i32 to index
      %swap3A_169 = arith.constant 0 : index
      %swap3A_170 = tpu.vector_load %arg8[%swap3A, %swap3A_169] {strides = array<i32>} : memref<640x16xf32, #tpu.memory_space<vmem>>, vector<1x16xf32>,
      %swap3A_171 = vector.shape_cast %swap3A_170 : vector<1x16xf32> to vector<16xf32>
      %swap3A_172 = vector.shape_cast %broadcast_in_dim3A_168 : vector<16xf32> to vector<1x16xf32>
      tpu.vector_store %arg8[%swap3A, %swap3A_169], %swap3A_172 {strides = array<i32>} : memref<640x16xf32, #tpu.memory_space<vmem>>, vector<1x16xf32>,
      %scan3A_173 = arith.constant 0 : i32
      scf.yield %scan3A_173 : i32
    }
    %scan3A_6 = arith.constant 640 : i32
    %mul3A_7 = arith.constant 640 : i32
    %mul3A_8 = arith.muli %arg1, %mul3A_7 : i32
    "tpu.region"() ({
      %run_scoped3A_166 = tpu.sem_alloc : memref<!tpu.dma_semaphore, #tpu.memory_space<semaphore_mem>>
      %dma_start3A_167 = arith.constant 0 : i32
      %dma_start3A_168 = tpu.memref_slice %arg9[%mul3A_8, %dma_start3A_167] : memref<10240x16xf32, #tpu.memory_space<vmem_shared>> -> memref<640x16xf32, #tpu.memory_space<vmem_shared>>
      %dma_start3A_169 = arith.constant 0 : i32
      %dma_start3A_170 = tpu.memref_slice %arg9[%mul3A_8, %dma_start3A_169] : memref<10240x16xf32, #tpu.memory_space<vmem_shared>> -> memref<640x16xf32, #tpu.memory_space<vmem_shared>>
      tpu.enqueue_dma source(%arg8 : memref<640x16xf32, #tpu.memory_space<vmem>>) target(%dma_start3A_170 : memref<640x16xf32, #tpu.memory_space<vmem_shared>>) target_semaphore(%run_scoped3A_166 : memref<!tpu.dma_semaphore, #tpu.memory_space<semaphore_mem>>)
      %dma_wait3A_171 = arith.constant 0 : i32
      %dma_wait3A_172 = tpu.memref_slice %arg9[%mul3A_8, %dma_wait3A_171] : memref<10240x16xf32, #tpu.memory_space<vmem_shared>> -> memref<640x16xf32, #tpu.memory_space<vmem_shared>>
      %dma_wait3A_173 = arith.constant 0 : i32
      %dma_wait3A_174 = tpu.memref_slice %arg9[%mul3A_8, %dma_wait3A_173] : memref<10240x16xf32, #tpu.memory_space<vmem_shared>> -> memref<640x16xf32, #tpu.memory_space<vmem_shared>>
      tpu.wait_dma2 semaphore(%run_scoped3A_166 : memref<!tpu.dma_semaphore, #tpu.memory_space<semaphore_mem>>) src(%arg8 : memref<640x16xf32, #tpu.memory_space<vmem>>) dst(%dma_wait3A_174 : memref<640x16xf32, #tpu.memory_space<vmem_shared>>)
      tpu.yield
    }) : () -> ()
    %run_scoped3A = arith.constant 0 : i32
    "tpu.region"() ({
      %run_scoped3A_166 = tpu.sem_alloc : memref<!tpu.dma_semaphore, #tpu.memory_space<semaphore_mem>>
      %dma_start3A_167 = arith.constant 0 : i32
      %dma_start3A_168 = arith.constant 0 : i32
      %dma_start3A_169 = tpu.memref_slice %arg3[%run_scoped3A, %add3A, %dma_start3A_167, %dma_start3A_168] : memref<2x32x80x125xi32, #tpu.memory_space<hbm>> -> memref<1x1x80x125xi32, #tpu.memory_space<hbm>>
      %dma_start3A_170 = tpu.memref_squeeze %dma_start3A_169 : memref<1x1x80x125xi32, #tpu.memory_space<hbm>> -> memref<80x125xi32, #tpu.memory_space<hbm>>
      %dma_start3A_171 = arith.constant 0 : i32
      %dma_start3A_172 = arith.constant 0 : i32
      %dma_start3A_173 = tpu.memref_slice %arg3[%run_scoped3A, %add3A, %dma_start3A_171, %dma_start3A_172] : memref<2x32x80x125xi32, #tpu.memory_space<hbm>> -> memref<1x1x80x125xi32, #tpu.memory_space<hbm>>
      %dma_start3A_174 = tpu.memref_squeeze %dma_start3A_173 : memref<1x1x80x125xi32, #tpu.memory_space<hbm>> -> memref<80x125xi32, #tpu.memory_space<hbm>>
      tpu.enqueue_dma source(%dma_start3A_174 : memref<80x125xi32, #tpu.memory_space<hbm>>) target(%arg5 : memref<80x125xi32, #tpu.memory_space<vmem>>) target_semaphore(%run_scoped3A_166 : memref<!tpu.dma_semaphore, #tpu.memory_space<semaphore_mem>>)
      %dma_wait3A_175 = arith.constant 0 : i32
      %dma_wait3A_176 = arith.constant 0 : i32
      %dma_wait3A_177 = tpu.memref_slice %arg3[%run_scoped3A, %add3A, %dma_wait3A_175, %dma_wait3A_176] : memref<2x32x80x125xi32, #tpu.memory_space<hbm>> -> memref<1x1x80x125xi32, #tpu.memory_space<hbm>>
      %dma_wait3A_178 = tpu.memref_squeeze %dma_wait3A_177 : memref<1x1x80x125xi32, #tpu.memory_space<hbm>> -> memref<80x125xi32, #tpu.memory_space<hbm>>
      %dma_wait3A_179 = arith.constant 0 : i32
      %dma_wait3A_180 = arith.constant 0 : i32
      %dma_wait3A_181 = tpu.memref_slice %arg3[%run_scoped3A, %add3A, %dma_wait3A_179, %dma_wait3A_180] : memref<2x32x80x125xi32, #tpu.memory_space<hbm>> -> memref<1x1x80x125xi32, #tpu.memory_space<hbm>>
      %dma_wait3A_182 = tpu.memref_squeeze %dma_wait3A_181 : memref<1x1x80x125xi32, #tpu.memory_space<hbm>> -> memref<80x125xi32, #tpu.memory_space<hbm>>
      tpu.wait_dma2 semaphore(%run_scoped3A_166 : memref<!tpu.dma_semaphore, #tpu.memory_space<semaphore_mem>>) src(%dma_wait3A_182 : memref<80x125xi32, #tpu.memory_space<hbm>>) dst(%arg5 : memref<80x125xi32, #tpu.memory_space<vmem>>)
      tpu.yield
    }) : () -> ()
    %run_scoped3A_9 = arith.constant 1 : i32
    "tpu.region"() ({
      %run_scoped3A_166 = tpu.sem_alloc : memref<!tpu.dma_semaphore, #tpu.memory_space<semaphore_mem>>
      %dma_start3A_167 = arith.constant 0 : i32
      %dma_start3A_168 = arith.constant 0 : i32
      %dma_start3A_169 = tpu.memref_slice %arg3[%run_scoped3A_9, %add3A, %dma_start3A_167, %dma_start3A_168] : memref<2x32x80x125xi32, #tpu.memory_space<hbm>> -> memref<1x1x80x125xi32, #tpu.memory_space<hbm>>
      %dma_start3A_170 = tpu.memref_squeeze %dma_start3A_169 : memref<1x1x80x125xi32, #tpu.memory_space<hbm>> -> memref<80x125xi32, #tpu.memory_space<hbm>>
      %dma_start3A_171 = arith.constant 0 : i32
      %dma_start3A_172 = arith.constant 0 : i32
      %dma_start3A_173 = tpu.memref_slice %arg3[%run_scoped3A_9, %add3A, %dma_start3A_171, %dma_start3A_172] : memref<2x32x80x125xi32, #tpu.memory_space<hbm>> -> memref<1x1x80x125xi32, #tpu.memory_space<hbm>>
      %dma_start3A_174 = tpu.memref_squeeze %dma_start3A_173 : memref<1x1x80x125xi32, #tpu.memory_space<hbm>> -> memref<80x125xi32, #tpu.memory_space<hbm>>
      tpu.enqueue_dma source(%dma_start3A_174 : memref<80x125xi32, #tpu.memory_space<hbm>>) target(%arg6 : memref<80x125xi32, #tpu.memory_space<vmem>>) target_semaphore(%run_scoped3A_166 : memref<!tpu.dma_semaphore, #tpu.memory_space<semaphore_mem>>)
      %dma_wait3A_175 = arith.constant 0 : i32
      %dma_wait3A_176 = arith.constant 0 : i32
      %dma_wait3A_177 = tpu.memref_slice %arg3[%run_scoped3A_9, %add3A, %dma_wait3A_175, %dma_wait3A_176] : memref<2x32x80x125xi32, #tpu.memory_space<hbm>> -> memref<1x1x80x125xi32, #tpu.memory_space<hbm>>
      %dma_wait3A_178 = tpu.memref_squeeze %dma_wait3A_177 : memref<1x1x80x125xi32, #tpu.memory_space<hbm>> -> memref<80x125xi32, #tpu.memory_space<hbm>>
      %dma_wait3A_179 = arith.constant 0 : i32
      %dma_wait3A_180 = arith.constant 0 : i32
      %dma_wait3A_181 = tpu.memref_slice %arg3[%run_scoped3A_9, %add3A, %dma_wait3A_179, %dma_wait3A_180] : memref<2x32x80x125xi32, #tpu.memory_space<hbm>> -> memref<1x1x80x125xi32, #tpu.memory_space<hbm>>
      %dma_wait3A_182 = tpu.memref_squeeze %dma_wait3A_181 : memref<1x1x80x125xi32, #tpu.memory_space<hbm>> -> memref<80x125xi32, #tpu.memory_space<hbm>>
      tpu.wait_dma2 semaphore(%run_scoped3A_166 : memref<!tpu.dma_semaphore, #tpu.memory_space<semaphore_mem>>) src(%dma_wait3A_182 : memref<80x125xi32, #tpu.memory_space<hbm>>) dst(%arg6 : memref<80x125xi32, #tpu.memory_space<vmem>>)
      tpu.yield
    }) : () -> ()
    %eq3A = arith.constant 0 : i32
    %eq3A_10 = arith.cmpi eq, %add3A, %eq3A : i32
    %convert_element_type3A = arith.extui %eq3A_10 : i1 to i32
    %cond3A = arith.constant 0 : i32
    %cond3A_11 = arith.cmpi ne, %convert_element_type3A, %cond3A : i32
    scf.if %cond3A_11 {
      %iota3A = tpu.iota {dimensions = array<i32: 0>} : vector<16xi32>
      %get3A = arith.constant 0 : i32
      %get3A_166 = arith.index_cast %get3A : i32 to index
      %get3A_167 = arith.constant 0 : index
      %get3A_168 = tpu.vector_load %arg5[%get3A_166, %get3A_167] {strides = array<i32>} : memref<80x125xi32, #tpu.memory_space<vmem>>, vector<1x16xi32>,
      %get3A_169 = vector.shape_cast %get3A_168 : vector<1x16xi32> to vector<16xi32>
      %eq3A_170 = arith.constant 0 : i32
      %eq3A_171 = vector.broadcast %eq3A_170 : i32 to vector<16xi32>
      %eq3A_172 = arith.cmpi eq, %iota3A, %eq3A_171 : vector<16xi32>
      %jit3A = arith.constant 0 : i32
      %broadcast_in_dim3A = vector.broadcast %jit3A : i32 to vector<16xi32>
      %select_n3A = arith.select %eq3A_172, %broadcast_in_dim3A, %get3A_169 : vector<16xi1>, vector<16xi32>
      %swap3A = arith.constant 0 : i32
      %swap3A_173 = arith.index_cast %swap3A : i32 to index
      %swap3A_174 = arith.constant 0 : index
      %swap3A_175 = tpu.vector_load %arg5[%swap3A_173, %swap3A_174] {strides = array<i32>} : memref<80x125xi32, #tpu.memory_space<vmem>>, vector<1x16xi32>,
      %swap3A_176 = vector.shape_cast %swap3A_175 : vector<1x16xi32> to vector<16xi32>
      %swap3A_177 = vector.shape_cast %select_n3A : vector<16xi32> to vector<1x16xi32>
      tpu.vector_store %arg5[%swap3A_173, %swap3A_174], %swap3A_177 {strides = array<i32>} : memref<80x125xi32, #tpu.memory_space<vmem>>, vector<1x16xi32>,
      %iota3A_178 = tpu.iota {dimensions = array<i32: 0>} : vector<16xi32>
      %get3A_179 = arith.constant 0 : i32
      %get3A_180 = arith.index_cast %get3A_179 : i32 to index
      %get3A_181 = arith.constant 0 : index
      %get3A_182 = tpu.vector_load %arg6[%get3A_180, %get3A_181] {strides = array<i32>} : memref<80x125xi32, #tpu.memory_space<vmem>>, vector<1x16xi32>,
      %get3A_183 = vector.shape_cast %get3A_182 : vector<1x16xi32> to vector<16xi32>
      %eq3A_184 = arith.constant 0 : i32
      %eq3A_185 = vector.broadcast %eq3A_184 : i32 to vector<16xi32>
      %eq3A_186 = arith.cmpi eq, %iota3A_178, %eq3A_185 : vector<16xi32>
      %jit3A_187 = arith.constant 10016 : i32
      %broadcast_in_dim3A_188 = vector.broadcast %jit3A_187 : i32 to vector<16xi32>
      %select_n3A_189 = arith.select %eq3A_186, %broadcast_in_dim3A_188, %get3A_183 : vector<16xi1>, vector<16xi32>
      %swap3A_190 = arith.constant 0 : i32
      %swap3A_191 = arith.index_cast %swap3A_190 : i32 to index
      %swap3A_192 = arith.constant 0 : index
      %swap3A_193 = tpu.vector_load %arg6[%swap3A_191, %swap3A_192] {strides = array<i32>} : memref<80x125xi32, #tpu.memory_space<vmem>>, vector<1x16xi32>,
      %swap3A_194 = vector.shape_cast %swap3A_193 : vector<1x16xi32> to vector<16xi32>
      %swap3A_195 = vector.shape_cast %select_n3A_189 : vector<16xi32> to vector<1x16xi32>
      tpu.vector_store %arg6[%swap3A_191, %swap3A_192], %swap3A_195 {strides = array<i32>} : memref<80x125xi32, #tpu.memory_space<vmem>>, vector<1x16xi32>,
    } else {
    }
    %barrier3A = arith.constant 0 : index
    tpu.barrier barrier_id(%barrier3A)
    %dma_start3A = arith.constant 0 : i32
    %dma_start3A_12 = arith.constant 0 : i32
    %dma_start3A_13 = arith.constant 0 : i32
    %dma_start3A_14 = arith.constant 0 : i32
    %dma_start3A_15 = tpu.memref_slice %arg7[%dma_start3A_12, %dma_start3A_13, %dma_start3A_14] : memref<12x125x16xf32, #tpu.memory_space<vmem>> -> memref<1x125x16xf32, #tpu.memory_space<vmem>>
    %dma_start3A_16 = tpu.memref_squeeze %dma_start3A_15 : memref<1x125x16xf32, #tpu.memory_space<vmem>> -> memref<125x16xf32, #tpu.memory_space<vmem>>
    %dma_start3A_17 = arith.constant 0 : i32
    %dma_start3A_18 = tpu.memref_slice %arg5[%dma_start3A, %dma_start3A_17] : memref<80x125xi32, #tpu.memory_space<vmem>> -> memref<1x125xi32, #tpu.memory_space<vmem>>
    %dma_start3A_19 = tpu.memref_squeeze %dma_start3A_18 : memref<1x125xi32, #tpu.memory_space<vmem>> -> memref<125xi32, #tpu.memory_space<vmem>>
    %dma_start3A_20 = arith.constant 0 : i32
    %dma_start3A_21 = arith.constant 0 : i32
    %dma_start3A_22 = tpu.memref_slice %arg2[%dma_start3A_20, %dma_start3A_21] : memref<10240x16xf32, #tpu.memory_space<hbm>> -> memref<10240x16xf32, #tpu.memory_space<hbm>>
    tpu.enqueue_indirect_dma source(%dma_start3A_22 : memref<10240x16xf32, #tpu.memory_space<hbm>>) target(%dma_start3A_16 : memref<125x16xf32, #tpu.memory_space<vmem>>) offsets(%dma_start3A_19 : memref<125xi32, #tpu.memory_space<vmem>>) semaphore(%arg10 : memref<!tpu.dma_semaphore, #tpu.memory_space<semaphore_mem>>)
    %dma_start3A_23 = arith.constant 1 : i32
    %dma_start3A_24 = arith.constant 1 : i32
    %dma_start3A_25 = arith.constant 0 : i32
    %dma_start3A_26 = arith.constant 0 : i32
    %dma_start3A_27 = tpu.memref_slice %arg7[%dma_start3A_24, %dma_start3A_25, %dma_start3A_26] : memref<12x125x16xf32, #tpu.memory_space<vmem>> -> memref<1x125x16xf32, #tpu.memory_space<vmem>>
    %dma_start3A_28 = tpu.memref_squeeze %dma_start3A_27 : memref<1x125x16xf32, #tpu.memory_space<vmem>> -> memref<125x16xf32, #tpu.memory_space<vmem>>
    %dma_start3A_29 = arith.constant 0 : i32
    %dma_start3A_30 = tpu.memref_slice %arg5[%dma_start3A_23, %dma_start3A_29] : memref<80x125xi32, #tpu.memory_space<vmem>> -> memref<1x125xi32, #tpu.memory_space<vmem>>
    %dma_start3A_31 = tpu.memref_squeeze %dma_start3A_30 : memref<1x125xi32, #tpu.memory_space<vmem>> -> memref<125xi32, #tpu.memory_space<vmem>>
    %dma_start3A_32 = arith.constant 0 : i32
    %dma_start3A_33 = arith.constant 0 : i32
    %dma_start3A_34 = tpu.memref_slice %arg2[%dma_start3A_32, %dma_start3A_33] : memref<10240x16xf32, #tpu.memory_space<hbm>> -> memref<10240x16xf32, #tpu.memory_space<hbm>>
    tpu.enqueue_indirect_dma source(%dma_start3A_34 : memref<10240x16xf32, #tpu.memory_space<hbm>>) target(%dma_start3A_28 : memref<125x16xf32, #tpu.memory_space<vmem>>) offsets(%dma_start3A_31 : memref<125xi32, #tpu.memory_space<vmem>>) semaphore(%arg11 : memref<!tpu.dma_semaphore, #tpu.memory_space<semaphore_mem>>)
    %dma_start3A_35 = arith.constant 2 : i32
    %dma_start3A_36 = arith.constant 2 : i32
    %dma_start3A_37 = arith.constant 0 : i32
    %dma_start3A_38 = arith.constant 0 : i32
    %dma_start3A_39 = tpu.memref_slice %arg7[%dma_start3A_36, %dma_start3A_37, %dma_start3A_38] : memref<12x125x16xf32, #tpu.memory_space<vmem>> -> memref<1x125x16xf32, #tpu.memory_space<vmem>>
    %dma_start3A_40 = tpu.memref_squeeze %dma_start3A_39 : memref<1x125x16xf32, #tpu.memory_space<vmem>> -> memref<125x16xf32, #tpu.memory_space<vmem>>
    %dma_start3A_41 = arith.constant 0 : i32
    %dma_start3A_42 = tpu.memref_slice %arg5[%dma_start3A_35, %dma_start3A_41] : memref<80x125xi32, #tpu.memory_space<vmem>> -> memref<1x125xi32, #tpu.memory_space<vmem>>
    %dma_start3A_43 = tpu.memref_squeeze %dma_start3A_42 : memref<1x125xi32, #tpu.memory_space<vmem>> -> memref<125xi32, #tpu.memory_space<vmem>>
    %dma_start3A_44 = arith.constant 0 : i32
    %dma_start3A_45 = arith.constant 0 : i32
    %dma_start3A_46 = tpu.memref_slice %arg2[%dma_start3A_44, %dma_start3A_45] : memref<10240x16xf32, #tpu.memory_space<hbm>> -> memref<10240x16xf32, #tpu.memory_space<hbm>>
    tpu.enqueue_indirect_dma source(%dma_start3A_46 : memref<10240x16xf32, #tpu.memory_space<hbm>>) target(%dma_start3A_40 : memref<125x16xf32, #tpu.memory_space<vmem>>) offsets(%dma_start3A_43 : memref<125xi32, #tpu.memory_space<vmem>>) semaphore(%arg12 : memref<!tpu.dma_semaphore, #tpu.memory_space<semaphore_mem>>)
    %dma_start3A_47 = arith.constant 3 : i32
    %dma_start3A_48 = arith.constant 3 : i32
    %dma_start3A_49 = arith.constant 0 : i32
    %dma_start3A_50 = arith.constant 0 : i32
    %dma_start3A_51 = tpu.memref_slice %arg7[%dma_start3A_48, %dma_start3A_49, %dma_start3A_50] : memref<12x125x16xf32, #tpu.memory_space<vmem>> -> memref<1x125x16xf32, #tpu.memory_space<vmem>>
    %dma_start3A_52 = tpu.memref_squeeze %dma_start3A_51 : memref<1x125x16xf32, #tpu.memory_space<vmem>> -> memref<125x16xf32, #tpu.memory_space<vmem>>
    %dma_start3A_53 = arith.constant 0 : i32
    %dma_start3A_54 = tpu.memref_slice %arg5[%dma_start3A_47, %dma_start3A_53] : memref<80x125xi32, #tpu.memory_space<vmem>> -> memref<1x125xi32, #tpu.memory_space<vmem>>
    %dma_start3A_55 = tpu.memref_squeeze %dma_start3A_54 : memref<1x125xi32, #tpu.memory_space<vmem>> -> memref<125xi32, #tpu.memory_space<vmem>>
    %dma_start3A_56 = arith.constant 0 : i32
    %dma_start3A_57 = arith.constant 0 : i32
    %dma_start3A_58 = tpu.memref_slice %arg2[%dma_start3A_56, %dma_start3A_57] : memref<10240x16xf32, #tpu.memory_space<hbm>> -> memref<10240x16xf32, #tpu.memory_space<hbm>>
    tpu.enqueue_indirect_dma source(%dma_start3A_58 : memref<10240x16xf32, #tpu.memory_space<hbm>>) target(%dma_start3A_52 : memref<125x16xf32, #tpu.memory_space<vmem>>) offsets(%dma_start3A_55 : memref<125xi32, #tpu.memory_space<vmem>>) semaphore(%arg13 : memref<!tpu.dma_semaphore, #tpu.memory_space<semaphore_mem>>)
    %dma_start3A_59 = arith.constant 4 : i32
    %dma_start3A_60 = arith.constant 4 : i32
    %dma_start3A_61 = arith.constant 0 : i32
    %dma_start3A_62 = arith.constant 0 : i32
    %dma_start3A_63 = tpu.memref_slice %arg7[%dma_start3A_60, %dma_start3A_61, %dma_start3A_62] : memref<12x125x16xf32, #tpu.memory_space<vmem>> -> memref<1x125x16xf32, #tpu.memory_space<vmem>>
    %dma_start3A_64 = tpu.memref_squeeze %dma_start3A_63 : memref<1x125x16xf32, #tpu.memory_space<vmem>> -> memref<125x16xf32, #tpu.memory_space<vmem>>
    %dma_start3A_65 = arith.constant 0 : i32
    %dma_start3A_66 = tpu.memref_slice %arg5[%dma_start3A_59, %dma_start3A_65] : memref<80x125xi32, #tpu.memory_space<vmem>> -> memref<1x125xi32, #tpu.memory_space<vmem>>
    %dma_start3A_67 = tpu.memref_squeeze %dma_start3A_66 : memref<1x125xi32, #tpu.memory_space<vmem>> -> memref<125xi32, #tpu.memory_space<vmem>>
    %dma_start3A_68 = arith.constant 0 : i32
    %dma_start3A_69 = arith.constant 0 : i32
    %dma_start3A_70 = tpu.memref_slice %arg2[%dma_start3A_68, %dma_start3A_69] : memref<10240x16xf32, #tpu.memory_space<hbm>> -> memref<10240x16xf32, #tpu.memory_space<hbm>>
    tpu.enqueue_indirect_dma source(%dma_start3A_70 : memref<10240x16xf32, #tpu.memory_space<hbm>>) target(%dma_start3A_64 : memref<125x16xf32, #tpu.memory_space<vmem>>) offsets(%dma_start3A_67 : memref<125xi32, #tpu.memory_space<vmem>>) semaphore(%arg14 : memref<!tpu.dma_semaphore, #tpu.memory_space<semaphore_mem>>)
    %dma_start3A_71 = arith.constant 5 : i32
    %dma_start3A_72 = arith.constant 5 : i32
    %dma_start3A_73 = arith.constant 0 : i32
    %dma_start3A_74 = arith.constant 0 : i32
    %dma_start3A_75 = tpu.memref_slice %arg7[%dma_start3A_72, %dma_start3A_73, %dma_start3A_74] : memref<12x125x16xf32, #tpu.memory_space<vmem>> -> memref<1x125x16xf32, #tpu.memory_space<vmem>>
    %dma_start3A_76 = tpu.memref_squeeze %dma_start3A_75 : memref<1x125x16xf32, #tpu.memory_space<vmem>> -> memref<125x16xf32, #tpu.memory_space<vmem>>
    %dma_start3A_77 = arith.constant 0 : i32
    %dma_start3A_78 = tpu.memref_slice %arg5[%dma_start3A_71, %dma_start3A_77] : memref<80x125xi32, #tpu.memory_space<vmem>> -> memref<1x125xi32, #tpu.memory_space<vmem>>
    %dma_start3A_79 = tpu.memref_squeeze %dma_start3A_78 : memref<1x125xi32, #tpu.memory_space<vmem>> -> memref<125xi32, #tpu.memory_space<vmem>>
    %dma_start3A_80 = arith.constant 0 : i32
    %dma_start3A_81 = arith.constant 0 : i32
    %dma_start3A_82 = tpu.memref_slice %arg2[%dma_start3A_80, %dma_start3A_81] : memref<10240x16xf32, #tpu.memory_space<hbm>> -> memref<10240x16xf32, #tpu.memory_space<hbm>>
    tpu.enqueue_indirect_dma source(%dma_start3A_82 : memref<10240x16xf32, #tpu.memory_space<hbm>>) target(%dma_start3A_76 : memref<125x16xf32, #tpu.memory_space<vmem>>) offsets(%dma_start3A_79 : memref<125xi32, #tpu.memory_space<vmem>>) semaphore(%arg15 : memref<!tpu.dma_semaphore, #tpu.memory_space<semaphore_mem>>)
    %scan3A_83 = arith.constant 0 : i32
    %scan3A_84 = arith.constant 0 : i32
    %scan3A_85 = arith.constant 7 : i32
    %scan3A_86 = arith.addi %scan3A_84, %scan3A_85 : i32
    %scan3A_87 = arith.constant 1 : i32
    %scan3A_88 = scf.for %scan3A_166 = %scan3A_84 to %scan3A_86 step %scan3A_87 iter_args(%scan3A_167 = %scan3A_83) -> (i32)  : i32 {
      %mul3A_168 = arith.constant 12 : i32
      %mul3A_169 = arith.muli %scan3A_166, %mul3A_168 : i32
      %add3A_170 = arith.constant 0 : i32
      %add3A_171 = arith.addi %mul3A_169, %add3A_170 : i32
      %lt3A = arith.constant 80 : i32
      %lt3A_172 = arith.cmpi slt, %add3A_171, %lt3A : i32
      %convert_element_type3A_173 = arith.extui %lt3A_172 : i1 to i32
      %cond3A_174 = arith.constant 0 : i32
      %cond3A_175 = arith.cmpi ne, %convert_element_type3A_173, %cond3A_174 : i32
      scf.if %cond3A_175 {
        %ge3A = arith.constant 6 : i32
        %ge3A_254 = arith.cmpi sge, %add3A_171, %ge3A : i32
        %convert_element_type3A_255 = arith.extui %ge3A_254 : i1 to i32
        %cond3A_256 = arith.constant 0 : i32
        %cond3A_257 = arith.cmpi ne, %convert_element_type3A_255, %cond3A_256 : i32
        scf.if %cond3A_257 {
          %sub3A = arith.constant 6 : i32
          %sub3A_287 = arith.subi %add3A_171, %sub3A : i32
          %dma_wait3A_288 = arith.constant 6 : i32
          %dma_wait3A_289 = arith.constant 0 : i32
          %dma_wait3A_290 = arith.constant 0 : i32
          %dma_wait3A_291 = tpu.memref_slice %arg7[%dma_wait3A_288, %dma_wait3A_289, %dma_wait3A_290] : memref<12x125x16xf32, #tpu.memory_space<vmem>> -> memref<1x125x16xf32, #tpu.memory_space<vmem>>
          %dma_wait3A_292 = tpu.memref_squeeze %dma_wait3A_291 : memref<1x125x16xf32, #tpu.memory_space<vmem>> -> memref<125x16xf32, #tpu.memory_space<vmem>>
          %dma_wait3A_293 = arith.constant 0 : i32
          %dma_wait3A_294 = tpu.memref_slice %arg6[%sub3A_287, %dma_wait3A_293] : memref<80x125xi32, #tpu.memory_space<vmem>> -> memref<1x125xi32, #tpu.memory_space<vmem>>
          %dma_wait3A_295 = tpu.memref_squeeze %dma_wait3A_294 : memref<1x125xi32, #tpu.memory_space<vmem>> -> memref<125xi32, #tpu.memory_space<vmem>>
          %dma_wait3A_296 = arith.constant 0 : i32
          %dma_wait3A_297 = arith.constant 0 : i32
          %dma_wait3A_298 = tpu.memref_slice %arg9[%dma_wait3A_296, %dma_wait3A_297] : memref<10240x16xf32, #tpu.memory_space<vmem_shared>> -> memref<10240x16xf32, #tpu.memory_space<vmem_shared>>
          tpu.wait_indirect_dma semaphore(%arg28 : memref<!tpu.dma_semaphore, #tpu.memory_space<semaphore_mem>>) src(%dma_wait3A_292 : memref<125x16xf32, #tpu.memory_space<vmem>>) dst(%dma_wait3A_298 : memref<10240x16xf32, #tpu.memory_space<vmem_shared>>)
        } else {
        }
        %add3A_258 = arith.constant 6 : i32
        %add3A_259 = arith.addi %add3A_171, %add3A_258 : i32
        %lt3A_260 = arith.constant 80 : i32
        %lt3A_261 = arith.cmpi slt, %add3A_259, %lt3A_260 : i32
        %convert_element_type3A_262 = arith.extui %lt3A_261 : i1 to i32
        %cond3A_263 = arith.constant 0 : i32
        %cond3A_264 = arith.cmpi ne, %convert_element_type3A_262, %cond3A_263 : i32
        scf.if %cond3A_264 {
          %add3A_287 = arith.constant 6 : i32
          %add3A_288 = arith.addi %add3A_171, %add3A_287 : i32
          %dma_start3A_289 = arith.constant 6 : i32
          %dma_start3A_290 = arith.constant 0 : i32
          %dma_start3A_291 = arith.constant 0 : i32
          %dma_start3A_292 = tpu.memref_slice %arg7[%dma_start3A_289, %dma_start3A_290, %dma_start3A_291] : memref<12x125x16xf32, #tpu.memory_space<vmem>> -> memref<1x125x16xf32, #tpu.memory_space<vmem>>
          %dma_start3A_293 = tpu.memref_squeeze %dma_start3A_292 : memref<1x125x16xf32, #tpu.memory_space<vmem>> -> memref<125x16xf32, #tpu.memory_space<vmem>>
          %dma_start3A_294 = arith.constant 0 : i32
          %dma_start3A_295 = tpu.memref_slice %arg5[%add3A_288, %dma_start3A_294] : memref<80x125xi32, #tpu.memory_space<vmem>> -> memref<1x125xi32, #tpu.memory_space<vmem>>
          %dma_start3A_296 = tpu.memref_squeeze %dma_start3A_295 : memref<1x125xi32, #tpu.memory_space<vmem>> -> memref<125xi32, #tpu.memory_space<vmem>>
          %dma_start3A_297 = arith.constant 0 : i32
          %dma_start3A_298 = arith.constant 0 : i32
          %dma_start3A_299 = tpu.memref_slice %arg2[%dma_start3A_297, %dma_start3A_298] : memref<10240x16xf32, #tpu.memory_space<hbm>> -> memref<10240x16xf32, #tpu.memory_space<hbm>>
          tpu.enqueue_indirect_dma source(%dma_start3A_299 : memref<10240x16xf32, #tpu.memory_space<hbm>>) target(%dma_start3A_293 : memref<125x16xf32, #tpu.memory_space<vmem>>) offsets(%dma_start3A_296 : memref<125xi32, #tpu.memory_space<vmem>>) semaphore(%arg16 : memref<!tpu.dma_semaphore, #tpu.memory_space<semaphore_mem>>)
        } else {
        }
        %dma_wait3A_265 = arith.constant 0 : i32
        %dma_wait3A_266 = arith.constant 0 : i32
        %dma_wait3A_267 = arith.constant 0 : i32
        %dma_wait3A_268 = tpu.memref_slice %arg7[%dma_wait3A_265, %dma_wait3A_266, %dma_wait3A_267] : memref<12x125x16xf32, #tpu.memory_space<vmem>> -> memref<1x125x16xf32, #tpu.memory_space<vmem>>
        %dma_wait3A_269 = tpu.memref_squeeze %dma_wait3A_268 : memref<1x125x16xf32, #tpu.memory_space<vmem>> -> memref<125x16xf32, #tpu.memory_space<vmem>>
        %dma_wait3A_270 = arith.constant 0 : i32
        %dma_wait3A_271 = tpu.memref_slice %arg5[%add3A_171, %dma_wait3A_270] : memref<80x125xi32, #tpu.memory_space<vmem>> -> memref<1x125xi32, #tpu.memory_space<vmem>>
        %dma_wait3A_272 = tpu.memref_squeeze %dma_wait3A_271 : memref<1x125xi32, #tpu.memory_space<vmem>> -> memref<125xi32, #tpu.memory_space<vmem>>
        %dma_wait3A_273 = arith.constant 0 : i32
        %dma_wait3A_274 = arith.constant 0 : i32
        %dma_wait3A_275 = tpu.memref_slice %arg2[%dma_wait3A_273, %dma_wait3A_274] : memref<10240x16xf32, #tpu.memory_space<hbm>> -> memref<10240x16xf32, #tpu.memory_space<hbm>>
        tpu.wait_indirect_dma semaphore(%arg10 : memref<!tpu.dma_semaphore, #tpu.memory_space<semaphore_mem>>) src(%dma_wait3A_275 : memref<10240x16xf32, #tpu.memory_space<hbm>>) dst(%dma_wait3A_269 : memref<125x16xf32, #tpu.memory_space<vmem>>)
        %dma_start3A_276 = arith.constant 0 : i32
        %dma_start3A_277 = arith.constant 0 : i32
        %dma_start3A_278 = arith.constant 0 : i32
        %dma_start3A_279 = tpu.memref_slice %arg7[%dma_start3A_276, %dma_start3A_277, %dma_start3A_278] : memref<12x125x16xf32, #tpu.memory_space<vmem>> -> memref<1x125x16xf32, #tpu.memory_space<vmem>>
        %dma_start3A_280 = tpu.memref_squeeze %dma_start3A_279 : memref<1x125x16xf32, #tpu.memory_space<vmem>> -> memref<125x16xf32, #tpu.memory_space<vmem>>
        %dma_start3A_281 = arith.constant 0 : i32
        %dma_start3A_282 = tpu.memref_slice %arg6[%add3A_171, %dma_start3A_281] : memref<80x125xi32, #tpu.memory_space<vmem>> -> memref<1x125xi32, #tpu.memory_space<vmem>>
        %dma_start3A_283 = tpu.memref_squeeze %dma_start3A_282 : memref<1x125xi32, #tpu.memory_space<vmem>> -> memref<125xi32, #tpu.memory_space<vmem>>
        %dma_start3A_284 = arith.constant 0 : i32
        %dma_start3A_285 = arith.constant 0 : i32
        %dma_start3A_286 = tpu.memref_slice %arg9[%dma_start3A_284, %dma_start3A_285] : memref<10240x16xf32, #tpu.memory_space<vmem_shared>> -> memref<10240x16xf32, #tpu.memory_space<vmem_shared>>
        tpu.enqueue_indirect_dma source(%dma_start3A_280 : memref<125x16xf32, #tpu.memory_space<vmem>>) target(%dma_start3A_286 : memref<10240x16xf32, #tpu.memory_space<vmem_shared>>) offsets(%dma_start3A_283 : memref<125xi32, #tpu.memory_space<vmem>>) semaphore(%arg22 : memref<!tpu.dma_semaphore, #tpu.memory_space<semaphore_mem>>) {add = true}
      } else {
      }
      %add3A_176 = arith.constant 1 : i32
      %add3A_177 = arith.addi %mul3A_169, %add3A_176 : i32
      %lt3A_178 = arith.constant 80 : i32
      %lt3A_179 = arith.cmpi slt, %add3A_177, %lt3A_178 : i32
      %convert_element_type3A_180 = arith.extui %lt3A_179 : i1 to i32
      %cond3A_181 = arith.constant 0 : i32
      %cond3A_182 = arith.cmpi ne, %convert_element_type3A_180, %cond3A_181 : i32
      scf.if %cond3A_182 {
        %ge3A = arith.constant 6 : i32
        %ge3A_254 = arith.cmpi sge, %add3A_177, %ge3A : i32
        %convert_element_type3A_255 = arith.extui %ge3A_254 : i1 to i32
        %cond3A_256 = arith.constant 0 : i32
        %cond3A_257 = arith.cmpi ne, %convert_element_type3A_255, %cond3A_256 : i32
        scf.if %cond3A_257 {
          %sub3A = arith.constant 6 : i32
          %sub3A_287 = arith.subi %add3A_177, %sub3A : i32
          %dma_wait3A_288 = arith.constant 7 : i32
          %dma_wait3A_289 = arith.constant 0 : i32
          %dma_wait3A_290 = arith.constant 0 : i32
          %dma_wait3A_291 = tpu.memref_slice %arg7[%dma_wait3A_288, %dma_wait3A_289, %dma_wait3A_290] : memref<12x125x16xf32, #tpu.memory_space<vmem>> -> memref<1x125x16xf32, #tpu.memory_space<vmem>>
          %dma_wait3A_292 = tpu.memref_squeeze %dma_wait3A_291 : memref<1x125x16xf32, #tpu.memory_space<vmem>> -> memref<125x16xf32, #tpu.memory_space<vmem>>
          %dma_wait3A_293 = arith.constant 0 : i32
          %dma_wait3A_294 = tpu.memref_slice %arg6[%sub3A_287, %dma_wait3A_293] : memref<80x125xi32, #tpu.memory_space<vmem>> -> memref<1x125xi32, #tpu.memory_space<vmem>>
          %dma_wait3A_295 = tpu.memref_squeeze %dma_wait3A_294 : memref<1x125xi32, #tpu.memory_space<vmem>> -> memref<125xi32, #tpu.memory_space<vmem>>
          %dma_wait3A_296 = arith.constant 0 : i32
          %dma_wait3A_297 = arith.constant 0 : i32
          %dma_wait3A_298 = tpu.memref_slice %arg9[%dma_wait3A_296, %dma_wait3A_297] : memref<10240x16xf32, #tpu.memory_space<vmem_shared>> -> memref<10240x16xf32, #tpu.memory_space<vmem_shared>>
          tpu.wait_indirect_dma semaphore(%arg29 : memref<!tpu.dma_semaphore, #tpu.memory_space<semaphore_mem>>) src(%dma_wait3A_292 : memref<125x16xf32, #tpu.memory_space<vmem>>) dst(%dma_wait3A_298 : memref<10240x16xf32, #tpu.memory_space<vmem_shared>>)
        } else {
        }
        %add3A_258 = arith.constant 6 : i32
        %add3A_259 = arith.addi %add3A_177, %add3A_258 : i32
        %lt3A_260 = arith.constant 80 : i32
        %lt3A_261 = arith.cmpi slt, %add3A_259, %lt3A_260 : i32
        %convert_element_type3A_262 = arith.extui %lt3A_261 : i1 to i32
        %cond3A_263 = arith.constant 0 : i32
        %cond3A_264 = arith.cmpi ne, %convert_element_type3A_262, %cond3A_263 : i32
        scf.if %cond3A_264 {
          %add3A_287 = arith.constant 6 : i32
          %add3A_288 = arith.addi %add3A_177, %add3A_287 : i32
          %dma_start3A_289 = arith.constant 7 : i32
          %dma_start3A_290 = arith.constant 0 : i32
          %dma_start3A_291 = arith.constant 0 : i32
          %dma_start3A_292 = tpu.memref_slice %arg7[%dma_start3A_289, %dma_start3A_290, %dma_start3A_291] : memref<12x125x16xf32, #tpu.memory_space<vmem>> -> memref<1x125x16xf32, #tpu.memory_space<vmem>>
          %dma_start3A_293 = tpu.memref_squeeze %dma_start3A_292 : memref<1x125x16xf32, #tpu.memory_space<vmem>> -> memref<125x16xf32, #tpu.memory_space<vmem>>
          %dma_start3A_294 = arith.constant 0 : i32
          %dma_start3A_295 = tpu.memref_slice %arg5[%add3A_288, %dma_start3A_294] : memref<80x125xi32, #tpu.memory_space<vmem>> -> memref<1x125xi32, #tpu.memory_space<vmem>>
          %dma_start3A_296 = tpu.memref_squeeze %dma_start3A_295 : memref<1x125xi32, #tpu.memory_space<vmem>> -> memref<125xi32, #tpu.memory_space<vmem>>
          %dma_start3A_297 = arith.constant 0 : i32
          %dma_start3A_298 = arith.constant 0 : i32
          %dma_start3A_299 = tpu.memref_slice %arg2[%dma_start3A_297, %dma_start3A_298] : memref<10240x16xf32, #tpu.memory_space<hbm>> -> memref<10240x16xf32, #tpu.memory_space<hbm>>
          tpu.enqueue_indirect_dma source(%dma_start3A_299 : memref<10240x16xf32, #tpu.memory_space<hbm>>) target(%dma_start3A_293 : memref<125x16xf32, #tpu.memory_space<vmem>>) offsets(%dma_start3A_296 : memref<125xi32, #tpu.memory_space<vmem>>) semaphore(%arg17 : memref<!tpu.dma_semaphore, #tpu.memory_space<semaphore_mem>>)
        } else {
        }
        %dma_wait3A_265 = arith.constant 1 : i32
        %dma_wait3A_266 = arith.constant 0 : i32
        %dma_wait3A_267 = arith.constant 0 : i32
        %dma_wait3A_268 = tpu.memref_slice %arg7[%dma_wait3A_265, %dma_wait3A_266, %dma_wait3A_267] : memref<12x125x16xf32, #tpu.memory_space<vmem>> -> memref<1x125x16xf32, #tpu.memory_space<vmem>>
        %dma_wait3A_269 = tpu.memref_squeeze %dma_wait3A_268 : memref<1x125x16xf32, #tpu.memory_space<vmem>> -> memref<125x16xf32, #tpu.memory_space<vmem>>
        %dma_wait3A_270 = arith.constant 0 : i32
        %dma_wait3A_271 = tpu.memref_slice %arg5[%add3A_177, %dma_wait3A_270] : memref<80x125xi32, #tpu.memory_space<vmem>> -> memref<1x125xi32, #tpu.memory_space<vmem>>
        %dma_wait3A_272 = tpu.memref_squeeze %dma_wait3A_271 : memref<1x125xi32, #tpu.memory_space<vmem>> -> memref<125xi32, #tpu.memory_space<vmem>>
        %dma_wait3A_273 = arith.constant 0 : i32
        %dma_wait3A_274 = arith.constant 0 : i32
        %dma_wait3A_275 = tpu.memref_slice %arg2[%dma_wait3A_273, %dma_wait3A_274] : memref<10240x16xf32, #tpu.memory_space<hbm>> -> memref<10240x16xf32, #tpu.memory_space<hbm>>
        tpu.wait_indirect_dma semaphore(%arg11 : memref<!tpu.dma_semaphore, #tpu.memory_space<semaphore_mem>>) src(%dma_wait3A_275 : memref<10240x16xf32, #tpu.memory_space<hbm>>) dst(%dma_wait3A_269 : memref<125x16xf32, #tpu.memory_space<vmem>>)
        %dma_start3A_276 = arith.constant 1 : i32
        %dma_start3A_277 = arith.constant 0 : i32
        %dma_start3A_278 = arith.constant 0 : i32
        %dma_start3A_279 = tpu.memref_slice %arg7[%dma_start3A_276, %dma_start3A_277, %dma_start3A_278] : memref<12x125x16xf32, #tpu.memory_space<vmem>> -> memref<1x125x16xf32, #tpu.memory_space<vmem>>
        %dma_start3A_280 = tpu.memref_squeeze %dma_start3A_279 : memref<1x125x16xf32, #tpu.memory_space<vmem>> -> memref<125x16xf32, #tpu.memory_space<vmem>>
        %dma_start3A_281 = arith.constant 0 : i32
        %dma_start3A_282 = tpu.memref_slice %arg6[%add3A_177, %dma_start3A_281] : memref<80x125xi32, #tpu.memory_space<vmem>> -> memref<1x125xi32, #tpu.memory_space<vmem>>
        %dma_start3A_283 = tpu.memref_squeeze %dma_start3A_282 : memref<1x125xi32, #tpu.memory_space<vmem>> -> memref<125xi32, #tpu.memory_space<vmem>>
        %dma_start3A_284 = arith.constant 0 : i32
        %dma_start3A_285 = arith.constant 0 : i32
        %dma_start3A_286 = tpu.memref_slice %arg9[%dma_start3A_284, %dma_start3A_285] : memref<10240x16xf32, #tpu.memory_space<vmem_shared>> -> memref<10240x16xf32, #tpu.memory_space<vmem_shared>>
        tpu.enqueue_indirect_dma source(%dma_start3A_280 : memref<125x16xf32, #tpu.memory_space<vmem>>) target(%dma_start3A_286 : memref<10240x16xf32, #tpu.memory_space<vmem_shared>>) offsets(%dma_start3A_283 : memref<125xi32, #tpu.memory_space<vmem>>) semaphore(%arg23 : memref<!tpu.dma_semaphore, #tpu.memory_space<semaphore_mem>>) {add = true}
      } else {
      }
      %add3A_183 = arith.constant 2 : i32
      %add3A_184 = arith.addi %mul3A_169, %add3A_183 : i32
      %lt3A_185 = arith.constant 80 : i32
      %lt3A_186 = arith.cmpi slt, %add3A_184, %lt3A_185 : i32
      %convert_element_type3A_187 = arith.extui %lt3A_186 : i1 to i32
      %cond3A_188 = arith.constant 0 : i32
      %cond3A_189 = arith.cmpi ne, %convert_element_type3A_187, %cond3A_188 : i32
      scf.if %cond3A_189 {
        %ge3A = arith.constant 6 : i32
        %ge3A_254 = arith.cmpi sge, %add3A_184, %ge3A : i32
        %convert_element_type3A_255 = arith.extui %ge3A_254 : i1 to i32
        %cond3A_256 = arith.constant 0 : i32
        %cond3A_257 = arith.cmpi ne, %convert_element_type3A_255, %cond3A_256 : i32
        scf.if %cond3A_257 {
          %sub3A = arith.constant 6 : i32
          %sub3A_287 = arith.subi %add3A_184, %sub3A : i32
          %dma_wait3A_288 = arith.constant 8 : i32
          %dma_wait3A_289 = arith.constant 0 : i32
          %dma_wait3A_290 = arith.constant 0 : i32
          %dma_wait3A_291 = tpu.memref_slice %arg7[%dma_wait3A_288, %dma_wait3A_289, %dma_wait3A_290] : memref<12x125x16xf32, #tpu.memory_space<vmem>> -> memref<1x125x16xf32, #tpu.memory_space<vmem>>
          %dma_wait3A_292 = tpu.memref_squeeze %dma_wait3A_291 : memref<1x125x16xf32, #tpu.memory_space<vmem>> -> memref<125x16xf32, #tpu.memory_space<vmem>>
          %dma_wait3A_293 = arith.constant 0 : i32
          %dma_wait3A_294 = tpu.memref_slice %arg6[%sub3A_287, %dma_wait3A_293] : memref<80x125xi32, #tpu.memory_space<vmem>> -> memref<1x125xi32, #tpu.memory_space<vmem>>
          %dma_wait3A_295 = tpu.memref_squeeze %dma_wait3A_294 : memref<1x125xi32, #tpu.memory_space<vmem>> -> memref<125xi32, #tpu.memory_space<vmem>>
          %dma_wait3A_296 = arith.constant 0 : i32
          %dma_wait3A_297 = arith.constant 0 : i32
          %dma_wait3A_298 = tpu.memref_slice %arg9[%dma_wait3A_296, %dma_wait3A_297] : memref<10240x16xf32, #tpu.memory_space<vmem_shared>> -> memref<10240x16xf32, #tpu.memory_space<vmem_shared>>
          tpu.wait_indirect_dma semaphore(%arg30 : memref<!tpu.dma_semaphore, #tpu.memory_space<semaphore_mem>>) src(%dma_wait3A_292 : memref<125x16xf32, #tpu.memory_space<vmem>>) dst(%dma_wait3A_298 : memref<10240x16xf32, #tpu.memory_space<vmem_shared>>)
        } else {
        }
        %add3A_258 = arith.constant 6 : i32
        %add3A_259 = arith.addi %add3A_184, %add3A_258 : i32
        %lt3A_260 = arith.constant 80 : i32
        %lt3A_261 = arith.cmpi slt, %add3A_259, %lt3A_260 : i32
        %convert_element_type3A_262 = arith.extui %lt3A_261 : i1 to i32
        %cond3A_263 = arith.constant 0 : i32
        %cond3A_264 = arith.cmpi ne, %convert_element_type3A_262, %cond3A_263 : i32
        scf.if %cond3A_264 {
          %add3A_287 = arith.constant 6 : i32
          %add3A_288 = arith.addi %add3A_184, %add3A_287 : i32
          %dma_start3A_289 = arith.constant 8 : i32
          %dma_start3A_290 = arith.constant 0 : i32
          %dma_start3A_291 = arith.constant 0 : i32
          %dma_start3A_292 = tpu.memref_slice %arg7[%dma_start3A_289, %dma_start3A_290, %dma_start3A_291] : memref<12x125x16xf32, #tpu.memory_space<vmem>> -> memref<1x125x16xf32, #tpu.memory_space<vmem>>
          %dma_start3A_293 = tpu.memref_squeeze %dma_start3A_292 : memref<1x125x16xf32, #tpu.memory_space<vmem>> -> memref<125x16xf32, #tpu.memory_space<vmem>>
          %dma_start3A_294 = arith.constant 0 : i32
          %dma_start3A_295 = tpu.memref_slice %arg5[%add3A_288, %dma_start3A_294] : memref<80x125xi32, #tpu.memory_space<vmem>> -> memref<1x125xi32, #tpu.memory_space<vmem>>
          %dma_start3A_296 = tpu.memref_squeeze %dma_start3A_295 : memref<1x125xi32, #tpu.memory_space<vmem>> -> memref<125xi32, #tpu.memory_space<vmem>>
          %dma_start3A_297 = arith.constant 0 : i32
          %dma_start3A_298 = arith.constant 0 : i32
          %dma_start3A_299 = tpu.memref_slice %arg2[%dma_start3A_297, %dma_start3A_298] : memref<10240x16xf32, #tpu.memory_space<hbm>> -> memref<10240x16xf32, #tpu.memory_space<hbm>>
          tpu.enqueue_indirect_dma source(%dma_start3A_299 : memref<10240x16xf32, #tpu.memory_space<hbm>>) target(%dma_start3A_293 : memref<125x16xf32, #tpu.memory_space<vmem>>) offsets(%dma_start3A_296 : memref<125xi32, #tpu.memory_space<vmem>>) semaphore(%arg18 : memref<!tpu.dma_semaphore, #tpu.memory_space<semaphore_mem>>)
        } else {
        }
        %dma_wait3A_265 = arith.constant 2 : i32
        %dma_wait3A_266 = arith.constant 0 : i32
        %dma_wait3A_267 = arith.constant 0 : i32
        %dma_wait3A_268 = tpu.memref_slice %arg7[%dma_wait3A_265, %dma_wait3A_266, %dma_wait3A_267] : memref<12x125x16xf32, #tpu.memory_space<vmem>> -> memref<1x125x16xf32, #tpu.memory_space<vmem>>
        %dma_wait3A_269 = tpu.memref_squeeze %dma_wait3A_268 : memref<1x125x16xf32, #tpu.memory_space<vmem>> -> memref<125x16xf32, #tpu.memory_space<vmem>>
        %dma_wait3A_270 = arith.constant 0 : i32
        %dma_wait3A_271 = tpu.memref_slice %arg5[%add3A_184, %dma_wait3A_270] : memref<80x125xi32, #tpu.memory_space<vmem>> -> memref<1x125xi32, #tpu.memory_space<vmem>>
        %dma_wait3A_272 = tpu.memref_squeeze %dma_wait3A_271 : memref<1x125xi32, #tpu.memory_space<vmem>> -> memref<125xi32, #tpu.memory_space<vmem>>
        %dma_wait3A_273 = arith.constant 0 : i32
        %dma_wait3A_274 = arith.constant 0 : i32
        %dma_wait3A_275 = tpu.memref_slice %arg2[%dma_wait3A_273, %dma_wait3A_274] : memref<10240x16xf32, #tpu.memory_space<hbm>> -> memref<10240x16xf32, #tpu.memory_space<hbm>>
        tpu.wait_indirect_dma semaphore(%arg12 : memref<!tpu.dma_semaphore, #tpu.memory_space<semaphore_mem>>) src(%dma_wait3A_275 : memref<10240x16xf32, #tpu.memory_space<hbm>>) dst(%dma_wait3A_269 : memref<125x16xf32, #tpu.memory_space<vmem>>)
        %dma_start3A_276 = arith.constant 2 : i32
        %dma_start3A_277 = arith.constant 0 : i32
        %dma_start3A_278 = arith.constant 0 : i32
        %dma_start3A_279 = tpu.memref_slice %arg7[%dma_start3A_276, %dma_start3A_277, %dma_start3A_278] : memref<12x125x16xf32, #tpu.memory_space<vmem>> -> memref<1x125x16xf32, #tpu.memory_space<vmem>>
        %dma_start3A_280 = tpu.memref_squeeze %dma_start3A_279 : memref<1x125x16xf32, #tpu.memory_space<vmem>> -> memref<125x16xf32, #tpu.memory_space<vmem>>
        %dma_start3A_281 = arith.constant 0 : i32
        %dma_start3A_282 = tpu.memref_slice %arg6[%add3A_184, %dma_start3A_281] : memref<80x125xi32, #tpu.memory_space<vmem>> -> memref<1x125xi32, #tpu.memory_space<vmem>>
        %dma_start3A_283 = tpu.memref_squeeze %dma_start3A_282 : memref<1x125xi32, #tpu.memory_space<vmem>> -> memref<125xi32, #tpu.memory_space<vmem>>
        %dma_start3A_284 = arith.constant 0 : i32
        %dma_start3A_285 = arith.constant 0 : i32
        %dma_start3A_286 = tpu.memref_slice %arg9[%dma_start3A_284, %dma_start3A_285] : memref<10240x16xf32, #tpu.memory_space<vmem_shared>> -> memref<10240x16xf32, #tpu.memory_space<vmem_shared>>
        tpu.enqueue_indirect_dma source(%dma_start3A_280 : memref<125x16xf32, #tpu.memory_space<vmem>>) target(%dma_start3A_286 : memref<10240x16xf32, #tpu.memory_space<vmem_shared>>) offsets(%dma_start3A_283 : memref<125xi32, #tpu.memory_space<vmem>>) semaphore(%arg24 : memref<!tpu.dma_semaphore, #tpu.memory_space<semaphore_mem>>) {add = true}
      } else {
      }
      %add3A_190 = arith.constant 3 : i32
      %add3A_191 = arith.addi %mul3A_169, %add3A_190 : i32
      %lt3A_192 = arith.constant 80 : i32
      %lt3A_193 = arith.cmpi slt, %add3A_191, %lt3A_192 : i32
      %convert_element_type3A_194 = arith.extui %lt3A_193 : i1 to i32
      %cond3A_195 = arith.constant 0 : i32
      %cond3A_196 = arith.cmpi ne, %convert_element_type3A_194, %cond3A_195 : i32
      scf.if %cond3A_196 {
        %ge3A = arith.constant 6 : i32
        %ge3A_254 = arith.cmpi sge, %add3A_191, %ge3A : i32
        %convert_element_type3A_255 = arith.extui %ge3A_254 : i1 to i32
        %cond3A_256 = arith.constant 0 : i32
        %cond3A_257 = arith.cmpi ne, %convert_element_type3A_255, %cond3A_256 : i32
        scf.if %cond3A_257 {
          %sub3A = arith.constant 6 : i32
          %sub3A_287 = arith.subi %add3A_191, %sub3A : i32
          %dma_wait3A_288 = arith.constant 9 : i32
          %dma_wait3A_289 = arith.constant 0 : i32
          %dma_wait3A_290 = arith.constant 0 : i32
          %dma_wait3A_291 = tpu.memref_slice %arg7[%dma_wait3A_288, %dma_wait3A_289, %dma_wait3A_290] : memref<12x125x16xf32, #tpu.memory_space<vmem>> -> memref<1x125x16xf32, #tpu.memory_space<vmem>>
          %dma_wait3A_292 = tpu.memref_squeeze %dma_wait3A_291 : memref<1x125x16xf32, #tpu.memory_space<vmem>> -> memref<125x16xf32, #tpu.memory_space<vmem>>
          %dma_wait3A_293 = arith.constant 0 : i32
          %dma_wait3A_294 = tpu.memref_slice %arg6[%sub3A_287, %dma_wait3A_293] : memref<80x125xi32, #tpu.memory_space<vmem>> -> memref<1x125xi32, #tpu.memory_space<vmem>>
          %dma_wait3A_295 = tpu.memref_squeeze %dma_wait3A_294 : memref<1x125xi32, #tpu.memory_space<vmem>> -> memref<125xi32, #tpu.memory_space<vmem>>
          %dma_wait3A_296 = arith.constant 0 : i32
          %dma_wait3A_297 = arith.constant 0 : i32
          %dma_wait3A_298 = tpu.memref_slice %arg9[%dma_wait3A_296, %dma_wait3A_297] : memref<10240x16xf32, #tpu.memory_space<vmem_shared>> -> memref<10240x16xf32, #tpu.memory_space<vmem_shared>>
          tpu.wait_indirect_dma semaphore(%arg31 : memref<!tpu.dma_semaphore, #tpu.memory_space<semaphore_mem>>) src(%dma_wait3A_292 : memref<125x16xf32, #tpu.memory_space<vmem>>) dst(%dma_wait3A_298 : memref<10240x16xf32, #tpu.memory_space<vmem_shared>>)
        } else {
        }
        %add3A_258 = arith.constant 6 : i32
        %add3A_259 = arith.addi %add3A_191, %add3A_258 : i32
        %lt3A_260 = arith.constant 80 : i32
        %lt3A_261 = arith.cmpi slt, %add3A_259, %lt3A_260 : i32
        %convert_element_type3A_262 = arith.extui %lt3A_261 : i1 to i32
        %cond3A_263 = arith.constant 0 : i32
        %cond3A_264 = arith.cmpi ne, %convert_element_type3A_262, %cond3A_263 : i32
        scf.if %cond3A_264 {
          %add3A_287 = arith.constant 6 : i32
          %add3A_288 = arith.addi %add3A_191, %add3A_287 : i32
          %dma_start3A_289 = arith.constant 9 : i32
          %dma_start3A_290 = arith.constant 0 : i32
          %dma_start3A_291 = arith.constant 0 : i32
          %dma_start3A_292 = tpu.memref_slice %arg7[%dma_start3A_289, %dma_start3A_290, %dma_start3A_291] : memref<12x125x16xf32, #tpu.memory_space<vmem>> -> memref<1x125x16xf32, #tpu.memory_space<vmem>>
          %dma_start3A_293 = tpu.memref_squeeze %dma_start3A_292 : memref<1x125x16xf32, #tpu.memory_space<vmem>> -> memref<125x16xf32, #tpu.memory_space<vmem>>
          %dma_start3A_294 = arith.constant 0 : i32
          %dma_start3A_295 = tpu.memref_slice %arg5[%add3A_288, %dma_start3A_294] : memref<80x125xi32, #tpu.memory_space<vmem>> -> memref<1x125xi32, #tpu.memory_space<vmem>>
          %dma_start3A_296 = tpu.memref_squeeze %dma_start3A_295 : memref<1x125xi32, #tpu.memory_space<vmem>> -> memref<125xi32, #tpu.memory_space<vmem>>
          %dma_start3A_297 = arith.constant 0 : i32
          %dma_start3A_298 = arith.constant 0 : i32
          %dma_start3A_299 = tpu.memref_slice %arg2[%dma_start3A_297, %dma_start3A_298] : memref<10240x16xf32, #tpu.memory_space<hbm>> -> memref<10240x16xf32, #tpu.memory_space<hbm>>
          tpu.enqueue_indirect_dma source(%dma_start3A_299 : memref<10240x16xf32, #tpu.memory_space<hbm>>) target(%dma_start3A_293 : memref<125x16xf32, #tpu.memory_space<vmem>>) offsets(%dma_start3A_296 : memref<125xi32, #tpu.memory_space<vmem>>) semaphore(%arg19 : memref<!tpu.dma_semaphore, #tpu.memory_space<semaphore_mem>>)
        } else {
        }
        %dma_wait3A_265 = arith.constant 3 : i32
        %dma_wait3A_266 = arith.constant 0 : i32
        %dma_wait3A_267 = arith.constant 0 : i32
        %dma_wait3A_268 = tpu.memref_slice %arg7[%dma_wait3A_265, %dma_wait3A_266, %dma_wait3A_267] : memref<12x125x16xf32, #tpu.memory_space<vmem>> -> memref<1x125x16xf32, #tpu.memory_space<vmem>>
        %dma_wait3A_269 = tpu.memref_squeeze %dma_wait3A_268 : memref<1x125x16xf32, #tpu.memory_space<vmem>> -> memref<125x16xf32, #tpu.memory_space<vmem>>
        %dma_wait3A_270 = arith.constant 0 : i32
        %dma_wait3A_271 = tpu.memref_slice %arg5[%add3A_191, %dma_wait3A_270] : memref<80x125xi32, #tpu.memory_space<vmem>> -> memref<1x125xi32, #tpu.memory_space<vmem>>
        %dma_wait3A_272 = tpu.memref_squeeze %dma_wait3A_271 : memref<1x125xi32, #tpu.memory_space<vmem>> -> memref<125xi32, #tpu.memory_space<vmem>>
        %dma_wait3A_273 = arith.constant 0 : i32
        %dma_wait3A_274 = arith.constant 0 : i32
        %dma_wait3A_275 = tpu.memref_slice %arg2[%dma_wait3A_273, %dma_wait3A_274] : memref<10240x16xf32, #tpu.memory_space<hbm>> -> memref<10240x16xf32, #tpu.memory_space<hbm>>
        tpu.wait_indirect_dma semaphore(%arg13 : memref<!tpu.dma_semaphore, #tpu.memory_space<semaphore_mem>>) src(%dma_wait3A_275 : memref<10240x16xf32, #tpu.memory_space<hbm>>) dst(%dma_wait3A_269 : memref<125x16xf32, #tpu.memory_space<vmem>>)
        %dma_start3A_276 = arith.constant 3 : i32
        %dma_start3A_277 = arith.constant 0 : i32
        %dma_start3A_278 = arith.constant 0 : i32
        %dma_start3A_279 = tpu.memref_slice %arg7[%dma_start3A_276, %dma_start3A_277, %dma_start3A_278] : memref<12x125x16xf32, #tpu.memory_space<vmem>> -> memref<1x125x16xf32, #tpu.memory_space<vmem>>
        %dma_start3A_280 = tpu.memref_squeeze %dma_start3A_279 : memref<1x125x16xf32, #tpu.memory_space<vmem>> -> memref<125x16xf32, #tpu.memory_space<vmem>>
        %dma_start3A_281 = arith.constant 0 : i32
        %dma_start3A_282 = tpu.memref_slice %arg6[%add3A_191, %dma_start3A_281] : memref<80x125xi32, #tpu.memory_space<vmem>> -> memref<1x125xi32, #tpu.memory_space<vmem>>
        %dma_start3A_283 = tpu.memref_squeeze %dma_start3A_282 : memref<1x125xi32, #tpu.memory_space<vmem>> -> memref<125xi32, #tpu.memory_space<vmem>>
        %dma_start3A_284 = arith.constant 0 : i32
        %dma_start3A_285 = arith.constant 0 : i32
        %dma_start3A_286 = tpu.memref_slice %arg9[%dma_start3A_284, %dma_start3A_285] : memref<10240x16xf32, #tpu.memory_space<vmem_shared>> -> memref<10240x16xf32, #tpu.memory_space<vmem_shared>>
        tpu.enqueue_indirect_dma source(%dma_start3A_280 : memref<125x16xf32, #tpu.memory_space<vmem>>) target(%dma_start3A_286 : memref<10240x16xf32, #tpu.memory_space<vmem_shared>>) offsets(%dma_start3A_283 : memref<125xi32, #tpu.memory_space<vmem>>) semaphore(%arg25 : memref<!tpu.dma_semaphore, #tpu.memory_space<semaphore_mem>>) {add = true}
      } else {
      }
      %add3A_197 = arith.constant 4 : i32
      %add3A_198 = arith.addi %mul3A_169, %add3A_197 : i32
      %lt3A_199 = arith.constant 80 : i32
      %lt3A_200 = arith.cmpi slt, %add3A_198, %lt3A_199 : i32
      %convert_element_type3A_201 = arith.extui %lt3A_200 : i1 to i32
      %cond3A_202 = arith.constant 0 : i32
      %cond3A_203 = arith.cmpi ne, %convert_element_type3A_201, %cond3A_202 : i32
      scf.if %cond3A_203 {
        %ge3A = arith.constant 6 : i32
        %ge3A_254 = arith.cmpi sge, %add3A_198, %ge3A : i32
        %convert_element_type3A_255 = arith.extui %ge3A_254 : i1 to i32
        %cond3A_256 = arith.constant 0 : i32
        %cond3A_257 = arith.cmpi ne, %convert_element_type3A_255, %cond3A_256 : i32
        scf.if %cond3A_257 {
          %sub3A = arith.constant 6 : i32
          %sub3A_287 = arith.subi %add3A_198, %sub3A : i32
          %dma_wait3A_288 = arith.constant 10 : i32
          %dma_wait3A_289 = arith.constant 0 : i32
          %dma_wait3A_290 = arith.constant 0 : i32
          %dma_wait3A_291 = tpu.memref_slice %arg7[%dma_wait3A_288, %dma_wait3A_289, %dma_wait3A_290] : memref<12x125x16xf32, #tpu.memory_space<vmem>> -> memref<1x125x16xf32, #tpu.memory_space<vmem>>
          %dma_wait3A_292 = tpu.memref_squeeze %dma_wait3A_291 : memref<1x125x16xf32, #tpu.memory_space<vmem>> -> memref<125x16xf32, #tpu.memory_space<vmem>>
          %dma_wait3A_293 = arith.constant 0 : i32
          %dma_wait3A_294 = tpu.memref_slice %arg6[%sub3A_287, %dma_wait3A_293] : memref<80x125xi32, #tpu.memory_space<vmem>> -> memref<1x125xi32, #tpu.memory_space<vmem>>
          %dma_wait3A_295 = tpu.memref_squeeze %dma_wait3A_294 : memref<1x125xi32, #tpu.memory_space<vmem>> -> memref<125xi32, #tpu.memory_space<vmem>>
          %dma_wait3A_296 = arith.constant 0 : i32
          %dma_wait3A_297 = arith.constant 0 : i32
          %dma_wait3A_298 = tpu.memref_slice %arg9[%dma_wait3A_296, %dma_wait3A_297] : memref<10240x16xf32, #tpu.memory_space<vmem_shared>> -> memref<10240x16xf32, #tpu.memory_space<vmem_shared>>
          tpu.wait_indirect_dma semaphore(%arg32 : memref<!tpu.dma_semaphore, #tpu.memory_space<semaphore_mem>>) src(%dma_wait3A_292 : memref<125x16xf32, #tpu.memory_space<vmem>>) dst(%dma_wait3A_298 : memref<10240x16xf32, #tpu.memory_space<vmem_shared>>)
        } else {
        }
        %add3A_258 = arith.constant 6 : i32
        %add3A_259 = arith.addi %add3A_198, %add3A_258 : i32
        %lt3A_260 = arith.constant 80 : i32
        %lt3A_261 = arith.cmpi slt, %add3A_259, %lt3A_260 : i32
        %convert_element_type3A_262 = arith.extui %lt3A_261 : i1 to i32
        %cond3A_263 = arith.constant 0 : i32
        %cond3A_264 = arith.cmpi ne, %convert_element_type3A_262, %cond3A_263 : i32
        scf.if %cond3A_264 {
          %add3A_287 = arith.constant 6 : i32
          %add3A_288 = arith.addi %add3A_198, %add3A_287 : i32
          %dma_start3A_289 = arith.constant 10 : i32
          %dma_start3A_290 = arith.constant 0 : i32
          %dma_start3A_291 = arith.constant 0 : i32
          %dma_start3A_292 = tpu.memref_slice %arg7[%dma_start3A_289, %dma_start3A_290, %dma_start3A_291] : memref<12x125x16xf32, #tpu.memory_space<vmem>> -> memref<1x125x16xf32, #tpu.memory_space<vmem>>
          %dma_start3A_293 = tpu.memref_squeeze %dma_start3A_292 : memref<1x125x16xf32, #tpu.memory_space<vmem>> -> memref<125x16xf32, #tpu.memory_space<vmem>>
          %dma_start3A_294 = arith.constant 0 : i32
          %dma_start3A_295 = tpu.memref_slice %arg5[%add3A_288, %dma_start3A_294] : memref<80x125xi32, #tpu.memory_space<vmem>> -> memref<1x125xi32, #tpu.memory_space<vmem>>
          %dma_start3A_296 = tpu.memref_squeeze %dma_start3A_295 : memref<1x125xi32, #tpu.memory_space<vmem>> -> memref<125xi32, #tpu.memory_space<vmem>>
          %dma_start3A_297 = arith.constant 0 : i32
          %dma_start3A_298 = arith.constant 0 : i32
          %dma_start3A_299 = tpu.memref_slice %arg2[%dma_start3A_297, %dma_start3A_298] : memref<10240x16xf32, #tpu.memory_space<hbm>> -> memref<10240x16xf32, #tpu.memory_space<hbm>>
          tpu.enqueue_indirect_dma source(%dma_start3A_299 : memref<10240x16xf32, #tpu.memory_space<hbm>>) target(%dma_start3A_293 : memref<125x16xf32, #tpu.memory_space<vmem>>) offsets(%dma_start3A_296 : memref<125xi32, #tpu.memory_space<vmem>>) semaphore(%arg20 : memref<!tpu.dma_semaphore, #tpu.memory_space<semaphore_mem>>)
        } else {
        }
        %dma_wait3A_265 = arith.constant 4 : i32
        %dma_wait3A_266 = arith.constant 0 : i32
        %dma_wait3A_267 = arith.constant 0 : i32
        %dma_wait3A_268 = tpu.memref_slice %arg7[%dma_wait3A_265, %dma_wait3A_266, %dma_wait3A_267] : memref<12x125x16xf32, #tpu.memory_space<vmem>> -> memref<1x125x16xf32, #tpu.memory_space<vmem>>
        %dma_wait3A_269 = tpu.memref_squeeze %dma_wait3A_268 : memref<1x125x16xf32, #tpu.memory_space<vmem>> -> memref<125x16xf32, #tpu.memory_space<vmem>>
        %dma_wait3A_270 = arith.constant 0 : i32
        %dma_wait3A_271 = tpu.memref_slice %arg5[%add3A_198, %dma_wait3A_270] : memref<80x125xi32, #tpu.memory_space<vmem>> -> memref<1x125xi32, #tpu.memory_space<vmem>>
        %dma_wait3A_272 = tpu.memref_squeeze %dma_wait3A_271 : memref<1x125xi32, #tpu.memory_space<vmem>> -> memref<125xi32, #tpu.memory_space<vmem>>
        %dma_wait3A_273 = arith.constant 0 : i32
        %dma_wait3A_274 = arith.constant 0 : i32
        %dma_wait3A_275 = tpu.memref_slice %arg2[%dma_wait3A_273, %dma_wait3A_274] : memref<10240x16xf32, #tpu.memory_space<hbm>> -> memref<10240x16xf32, #tpu.memory_space<hbm>>
        tpu.wait_indirect_dma semaphore(%arg14 : memref<!tpu.dma_semaphore, #tpu.memory_space<semaphore_mem>>) src(%dma_wait3A_275 : memref<10240x16xf32, #tpu.memory_space<hbm>>) dst(%dma_wait3A_269 : memref<125x16xf32, #tpu.memory_space<vmem>>)
        %dma_start3A_276 = arith.constant 4 : i32
        %dma_start3A_277 = arith.constant 0 : i32
        %dma_start3A_278 = arith.constant 0 : i32
        %dma_start3A_279 = tpu.memref_slice %arg7[%dma_start3A_276, %dma_start3A_277, %dma_start3A_278] : memref<12x125x16xf32, #tpu.memory_space<vmem>> -> memref<1x125x16xf32, #tpu.memory_space<vmem>>
        %dma_start3A_280 = tpu.memref_squeeze %dma_start3A_279 : memref<1x125x16xf32, #tpu.memory_space<vmem>> -> memref<125x16xf32, #tpu.memory_space<vmem>>
        %dma_start3A_281 = arith.constant 0 : i32
        %dma_start3A_282 = tpu.memref_slice %arg6[%add3A_198, %dma_start3A_281] : memref<80x125xi32, #tpu.memory_space<vmem>> -> memref<1x125xi32, #tpu.memory_space<vmem>>
        %dma_start3A_283 = tpu.memref_squeeze %dma_start3A_282 : memref<1x125xi32, #tpu.memory_space<vmem>> -> memref<125xi32, #tpu.memory_space<vmem>>
        %dma_start3A_284 = arith.constant 0 : i32
        %dma_start3A_285 = arith.constant 0 : i32
        %dma_start3A_286 = tpu.memref_slice %arg9[%dma_start3A_284, %dma_start3A_285] : memref<10240x16xf32, #tpu.memory_space<vmem_shared>> -> memref<10240x16xf32, #tpu.memory_space<vmem_shared>>
        tpu.enqueue_indirect_dma source(%dma_start3A_280 : memref<125x16xf32, #tpu.memory_space<vmem>>) target(%dma_start3A_286 : memref<10240x16xf32, #tpu.memory_space<vmem_shared>>) offsets(%dma_start3A_283 : memref<125xi32, #tpu.memory_space<vmem>>) semaphore(%arg26 : memref<!tpu.dma_semaphore, #tpu.memory_space<semaphore_mem>>) {add = true}
      } else {
      }
      %add3A_204 = arith.constant 5 : i32
      %add3A_205 = arith.addi %mul3A_169, %add3A_204 : i32
      %lt3A_206 = arith.constant 80 : i32
      %lt3A_207 = arith.cmpi slt, %add3A_205, %lt3A_206 : i32
      %convert_element_type3A_208 = arith.extui %lt3A_207 : i1 to i32
      %cond3A_209 = arith.constant 0 : i32
      %cond3A_210 = arith.cmpi ne, %convert_element_type3A_208, %cond3A_209 : i32
      scf.if %cond3A_210 {
        %ge3A = arith.constant 6 : i32
        %ge3A_254 = arith.cmpi sge, %add3A_205, %ge3A : i32
        %convert_element_type3A_255 = arith.extui %ge3A_254 : i1 to i32
        %cond3A_256 = arith.constant 0 : i32
        %cond3A_257 = arith.cmpi ne, %convert_element_type3A_255, %cond3A_256 : i32
        scf.if %cond3A_257 {
          %sub3A = arith.constant 6 : i32
          %sub3A_287 = arith.subi %add3A_205, %sub3A : i32
          %dma_wait3A_288 = arith.constant 11 : i32
          %dma_wait3A_289 = arith.constant 0 : i32
          %dma_wait3A_290 = arith.constant 0 : i32
          %dma_wait3A_291 = tpu.memref_slice %arg7[%dma_wait3A_288, %dma_wait3A_289, %dma_wait3A_290] : memref<12x125x16xf32, #tpu.memory_space<vmem>> -> memref<1x125x16xf32, #tpu.memory_space<vmem>>
          %dma_wait3A_292 = tpu.memref_squeeze %dma_wait3A_291 : memref<1x125x16xf32, #tpu.memory_space<vmem>> -> memref<125x16xf32, #tpu.memory_space<vmem>>
          %dma_wait3A_293 = arith.constant 0 : i32
          %dma_wait3A_294 = tpu.memref_slice %arg6[%sub3A_287, %dma_wait3A_293] : memref<80x125xi32, #tpu.memory_space<vmem>> -> memref<1x125xi32, #tpu.memory_space<vmem>>
          %dma_wait3A_295 = tpu.memref_squeeze %dma_wait3A_294 : memref<1x125xi32, #tpu.memory_space<vmem>> -> memref<125xi32, #tpu.memory_space<vmem>>
          %dma_wait3A_296 = arith.constant 0 : i32
          %dma_wait3A_297 = arith.constant 0 : i32
          %dma_wait3A_298 = tpu.memref_slice %arg9[%dma_wait3A_296, %dma_wait3A_297] : memref<10240x16xf32, #tpu.memory_space<vmem_shared>> -> memref<10240x16xf32, #tpu.memory_space<vmem_shared>>
          tpu.wait_indirect_dma semaphore(%arg33 : memref<!tpu.dma_semaphore, #tpu.memory_space<semaphore_mem>>) src(%dma_wait3A_292 : memref<125x16xf32, #tpu.memory_space<vmem>>) dst(%dma_wait3A_298 : memref<10240x16xf32, #tpu.memory_space<vmem_shared>>)
        } else {
        }
        %add3A_258 = arith.constant 6 : i32
        %add3A_259 = arith.addi %add3A_205, %add3A_258 : i32
        %lt3A_260 = arith.constant 80 : i32
        %lt3A_261 = arith.cmpi slt, %add3A_259, %lt3A_260 : i32
        %convert_element_type3A_262 = arith.extui %lt3A_261 : i1 to i32
        %cond3A_263 = arith.constant 0 : i32
        %cond3A_264 = arith.cmpi ne, %convert_element_type3A_262, %cond3A_263 : i32
        scf.if %cond3A_264 {
          %add3A_287 = arith.constant 6 : i32
          %add3A_288 = arith.addi %add3A_205, %add3A_287 : i32
          %dma_start3A_289 = arith.constant 11 : i32
          %dma_start3A_290 = arith.constant 0 : i32
          %dma_start3A_291 = arith.constant 0 : i32
          %dma_start3A_292 = tpu.memref_slice %arg7[%dma_start3A_289, %dma_start3A_290, %dma_start3A_291] : memref<12x125x16xf32, #tpu.memory_space<vmem>> -> memref<1x125x16xf32, #tpu.memory_space<vmem>>
          %dma_start3A_293 = tpu.memref_squeeze %dma_start3A_292 : memref<1x125x16xf32, #tpu.memory_space<vmem>> -> memref<125x16xf32, #tpu.memory_space<vmem>>
          %dma_start3A_294 = arith.constant 0 : i32
          %dma_start3A_295 = tpu.memref_slice %arg5[%add3A_288, %dma_start3A_294] : memref<80x125xi32, #tpu.memory_space<vmem>> -> memref<1x125xi32, #tpu.memory_space<vmem>>
          %dma_start3A_296 = tpu.memref_squeeze %dma_start3A_295 : memref<1x125xi32, #tpu.memory_space<vmem>> -> memref<125xi32, #tpu.memory_space<vmem>>
          %dma_start3A_297 = arith.constant 0 : i32
          %dma_start3A_298 = arith.constant 0 : i32
          %dma_start3A_299 = tpu.memref_slice %arg2[%dma_start3A_297, %dma_start3A_298] : memref<10240x16xf32, #tpu.memory_space<hbm>> -> memref<10240x16xf32, #tpu.memory_space<hbm>>
          tpu.enqueue_indirect_dma source(%dma_start3A_299 : memref<10240x16xf32, #tpu.memory_space<hbm>>) target(%dma_start3A_293 : memref<125x16xf32, #tpu.memory_space<vmem>>) offsets(%dma_start3A_296 : memref<125xi32, #tpu.memory_space<vmem>>) semaphore(%arg21 : memref<!tpu.dma_semaphore, #tpu.memory_space<semaphore_mem>>)
        } else {
        }
        %dma_wait3A_265 = arith.constant 5 : i32
        %dma_wait3A_266 = arith.constant 0 : i32
        %dma_wait3A_267 = arith.constant 0 : i32
        %dma_wait3A_268 = tpu.memref_slice %arg7[%dma_wait3A_265, %dma_wait3A_266, %dma_wait3A_267] : memref<12x125x16xf32, #tpu.memory_space<vmem>> -> memref<1x125x16xf32, #tpu.memory_space<vmem>>
        %dma_wait3A_269 = tpu.memref_squeeze %dma_wait3A_268 : memref<1x125x16xf32, #tpu.memory_space<vmem>> -> memref<125x16xf32, #tpu.memory_space<vmem>>
        %dma_wait3A_270 = arith.constant 0 : i32
        %dma_wait3A_271 = tpu.memref_slice %arg5[%add3A_205, %dma_wait3A_270] : memref<80x125xi32, #tpu.memory_space<vmem>> -> memref<1x125xi32, #tpu.memory_space<vmem>>
        %dma_wait3A_272 = tpu.memref_squeeze %dma_wait3A_271 : memref<1x125xi32, #tpu.memory_space<vmem>> -> memref<125xi32, #tpu.memory_space<vmem>>
        %dma_wait3A_273 = arith.constant 0 : i32
        %dma_wait3A_274 = arith.constant 0 : i32
        %dma_wait3A_275 = tpu.memref_slice %arg2[%dma_wait3A_273, %dma_wait3A_274] : memref<10240x16xf32, #tpu.memory_space<hbm>> -> memref<10240x16xf32, #tpu.memory_space<hbm>>
        tpu.wait_indirect_dma semaphore(%arg15 : memref<!tpu.dma_semaphore, #tpu.memory_space<semaphore_mem>>) src(%dma_wait3A_275 : memref<10240x16xf32, #tpu.memory_space<hbm>>) dst(%dma_wait3A_269 : memref<125x16xf32, #tpu.memory_space<vmem>>)
        %dma_start3A_276 = arith.constant 5 : i32
        %dma_start3A_277 = arith.constant 0 : i32
        %dma_start3A_278 = arith.constant 0 : i32
        %dma_start3A_279 = tpu.memref_slice %arg7[%dma_start3A_276, %dma_start3A_277, %dma_start3A_278] : memref<12x125x16xf32, #tpu.memory_space<vmem>> -> memref<1x125x16xf32, #tpu.memory_space<vmem>>
        %dma_start3A_280 = tpu.memref_squeeze %dma_start3A_279 : memref<1x125x16xf32, #tpu.memory_space<vmem>> -> memref<125x16xf32, #tpu.memory_space<vmem>>
        %dma_start3A_281 = arith.constant 0 : i32
        %dma_start3A_282 = tpu.memref_slice %arg6[%add3A_205, %dma_start3A_281] : memref<80x125xi32, #tpu.memory_space<vmem>> -> memref<1x125xi32, #tpu.memory_space<vmem>>
        %dma_start3A_283 = tpu.memref_squeeze %dma_start3A_282 : memref<1x125xi32, #tpu.memory_space<vmem>> -> memref<125xi32, #tpu.memory_space<vmem>>
        %dma_start3A_284 = arith.constant 0 : i32
        %dma_start3A_285 = arith.constant 0 : i32
        %dma_start3A_286 = tpu.memref_slice %arg9[%dma_start3A_284, %dma_start3A_285] : memref<10240x16xf32, #tpu.memory_space<vmem_shared>> -> memref<10240x16xf32, #tpu.memory_space<vmem_shared>>
        tpu.enqueue_indirect_dma source(%dma_start3A_280 : memref<125x16xf32, #tpu.memory_space<vmem>>) target(%dma_start3A_286 : memref<10240x16xf32, #tpu.memory_space<vmem_shared>>) offsets(%dma_start3A_283 : memref<125xi32, #tpu.memory_space<vmem>>) semaphore(%arg27 : memref<!tpu.dma_semaphore, #tpu.memory_space<semaphore_mem>>) {add = true}
      } else {
      }
      %add3A_211 = arith.constant 6 : i32
      %add3A_212 = arith.addi %mul3A_169, %add3A_211 : i32
      %lt3A_213 = arith.constant 80 : i32
      %lt3A_214 = arith.cmpi slt, %add3A_212, %lt3A_213 : i32
      %convert_element_type3A_215 = arith.extui %lt3A_214 : i1 to i32
      %cond3A_216 = arith.constant 0 : i32
      %cond3A_217 = arith.cmpi ne, %convert_element_type3A_215, %cond3A_216 : i32
      scf.if %cond3A_217 {
        %ge3A = arith.constant 6 : i32
        %ge3A_254 = arith.cmpi sge, %add3A_212, %ge3A : i32
        %convert_element_type3A_255 = arith.extui %ge3A_254 : i1 to i32
        %cond3A_256 = arith.constant 0 : i32
        %cond3A_257 = arith.cmpi ne, %convert_element_type3A_255, %cond3A_256 : i32
        scf.if %cond3A_257 {
          %sub3A = arith.constant 6 : i32
          %sub3A_287 = arith.subi %add3A_212, %sub3A : i32
          %dma_wait3A_288 = arith.constant 0 : i32
          %dma_wait3A_289 = arith.constant 0 : i32
          %dma_wait3A_290 = arith.constant 0 : i32
          %dma_wait3A_291 = tpu.memref_slice %arg7[%dma_wait3A_288, %dma_wait3A_289, %dma_wait3A_290] : memref<12x125x16xf32, #tpu.memory_space<vmem>> -> memref<1x125x16xf32, #tpu.memory_space<vmem>>
          %dma_wait3A_292 = tpu.memref_squeeze %dma_wait3A_291 : memref<1x125x16xf32, #tpu.memory_space<vmem>> -> memref<125x16xf32, #tpu.memory_space<vmem>>
          %dma_wait3A_293 = arith.constant 0 : i32
          %dma_wait3A_294 = tpu.memref_slice %arg6[%sub3A_287, %dma_wait3A_293] : memref<80x125xi32, #tpu.memory_space<vmem>> -> memref<1x125xi32, #tpu.memory_space<vmem>>
          %dma_wait3A_295 = tpu.memref_squeeze %dma_wait3A_294 : memref<1x125xi32, #tpu.memory_space<vmem>> -> memref<125xi32, #tpu.memory_space<vmem>>
          %dma_wait3A_296 = arith.constant 0 : i32
          %dma_wait3A_297 = arith.constant 0 : i32
          %dma_wait3A_298 = tpu.memref_slice %arg9[%dma_wait3A_296, %dma_wait3A_297] : memref<10240x16xf32, #tpu.memory_space<vmem_shared>> -> memref<10240x16xf32, #tpu.memory_space<vmem_shared>>
          tpu.wait_indirect_dma semaphore(%arg22 : memref<!tpu.dma_semaphore, #tpu.memory_space<semaphore_mem>>) src(%dma_wait3A_292 : memref<125x16xf32, #tpu.memory_space<vmem>>) dst(%dma_wait3A_298 : memref<10240x16xf32, #tpu.memory_space<vmem_shared>>)
        } else {
        }
        %add3A_258 = arith.constant 6 : i32
        %add3A_259 = arith.addi %add3A_212, %add3A_258 : i32
        %lt3A_260 = arith.constant 80 : i32
        %lt3A_261 = arith.cmpi slt, %add3A_259, %lt3A_260 : i32
        %convert_element_type3A_262 = arith.extui %lt3A_261 : i1 to i32
        %cond3A_263 = arith.constant 0 : i32
        %cond3A_264 = arith.cmpi ne, %convert_element_type3A_262, %cond3A_263 : i32
        scf.if %cond3A_264 {
          %add3A_287 = arith.constant 6 : i32
          %add3A_288 = arith.addi %add3A_212, %add3A_287 : i32
          %dma_start3A_289 = arith.constant 0 : i32
          %dma_start3A_290 = arith.constant 0 : i32
          %dma_start3A_291 = arith.constant 0 : i32
          %dma_start3A_292 = tpu.memref_slice %arg7[%dma_start3A_289, %dma_start3A_290, %dma_start3A_291] : memref<12x125x16xf32, #tpu.memory_space<vmem>> -> memref<1x125x16xf32, #tpu.memory_space<vmem>>
          %dma_start3A_293 = tpu.memref_squeeze %dma_start3A_292 : memref<1x125x16xf32, #tpu.memory_space<vmem>> -> memref<125x16xf32, #tpu.memory_space<vmem>>
          %dma_start3A_294 = arith.constant 0 : i32
          %dma_start3A_295 = tpu.memref_slice %arg5[%add3A_288, %dma_start3A_294] : memref<80x125xi32, #tpu.memory_space<vmem>> -> memref<1x125xi32, #tpu.memory_space<vmem>>
          %dma_start3A_296 = tpu.memref_squeeze %dma_start3A_295 : memref<1x125xi32, #tpu.memory_space<vmem>> -> memref<125xi32, #tpu.memory_space<vmem>>
          %dma_start3A_297 = arith.constant 0 : i32
          %dma_start3A_298 = arith.constant 0 : i32
          %dma_start3A_299 = tpu.memref_slice %arg2[%dma_start3A_297, %dma_start3A_298] : memref<10240x16xf32, #tpu.memory_space<hbm>> -> memref<10240x16xf32, #tpu.memory_space<hbm>>
          tpu.enqueue_indirect_dma source(%dma_start3A_299 : memref<10240x16xf32, #tpu.memory_space<hbm>>) target(%dma_start3A_293 : memref<125x16xf32, #tpu.memory_space<vmem>>) offsets(%dma_start3A_296 : memref<125xi32, #tpu.memory_space<vmem>>) semaphore(%arg10 : memref<!tpu.dma_semaphore, #tpu.memory_space<semaphore_mem>>)
        } else {
        }
        %dma_wait3A_265 = arith.constant 6 : i32
        %dma_wait3A_266 = arith.constant 0 : i32
        %dma_wait3A_267 = arith.constant 0 : i32
        %dma_wait3A_268 = tpu.memref_slice %arg7[%dma_wait3A_265, %dma_wait3A_266, %dma_wait3A_267] : memref<12x125x16xf32, #tpu.memory_space<vmem>> -> memref<1x125x16xf32, #tpu.memory_space<vmem>>
        %dma_wait3A_269 = tpu.memref_squeeze %dma_wait3A_268 : memref<1x125x16xf32, #tpu.memory_space<vmem>> -> memref<125x16xf32, #tpu.memory_space<vmem>>
        %dma_wait3A_270 = arith.constant 0 : i32
        %dma_wait3A_271 = tpu.memref_slice %arg5[%add3A_212, %dma_wait3A_270] : memref<80x125xi32, #tpu.memory_space<vmem>> -> memref<1x125xi32, #tpu.memory_space<vmem>>
        %dma_wait3A_272 = tpu.memref_squeeze %dma_wait3A_271 : memref<1x125xi32, #tpu.memory_space<vmem>> -> memref<125xi32, #tpu.memory_space<vmem>>
        %dma_wait3A_273 = arith.constant 0 : i32
        %dma_wait3A_274 = arith.constant 0 : i32
        %dma_wait3A_275 = tpu.memref_slice %arg2[%dma_wait3A_273, %dma_wait3A_274] : memref<10240x16xf32, #tpu.memory_space<hbm>> -> memref<10240x16xf32, #tpu.memory_space<hbm>>
        tpu.wait_indirect_dma semaphore(%arg16 : memref<!tpu.dma_semaphore, #tpu.memory_space<semaphore_mem>>) src(%dma_wait3A_275 : memref<10240x16xf32, #tpu.memory_space<hbm>>) dst(%dma_wait3A_269 : memref<125x16xf32, #tpu.memory_space<vmem>>)
        %dma_start3A_276 = arith.constant 6 : i32
        %dma_start3A_277 = arith.constant 0 : i32
        %dma_start3A_278 = arith.constant 0 : i32
        %dma_start3A_279 = tpu.memref_slice %arg7[%dma_start3A_276, %dma_start3A_277, %dma_start3A_278] : memref<12x125x16xf32, #tpu.memory_space<vmem>> -> memref<1x125x16xf32, #tpu.memory_space<vmem>>
        %dma_start3A_280 = tpu.memref_squeeze %dma_start3A_279 : memref<1x125x16xf32, #tpu.memory_space<vmem>> -> memref<125x16xf32, #tpu.memory_space<vmem>>
        %dma_start3A_281 = arith.constant 0 : i32
        %dma_start3A_282 = tpu.memref_slice %arg6[%add3A_212, %dma_start3A_281] : memref<80x125xi32, #tpu.memory_space<vmem>> -> memref<1x125xi32, #tpu.memory_space<vmem>>
        %dma_start3A_283 = tpu.memref_squeeze %dma_start3A_282 : memref<1x125xi32, #tpu.memory_space<vmem>> -> memref<125xi32, #tpu.memory_space<vmem>>
        %dma_start3A_284 = arith.constant 0 : i32
        %dma_start3A_285 = arith.constant 0 : i32
        %dma_start3A_286 = tpu.memref_slice %arg9[%dma_start3A_284, %dma_start3A_285] : memref<10240x16xf32, #tpu.memory_space<vmem_shared>> -> memref<10240x16xf32, #tpu.memory_space<vmem_shared>>
        tpu.enqueue_indirect_dma source(%dma_start3A_280 : memref<125x16xf32, #tpu.memory_space<vmem>>) target(%dma_start3A_286 : memref<10240x16xf32, #tpu.memory_space<vmem_shared>>) offsets(%dma_start3A_283 : memref<125xi32, #tpu.memory_space<vmem>>) semaphore(%arg28 : memref<!tpu.dma_semaphore, #tpu.memory_space<semaphore_mem>>) {add = true}
      } else {
      }
      %add3A_218 = arith.constant 7 : i32
      %add3A_219 = arith.addi %mul3A_169, %add3A_218 : i32
      %lt3A_220 = arith.constant 80 : i32
      %lt3A_221 = arith.cmpi slt, %add3A_219, %lt3A_220 : i32
      %convert_element_type3A_222 = arith.extui %lt3A_221 : i1 to i32
      %cond3A_223 = arith.constant 0 : i32
      %cond3A_224 = arith.cmpi ne, %convert_element_type3A_222, %cond3A_223 : i32
      scf.if %cond3A_224 {
        %ge3A = arith.constant 6 : i32
        %ge3A_254 = arith.cmpi sge, %add3A_219, %ge3A : i32
        %convert_element_type3A_255 = arith.extui %ge3A_254 : i1 to i32
        %cond3A_256 = arith.constant 0 : i32
        %cond3A_257 = arith.cmpi ne, %convert_element_type3A_255, %cond3A_256 : i32
        scf.if %cond3A_257 {
          %sub3A = arith.constant 6 : i32
          %sub3A_287 = arith.subi %add3A_219, %sub3A : i32
          %dma_wait3A_288 = arith.constant 1 : i32
          %dma_wait3A_289 = arith.constant 0 : i32
          %dma_wait3A_290 = arith.constant 0 : i32
          %dma_wait3A_291 = tpu.memref_slice %arg7[%dma_wait3A_288, %dma_wait3A_289, %dma_wait3A_290] : memref<12x125x16xf32, #tpu.memory_space<vmem>> -> memref<1x125x16xf32, #tpu.memory_space<vmem>>
          %dma_wait3A_292 = tpu.memref_squeeze %dma_wait3A_291 : memref<1x125x16xf32, #tpu.memory_space<vmem>> -> memref<125x16xf32, #tpu.memory_space<vmem>>
          %dma_wait3A_293 = arith.constant 0 : i32
          %dma_wait3A_294 = tpu.memref_slice %arg6[%sub3A_287, %dma_wait3A_293] : memref<80x125xi32, #tpu.memory_space<vmem>> -> memref<1x125xi32, #tpu.memory_space<vmem>>
          %dma_wait3A_295 = tpu.memref_squeeze %dma_wait3A_294 : memref<1x125xi32, #tpu.memory_space<vmem>> -> memref<125xi32, #tpu.memory_space<vmem>>
          %dma_wait3A_296 = arith.constant 0 : i32
          %dma_wait3A_297 = arith.constant 0 : i32
          %dma_wait3A_298 = tpu.memref_slice %arg9[%dma_wait3A_296, %dma_wait3A_297] : memref<10240x16xf32, #tpu.memory_space<vmem_shared>> -> memref<10240x16xf32, #tpu.memory_space<vmem_shared>>
          tpu.wait_indirect_dma semaphore(%arg23 : memref<!tpu.dma_semaphore, #tpu.memory_space<semaphore_mem>>) src(%dma_wait3A_292 : memref<125x16xf32, #tpu.memory_space<vmem>>) dst(%dma_wait3A_298 : memref<10240x16xf32, #tpu.memory_space<vmem_shared>>)
        } else {
        }
        %add3A_258 = arith.constant 6 : i32
        %add3A_259 = arith.addi %add3A_219, %add3A_258 : i32
        %lt3A_260 = arith.constant 80 : i32
        %lt3A_261 = arith.cmpi slt, %add3A_259, %lt3A_260 : i32
        %convert_element_type3A_262 = arith.extui %lt3A_261 : i1 to i32
        %cond3A_263 = arith.constant 0 : i32
        %cond3A_264 = arith.cmpi ne, %convert_element_type3A_262, %cond3A_263 : i32
        scf.if %cond3A_264 {
          %add3A_287 = arith.constant 6 : i32
          %add3A_288 = arith.addi %add3A_219, %add3A_287 : i32
          %dma_start3A_289 = arith.constant 1 : i32
          %dma_start3A_290 = arith.constant 0 : i32
          %dma_start3A_291 = arith.constant 0 : i32
          %dma_start3A_292 = tpu.memref_slice %arg7[%dma_start3A_289, %dma_start3A_290, %dma_start3A_291] : memref<12x125x16xf32, #tpu.memory_space<vmem>> -> memref<1x125x16xf32, #tpu.memory_space<vmem>>
          %dma_start3A_293 = tpu.memref_squeeze %dma_start3A_292 : memref<1x125x16xf32, #tpu.memory_space<vmem>> -> memref<125x16xf32, #tpu.memory_space<vmem>>
          %dma_start3A_294 = arith.constant 0 : i32
          %dma_start3A_295 = tpu.memref_slice %arg5[%add3A_288, %dma_start3A_294] : memref<80x125xi32, #tpu.memory_space<vmem>> -> memref<1x125xi32, #tpu.memory_space<vmem>>
          %dma_start3A_296 = tpu.memref_squeeze %dma_start3A_295 : memref<1x125xi32, #tpu.memory_space<vmem>> -> memref<125xi32, #tpu.memory_space<vmem>>
          %dma_start3A_297 = arith.constant 0 : i32
          %dma_start3A_298 = arith.constant 0 : i32
          %dma_start3A_299 = tpu.memref_slice %arg2[%dma_start3A_297, %dma_start3A_298] : memref<10240x16xf32, #tpu.memory_space<hbm>> -> memref<10240x16xf32, #tpu.memory_space<hbm>>
          tpu.enqueue_indirect_dma source(%dma_start3A_299 : memref<10240x16xf32, #tpu.memory_space<hbm>>) target(%dma_start3A_293 : memref<125x16xf32, #tpu.memory_space<vmem>>) offsets(%dma_start3A_296 : memref<125xi32, #tpu.memory_space<vmem>>) semaphore(%arg11 : memref<!tpu.dma_semaphore, #tpu.memory_space<semaphore_mem>>)
        } else {
        }
        %dma_wait3A_265 = arith.constant 7 : i32
        %dma_wait3A_266 = arith.constant 0 : i32
        %dma_wait3A_267 = arith.constant 0 : i32
        %dma_wait3A_268 = tpu.memref_slice %arg7[%dma_wait3A_265, %dma_wait3A_266, %dma_wait3A_267] : memref<12x125x16xf32, #tpu.memory_space<vmem>> -> memref<1x125x16xf32, #tpu.memory_space<vmem>>
        %dma_wait3A_269 = tpu.memref_squeeze %dma_wait3A_268 : memref<1x125x16xf32, #tpu.memory_space<vmem>> -> memref<125x16xf32, #tpu.memory_space<vmem>>
        %dma_wait3A_270 = arith.constant 0 : i32
        %dma_wait3A_271 = tpu.memref_slice %arg5[%add3A_219, %dma_wait3A_270] : memref<80x125xi32, #tpu.memory_space<vmem>> -> memref<1x125xi32, #tpu.memory_space<vmem>>
        %dma_wait3A_272 = tpu.memref_squeeze %dma_wait3A_271 : memref<1x125xi32, #tpu.memory_space<vmem>> -> memref<125xi32, #tpu.memory_space<vmem>>
        %dma_wait3A_273 = arith.constant 0 : i32
        %dma_wait3A_274 = arith.constant 0 : i32
        %dma_wait3A_275 = tpu.memref_slice %arg2[%dma_wait3A_273, %dma_wait3A_274] : memref<10240x16xf32, #tpu.memory_space<hbm>> -> memref<10240x16xf32, #tpu.memory_space<hbm>>
        tpu.wait_indirect_dma semaphore(%arg17 : memref<!tpu.dma_semaphore, #tpu.memory_space<semaphore_mem>>) src(%dma_wait3A_275 : memref<10240x16xf32, #tpu.memory_space<hbm>>) dst(%dma_wait3A_269 : memref<125x16xf32, #tpu.memory_space<vmem>>)
        %dma_start3A_276 = arith.constant 7 : i32
        %dma_start3A_277 = arith.constant 0 : i32
        %dma_start3A_278 = arith.constant 0 : i32
        %dma_start3A_279 = tpu.memref_slice %arg7[%dma_start3A_276, %dma_start3A_277, %dma_start3A_278] : memref<12x125x16xf32, #tpu.memory_space<vmem>> -> memref<1x125x16xf32, #tpu.memory_space<vmem>>
        %dma_start3A_280 = tpu.memref_squeeze %dma_start3A_279 : memref<1x125x16xf32, #tpu.memory_space<vmem>> -> memref<125x16xf32, #tpu.memory_space<vmem>>
        %dma_start3A_281 = arith.constant 0 : i32
        %dma_start3A_282 = tpu.memref_slice %arg6[%add3A_219, %dma_start3A_281] : memref<80x125xi32, #tpu.memory_space<vmem>> -> memref<1x125xi32, #tpu.memory_space<vmem>>
        %dma_start3A_283 = tpu.memref_squeeze %dma_start3A_282 : memref<1x125xi32, #tpu.memory_space<vmem>> -> memref<125xi32, #tpu.memory_space<vmem>>
        %dma_start3A_284 = arith.constant 0 : i32
        %dma_start3A_285 = arith.constant 0 : i32
        %dma_start3A_286 = tpu.memref_slice %arg9[%dma_start3A_284, %dma_start3A_285] : memref<10240x16xf32, #tpu.memory_space<vmem_shared>> -> memref<10240x16xf32, #tpu.memory_space<vmem_shared>>
        tpu.enqueue_indirect_dma source(%dma_start3A_280 : memref<125x16xf32, #tpu.memory_space<vmem>>) target(%dma_start3A_286 : memref<10240x16xf32, #tpu.memory_space<vmem_shared>>) offsets(%dma_start3A_283 : memref<125xi32, #tpu.memory_space<vmem>>) semaphore(%arg29 : memref<!tpu.dma_semaphore, #tpu.memory_space<semaphore_mem>>) {add = true}
      } else {
      }
      %add3A_225 = arith.constant 8 : i32
      %add3A_226 = arith.addi %mul3A_169, %add3A_225 : i32
      %lt3A_227 = arith.constant 80 : i32
      %lt3A_228 = arith.cmpi slt, %add3A_226, %lt3A_227 : i32
      %convert_element_type3A_229 = arith.extui %lt3A_228 : i1 to i32
      %cond3A_230 = arith.constant 0 : i32
      %cond3A_231 = arith.cmpi ne, %convert_element_type3A_229, %cond3A_230 : i32
      scf.if %cond3A_231 {
        %ge3A = arith.constant 6 : i32
        %ge3A_254 = arith.cmpi sge, %add3A_226, %ge3A : i32
        %convert_element_type3A_255 = arith.extui %ge3A_254 : i1 to i32
        %cond3A_256 = arith.constant 0 : i32
        %cond3A_257 = arith.cmpi ne, %convert_element_type3A_255, %cond3A_256 : i32
        scf.if %cond3A_257 {
          %sub3A = arith.constant 6 : i32
          %sub3A_287 = arith.subi %add3A_226, %sub3A : i32
          %dma_wait3A_288 = arith.constant 2 : i32
          %dma_wait3A_289 = arith.constant 0 : i32
          %dma_wait3A_290 = arith.constant 0 : i32
          %dma_wait3A_291 = tpu.memref_slice %arg7[%dma_wait3A_288, %dma_wait3A_289, %dma_wait3A_290] : memref<12x125x16xf32, #tpu.memory_space<vmem>> -> memref<1x125x16xf32, #tpu.memory_space<vmem>>
          %dma_wait3A_292 = tpu.memref_squeeze %dma_wait3A_291 : memref<1x125x16xf32, #tpu.memory_space<vmem>> -> memref<125x16xf32, #tpu.memory_space<vmem>>
          %dma_wait3A_293 = arith.constant 0 : i32
          %dma_wait3A_294 = tpu.memref_slice %arg6[%sub3A_287, %dma_wait3A_293] : memref<80x125xi32, #tpu.memory_space<vmem>> -> memref<1x125xi32, #tpu.memory_space<vmem>>
          %dma_wait3A_295 = tpu.memref_squeeze %dma_wait3A_294 : memref<1x125xi32, #tpu.memory_space<vmem>> -> memref<125xi32, #tpu.memory_space<vmem>>
          %dma_wait3A_296 = arith.constant 0 : i32
          %dma_wait3A_297 = arith.constant 0 : i32
          %dma_wait3A_298 = tpu.memref_slice %arg9[%dma_wait3A_296, %dma_wait3A_297] : memref<10240x16xf32, #tpu.memory_space<vmem_shared>> -> memref<10240x16xf32, #tpu.memory_space<vmem_shared>>
          tpu.wait_indirect_dma semaphore(%arg24 : memref<!tpu.dma_semaphore, #tpu.memory_space<semaphore_mem>>) src(%dma_wait3A_292 : memref<125x16xf32, #tpu.memory_space<vmem>>) dst(%dma_wait3A_298 : memref<10240x16xf32, #tpu.memory_space<vmem_shared>>)
        } else {
        }
        %add3A_258 = arith.constant 6 : i32
        %add3A_259 = arith.addi %add3A_226, %add3A_258 : i32
        %lt3A_260 = arith.constant 80 : i32
        %lt3A_261 = arith.cmpi slt, %add3A_259, %lt3A_260 : i32
        %convert_element_type3A_262 = arith.extui %lt3A_261 : i1 to i32
        %cond3A_263 = arith.constant 0 : i32
        %cond3A_264 = arith.cmpi ne, %convert_element_type3A_262, %cond3A_263 : i32
        scf.if %cond3A_264 {
          %add3A_287 = arith.constant 6 : i32
          %add3A_288 = arith.addi %add3A_226, %add3A_287 : i32
          %dma_start3A_289 = arith.constant 2 : i32
          %dma_start3A_290 = arith.constant 0 : i32
          %dma_start3A_291 = arith.constant 0 : i32
          %dma_start3A_292 = tpu.memref_slice %arg7[%dma_start3A_289, %dma_start3A_290, %dma_start3A_291] : memref<12x125x16xf32, #tpu.memory_space<vmem>> -> memref<1x125x16xf32, #tpu.memory_space<vmem>>
          %dma_start3A_293 = tpu.memref_squeeze %dma_start3A_292 : memref<1x125x16xf32, #tpu.memory_space<vmem>> -> memref<125x16xf32, #tpu.memory_space<vmem>>
          %dma_start3A_294 = arith.constant 0 : i32
          %dma_start3A_295 = tpu.memref_slice %arg5[%add3A_288, %dma_start3A_294] : memref<80x125xi32, #tpu.memory_space<vmem>> -> memref<1x125xi32, #tpu.memory_space<vmem>>
          %dma_start3A_296 = tpu.memref_squeeze %dma_start3A_295 : memref<1x125xi32, #tpu.memory_space<vmem>> -> memref<125xi32, #tpu.memory_space<vmem>>
          %dma_start3A_297 = arith.constant 0 : i32
          %dma_start3A_298 = arith.constant 0 : i32
          %dma_start3A_299 = tpu.memref_slice %arg2[%dma_start3A_297, %dma_start3A_298] : memref<10240x16xf32, #tpu.memory_space<hbm>> -> memref<10240x16xf32, #tpu.memory_space<hbm>>
          tpu.enqueue_indirect_dma source(%dma_start3A_299 : memref<10240x16xf32, #tpu.memory_space<hbm>>) target(%dma_start3A_293 : memref<125x16xf32, #tpu.memory_space<vmem>>) offsets(%dma_start3A_296 : memref<125xi32, #tpu.memory_space<vmem>>) semaphore(%arg12 : memref<!tpu.dma_semaphore, #tpu.memory_space<semaphore_mem>>)
        } else {
        }
        %dma_wait3A_265 = arith.constant 8 : i32
        %dma_wait3A_266 = arith.constant 0 : i32
        %dma_wait3A_267 = arith.constant 0 : i32
        %dma_wait3A_268 = tpu.memref_slice %arg7[%dma_wait3A_265, %dma_wait3A_266, %dma_wait3A_267] : memref<12x125x16xf32, #tpu.memory_space<vmem>> -> memref<1x125x16xf32, #tpu.memory_space<vmem>>
        %dma_wait3A_269 = tpu.memref_squeeze %dma_wait3A_268 : memref<1x125x16xf32, #tpu.memory_space<vmem>> -> memref<125x16xf32, #tpu.memory_space<vmem>>
        %dma_wait3A_270 = arith.constant 0 : i32
        %dma_wait3A_271 = tpu.memref_slice %arg5[%add3A_226, %dma_wait3A_270] : memref<80x125xi32, #tpu.memory_space<vmem>> -> memref<1x125xi32, #tpu.memory_space<vmem>>
        %dma_wait3A_272 = tpu.memref_squeeze %dma_wait3A_271 : memref<1x125xi32, #tpu.memory_space<vmem>> -> memref<125xi32, #tpu.memory_space<vmem>>
        %dma_wait3A_273 = arith.constant 0 : i32
        %dma_wait3A_274 = arith.constant 0 : i32
        %dma_wait3A_275 = tpu.memref_slice %arg2[%dma_wait3A_273, %dma_wait3A_274] : memref<10240x16xf32, #tpu.memory_space<hbm>> -> memref<10240x16xf32, #tpu.memory_space<hbm>>
        tpu.wait_indirect_dma semaphore(%arg18 : memref<!tpu.dma_semaphore, #tpu.memory_space<semaphore_mem>>) src(%dma_wait3A_275 : memref<10240x16xf32, #tpu.memory_space<hbm>>) dst(%dma_wait3A_269 : memref<125x16xf32, #tpu.memory_space<vmem>>)
        %dma_start3A_276 = arith.constant 8 : i32
        %dma_start3A_277 = arith.constant 0 : i32
        %dma_start3A_278 = arith.constant 0 : i32
        %dma_start3A_279 = tpu.memref_slice %arg7[%dma_start3A_276, %dma_start3A_277, %dma_start3A_278] : memref<12x125x16xf32, #tpu.memory_space<vmem>> -> memref<1x125x16xf32, #tpu.memory_space<vmem>>
        %dma_start3A_280 = tpu.memref_squeeze %dma_start3A_279 : memref<1x125x16xf32, #tpu.memory_space<vmem>> -> memref<125x16xf32, #tpu.memory_space<vmem>>
        %dma_start3A_281 = arith.constant 0 : i32
        %dma_start3A_282 = tpu.memref_slice %arg6[%add3A_226, %dma_start3A_281] : memref<80x125xi32, #tpu.memory_space<vmem>> -> memref<1x125xi32, #tpu.memory_space<vmem>>
        %dma_start3A_283 = tpu.memref_squeeze %dma_start3A_282 : memref<1x125xi32, #tpu.memory_space<vmem>> -> memref<125xi32, #tpu.memory_space<vmem>>
        %dma_start3A_284 = arith.constant 0 : i32
        %dma_start3A_285 = arith.constant 0 : i32
        %dma_start3A_286 = tpu.memref_slice %arg9[%dma_start3A_284, %dma_start3A_285] : memref<10240x16xf32, #tpu.memory_space<vmem_shared>> -> memref<10240x16xf32, #tpu.memory_space<vmem_shared>>
        tpu.enqueue_indirect_dma source(%dma_start3A_280 : memref<125x16xf32, #tpu.memory_space<vmem>>) target(%dma_start3A_286 : memref<10240x16xf32, #tpu.memory_space<vmem_shared>>) offsets(%dma_start3A_283 : memref<125xi32, #tpu.memory_space<vmem>>) semaphore(%arg30 : memref<!tpu.dma_semaphore, #tpu.memory_space<semaphore_mem>>) {add = true}
      } else {
      }
      %add3A_232 = arith.constant 9 : i32
      %add3A_233 = arith.addi %mul3A_169, %add3A_232 : i32
      %lt3A_234 = arith.constant 80 : i32
      %lt3A_235 = arith.cmpi slt, %add3A_233, %lt3A_234 : i32
      %convert_element_type3A_236 = arith.extui %lt3A_235 : i1 to i32
      %cond3A_237 = arith.constant 0 : i32
      %cond3A_238 = arith.cmpi ne, %convert_element_type3A_236, %cond3A_237 : i32
      scf.if %cond3A_238 {
        %ge3A = arith.constant 6 : i32
        %ge3A_254 = arith.cmpi sge, %add3A_233, %ge3A : i32
        %convert_element_type3A_255 = arith.extui %ge3A_254 : i1 to i32
        %cond3A_256 = arith.constant 0 : i32
        %cond3A_257 = arith.cmpi ne, %convert_element_type3A_255, %cond3A_256 : i32
        scf.if %cond3A_257 {
          %sub3A = arith.constant 6 : i32
          %sub3A_287 = arith.subi %add3A_233, %sub3A : i32
          %dma_wait3A_288 = arith.constant 3 : i32
          %dma_wait3A_289 = arith.constant 0 : i32
          %dma_wait3A_290 = arith.constant 0 : i32
          %dma_wait3A_291 = tpu.memref_slice %arg7[%dma_wait3A_288, %dma_wait3A_289, %dma_wait3A_290] : memref<12x125x16xf32, #tpu.memory_space<vmem>> -> memref<1x125x16xf32, #tpu.memory_space<vmem>>
          %dma_wait3A_292 = tpu.memref_squeeze %dma_wait3A_291 : memref<1x125x16xf32, #tpu.memory_space<vmem>> -> memref<125x16xf32, #tpu.memory_space<vmem>>
          %dma_wait3A_293 = arith.constant 0 : i32
          %dma_wait3A_294 = tpu.memref_slice %arg6[%sub3A_287, %dma_wait3A_293] : memref<80x125xi32, #tpu.memory_space<vmem>> -> memref<1x125xi32, #tpu.memory_space<vmem>>
          %dma_wait3A_295 = tpu.memref_squeeze %dma_wait3A_294 : memref<1x125xi32, #tpu.memory_space<vmem>> -> memref<125xi32, #tpu.memory_space<vmem>>
          %dma_wait3A_296 = arith.constant 0 : i32
          %dma_wait3A_297 = arith.constant 0 : i32
          %dma_wait3A_298 = tpu.memref_slice %arg9[%dma_wait3A_296, %dma_wait3A_297] : memref<10240x16xf32, #tpu.memory_space<vmem_shared>> -> memref<10240x16xf32, #tpu.memory_space<vmem_shared>>
          tpu.wait_indirect_dma semaphore(%arg25 : memref<!tpu.dma_semaphore, #tpu.memory_space<semaphore_mem>>) src(%dma_wait3A_292 : memref<125x16xf32, #tpu.memory_space<vmem>>) dst(%dma_wait3A_298 : memref<10240x16xf32, #tpu.memory_space<vmem_shared>>)
        } else {
        }
        %add3A_258 = arith.constant 6 : i32
        %add3A_259 = arith.addi %add3A_233, %add3A_258 : i32
        %lt3A_260 = arith.constant 80 : i32
        %lt3A_261 = arith.cmpi slt, %add3A_259, %lt3A_260 : i32
        %convert_element_type3A_262 = arith.extui %lt3A_261 : i1 to i32
        %cond3A_263 = arith.constant 0 : i32
        %cond3A_264 = arith.cmpi ne, %convert_element_type3A_262, %cond3A_263 : i32
        scf.if %cond3A_264 {
          %add3A_287 = arith.constant 6 : i32
          %add3A_288 = arith.addi %add3A_233, %add3A_287 : i32
          %dma_start3A_289 = arith.constant 3 : i32
          %dma_start3A_290 = arith.constant 0 : i32
          %dma_start3A_291 = arith.constant 0 : i32
          %dma_start3A_292 = tpu.memref_slice %arg7[%dma_start3A_289, %dma_start3A_290, %dma_start3A_291] : memref<12x125x16xf32, #tpu.memory_space<vmem>> -> memref<1x125x16xf32, #tpu.memory_space<vmem>>
          %dma_start3A_293 = tpu.memref_squeeze %dma_start3A_292 : memref<1x125x16xf32, #tpu.memory_space<vmem>> -> memref<125x16xf32, #tpu.memory_space<vmem>>
          %dma_start3A_294 = arith.constant 0 : i32
          %dma_start3A_295 = tpu.memref_slice %arg5[%add3A_288, %dma_start3A_294] : memref<80x125xi32, #tpu.memory_space<vmem>> -> memref<1x125xi32, #tpu.memory_space<vmem>>
          %dma_start3A_296 = tpu.memref_squeeze %dma_start3A_295 : memref<1x125xi32, #tpu.memory_space<vmem>> -> memref<125xi32, #tpu.memory_space<vmem>>
          %dma_start3A_297 = arith.constant 0 : i32
          %dma_start3A_298 = arith.constant 0 : i32
          %dma_start3A_299 = tpu.memref_slice %arg2[%dma_start3A_297, %dma_start3A_298] : memref<10240x16xf32, #tpu.memory_space<hbm>> -> memref<10240x16xf32, #tpu.memory_space<hbm>>
          tpu.enqueue_indirect_dma source(%dma_start3A_299 : memref<10240x16xf32, #tpu.memory_space<hbm>>) target(%dma_start3A_293 : memref<125x16xf32, #tpu.memory_space<vmem>>) offsets(%dma_start3A_296 : memref<125xi32, #tpu.memory_space<vmem>>) semaphore(%arg13 : memref<!tpu.dma_semaphore, #tpu.memory_space<semaphore_mem>>)
        } else {
        }
        %dma_wait3A_265 = arith.constant 9 : i32
        %dma_wait3A_266 = arith.constant 0 : i32
        %dma_wait3A_267 = arith.constant 0 : i32
        %dma_wait3A_268 = tpu.memref_slice %arg7[%dma_wait3A_265, %dma_wait3A_266, %dma_wait3A_267] : memref<12x125x16xf32, #tpu.memory_space<vmem>> -> memref<1x125x16xf32, #tpu.memory_space<vmem>>
        %dma_wait3A_269 = tpu.memref_squeeze %dma_wait3A_268 : memref<1x125x16xf32, #tpu.memory_space<vmem>> -> memref<125x16xf32, #tpu.memory_space<vmem>>
        %dma_wait3A_270 = arith.constant 0 : i32
        %dma_wait3A_271 = tpu.memref_slice %arg5[%add3A_233, %dma_wait3A_270] : memref<80x125xi32, #tpu.memory_space<vmem>> -> memref<1x125xi32, #tpu.memory_space<vmem>>
        %dma_wait3A_272 = tpu.memref_squeeze %dma_wait3A_271 : memref<1x125xi32, #tpu.memory_space<vmem>> -> memref<125xi32, #tpu.memory_space<vmem>>
        %dma_wait3A_273 = arith.constant 0 : i32
        %dma_wait3A_274 = arith.constant 0 : i32
        %dma_wait3A_275 = tpu.memref_slice %arg2[%dma_wait3A_273, %dma_wait3A_274] : memref<10240x16xf32, #tpu.memory_space<hbm>> -> memref<10240x16xf32, #tpu.memory_space<hbm>>
        tpu.wait_indirect_dma semaphore(%arg19 : memref<!tpu.dma_semaphore, #tpu.memory_space<semaphore_mem>>) src(%dma_wait3A_275 : memref<10240x16xf32, #tpu.memory_space<hbm>>) dst(%dma_wait3A_269 : memref<125x16xf32, #tpu.memory_space<vmem>>)
        %dma_start3A_276 = arith.constant 9 : i32
        %dma_start3A_277 = arith.constant 0 : i32
        %dma_start3A_278 = arith.constant 0 : i32
        %dma_start3A_279 = tpu.memref_slice %arg7[%dma_start3A_276, %dma_start3A_277, %dma_start3A_278] : memref<12x125x16xf32, #tpu.memory_space<vmem>> -> memref<1x125x16xf32, #tpu.memory_space<vmem>>
        %dma_start3A_280 = tpu.memref_squeeze %dma_start3A_279 : memref<1x125x16xf32, #tpu.memory_space<vmem>> -> memref<125x16xf32, #tpu.memory_space<vmem>>
        %dma_start3A_281 = arith.constant 0 : i32
        %dma_start3A_282 = tpu.memref_slice %arg6[%add3A_233, %dma_start3A_281] : memref<80x125xi32, #tpu.memory_space<vmem>> -> memref<1x125xi32, #tpu.memory_space<vmem>>
        %dma_start3A_283 = tpu.memref_squeeze %dma_start3A_282 : memref<1x125xi32, #tpu.memory_space<vmem>> -> memref<125xi32, #tpu.memory_space<vmem>>
        %dma_start3A_284 = arith.constant 0 : i32
        %dma_start3A_285 = arith.constant 0 : i32
        %dma_start3A_286 = tpu.memref_slice %arg9[%dma_start3A_284, %dma_start3A_285] : memref<10240x16xf32, #tpu.memory_space<vmem_shared>> -> memref<10240x16xf32, #tpu.memory_space<vmem_shared>>
        tpu.enqueue_indirect_dma source(%dma_start3A_280 : memref<125x16xf32, #tpu.memory_space<vmem>>) target(%dma_start3A_286 : memref<10240x16xf32, #tpu.memory_space<vmem_shared>>) offsets(%dma_start3A_283 : memref<125xi32, #tpu.memory_space<vmem>>) semaphore(%arg31 : memref<!tpu.dma_semaphore, #tpu.memory_space<semaphore_mem>>) {add = true}
      } else {
      }
      %add3A_239 = arith.constant 10 : i32
      %add3A_240 = arith.addi %mul3A_169, %add3A_239 : i32
      %lt3A_241 = arith.constant 80 : i32
      %lt3A_242 = arith.cmpi slt, %add3A_240, %lt3A_241 : i32
      %convert_element_type3A_243 = arith.extui %lt3A_242 : i1 to i32
      %cond3A_244 = arith.constant 0 : i32
      %cond3A_245 = arith.cmpi ne, %convert_element_type3A_243, %cond3A_244 : i32
      scf.if %cond3A_245 {
        %ge3A = arith.constant 6 : i32
        %ge3A_254 = arith.cmpi sge, %add3A_240, %ge3A : i32
        %convert_element_type3A_255 = arith.extui %ge3A_254 : i1 to i32
        %cond3A_256 = arith.constant 0 : i32
        %cond3A_257 = arith.cmpi ne, %convert_element_type3A_255, %cond3A_256 : i32
        scf.if %cond3A_257 {
          %sub3A = arith.constant 6 : i32
          %sub3A_287 = arith.subi %add3A_240, %sub3A : i32
          %dma_wait3A_288 = arith.constant 4 : i32
          %dma_wait3A_289 = arith.constant 0 : i32
          %dma_wait3A_290 = arith.constant 0 : i32
          %dma_wait3A_291 = tpu.memref_slice %arg7[%dma_wait3A_288, %dma_wait3A_289, %dma_wait3A_290] : memref<12x125x16xf32, #tpu.memory_space<vmem>> -> memref<1x125x16xf32, #tpu.memory_space<vmem>>
          %dma_wait3A_292 = tpu.memref_squeeze %dma_wait3A_291 : memref<1x125x16xf32, #tpu.memory_space<vmem>> -> memref<125x16xf32, #tpu.memory_space<vmem>>
          %dma_wait3A_293 = arith.constant 0 : i32
          %dma_wait3A_294 = tpu.memref_slice %arg6[%sub3A_287, %dma_wait3A_293] : memref<80x125xi32, #tpu.memory_space<vmem>> -> memref<1x125xi32, #tpu.memory_space<vmem>>
          %dma_wait3A_295 = tpu.memref_squeeze %dma_wait3A_294 : memref<1x125xi32, #tpu.memory_space<vmem>> -> memref<125xi32, #tpu.memory_space<vmem>>
          %dma_wait3A_296 = arith.constant 0 : i32
          %dma_wait3A_297 = arith.constant 0 : i32
          %dma_wait3A_298 = tpu.memref_slice %arg9[%dma_wait3A_296, %dma_wait3A_297] : memref<10240x16xf32, #tpu.memory_space<vmem_shared>> -> memref<10240x16xf32, #tpu.memory_space<vmem_shared>>
          tpu.wait_indirect_dma semaphore(%arg26 : memref<!tpu.dma_semaphore, #tpu.memory_space<semaphore_mem>>) src(%dma_wait3A_292 : memref<125x16xf32, #tpu.memory_space<vmem>>) dst(%dma_wait3A_298 : memref<10240x16xf32, #tpu.memory_space<vmem_shared>>)
        } else {
        }
        %add3A_258 = arith.constant 6 : i32
        %add3A_259 = arith.addi %add3A_240, %add3A_258 : i32
        %lt3A_260 = arith.constant 80 : i32
        %lt3A_261 = arith.cmpi slt, %add3A_259, %lt3A_260 : i32
        %convert_element_type3A_262 = arith.extui %lt3A_261 : i1 to i32
        %cond3A_263 = arith.constant 0 : i32
        %cond3A_264 = arith.cmpi ne, %convert_element_type3A_262, %cond3A_263 : i32
        scf.if %cond3A_264 {
          %add3A_287 = arith.constant 6 : i32
          %add3A_288 = arith.addi %add3A_240, %add3A_287 : i32
          %dma_start3A_289 = arith.constant 4 : i32
          %dma_start3A_290 = arith.constant 0 : i32
          %dma_start3A_291 = arith.constant 0 : i32
          %dma_start3A_292 = tpu.memref_slice %arg7[%dma_start3A_289, %dma_start3A_290, %dma_start3A_291] : memref<12x125x16xf32, #tpu.memory_space<vmem>> -> memref<1x125x16xf32, #tpu.memory_space<vmem>>
          %dma_start3A_293 = tpu.memref_squeeze %dma_start3A_292 : memref<1x125x16xf32, #tpu.memory_space<vmem>> -> memref<125x16xf32, #tpu.memory_space<vmem>>
          %dma_start3A_294 = arith.constant 0 : i32
          %dma_start3A_295 = tpu.memref_slice %arg5[%add3A_288, %dma_start3A_294] : memref<80x125xi32, #tpu.memory_space<vmem>> -> memref<1x125xi32, #tpu.memory_space<vmem>>
          %dma_start3A_296 = tpu.memref_squeeze %dma_start3A_295 : memref<1x125xi32, #tpu.memory_space<vmem>> -> memref<125xi32, #tpu.memory_space<vmem>>
          %dma_start3A_297 = arith.constant 0 : i32
          %dma_start3A_298 = arith.constant 0 : i32
          %dma_start3A_299 = tpu.memref_slice %arg2[%dma_start3A_297, %dma_start3A_298] : memref<10240x16xf32, #tpu.memory_space<hbm>> -> memref<10240x16xf32, #tpu.memory_space<hbm>>
          tpu.enqueue_indirect_dma source(%dma_start3A_299 : memref<10240x16xf32, #tpu.memory_space<hbm>>) target(%dma_start3A_293 : memref<125x16xf32, #tpu.memory_space<vmem>>) offsets(%dma_start3A_296 : memref<125xi32, #tpu.memory_space<vmem>>) semaphore(%arg14 : memref<!tpu.dma_semaphore, #tpu.memory_space<semaphore_mem>>)
        } else {
        }
        %dma_wait3A_265 = arith.constant 10 : i32
        %dma_wait3A_266 = arith.constant 0 : i32
        %dma_wait3A_267 = arith.constant 0 : i32
        %dma_wait3A_268 = tpu.memref_slice %arg7[%dma_wait3A_265, %dma_wait3A_266, %dma_wait3A_267] : memref<12x125x16xf32, #tpu.memory_space<vmem>> -> memref<1x125x16xf32, #tpu.memory_space<vmem>>
        %dma_wait3A_269 = tpu.memref_squeeze %dma_wait3A_268 : memref<1x125x16xf32, #tpu.memory_space<vmem>> -> memref<125x16xf32, #tpu.memory_space<vmem>>
        %dma_wait3A_270 = arith.constant 0 : i32
        %dma_wait3A_271 = tpu.memref_slice %arg5[%add3A_240, %dma_wait3A_270] : memref<80x125xi32, #tpu.memory_space<vmem>> -> memref<1x125xi32, #tpu.memory_space<vmem>>
        %dma_wait3A_272 = tpu.memref_squeeze %dma_wait3A_271 : memref<1x125xi32, #tpu.memory_space<vmem>> -> memref<125xi32, #tpu.memory_space<vmem>>
        %dma_wait3A_273 = arith.constant 0 : i32
        %dma_wait3A_274 = arith.constant 0 : i32
        %dma_wait3A_275 = tpu.memref_slice %arg2[%dma_wait3A_273, %dma_wait3A_274] : memref<10240x16xf32, #tpu.memory_space<hbm>> -> memref<10240x16xf32, #tpu.memory_space<hbm>>
        tpu.wait_indirect_dma semaphore(%arg20 : memref<!tpu.dma_semaphore, #tpu.memory_space<semaphore_mem>>) src(%dma_wait3A_275 : memref<10240x16xf32, #tpu.memory_space<hbm>>) dst(%dma_wait3A_269 : memref<125x16xf32, #tpu.memory_space<vmem>>)
        %dma_start3A_276 = arith.constant 10 : i32
        %dma_start3A_277 = arith.constant 0 : i32
        %dma_start3A_278 = arith.constant 0 : i32
        %dma_start3A_279 = tpu.memref_slice %arg7[%dma_start3A_276, %dma_start3A_277, %dma_start3A_278] : memref<12x125x16xf32, #tpu.memory_space<vmem>> -> memref<1x125x16xf32, #tpu.memory_space<vmem>>
        %dma_start3A_280 = tpu.memref_squeeze %dma_start3A_279 : memref<1x125x16xf32, #tpu.memory_space<vmem>> -> memref<125x16xf32, #tpu.memory_space<vmem>>
        %dma_start3A_281 = arith.constant 0 : i32
        %dma_start3A_282 = tpu.memref_slice %arg6[%add3A_240, %dma_start3A_281] : memref<80x125xi32, #tpu.memory_space<vmem>> -> memref<1x125xi32, #tpu.memory_space<vmem>>
        %dma_start3A_283 = tpu.memref_squeeze %dma_start3A_282 : memref<1x125xi32, #tpu.memory_space<vmem>> -> memref<125xi32, #tpu.memory_space<vmem>>
        %dma_start3A_284 = arith.constant 0 : i32
        %dma_start3A_285 = arith.constant 0 : i32
        %dma_start3A_286 = tpu.memref_slice %arg9[%dma_start3A_284, %dma_start3A_285] : memref<10240x16xf32, #tpu.memory_space<vmem_shared>> -> memref<10240x16xf32, #tpu.memory_space<vmem_shared>>
        tpu.enqueue_indirect_dma source(%dma_start3A_280 : memref<125x16xf32, #tpu.memory_space<vmem>>) target(%dma_start3A_286 : memref<10240x16xf32, #tpu.memory_space<vmem_shared>>) offsets(%dma_start3A_283 : memref<125xi32, #tpu.memory_space<vmem>>) semaphore(%arg32 : memref<!tpu.dma_semaphore, #tpu.memory_space<semaphore_mem>>) {add = true}
      } else {
      }
      %add3A_246 = arith.constant 11 : i32
      %add3A_247 = arith.addi %mul3A_169, %add3A_246 : i32
      %lt3A_248 = arith.constant 80 : i32
      %lt3A_249 = arith.cmpi slt, %add3A_247, %lt3A_248 : i32
      %convert_element_type3A_250 = arith.extui %lt3A_249 : i1 to i32
      %cond3A_251 = arith.constant 0 : i32
      %cond3A_252 = arith.cmpi ne, %convert_element_type3A_250, %cond3A_251 : i32
      scf.if %cond3A_252 {
        %ge3A = arith.constant 6 : i32
        %ge3A_254 = arith.cmpi sge, %add3A_247, %ge3A : i32
        %convert_element_type3A_255 = arith.extui %ge3A_254 : i1 to i32
        %cond3A_256 = arith.constant 0 : i32
        %cond3A_257 = arith.cmpi ne, %convert_element_type3A_255, %cond3A_256 : i32
        scf.if %cond3A_257 {
          %sub3A = arith.constant 6 : i32
          %sub3A_287 = arith.subi %add3A_247, %sub3A : i32
          %dma_wait3A_288 = arith.constant 5 : i32
          %dma_wait3A_289 = arith.constant 0 : i32
          %dma_wait3A_290 = arith.constant 0 : i32
          %dma_wait3A_291 = tpu.memref_slice %arg7[%dma_wait3A_288, %dma_wait3A_289, %dma_wait3A_290] : memref<12x125x16xf32, #tpu.memory_space<vmem>> -> memref<1x125x16xf32, #tpu.memory_space<vmem>>
          %dma_wait3A_292 = tpu.memref_squeeze %dma_wait3A_291 : memref<1x125x16xf32, #tpu.memory_space<vmem>> -> memref<125x16xf32, #tpu.memory_space<vmem>>
          %dma_wait3A_293 = arith.constant 0 : i32
          %dma_wait3A_294 = tpu.memref_slice %arg6[%sub3A_287, %dma_wait3A_293] : memref<80x125xi32, #tpu.memory_space<vmem>> -> memref<1x125xi32, #tpu.memory_space<vmem>>
          %dma_wait3A_295 = tpu.memref_squeeze %dma_wait3A_294 : memref<1x125xi32, #tpu.memory_space<vmem>> -> memref<125xi32, #tpu.memory_space<vmem>>
          %dma_wait3A_296 = arith.constant 0 : i32
          %dma_wait3A_297 = arith.constant 0 : i32
          %dma_wait3A_298 = tpu.memref_slice %arg9[%dma_wait3A_296, %dma_wait3A_297] : memref<10240x16xf32, #tpu.memory_space<vmem_shared>> -> memref<10240x16xf32, #tpu.memory_space<vmem_shared>>
          tpu.wait_indirect_dma semaphore(%arg27 : memref<!tpu.dma_semaphore, #tpu.memory_space<semaphore_mem>>) src(%dma_wait3A_292 : memref<125x16xf32, #tpu.memory_space<vmem>>) dst(%dma_wait3A_298 : memref<10240x16xf32, #tpu.memory_space<vmem_shared>>)
        } else {
        }
        %add3A_258 = arith.constant 6 : i32
        %add3A_259 = arith.addi %add3A_247, %add3A_258 : i32
        %lt3A_260 = arith.constant 80 : i32
        %lt3A_261 = arith.cmpi slt, %add3A_259, %lt3A_260 : i32
        %convert_element_type3A_262 = arith.extui %lt3A_261 : i1 to i32
        %cond3A_263 = arith.constant 0 : i32
        %cond3A_264 = arith.cmpi ne, %convert_element_type3A_262, %cond3A_263 : i32
        scf.if %cond3A_264 {
          %add3A_287 = arith.constant 6 : i32
          %add3A_288 = arith.addi %add3A_247, %add3A_287 : i32
          %dma_start3A_289 = arith.constant 5 : i32
          %dma_start3A_290 = arith.constant 0 : i32
          %dma_start3A_291 = arith.constant 0 : i32
          %dma_start3A_292 = tpu.memref_slice %arg7[%dma_start3A_289, %dma_start3A_290, %dma_start3A_291] : memref<12x125x16xf32, #tpu.memory_space<vmem>> -> memref<1x125x16xf32, #tpu.memory_space<vmem>>
          %dma_start3A_293 = tpu.memref_squeeze %dma_start3A_292 : memref<1x125x16xf32, #tpu.memory_space<vmem>> -> memref<125x16xf32, #tpu.memory_space<vmem>>
          %dma_start3A_294 = arith.constant 0 : i32
          %dma_start3A_295 = tpu.memref_slice %arg5[%add3A_288, %dma_start3A_294] : memref<80x125xi32, #tpu.memory_space<vmem>> -> memref<1x125xi32, #tpu.memory_space<vmem>>
          %dma_start3A_296 = tpu.memref_squeeze %dma_start3A_295 : memref<1x125xi32, #tpu.memory_space<vmem>> -> memref<125xi32, #tpu.memory_space<vmem>>
          %dma_start3A_297 = arith.constant 0 : i32
          %dma_start3A_298 = arith.constant 0 : i32
          %dma_start3A_299 = tpu.memref_slice %arg2[%dma_start3A_297, %dma_start3A_298] : memref<10240x16xf32, #tpu.memory_space<hbm>> -> memref<10240x16xf32, #tpu.memory_space<hbm>>
          tpu.enqueue_indirect_dma source(%dma_start3A_299 : memref<10240x16xf32, #tpu.memory_space<hbm>>) target(%dma_start3A_293 : memref<125x16xf32, #tpu.memory_space<vmem>>) offsets(%dma_start3A_296 : memref<125xi32, #tpu.memory_space<vmem>>) semaphore(%arg15 : memref<!tpu.dma_semaphore, #tpu.memory_space<semaphore_mem>>)
        } else {
        }
        %dma_wait3A_265 = arith.constant 11 : i32
        %dma_wait3A_266 = arith.constant 0 : i32
        %dma_wait3A_267 = arith.constant 0 : i32
        %dma_wait3A_268 = tpu.memref_slice %arg7[%dma_wait3A_265, %dma_wait3A_266, %dma_wait3A_267] : memref<12x125x16xf32, #tpu.memory_space<vmem>> -> memref<1x125x16xf32, #tpu.memory_space<vmem>>
        %dma_wait3A_269 = tpu.memref_squeeze %dma_wait3A_268 : memref<1x125x16xf32, #tpu.memory_space<vmem>> -> memref<125x16xf32, #tpu.memory_space<vmem>>
        %dma_wait3A_270 = arith.constant 0 : i32
        %dma_wait3A_271 = tpu.memref_slice %arg5[%add3A_247, %dma_wait3A_270] : memref<80x125xi32, #tpu.memory_space<vmem>> -> memref<1x125xi32, #tpu.memory_space<vmem>>
        %dma_wait3A_272 = tpu.memref_squeeze %dma_wait3A_271 : memref<1x125xi32, #tpu.memory_space<vmem>> -> memref<125xi32, #tpu.memory_space<vmem>>
        %dma_wait3A_273 = arith.constant 0 : i32
        %dma_wait3A_274 = arith.constant 0 : i32
        %dma_wait3A_275 = tpu.memref_slice %arg2[%dma_wait3A_273, %dma_wait3A_274] : memref<10240x16xf32, #tpu.memory_space<hbm>> -> memref<10240x16xf32, #tpu.memory_space<hbm>>
        tpu.wait_indirect_dma semaphore(%arg21 : memref<!tpu.dma_semaphore, #tpu.memory_space<semaphore_mem>>) src(%dma_wait3A_275 : memref<10240x16xf32, #tpu.memory_space<hbm>>) dst(%dma_wait3A_269 : memref<125x16xf32, #tpu.memory_space<vmem>>)
        %dma_start3A_276 = arith.constant 11 : i32
        %dma_start3A_277 = arith.constant 0 : i32
        %dma_start3A_278 = arith.constant 0 : i32
        %dma_start3A_279 = tpu.memref_slice %arg7[%dma_start3A_276, %dma_start3A_277, %dma_start3A_278] : memref<12x125x16xf32, #tpu.memory_space<vmem>> -> memref<1x125x16xf32, #tpu.memory_space<vmem>>
        %dma_start3A_280 = tpu.memref_squeeze %dma_start3A_279 : memref<1x125x16xf32, #tpu.memory_space<vmem>> -> memref<125x16xf32, #tpu.memory_space<vmem>>
        %dma_start3A_281 = arith.constant 0 : i32
        %dma_start3A_282 = tpu.memref_slice %arg6[%add3A_247, %dma_start3A_281] : memref<80x125xi32, #tpu.memory_space<vmem>> -> memref<1x125xi32, #tpu.memory_space<vmem>>
        %dma_start3A_283 = tpu.memref_squeeze %dma_start3A_282 : memref<1x125xi32, #tpu.memory_space<vmem>> -> memref<125xi32, #tpu.memory_space<vmem>>
        %dma_start3A_284 = arith.constant 0 : i32
        %dma_start3A_285 = arith.constant 0 : i32
        %dma_start3A_286 = tpu.memref_slice %arg9[%dma_start3A_284, %dma_start3A_285] : memref<10240x16xf32, #tpu.memory_space<vmem_shared>> -> memref<10240x16xf32, #tpu.memory_space<vmem_shared>>
        tpu.enqueue_indirect_dma source(%dma_start3A_280 : memref<125x16xf32, #tpu.memory_space<vmem>>) target(%dma_start3A_286 : memref<10240x16xf32, #tpu.memory_space<vmem_shared>>) offsets(%dma_start3A_283 : memref<125xi32, #tpu.memory_space<vmem>>) semaphore(%arg33 : memref<!tpu.dma_semaphore, #tpu.memory_space<semaphore_mem>>) {add = true}
      } else {
      }
      %scan3A_253 = arith.constant 0 : i32
      scf.yield %scan3A_253 : i32
    }
    %scan3A_89 = arith.constant 7 : i32
    %dma_wait3A = arith.constant 2 : i32
    %dma_wait3A_90 = arith.constant 74 : i32
    %dma_wait3A_91 = arith.constant 0 : i32
    %dma_wait3A_92 = arith.constant 0 : i32
    %dma_wait3A_93 = tpu.memref_slice %arg7[%dma_wait3A, %dma_wait3A_91, %dma_wait3A_92] : memref<12x125x16xf32, #tpu.memory_space<vmem>> -> memref<1x125x16xf32, #tpu.memory_space<vmem>>
    %dma_wait3A_94 = tpu.memref_squeeze %dma_wait3A_93 : memref<1x125x16xf32, #tpu.memory_space<vmem>> -> memref<125x16xf32, #tpu.memory_space<vmem>>
    %dma_wait3A_95 = arith.constant 0 : i32
    %dma_wait3A_96 = tpu.memref_slice %arg6[%dma_wait3A_90, %dma_wait3A_95] : memref<80x125xi32, #tpu.memory_space<vmem>> -> memref<1x125xi32, #tpu.memory_space<vmem>>
    %dma_wait3A_97 = tpu.memref_squeeze %dma_wait3A_96 : memref<1x125xi32, #tpu.memory_space<vmem>> -> memref<125xi32, #tpu.memory_space<vmem>>
    %dma_wait3A_98 = arith.constant 0 : i32
    %dma_wait3A_99 = arith.constant 0 : i32
    %dma_wait3A_100 = tpu.memref_slice %arg9[%dma_wait3A_98, %dma_wait3A_99] : memref<10240x16xf32, #tpu.memory_space<vmem_shared>> -> memref<10240x16xf32, #tpu.memory_space<vmem_shared>>
    tpu.wait_indirect_dma semaphore(%arg24 : memref<!tpu.dma_semaphore, #tpu.memory_space<semaphore_mem>>) src(%dma_wait3A_94 : memref<125x16xf32, #tpu.memory_space<vmem>>) dst(%dma_wait3A_100 : memref<10240x16xf32, #tpu.memory_space<vmem_shared>>)
    %dma_wait3A_101 = arith.constant 3 : i32
    %dma_wait3A_102 = arith.constant 75 : i32
    %dma_wait3A_103 = arith.constant 0 : i32
    %dma_wait3A_104 = arith.constant 0 : i32
    %dma_wait3A_105 = tpu.memref_slice %arg7[%dma_wait3A_101, %dma_wait3A_103, %dma_wait3A_104] : memref<12x125x16xf32, #tpu.memory_space<vmem>> -> memref<1x125x16xf32, #tpu.memory_space<vmem>>
    %dma_wait3A_106 = tpu.memref_squeeze %dma_wait3A_105 : memref<1x125x16xf32, #tpu.memory_space<vmem>> -> memref<125x16xf32, #tpu.memory_space<vmem>>
    %dma_wait3A_107 = arith.constant 0 : i32
    %dma_wait3A_108 = tpu.memref_slice %arg6[%dma_wait3A_102, %dma_wait3A_107] : memref<80x125xi32, #tpu.memory_space<vmem>> -> memref<1x125xi32, #tpu.memory_space<vmem>>
    %dma_wait3A_109 = tpu.memref_squeeze %dma_wait3A_108 : memref<1x125xi32, #tpu.memory_space<vmem>> -> memref<125xi32, #tpu.memory_space<vmem>>
    %dma_wait3A_110 = arith.constant 0 : i32
    %dma_wait3A_111 = arith.constant 0 : i32
    %dma_wait3A_112 = tpu.memref_slice %arg9[%dma_wait3A_110, %dma_wait3A_111] : memref<10240x16xf32, #tpu.memory_space<vmem_shared>> -> memref<10240x16xf32, #tpu.memory_space<vmem_shared>>
    tpu.wait_indirect_dma semaphore(%arg25 : memref<!tpu.dma_semaphore, #tpu.memory_space<semaphore_mem>>) src(%dma_wait3A_106 : memref<125x16xf32, #tpu.memory_space<vmem>>) dst(%dma_wait3A_112 : memref<10240x16xf32, #tpu.memory_space<vmem_shared>>)
    %dma_wait3A_113 = arith.constant 4 : i32
    %dma_wait3A_114 = arith.constant 76 : i32
    %dma_wait3A_115 = arith.constant 0 : i32
    %dma_wait3A_116 = arith.constant 0 : i32
    %dma_wait3A_117 = tpu.memref_slice %arg7[%dma_wait3A_113, %dma_wait3A_115, %dma_wait3A_116] : memref<12x125x16xf32, #tpu.memory_space<vmem>> -> memref<1x125x16xf32, #tpu.memory_space<vmem>>
    %dma_wait3A_118 = tpu.memref_squeeze %dma_wait3A_117 : memref<1x125x16xf32, #tpu.memory_space<vmem>> -> memref<125x16xf32, #tpu.memory_space<vmem>>
    %dma_wait3A_119 = arith.constant 0 : i32
    %dma_wait3A_120 = tpu.memref_slice %arg6[%dma_wait3A_114, %dma_wait3A_119] : memref<80x125xi32, #tpu.memory_space<vmem>> -> memref<1x125xi32, #tpu.memory_space<vmem>>
    %dma_wait3A_121 = tpu.memref_squeeze %dma_wait3A_120 : memref<1x125xi32, #tpu.memory_space<vmem>> -> memref<125xi32, #tpu.memory_space<vmem>>
    %dma_wait3A_122 = arith.constant 0 : i32
    %dma_wait3A_123 = arith.constant 0 : i32
    %dma_wait3A_124 = tpu.memref_slice %arg9[%dma_wait3A_122, %dma_wait3A_123] : memref<10240x16xf32, #tpu.memory_space<vmem_shared>> -> memref<10240x16xf32, #tpu.memory_space<vmem_shared>>
    tpu.wait_indirect_dma semaphore(%arg26 : memref<!tpu.dma_semaphore, #tpu.memory_space<semaphore_mem>>) src(%dma_wait3A_118 : memref<125x16xf32, #tpu.memory_space<vmem>>) dst(%dma_wait3A_124 : memref<10240x16xf32, #tpu.memory_space<vmem_shared>>)
    %dma_wait3A_125 = arith.constant 5 : i32
    %dma_wait3A_126 = arith.constant 77 : i32
    %dma_wait3A_127 = arith.constant 0 : i32
    %dma_wait3A_128 = arith.constant 0 : i32
    %dma_wait3A_129 = tpu.memref_slice %arg7[%dma_wait3A_125, %dma_wait3A_127, %dma_wait3A_128] : memref<12x125x16xf32, #tpu.memory_space<vmem>> -> memref<1x125x16xf32, #tpu.memory_space<vmem>>
    %dma_wait3A_130 = tpu.memref_squeeze %dma_wait3A_129 : memref<1x125x16xf32, #tpu.memory_space<vmem>> -> memref<125x16xf32, #tpu.memory_space<vmem>>
    %dma_wait3A_131 = arith.constant 0 : i32
    %dma_wait3A_132 = tpu.memref_slice %arg6[%dma_wait3A_126, %dma_wait3A_131] : memref<80x125xi32, #tpu.memory_space<vmem>> -> memref<1x125xi32, #tpu.memory_space<vmem>>
    %dma_wait3A_133 = tpu.memref_squeeze %dma_wait3A_132 : memref<1x125xi32, #tpu.memory_space<vmem>> -> memref<125xi32, #tpu.memory_space<vmem>>
    %dma_wait3A_134 = arith.constant 0 : i32
    %dma_wait3A_135 = arith.constant 0 : i32
    %dma_wait3A_136 = tpu.memref_slice %arg9[%dma_wait3A_134, %dma_wait3A_135] : memref<10240x16xf32, #tpu.memory_space<vmem_shared>> -> memref<10240x16xf32, #tpu.memory_space<vmem_shared>>
    tpu.wait_indirect_dma semaphore(%arg27 : memref<!tpu.dma_semaphore, #tpu.memory_space<semaphore_mem>>) src(%dma_wait3A_130 : memref<125x16xf32, #tpu.memory_space<vmem>>) dst(%dma_wait3A_136 : memref<10240x16xf32, #tpu.memory_space<vmem_shared>>)
    %dma_wait3A_137 = arith.constant 6 : i32
    %dma_wait3A_138 = arith.constant 78 : i32
    %dma_wait3A_139 = arith.constant 0 : i32
    %dma_wait3A_140 = arith.constant 0 : i32
    %dma_wait3A_141 = tpu.memref_slice %arg7[%dma_wait3A_137, %dma_wait3A_139, %dma_wait3A_140] : memref<12x125x16xf32, #tpu.memory_space<vmem>> -> memref<1x125x16xf32, #tpu.memory_space<vmem>>
    %dma_wait3A_142 = tpu.memref_squeeze %dma_wait3A_141 : memref<1x125x16xf32, #tpu.memory_space<vmem>> -> memref<125x16xf32, #tpu.memory_space<vmem>>
    %dma_wait3A_143 = arith.constant 0 : i32
    %dma_wait3A_144 = tpu.memref_slice %arg6[%dma_wait3A_138, %dma_wait3A_143] : memref<80x125xi32, #tpu.memory_space<vmem>> -> memref<1x125xi32, #tpu.memory_space<vmem>>
    %dma_wait3A_145 = tpu.memref_squeeze %dma_wait3A_144 : memref<1x125xi32, #tpu.memory_space<vmem>> -> memref<125xi32, #tpu.memory_space<vmem>>
    %dma_wait3A_146 = arith.constant 0 : i32
    %dma_wait3A_147 = arith.constant 0 : i32
    %dma_wait3A_148 = tpu.memref_slice %arg9[%dma_wait3A_146, %dma_wait3A_147] : memref<10240x16xf32, #tpu.memory_space<vmem_shared>> -> memref<10240x16xf32, #tpu.memory_space<vmem_shared>>
    tpu.wait_indirect_dma semaphore(%arg28 : memref<!tpu.dma_semaphore, #tpu.memory_space<semaphore_mem>>) src(%dma_wait3A_142 : memref<125x16xf32, #tpu.memory_space<vmem>>) dst(%dma_wait3A_148 : memref<10240x16xf32, #tpu.memory_space<vmem_shared>>)
    %dma_wait3A_149 = arith.constant 7 : i32
    %dma_wait3A_150 = arith.constant 79 : i32
    %dma_wait3A_151 = arith.constant 0 : i32
    %dma_wait3A_152 = arith.constant 0 : i32
    %dma_wait3A_153 = tpu.memref_slice %arg7[%dma_wait3A_149, %dma_wait3A_151, %dma_wait3A_152] : memref<12x125x16xf32, #tpu.memory_space<vmem>> -> memref<1x125x16xf32, #tpu.memory_space<vmem>>
    %dma_wait3A_154 = tpu.memref_squeeze %dma_wait3A_153 : memref<1x125x16xf32, #tpu.memory_space<vmem>> -> memref<125x16xf32, #tpu.memory_space<vmem>>
    %dma_wait3A_155 = arith.constant 0 : i32
    %dma_wait3A_156 = tpu.memref_slice %arg6[%dma_wait3A_150, %dma_wait3A_155] : memref<80x125xi32, #tpu.memory_space<vmem>> -> memref<1x125xi32, #tpu.memory_space<vmem>>
    %dma_wait3A_157 = tpu.memref_squeeze %dma_wait3A_156 : memref<1x125xi32, #tpu.memory_space<vmem>> -> memref<125xi32, #tpu.memory_space<vmem>>
    %dma_wait3A_158 = arith.constant 0 : i32
    %dma_wait3A_159 = arith.constant 0 : i32
    %dma_wait3A_160 = tpu.memref_slice %arg9[%dma_wait3A_158, %dma_wait3A_159] : memref<10240x16xf32, #tpu.memory_space<vmem_shared>> -> memref<10240x16xf32, #tpu.memory_space<vmem_shared>>
    tpu.wait_indirect_dma semaphore(%arg29 : memref<!tpu.dma_semaphore, #tpu.memory_space<semaphore_mem>>) src(%dma_wait3A_154 : memref<125x16xf32, #tpu.memory_space<vmem>>) dst(%dma_wait3A_160 : memref<10240x16xf32, #tpu.memory_space<vmem_shared>>)
    %barrier3A_161 = arith.constant 0 : index
    tpu.barrier barrier_id(%barrier3A_161)
    %mul3A_162 = arith.constant 640 : i32
    %mul3A_163 = arith.muli %arg1, %mul3A_162 : i32
    %mul3A_164 = arith.constant 640 : i32
    %mul3A_165 = arith.muli %arg1, %mul3A_164 : i32
    "tpu.region"() ({
      %run_scoped3A_166 = tpu.sem_alloc : memref<!tpu.dma_semaphore, #tpu.memory_space<semaphore_mem>>
      %dma_start3A_167 = arith.constant 0 : i32
      %dma_start3A_168 = tpu.memref_slice %arg4[%arg0, %mul3A_165, %dma_start3A_167] : memref<2x10240x16xf32, #tpu.memory_space<hbm>> -> memref<1x640x16xf32, #tpu.memory_space<hbm>>
      %dma_start3A_169 = tpu.memref_squeeze %dma_start3A_168 : memref<1x640x16xf32, #tpu.memory_space<hbm>> -> memref<640x16xf32, #tpu.memory_space<hbm>>
      %dma_start3A_170 = arith.constant 0 : i32
      %dma_start3A_171 = tpu.memref_slice %arg9[%mul3A_163, %dma_start3A_170] : memref<10240x16xf32, #tpu.memory_space<vmem_shared>> -> memref<640x16xf32, #tpu.memory_space<vmem_shared>>
      tpu.enqueue_dma source(%dma_start3A_171 : memref<640x16xf32, #tpu.memory_space<vmem_shared>>) target(%dma_start3A_169 : memref<640x16xf32, #tpu.memory_space<hbm>>) target_semaphore(%run_scoped3A_166 : memref<!tpu.dma_semaphore, #tpu.memory_space<semaphore_mem>>)
      %dma_wait3A_172 = arith.constant 0 : i32
      %dma_wait3A_173 = tpu.memref_slice %arg4[%arg0, %mul3A_165, %dma_wait3A_172] : memref<2x10240x16xf32, #tpu.memory_space<hbm>> -> memref<1x640x16xf32, #tpu.memory_space<hbm>>
      %dma_wait3A_174 = tpu.memref_squeeze %dma_wait3A_173 : memref<1x640x16xf32, #tpu.memory_space<hbm>> -> memref<640x16xf32, #tpu.memory_space<hbm>>
      %dma_wait3A_175 = arith.constant 0 : i32
      %dma_wait3A_176 = tpu.memref_slice %arg9[%mul3A_163, %dma_wait3A_175] : memref<10240x16xf32, #tpu.memory_space<vmem_shared>> -> memref<640x16xf32, #tpu.memory_space<vmem_shared>>
      tpu.wait_dma2 semaphore(%run_scoped3A_166 : memref<!tpu.dma_semaphore, #tpu.memory_space<semaphore_mem>>) src(%dma_wait3A_176 : memref<640x16xf32, #tpu.memory_space<vmem_shared>>) dst(%dma_wait3A_174 : memref<640x16xf32, #tpu.memory_space<hbm>>)
      tpu.yield
    }) : () -> ()
    return
  }
}

#map = affine_map<(d0, d1) -> (0, 0)>
#map1 = affine_map<(d0, d1) -> (0, 0, 0, 0)>
#map2 = affine_map<(d0, d1) -> (0, 0, 0)>
module attributes {stable_mosaic.version = 14 : i64} {
  func.func @_sc_agg(%arg0: i32, %arg1: i32, %arg2: memref<10240x16xf32, #tpu.memory_space<hbm>>, %arg3: memref<2x32x80x125xi32, #tpu.memory_space<hbm>>, %arg4: memref<2x10240x16xf32, #tpu.memory_space<hbm>>, %arg5: memref<80x125xi32, #tpu.memory_space<vmem>>, %arg6: memref<80x125xi32, #tpu.memory_space<vmem>>, %arg7: memref<12x125x16xf32, #tpu.memory_space<vmem>>, %arg8: memref<640x16xf32, #tpu.memory_space<vmem>>, %arg9: memref<10240x16xf32, #tpu.memory_space<vmem_shared>>, %arg10: memref<!tpu.dma_semaphore, #tpu.memory_space<semaphore_mem>>, %arg11: memref<!tpu.dma_semaphore, #tpu.memory_space<semaphore_mem>>, %arg12: memref<!tpu.dma_semaphore, #tpu.memory_space<semaphore_mem>>, %arg13: memref<!tpu.dma_semaphore, #tpu.memory_space<semaphore_mem>>, %arg14: memref<!tpu.dma_semaphore, #tpu.memory_space<semaphore_mem>>, %arg15: memref<!tpu.dma_semaphore, #tpu.memory_space<semaphore_mem>>, %arg16: memref<!tpu.dma_semaphore, #tpu.memory_space<semaphore_mem>>, %arg17: memref<!tpu.dma_semaphore, #tpu.memory_space<semaphore_mem>>, %arg18: memref<!tpu.dma_semaphore, #tpu.memory_space<semaphore_mem>>, %arg19: memref<!tpu.dma_semaphore, #tpu.memory_space<semaphore_mem>>, %arg20: memref<!tpu.dma_semaphore, #tpu.memory_space<semaphore_mem>>, %arg21: memref<!tpu.dma_semaphore, #tpu.memory_space<semaphore_mem>>, %arg22: memref<!tpu.dma_semaphore, #tpu.memory_space<semaphore_mem>>, %arg23: memref<!tpu.dma_semaphore, #tpu.memory_space<semaphore_mem>>, %arg24: memref<!tpu.dma_semaphore, #tpu.memory_space<semaphore_mem>>, %arg25: memref<!tpu.dma_semaphore, #tpu.memory_space<semaphore_mem>>, %arg26: memref<!tpu.dma_semaphore, #tpu.memory_space<semaphore_mem>>, %arg27: memref<!tpu.dma_semaphore, #tpu.memory_space<semaphore_mem>>, %arg28: memref<!tpu.dma_semaphore, #tpu.memory_space<semaphore_mem>>, %arg29: memref<!tpu.dma_semaphore, #tpu.memory_space<semaphore_mem>>, %arg30: memref<!tpu.dma_semaphore, #tpu.memory_space<semaphore_mem>>, %arg31: memref<!tpu.dma_semaphore, #tpu.memory_space<semaphore_mem>>, %arg32: memref<!tpu.dma_semaphore, #tpu.memory_space<semaphore_mem>>, %arg33: memref<!tpu.dma_semaphore, #tpu.memory_space<semaphore_mem>>) attributes {dimension_semantics = [#tpu.dimension_semantics<core_parallel>, #tpu.dimension_semantics<subcore_parallel>], iteration_bounds = array<i64: 2, 16>, scalar_prefetch = 0 : i64, scratch_operands = 29 : i64, tpu.core_type = #tpu.core_type<sc_vector_subcore>, window_params = [{transform_indices = #map}, {transform_indices = #map1}, {transform_indices = #map2}]} {
    %mul3A = arith.constant 2 : i32
    %mul3A_0 = arith.muli %arg1, %mul3A : i32
    %add3A = arith.addi %mul3A_0, %arg0 : i32
    %scan3A = arith.constant 0 : i32
    %scan3A_1 = arith.constant 0 : i32
    %scan3A_2 = arith.constant 640 : i32
    %scan3A_3 = arith.addi %scan3A_1, %scan3A_2 : i32
    %scan3A_4 = arith.constant 1 : i32
    %scan3A_5 = scf.for %scan3A_166 = %scan3A_1 to %scan3A_3 step %scan3A_4 iter_args(%scan3A_167 = %scan3A) -> (i32)  : i32 {
      %broadcast_in_dim3A = arith.constant 0.000000e+00 : f32
      %broadcast_in_dim3A_168 = vector.broadcast %broadcast_in_dim3A : f32 to vector<16xf32>
      %swap3A = arith.index_cast %scan3A_166 : i32 to index
      %swap3A_169 = arith.constant 0 : index
      %swap3A_170 = tpu.vector_load %arg8[%swap3A, %swap3A_169] {strides = array<i32>} : memref<640x16xf32, #tpu.memory_space<vmem>>, vector<1x16xf32>,
      %swap3A_171 = vector.shape_cast %swap3A_170 : vector<1x16xf32> to vector<16xf32>
      %swap3A_172 = vector.shape_cast %broadcast_in_dim3A_168 : vector<16xf32> to vector<1x16xf32>
      tpu.vector_store %arg8[%swap3A, %swap3A_169], %swap3A_172 {strides = array<i32>} : memref<640x16xf32, #tpu.memory_space<vmem>>, vector<1x16xf32>,
      %scan3A_173 = arith.constant 0 : i32
      scf.yield %scan3A_173 : i32
    }
    %scan3A_6 = arith.constant 640 : i32
    %mul3A_7 = arith.constant 640 : i32
    %mul3A_8 = arith.muli %arg1, %mul3A_7 : i32
    "tpu.region"() ({
      %run_scoped3A_166 = tpu.sem_alloc : memref<!tpu.dma_semaphore, #tpu.memory_space<semaphore_mem>>
      %dma_start3A_167 = arith.constant 0 : i32
      %dma_start3A_168 = tpu.memref_slice %arg9[%mul3A_8, %dma_start3A_167] : memref<10240x16xf32, #tpu.memory_space<vmem_shared>> -> memref<640x16xf32, #tpu.memory_space<vmem_shared>>
      %dma_start3A_169 = arith.constant 0 : i32
      %dma_start3A_170 = tpu.memref_slice %arg9[%mul3A_8, %dma_start3A_169] : memref<10240x16xf32, #tpu.memory_space<vmem_shared>> -> memref<640x16xf32, #tpu.memory_space<vmem_shared>>
      tpu.enqueue_dma source(%arg8 : memref<640x16xf32, #tpu.memory_space<vmem>>) target(%dma_start3A_170 : memref<640x16xf32, #tpu.memory_space<vmem_shared>>) target_semaphore(%run_scoped3A_166 : memref<!tpu.dma_semaphore, #tpu.memory_space<semaphore_mem>>)
      %dma_wait3A_171 = arith.constant 0 : i32
      %dma_wait3A_172 = tpu.memref_slice %arg9[%mul3A_8, %dma_wait3A_171] : memref<10240x16xf32, #tpu.memory_space<vmem_shared>> -> memref<640x16xf32, #tpu.memory_space<vmem_shared>>
      %dma_wait3A_173 = arith.constant 0 : i32
      %dma_wait3A_174 = tpu.memref_slice %arg9[%mul3A_8, %dma_wait3A_173] : memref<10240x16xf32, #tpu.memory_space<vmem_shared>> -> memref<640x16xf32, #tpu.memory_space<vmem_shared>>
      tpu.wait_dma2 semaphore(%run_scoped3A_166 : memref<!tpu.dma_semaphore, #tpu.memory_space<semaphore_mem>>) src(%arg8 : memref<640x16xf32, #tpu.memory_space<vmem>>) dst(%dma_wait3A_174 : memref<640x16xf32, #tpu.memory_space<vmem_shared>>)
      tpu.yield
    }) : () -> ()
    %run_scoped3A = arith.constant 0 : i32
    "tpu.region"() ({
      %run_scoped3A_166 = tpu.sem_alloc : memref<!tpu.dma_semaphore, #tpu.memory_space<semaphore_mem>>
      %dma_start3A_167 = arith.constant 0 : i32
      %dma_start3A_168 = arith.constant 0 : i32
      %dma_start3A_169 = tpu.memref_slice %arg3[%run_scoped3A, %add3A, %dma_start3A_167, %dma_start3A_168] : memref<2x32x80x125xi32, #tpu.memory_space<hbm>> -> memref<1x1x80x125xi32, #tpu.memory_space<hbm>>
      %dma_start3A_170 = tpu.memref_squeeze %dma_start3A_169 : memref<1x1x80x125xi32, #tpu.memory_space<hbm>> -> memref<80x125xi32, #tpu.memory_space<hbm>>
      %dma_start3A_171 = arith.constant 0 : i32
      %dma_start3A_172 = arith.constant 0 : i32
      %dma_start3A_173 = tpu.memref_slice %arg3[%run_scoped3A, %add3A, %dma_start3A_171, %dma_start3A_172] : memref<2x32x80x125xi32, #tpu.memory_space<hbm>> -> memref<1x1x80x125xi32, #tpu.memory_space<hbm>>
      %dma_start3A_174 = tpu.memref_squeeze %dma_start3A_173 : memref<1x1x80x125xi32, #tpu.memory_space<hbm>> -> memref<80x125xi32, #tpu.memory_space<hbm>>
      tpu.enqueue_dma source(%dma_start3A_174 : memref<80x125xi32, #tpu.memory_space<hbm>>) target(%arg5 : memref<80x125xi32, #tpu.memory_space<vmem>>) target_semaphore(%run_scoped3A_166 : memref<!tpu.dma_semaphore, #tpu.memory_space<semaphore_mem>>)
      %dma_wait3A_175 = arith.constant 0 : i32
      %dma_wait3A_176 = arith.constant 0 : i32
      %dma_wait3A_177 = tpu.memref_slice %arg3[%run_scoped3A, %add3A, %dma_wait3A_175, %dma_wait3A_176] : memref<2x32x80x125xi32, #tpu.memory_space<hbm>> -> memref<1x1x80x125xi32, #tpu.memory_space<hbm>>
      %dma_wait3A_178 = tpu.memref_squeeze %dma_wait3A_177 : memref<1x1x80x125xi32, #tpu.memory_space<hbm>> -> memref<80x125xi32, #tpu.memory_space<hbm>>
      %dma_wait3A_179 = arith.constant 0 : i32
      %dma_wait3A_180 = arith.constant 0 : i32
      %dma_wait3A_181 = tpu.memref_slice %arg3[%run_scoped3A, %add3A, %dma_wait3A_179, %dma_wait3A_180] : memref<2x32x80x125xi32, #tpu.memory_space<hbm>> -> memref<1x1x80x125xi32, #tpu.memory_space<hbm>>
      %dma_wait3A_182 = tpu.memref_squeeze %dma_wait3A_181 : memref<1x1x80x125xi32, #tpu.memory_space<hbm>> -> memref<80x125xi32, #tpu.memory_space<hbm>>
      tpu.wait_dma2 semaphore(%run_scoped3A_166 : memref<!tpu.dma_semaphore, #tpu.memory_space<semaphore_mem>>) src(%dma_wait3A_182 : memref<80x125xi32, #tpu.memory_space<hbm>>) dst(%arg5 : memref<80x125xi32, #tpu.memory_space<vmem>>)
      tpu.yield
    }) : () -> ()
    %run_scoped3A_9 = arith.constant 1 : i32
    "tpu.region"() ({
      %run_scoped3A_166 = tpu.sem_alloc : memref<!tpu.dma_semaphore, #tpu.memory_space<semaphore_mem>>
      %dma_start3A_167 = arith.constant 0 : i32
      %dma_start3A_168 = arith.constant 0 : i32
      %dma_start3A_169 = tpu.memref_slice %arg3[%run_scoped3A_9, %add3A, %dma_start3A_167, %dma_start3A_168] : memref<2x32x80x125xi32, #tpu.memory_space<hbm>> -> memref<1x1x80x125xi32, #tpu.memory_space<hbm>>
      %dma_start3A_170 = tpu.memref_squeeze %dma_start3A_169 : memref<1x1x80x125xi32, #tpu.memory_space<hbm>> -> memref<80x125xi32, #tpu.memory_space<hbm>>
      %dma_start3A_171 = arith.constant 0 : i32
      %dma_start3A_172 = arith.constant 0 : i32
      %dma_start3A_173 = tpu.memref_slice %arg3[%run_scoped3A_9, %add3A, %dma_start3A_171, %dma_start3A_172] : memref<2x32x80x125xi32, #tpu.memory_space<hbm>> -> memref<1x1x80x125xi32, #tpu.memory_space<hbm>>
      %dma_start3A_174 = tpu.memref_squeeze %dma_start3A_173 : memref<1x1x80x125xi32, #tpu.memory_space<hbm>> -> memref<80x125xi32, #tpu.memory_space<hbm>>
      tpu.enqueue_dma source(%dma_start3A_174 : memref<80x125xi32, #tpu.memory_space<hbm>>) target(%arg6 : memref<80x125xi32, #tpu.memory_space<vmem>>) target_semaphore(%run_scoped3A_166 : memref<!tpu.dma_semaphore, #tpu.memory_space<semaphore_mem>>)
      %dma_wait3A_175 = arith.constant 0 : i32
      %dma_wait3A_176 = arith.constant 0 : i32
      %dma_wait3A_177 = tpu.memref_slice %arg3[%run_scoped3A_9, %add3A, %dma_wait3A_175, %dma_wait3A_176] : memref<2x32x80x125xi32, #tpu.memory_space<hbm>> -> memref<1x1x80x125xi32, #tpu.memory_space<hbm>>
      %dma_wait3A_178 = tpu.memref_squeeze %dma_wait3A_177 : memref<1x1x80x125xi32, #tpu.memory_space<hbm>> -> memref<80x125xi32, #tpu.memory_space<hbm>>
      %dma_wait3A_179 = arith.constant 0 : i32
      %dma_wait3A_180 = arith.constant 0 : i32
      %dma_wait3A_181 = tpu.memref_slice %arg3[%run_scoped3A_9, %add3A, %dma_wait3A_179, %dma_wait3A_180] : memref<2x32x80x125xi32, #tpu.memory_space<hbm>> -> memref<1x1x80x125xi32, #tpu.memory_space<hbm>>
      %dma_wait3A_182 = tpu.memref_squeeze %dma_wait3A_181 : memref<1x1x80x125xi32, #tpu.memory_space<hbm>> -> memref<80x125xi32, #tpu.memory_space<hbm>>
      tpu.wait_dma2 semaphore(%run_scoped3A_166 : memref<!tpu.dma_semaphore, #tpu.memory_space<semaphore_mem>>) src(%dma_wait3A_182 : memref<80x125xi32, #tpu.memory_space<hbm>>) dst(%arg6 : memref<80x125xi32, #tpu.memory_space<vmem>>)
      tpu.yield
    }) : () -> ()
    %eq3A = arith.constant 0 : i32
    %eq3A_10 = arith.cmpi eq, %add3A, %eq3A : i32
    %convert_element_type3A = arith.extui %eq3A_10 : i1 to i32
    %cond3A = arith.constant 0 : i32
    %cond3A_11 = arith.cmpi ne, %convert_element_type3A, %cond3A : i32
    scf.if %cond3A_11 {
      %iota3A = tpu.iota {dimensions = array<i32: 0>} : vector<16xi32>
      %get3A = arith.constant 0 : i32
      %get3A_166 = arith.index_cast %get3A : i32 to index
      %get3A_167 = arith.constant 0 : index
      %get3A_168 = tpu.vector_load %arg5[%get3A_166, %get3A_167] {strides = array<i32>} : memref<80x125xi32, #tpu.memory_space<vmem>>, vector<1x16xi32>,
      %get3A_169 = vector.shape_cast %get3A_168 : vector<1x16xi32> to vector<16xi32>
      %eq3A_170 = arith.constant 0 : i32
      %eq3A_171 = vector.broadcast %eq3A_170 : i32 to vector<16xi32>
      %eq3A_172 = arith.cmpi eq, %iota3A, %eq3A_171 : vector<16xi32>
      %jit3A = arith.constant 0 : i32
      %broadcast_in_dim3A = vector.broadcast %jit3A : i32 to vector<16xi32>
      %select_n3A = arith.select %eq3A_172, %broadcast_in_dim3A, %get3A_169 : vector<16xi1>, vector<16xi32>
      %swap3A = arith.constant 0 : i32
      %swap3A_173 = arith.index_cast %swap3A : i32 to index
      %swap3A_174 = arith.constant 0 : index
      %swap3A_175 = tpu.vector_load %arg5[%swap3A_173, %swap3A_174] {strides = array<i32>} : memref<80x125xi32, #tpu.memory_space<vmem>>, vector<1x16xi32>,
      %swap3A_176 = vector.shape_cast %swap3A_175 : vector<1x16xi32> to vector<16xi32>
      %swap3A_177 = vector.shape_cast %select_n3A : vector<16xi32> to vector<1x16xi32>
      tpu.vector_store %arg5[%swap3A_173, %swap3A_174], %swap3A_177 {strides = array<i32>} : memref<80x125xi32, #tpu.memory_space<vmem>>, vector<1x16xi32>,
      %iota3A_178 = tpu.iota {dimensions = array<i32: 0>} : vector<16xi32>
      %get3A_179 = arith.constant 0 : i32
      %get3A_180 = arith.index_cast %get3A_179 : i32 to index
      %get3A_181 = arith.constant 0 : index
      %get3A_182 = tpu.vector_load %arg6[%get3A_180, %get3A_181] {strides = array<i32>} : memref<80x125xi32, #tpu.memory_space<vmem>>, vector<1x16xi32>,
      %get3A_183 = vector.shape_cast %get3A_182 : vector<1x16xi32> to vector<16xi32>
      %eq3A_184 = arith.constant 0 : i32
      %eq3A_185 = vector.broadcast %eq3A_184 : i32 to vector<16xi32>
      %eq3A_186 = arith.cmpi eq, %iota3A_178, %eq3A_185 : vector<16xi32>
      %jit3A_187 = arith.constant 10016 : i32
      %broadcast_in_dim3A_188 = vector.broadcast %jit3A_187 : i32 to vector<16xi32>
      %select_n3A_189 = arith.select %eq3A_186, %broadcast_in_dim3A_188, %get3A_183 : vector<16xi1>, vector<16xi32>
      %swap3A_190 = arith.constant 0 : i32
      %swap3A_191 = arith.index_cast %swap3A_190 : i32 to index
      %swap3A_192 = arith.constant 0 : index
      %swap3A_193 = tpu.vector_load %arg6[%swap3A_191, %swap3A_192] {strides = array<i32>} : memref<80x125xi32, #tpu.memory_space<vmem>>, vector<1x16xi32>,
      %swap3A_194 = vector.shape_cast %swap3A_193 : vector<1x16xi32> to vector<16xi32>
      %swap3A_195 = vector.shape_cast %select_n3A_189 : vector<16xi32> to vector<1x16xi32>
      tpu.vector_store %arg6[%swap3A_191, %swap3A_192], %swap3A_195 {strides = array<i32>} : memref<80x125xi32, #tpu.memory_space<vmem>>, vector<1x16xi32>,
    } else {
    }
    %barrier3A = arith.constant 0 : index
    tpu.barrier barrier_id(%barrier3A)
    %dma_start3A = arith.constant 0 : i32
    %dma_start3A_12 = arith.constant 0 : i32
    %dma_start3A_13 = arith.constant 0 : i32
    %dma_start3A_14 = arith.constant 0 : i32
    %dma_start3A_15 = tpu.memref_slice %arg7[%dma_start3A_12, %dma_start3A_13, %dma_start3A_14] : memref<12x125x16xf32, #tpu.memory_space<vmem>> -> memref<1x125x16xf32, #tpu.memory_space<vmem>>
    %dma_start3A_16 = tpu.memref_squeeze %dma_start3A_15 : memref<1x125x16xf32, #tpu.memory_space<vmem>> -> memref<125x16xf32, #tpu.memory_space<vmem>>
    %dma_start3A_17 = arith.constant 0 : i32
    %dma_start3A_18 = tpu.memref_slice %arg5[%dma_start3A, %dma_start3A_17] : memref<80x125xi32, #tpu.memory_space<vmem>> -> memref<1x125xi32, #tpu.memory_space<vmem>>
    %dma_start3A_19 = tpu.memref_squeeze %dma_start3A_18 : memref<1x125xi32, #tpu.memory_space<vmem>> -> memref<125xi32, #tpu.memory_space<vmem>>
    %dma_start3A_20 = arith.constant 0 : i32
    %dma_start3A_21 = arith.constant 0 : i32
    %dma_start3A_22 = tpu.memref_slice %arg2[%dma_start3A_20, %dma_start3A_21] : memref<10240x16xf32, #tpu.memory_space<hbm>> -> memref<10240x16xf32, #tpu.memory_space<hbm>>
    tpu.enqueue_indirect_dma source(%dma_start3A_22 : memref<10240x16xf32, #tpu.memory_space<hbm>>) target(%dma_start3A_16 : memref<125x16xf32, #tpu.memory_space<vmem>>) offsets(%dma_start3A_19 : memref<125xi32, #tpu.memory_space<vmem>>) semaphore(%arg10 : memref<!tpu.dma_semaphore, #tpu.memory_space<semaphore_mem>>)
    %dma_start3A_23 = arith.constant 1 : i32
    %dma_start3A_24 = arith.constant 1 : i32
    %dma_start3A_25 = arith.constant 0 : i32
    %dma_start3A_26 = arith.constant 0 : i32
    %dma_start3A_27 = tpu.memref_slice %arg7[%dma_start3A_24, %dma_start3A_25, %dma_start3A_26] : memref<12x125x16xf32, #tpu.memory_space<vmem>> -> memref<1x125x16xf32, #tpu.memory_space<vmem>>
    %dma_start3A_28 = tpu.memref_squeeze %dma_start3A_27 : memref<1x125x16xf32, #tpu.memory_space<vmem>> -> memref<125x16xf32, #tpu.memory_space<vmem>>
    %dma_start3A_29 = arith.constant 0 : i32
    %dma_start3A_30 = tpu.memref_slice %arg5[%dma_start3A_23, %dma_start3A_29] : memref<80x125xi32, #tpu.memory_space<vmem>> -> memref<1x125xi32, #tpu.memory_space<vmem>>
    %dma_start3A_31 = tpu.memref_squeeze %dma_start3A_30 : memref<1x125xi32, #tpu.memory_space<vmem>> -> memref<125xi32, #tpu.memory_space<vmem>>
    %dma_start3A_32 = arith.constant 0 : i32
    %dma_start3A_33 = arith.constant 0 : i32
    %dma_start3A_34 = tpu.memref_slice %arg2[%dma_start3A_32, %dma_start3A_33] : memref<10240x16xf32, #tpu.memory_space<hbm>> -> memref<10240x16xf32, #tpu.memory_space<hbm>>
    tpu.enqueue_indirect_dma source(%dma_start3A_34 : memref<10240x16xf32, #tpu.memory_space<hbm>>) target(%dma_start3A_28 : memref<125x16xf32, #tpu.memory_space<vmem>>) offsets(%dma_start3A_31 : memref<125xi32, #tpu.memory_space<vmem>>) semaphore(%arg11 : memref<!tpu.dma_semaphore, #tpu.memory_space<semaphore_mem>>)
    %dma_start3A_35 = arith.constant 2 : i32
    %dma_start3A_36 = arith.constant 2 : i32
    %dma_start3A_37 = arith.constant 0 : i32
    %dma_start3A_38 = arith.constant 0 : i32
    %dma_start3A_39 = tpu.memref_slice %arg7[%dma_start3A_36, %dma_start3A_37, %dma_start3A_38] : memref<12x125x16xf32, #tpu.memory_space<vmem>> -> memref<1x125x16xf32, #tpu.memory_space<vmem>>
    %dma_start3A_40 = tpu.memref_squeeze %dma_start3A_39 : memref<1x125x16xf32, #tpu.memory_space<vmem>> -> memref<125x16xf32, #tpu.memory_space<vmem>>
    %dma_start3A_41 = arith.constant 0 : i32
    %dma_start3A_42 = tpu.memref_slice %arg5[%dma_start3A_35, %dma_start3A_41] : memref<80x125xi32, #tpu.memory_space<vmem>> -> memref<1x125xi32, #tpu.memory_space<vmem>>
    %dma_start3A_43 = tpu.memref_squeeze %dma_start3A_42 : memref<1x125xi32, #tpu.memory_space<vmem>> -> memref<125xi32, #tpu.memory_space<vmem>>
    %dma_start3A_44 = arith.constant 0 : i32
    %dma_start3A_45 = arith.constant 0 : i32
    %dma_start3A_46 = tpu.memref_slice %arg2[%dma_start3A_44, %dma_start3A_45] : memref<10240x16xf32, #tpu.memory_space<hbm>> -> memref<10240x16xf32, #tpu.memory_space<hbm>>
    tpu.enqueue_indirect_dma source(%dma_start3A_46 : memref<10240x16xf32, #tpu.memory_space<hbm>>) target(%dma_start3A_40 : memref<125x16xf32, #tpu.memory_space<vmem>>) offsets(%dma_start3A_43 : memref<125xi32, #tpu.memory_space<vmem>>) semaphore(%arg12 : memref<!tpu.dma_semaphore, #tpu.memory_space<semaphore_mem>>)
    %dma_start3A_47 = arith.constant 3 : i32
    %dma_start3A_48 = arith.constant 3 : i32
    %dma_start3A_49 = arith.constant 0 : i32
    %dma_start3A_50 = arith.constant 0 : i32
    %dma_start3A_51 = tpu.memref_slice %arg7[%dma_start3A_48, %dma_start3A_49, %dma_start3A_50] : memref<12x125x16xf32, #tpu.memory_space<vmem>> -> memref<1x125x16xf32, #tpu.memory_space<vmem>>
    %dma_start3A_52 = tpu.memref_squeeze %dma_start3A_51 : memref<1x125x16xf32, #tpu.memory_space<vmem>> -> memref<125x16xf32, #tpu.memory_space<vmem>>
    %dma_start3A_53 = arith.constant 0 : i32
    %dma_start3A_54 = tpu.memref_slice %arg5[%dma_start3A_47, %dma_start3A_53] : memref<80x125xi32, #tpu.memory_space<vmem>> -> memref<1x125xi32, #tpu.memory_space<vmem>>
    %dma_start3A_55 = tpu.memref_squeeze %dma_start3A_54 : memref<1x125xi32, #tpu.memory_space<vmem>> -> memref<125xi32, #tpu.memory_space<vmem>>
    %dma_start3A_56 = arith.constant 0 : i32
    %dma_start3A_57 = arith.constant 0 : i32
    %dma_start3A_58 = tpu.memref_slice %arg2[%dma_start3A_56, %dma_start3A_57] : memref<10240x16xf32, #tpu.memory_space<hbm>> -> memref<10240x16xf32, #tpu.memory_space<hbm>>
    tpu.enqueue_indirect_dma source(%dma_start3A_58 : memref<10240x16xf32, #tpu.memory_space<hbm>>) target(%dma_start3A_52 : memref<125x16xf32, #tpu.memory_space<vmem>>) offsets(%dma_start3A_55 : memref<125xi32, #tpu.memory_space<vmem>>) semaphore(%arg13 : memref<!tpu.dma_semaphore, #tpu.memory_space<semaphore_mem>>)
    %dma_start3A_59 = arith.constant 4 : i32
    %dma_start3A_60 = arith.constant 4 : i32
    %dma_start3A_61 = arith.constant 0 : i32
    %dma_start3A_62 = arith.constant 0 : i32
    %dma_start3A_63 = tpu.memref_slice %arg7[%dma_start3A_60, %dma_start3A_61, %dma_start3A_62] : memref<12x125x16xf32, #tpu.memory_space<vmem>> -> memref<1x125x16xf32, #tpu.memory_space<vmem>>
    %dma_start3A_64 = tpu.memref_squeeze %dma_start3A_63 : memref<1x125x16xf32, #tpu.memory_space<vmem>> -> memref<125x16xf32, #tpu.memory_space<vmem>>
    %dma_start3A_65 = arith.constant 0 : i32
    %dma_start3A_66 = tpu.memref_slice %arg5[%dma_start3A_59, %dma_start3A_65] : memref<80x125xi32, #tpu.memory_space<vmem>> -> memref<1x125xi32, #tpu.memory_space<vmem>>
    %dma_start3A_67 = tpu.memref_squeeze %dma_start3A_66 : memref<1x125xi32, #tpu.memory_space<vmem>> -> memref<125xi32, #tpu.memory_space<vmem>>
    %dma_start3A_68 = arith.constant 0 : i32
    %dma_start3A_69 = arith.constant 0 : i32
    %dma_start3A_70 = tpu.memref_slice %arg2[%dma_start3A_68, %dma_start3A_69] : memref<10240x16xf32, #tpu.memory_space<hbm>> -> memref<10240x16xf32, #tpu.memory_space<hbm>>
    tpu.enqueue_indirect_dma source(%dma_start3A_70 : memref<10240x16xf32, #tpu.memory_space<hbm>>) target(%dma_start3A_64 : memref<125x16xf32, #tpu.memory_space<vmem>>) offsets(%dma_start3A_67 : memref<125xi32, #tpu.memory_space<vmem>>) semaphore(%arg14 : memref<!tpu.dma_semaphore, #tpu.memory_space<semaphore_mem>>)
    %dma_start3A_71 = arith.constant 5 : i32
    %dma_start3A_72 = arith.constant 5 : i32
    %dma_start3A_73 = arith.constant 0 : i32
    %dma_start3A_74 = arith.constant 0 : i32
    %dma_start3A_75 = tpu.memref_slice %arg7[%dma_start3A_72, %dma_start3A_73, %dma_start3A_74] : memref<12x125x16xf32, #tpu.memory_space<vmem>> -> memref<1x125x16xf32, #tpu.memory_space<vmem>>
    %dma_start3A_76 = tpu.memref_squeeze %dma_start3A_75 : memref<1x125x16xf32, #tpu.memory_space<vmem>> -> memref<125x16xf32, #tpu.memory_space<vmem>>
    %dma_start3A_77 = arith.constant 0 : i32
    %dma_start3A_78 = tpu.memref_slice %arg5[%dma_start3A_71, %dma_start3A_77] : memref<80x125xi32, #tpu.memory_space<vmem>> -> memref<1x125xi32, #tpu.memory_space<vmem>>
    %dma_start3A_79 = tpu.memref_squeeze %dma_start3A_78 : memref<1x125xi32, #tpu.memory_space<vmem>> -> memref<125xi32, #tpu.memory_space<vmem>>
    %dma_start3A_80 = arith.constant 0 : i32
    %dma_start3A_81 = arith.constant 0 : i32
    %dma_start3A_82 = tpu.memref_slice %arg2[%dma_start3A_80, %dma_start3A_81] : memref<10240x16xf32, #tpu.memory_space<hbm>> -> memref<10240x16xf32, #tpu.memory_space<hbm>>
    tpu.enqueue_indirect_dma source(%dma_start3A_82 : memref<10240x16xf32, #tpu.memory_space<hbm>>) target(%dma_start3A_76 : memref<125x16xf32, #tpu.memory_space<vmem>>) offsets(%dma_start3A_79 : memref<125xi32, #tpu.memory_space<vmem>>) semaphore(%arg15 : memref<!tpu.dma_semaphore, #tpu.memory_space<semaphore_mem>>)
    %scan3A_83 = arith.constant 0 : i32
    %scan3A_84 = arith.constant 0 : i32
    %scan3A_85 = arith.constant 7 : i32
    %scan3A_86 = arith.addi %scan3A_84, %scan3A_85 : i32
    %scan3A_87 = arith.constant 1 : i32
    %scan3A_88 = scf.for %scan3A_166 = %scan3A_84 to %scan3A_86 step %scan3A_87 iter_args(%scan3A_167 = %scan3A_83) -> (i32)  : i32 {
      %mul3A_168 = arith.constant 12 : i32
      %mul3A_169 = arith.muli %scan3A_166, %mul3A_168 : i32
      %add3A_170 = arith.constant 0 : i32
      %add3A_171 = arith.addi %mul3A_169, %add3A_170 : i32
      %lt3A = arith.constant 80 : i32
      %lt3A_172 = arith.cmpi slt, %add3A_171, %lt3A : i32
      %convert_element_type3A_173 = arith.extui %lt3A_172 : i1 to i32
      %cond3A_174 = arith.constant 0 : i32
      %cond3A_175 = arith.cmpi ne, %convert_element_type3A_173, %cond3A_174 : i32
      scf.if %cond3A_175 {
        %ge3A = arith.constant 6 : i32
        %ge3A_254 = arith.cmpi sge, %add3A_171, %ge3A : i32
        %convert_element_type3A_255 = arith.extui %ge3A_254 : i1 to i32
        %cond3A_256 = arith.constant 0 : i32
        %cond3A_257 = arith.cmpi ne, %convert_element_type3A_255, %cond3A_256 : i32
        scf.if %cond3A_257 {
          %sub3A = arith.constant 6 : i32
          %sub3A_287 = arith.subi %add3A_171, %sub3A : i32
          %dma_wait3A_288 = arith.constant 6 : i32
          %dma_wait3A_289 = arith.constant 0 : i32
          %dma_wait3A_290 = arith.constant 0 : i32
          %dma_wait3A_291 = tpu.memref_slice %arg7[%dma_wait3A_288, %dma_wait3A_289, %dma_wait3A_290] : memref<12x125x16xf32, #tpu.memory_space<vmem>> -> memref<1x125x16xf32, #tpu.memory_space<vmem>>
          %dma_wait3A_292 = tpu.memref_squeeze %dma_wait3A_291 : memref<1x125x16xf32, #tpu.memory_space<vmem>> -> memref<125x16xf32, #tpu.memory_space<vmem>>
          %dma_wait3A_293 = arith.constant 0 : i32
          %dma_wait3A_294 = tpu.memref_slice %arg6[%sub3A_287, %dma_wait3A_293] : memref<80x125xi32, #tpu.memory_space<vmem>> -> memref<1x125xi32, #tpu.memory_space<vmem>>
          %dma_wait3A_295 = tpu.memref_squeeze %dma_wait3A_294 : memref<1x125xi32, #tpu.memory_space<vmem>> -> memref<125xi32, #tpu.memory_space<vmem>>
          %dma_wait3A_296 = arith.constant 0 : i32
          %dma_wait3A_297 = arith.constant 0 : i32
          %dma_wait3A_298 = tpu.memref_slice %arg9[%dma_wait3A_296, %dma_wait3A_297] : memref<10240x16xf32, #tpu.memory_space<vmem_shared>> -> memref<10240x16xf32, #tpu.memory_space<vmem_shared>>
          tpu.wait_indirect_dma semaphore(%arg28 : memref<!tpu.dma_semaphore, #tpu.memory_space<semaphore_mem>>) src(%dma_wait3A_292 : memref<125x16xf32, #tpu.memory_space<vmem>>) dst(%dma_wait3A_298 : memref<10240x16xf32, #tpu.memory_space<vmem_shared>>)
        } else {
        }
        %add3A_258 = arith.constant 6 : i32
        %add3A_259 = arith.addi %add3A_171, %add3A_258 : i32
        %lt3A_260 = arith.constant 80 : i32
        %lt3A_261 = arith.cmpi slt, %add3A_259, %lt3A_260 : i32
        %convert_element_type3A_262 = arith.extui %lt3A_261 : i1 to i32
        %cond3A_263 = arith.constant 0 : i32
        %cond3A_264 = arith.cmpi ne, %convert_element_type3A_262, %cond3A_263 : i32
        scf.if %cond3A_264 {
          %add3A_287 = arith.constant 6 : i32
          %add3A_288 = arith.addi %add3A_171, %add3A_287 : i32
          %dma_start3A_289 = arith.constant 6 : i32
          %dma_start3A_290 = arith.constant 0 : i32
          %dma_start3A_291 = arith.constant 0 : i32
          %dma_start3A_292 = tpu.memref_slice %arg7[%dma_start3A_289, %dma_start3A_290, %dma_start3A_291] : memref<12x125x16xf32, #tpu.memory_space<vmem>> -> memref<1x125x16xf32, #tpu.memory_space<vmem>>
          %dma_start3A_293 = tpu.memref_squeeze %dma_start3A_292 : memref<1x125x16xf32, #tpu.memory_space<vmem>> -> memref<125x16xf32, #tpu.memory_space<vmem>>
          %dma_start3A_294 = arith.constant 0 : i32
          %dma_start3A_295 = tpu.memref_slice %arg5[%add3A_288, %dma_start3A_294] : memref<80x125xi32, #tpu.memory_space<vmem>> -> memref<1x125xi32, #tpu.memory_space<vmem>>
          %dma_start3A_296 = tpu.memref_squeeze %dma_start3A_295 : memref<1x125xi32, #tpu.memory_space<vmem>> -> memref<125xi32, #tpu.memory_space<vmem>>
          %dma_start3A_297 = arith.constant 0 : i32
          %dma_start3A_298 = arith.constant 0 : i32
          %dma_start3A_299 = tpu.memref_slice %arg2[%dma_start3A_297, %dma_start3A_298] : memref<10240x16xf32, #tpu.memory_space<hbm>> -> memref<10240x16xf32, #tpu.memory_space<hbm>>
          tpu.enqueue_indirect_dma source(%dma_start3A_299 : memref<10240x16xf32, #tpu.memory_space<hbm>>) target(%dma_start3A_293 : memref<125x16xf32, #tpu.memory_space<vmem>>) offsets(%dma_start3A_296 : memref<125xi32, #tpu.memory_space<vmem>>) semaphore(%arg16 : memref<!tpu.dma_semaphore, #tpu.memory_space<semaphore_mem>>)
        } else {
        }
        %dma_wait3A_265 = arith.constant 0 : i32
        %dma_wait3A_266 = arith.constant 0 : i32
        %dma_wait3A_267 = arith.constant 0 : i32
        %dma_wait3A_268 = tpu.memref_slice %arg7[%dma_wait3A_265, %dma_wait3A_266, %dma_wait3A_267] : memref<12x125x16xf32, #tpu.memory_space<vmem>> -> memref<1x125x16xf32, #tpu.memory_space<vmem>>
        %dma_wait3A_269 = tpu.memref_squeeze %dma_wait3A_268 : memref<1x125x16xf32, #tpu.memory_space<vmem>> -> memref<125x16xf32, #tpu.memory_space<vmem>>
        %dma_wait3A_270 = arith.constant 0 : i32
        %dma_wait3A_271 = tpu.memref_slice %arg5[%add3A_171, %dma_wait3A_270] : memref<80x125xi32, #tpu.memory_space<vmem>> -> memref<1x125xi32, #tpu.memory_space<vmem>>
        %dma_wait3A_272 = tpu.memref_squeeze %dma_wait3A_271 : memref<1x125xi32, #tpu.memory_space<vmem>> -> memref<125xi32, #tpu.memory_space<vmem>>
        %dma_wait3A_273 = arith.constant 0 : i32
        %dma_wait3A_274 = arith.constant 0 : i32
        %dma_wait3A_275 = tpu.memref_slice %arg2[%dma_wait3A_273, %dma_wait3A_274] : memref<10240x16xf32, #tpu.memory_space<hbm>> -> memref<10240x16xf32, #tpu.memory_space<hbm>>
        tpu.wait_indirect_dma semaphore(%arg10 : memref<!tpu.dma_semaphore, #tpu.memory_space<semaphore_mem>>) src(%dma_wait3A_275 : memref<10240x16xf32, #tpu.memory_space<hbm>>) dst(%dma_wait3A_269 : memref<125x16xf32, #tpu.memory_space<vmem>>)
        %dma_start3A_276 = arith.constant 0 : i32
        %dma_start3A_277 = arith.constant 0 : i32
        %dma_start3A_278 = arith.constant 0 : i32
        %dma_start3A_279 = tpu.memref_slice %arg7[%dma_start3A_276, %dma_start3A_277, %dma_start3A_278] : memref<12x125x16xf32, #tpu.memory_space<vmem>> -> memref<1x125x16xf32, #tpu.memory_space<vmem>>
        %dma_start3A_280 = tpu.memref_squeeze %dma_start3A_279 : memref<1x125x16xf32, #tpu.memory_space<vmem>> -> memref<125x16xf32, #tpu.memory_space<vmem>>
        %dma_start3A_281 = arith.constant 0 : i32
        %dma_start3A_282 = tpu.memref_slice %arg6[%add3A_171, %dma_start3A_281] : memref<80x125xi32, #tpu.memory_space<vmem>> -> memref<1x125xi32, #tpu.memory_space<vmem>>
        %dma_start3A_283 = tpu.memref_squeeze %dma_start3A_282 : memref<1x125xi32, #tpu.memory_space<vmem>> -> memref<125xi32, #tpu.memory_space<vmem>>
        %dma_start3A_284 = arith.constant 0 : i32
        %dma_start3A_285 = arith.constant 0 : i32
        %dma_start3A_286 = tpu.memref_slice %arg9[%dma_start3A_284, %dma_start3A_285] : memref<10240x16xf32, #tpu.memory_space<vmem_shared>> -> memref<10240x16xf32, #tpu.memory_space<vmem_shared>>
        tpu.enqueue_indirect_dma source(%dma_start3A_280 : memref<125x16xf32, #tpu.memory_space<vmem>>) target(%dma_start3A_286 : memref<10240x16xf32, #tpu.memory_space<vmem_shared>>) offsets(%dma_start3A_283 : memref<125xi32, #tpu.memory_space<vmem>>) semaphore(%arg22 : memref<!tpu.dma_semaphore, #tpu.memory_space<semaphore_mem>>) {add = true}
      } else {
      }
      %add3A_176 = arith.constant 1 : i32
      %add3A_177 = arith.addi %mul3A_169, %add3A_176 : i32
      %lt3A_178 = arith.constant 80 : i32
      %lt3A_179 = arith.cmpi slt, %add3A_177, %lt3A_178 : i32
      %convert_element_type3A_180 = arith.extui %lt3A_179 : i1 to i32
      %cond3A_181 = arith.constant 0 : i32
      %cond3A_182 = arith.cmpi ne, %convert_element_type3A_180, %cond3A_181 : i32
      scf.if %cond3A_182 {
        %ge3A = arith.constant 6 : i32
        %ge3A_254 = arith.cmpi sge, %add3A_177, %ge3A : i32
        %convert_element_type3A_255 = arith.extui %ge3A_254 : i1 to i32
        %cond3A_256 = arith.constant 0 : i32
        %cond3A_257 = arith.cmpi ne, %convert_element_type3A_255, %cond3A_256 : i32
        scf.if %cond3A_257 {
          %sub3A = arith.constant 6 : i32
          %sub3A_287 = arith.subi %add3A_177, %sub3A : i32
          %dma_wait3A_288 = arith.constant 7 : i32
          %dma_wait3A_289 = arith.constant 0 : i32
          %dma_wait3A_290 = arith.constant 0 : i32
          %dma_wait3A_291 = tpu.memref_slice %arg7[%dma_wait3A_288, %dma_wait3A_289, %dma_wait3A_290] : memref<12x125x16xf32, #tpu.memory_space<vmem>> -> memref<1x125x16xf32, #tpu.memory_space<vmem>>
          %dma_wait3A_292 = tpu.memref_squeeze %dma_wait3A_291 : memref<1x125x16xf32, #tpu.memory_space<vmem>> -> memref<125x16xf32, #tpu.memory_space<vmem>>
          %dma_wait3A_293 = arith.constant 0 : i32
          %dma_wait3A_294 = tpu.memref_slice %arg6[%sub3A_287, %dma_wait3A_293] : memref<80x125xi32, #tpu.memory_space<vmem>> -> memref<1x125xi32, #tpu.memory_space<vmem>>
          %dma_wait3A_295 = tpu.memref_squeeze %dma_wait3A_294 : memref<1x125xi32, #tpu.memory_space<vmem>> -> memref<125xi32, #tpu.memory_space<vmem>>
          %dma_wait3A_296 = arith.constant 0 : i32
          %dma_wait3A_297 = arith.constant 0 : i32
          %dma_wait3A_298 = tpu.memref_slice %arg9[%dma_wait3A_296, %dma_wait3A_297] : memref<10240x16xf32, #tpu.memory_space<vmem_shared>> -> memref<10240x16xf32, #tpu.memory_space<vmem_shared>>
          tpu.wait_indirect_dma semaphore(%arg29 : memref<!tpu.dma_semaphore, #tpu.memory_space<semaphore_mem>>) src(%dma_wait3A_292 : memref<125x16xf32, #tpu.memory_space<vmem>>) dst(%dma_wait3A_298 : memref<10240x16xf32, #tpu.memory_space<vmem_shared>>)
        } else {
        }
        %add3A_258 = arith.constant 6 : i32
        %add3A_259 = arith.addi %add3A_177, %add3A_258 : i32
        %lt3A_260 = arith.constant 80 : i32
        %lt3A_261 = arith.cmpi slt, %add3A_259, %lt3A_260 : i32
        %convert_element_type3A_262 = arith.extui %lt3A_261 : i1 to i32
        %cond3A_263 = arith.constant 0 : i32
        %cond3A_264 = arith.cmpi ne, %convert_element_type3A_262, %cond3A_263 : i32
        scf.if %cond3A_264 {
          %add3A_287 = arith.constant 6 : i32
          %add3A_288 = arith.addi %add3A_177, %add3A_287 : i32
          %dma_start3A_289 = arith.constant 7 : i32
          %dma_start3A_290 = arith.constant 0 : i32
          %dma_start3A_291 = arith.constant 0 : i32
          %dma_start3A_292 = tpu.memref_slice %arg7[%dma_start3A_289, %dma_start3A_290, %dma_start3A_291] : memref<12x125x16xf32, #tpu.memory_space<vmem>> -> memref<1x125x16xf32, #tpu.memory_space<vmem>>
          %dma_start3A_293 = tpu.memref_squeeze %dma_start3A_292 : memref<1x125x16xf32, #tpu.memory_space<vmem>> -> memref<125x16xf32, #tpu.memory_space<vmem>>
          %dma_start3A_294 = arith.constant 0 : i32
          %dma_start3A_295 = tpu.memref_slice %arg5[%add3A_288, %dma_start3A_294] : memref<80x125xi32, #tpu.memory_space<vmem>> -> memref<1x125xi32, #tpu.memory_space<vmem>>
          %dma_start3A_296 = tpu.memref_squeeze %dma_start3A_295 : memref<1x125xi32, #tpu.memory_space<vmem>> -> memref<125xi32, #tpu.memory_space<vmem>>
          %dma_start3A_297 = arith.constant 0 : i32
          %dma_start3A_298 = arith.constant 0 : i32
          %dma_start3A_299 = tpu.memref_slice %arg2[%dma_start3A_297, %dma_start3A_298] : memref<10240x16xf32, #tpu.memory_space<hbm>> -> memref<10240x16xf32, #tpu.memory_space<hbm>>
          tpu.enqueue_indirect_dma source(%dma_start3A_299 : memref<10240x16xf32, #tpu.memory_space<hbm>>) target(%dma_start3A_293 : memref<125x16xf32, #tpu.memory_space<vmem>>) offsets(%dma_start3A_296 : memref<125xi32, #tpu.memory_space<vmem>>) semaphore(%arg17 : memref<!tpu.dma_semaphore, #tpu.memory_space<semaphore_mem>>)
        } else {
        }
        %dma_wait3A_265 = arith.constant 1 : i32
        %dma_wait3A_266 = arith.constant 0 : i32
        %dma_wait3A_267 = arith.constant 0 : i32
        %dma_wait3A_268 = tpu.memref_slice %arg7[%dma_wait3A_265, %dma_wait3A_266, %dma_wait3A_267] : memref<12x125x16xf32, #tpu.memory_space<vmem>> -> memref<1x125x16xf32, #tpu.memory_space<vmem>>
        %dma_wait3A_269 = tpu.memref_squeeze %dma_wait3A_268 : memref<1x125x16xf32, #tpu.memory_space<vmem>> -> memref<125x16xf32, #tpu.memory_space<vmem>>
        %dma_wait3A_270 = arith.constant 0 : i32
        %dma_wait3A_271 = tpu.memref_slice %arg5[%add3A_177, %dma_wait3A_270] : memref<80x125xi32, #tpu.memory_space<vmem>> -> memref<1x125xi32, #tpu.memory_space<vmem>>
        %dma_wait3A_272 = tpu.memref_squeeze %dma_wait3A_271 : memref<1x125xi32, #tpu.memory_space<vmem>> -> memref<125xi32, #tpu.memory_space<vmem>>
        %dma_wait3A_273 = arith.constant 0 : i32
        %dma_wait3A_274 = arith.constant 0 : i32
        %dma_wait3A_275 = tpu.memref_slice %arg2[%dma_wait3A_273, %dma_wait3A_274] : memref<10240x16xf32, #tpu.memory_space<hbm>> -> memref<10240x16xf32, #tpu.memory_space<hbm>>
        tpu.wait_indirect_dma semaphore(%arg11 : memref<!tpu.dma_semaphore, #tpu.memory_space<semaphore_mem>>) src(%dma_wait3A_275 : memref<10240x16xf32, #tpu.memory_space<hbm>>) dst(%dma_wait3A_269 : memref<125x16xf32, #tpu.memory_space<vmem>>)
        %dma_start3A_276 = arith.constant 1 : i32
        %dma_start3A_277 = arith.constant 0 : i32
        %dma_start3A_278 = arith.constant 0 : i32
        %dma_start3A_279 = tpu.memref_slice %arg7[%dma_start3A_276, %dma_start3A_277, %dma_start3A_278] : memref<12x125x16xf32, #tpu.memory_space<vmem>> -> memref<1x125x16xf32, #tpu.memory_space<vmem>>
        %dma_start3A_280 = tpu.memref_squeeze %dma_start3A_279 : memref<1x125x16xf32, #tpu.memory_space<vmem>> -> memref<125x16xf32, #tpu.memory_space<vmem>>
        %dma_start3A_281 = arith.constant 0 : i32
        %dma_start3A_282 = tpu.memref_slice %arg6[%add3A_177, %dma_start3A_281] : memref<80x125xi32, #tpu.memory_space<vmem>> -> memref<1x125xi32, #tpu.memory_space<vmem>>
        %dma_start3A_283 = tpu.memref_squeeze %dma_start3A_282 : memref<1x125xi32, #tpu.memory_space<vmem>> -> memref<125xi32, #tpu.memory_space<vmem>>
        %dma_start3A_284 = arith.constant 0 : i32
        %dma_start3A_285 = arith.constant 0 : i32
        %dma_start3A_286 = tpu.memref_slice %arg9[%dma_start3A_284, %dma_start3A_285] : memref<10240x16xf32, #tpu.memory_space<vmem_shared>> -> memref<10240x16xf32, #tpu.memory_space<vmem_shared>>
        tpu.enqueue_indirect_dma source(%dma_start3A_280 : memref<125x16xf32, #tpu.memory_space<vmem>>) target(%dma_start3A_286 : memref<10240x16xf32, #tpu.memory_space<vmem_shared>>) offsets(%dma_start3A_283 : memref<125xi32, #tpu.memory_space<vmem>>) semaphore(%arg23 : memref<!tpu.dma_semaphore, #tpu.memory_space<semaphore_mem>>) {add = true}
      } else {
      }
      %add3A_183 = arith.constant 2 : i32
      %add3A_184 = arith.addi %mul3A_169, %add3A_183 : i32
      %lt3A_185 = arith.constant 80 : i32
      %lt3A_186 = arith.cmpi slt, %add3A_184, %lt3A_185 : i32
      %convert_element_type3A_187 = arith.extui %lt3A_186 : i1 to i32
      %cond3A_188 = arith.constant 0 : i32
      %cond3A_189 = arith.cmpi ne, %convert_element_type3A_187, %cond3A_188 : i32
      scf.if %cond3A_189 {
        %ge3A = arith.constant 6 : i32
        %ge3A_254 = arith.cmpi sge, %add3A_184, %ge3A : i32
        %convert_element_type3A_255 = arith.extui %ge3A_254 : i1 to i32
        %cond3A_256 = arith.constant 0 : i32
        %cond3A_257 = arith.cmpi ne, %convert_element_type3A_255, %cond3A_256 : i32
        scf.if %cond3A_257 {
          %sub3A = arith.constant 6 : i32
          %sub3A_287 = arith.subi %add3A_184, %sub3A : i32
          %dma_wait3A_288 = arith.constant 8 : i32
          %dma_wait3A_289 = arith.constant 0 : i32
          %dma_wait3A_290 = arith.constant 0 : i32
          %dma_wait3A_291 = tpu.memref_slice %arg7[%dma_wait3A_288, %dma_wait3A_289, %dma_wait3A_290] : memref<12x125x16xf32, #tpu.memory_space<vmem>> -> memref<1x125x16xf32, #tpu.memory_space<vmem>>
          %dma_wait3A_292 = tpu.memref_squeeze %dma_wait3A_291 : memref<1x125x16xf32, #tpu.memory_space<vmem>> -> memref<125x16xf32, #tpu.memory_space<vmem>>
          %dma_wait3A_293 = arith.constant 0 : i32
          %dma_wait3A_294 = tpu.memref_slice %arg6[%sub3A_287, %dma_wait3A_293] : memref<80x125xi32, #tpu.memory_space<vmem>> -> memref<1x125xi32, #tpu.memory_space<vmem>>
          %dma_wait3A_295 = tpu.memref_squeeze %dma_wait3A_294 : memref<1x125xi32, #tpu.memory_space<vmem>> -> memref<125xi32, #tpu.memory_space<vmem>>
          %dma_wait3A_296 = arith.constant 0 : i32
          %dma_wait3A_297 = arith.constant 0 : i32
          %dma_wait3A_298 = tpu.memref_slice %arg9[%dma_wait3A_296, %dma_wait3A_297] : memref<10240x16xf32, #tpu.memory_space<vmem_shared>> -> memref<10240x16xf32, #tpu.memory_space<vmem_shared>>
          tpu.wait_indirect_dma semaphore(%arg30 : memref<!tpu.dma_semaphore, #tpu.memory_space<semaphore_mem>>) src(%dma_wait3A_292 : memref<125x16xf32, #tpu.memory_space<vmem>>) dst(%dma_wait3A_298 : memref<10240x16xf32, #tpu.memory_space<vmem_shared>>)
        } else {
        }
        %add3A_258 = arith.constant 6 : i32
        %add3A_259 = arith.addi %add3A_184, %add3A_258 : i32
        %lt3A_260 = arith.constant 80 : i32
        %lt3A_261 = arith.cmpi slt, %add3A_259, %lt3A_260 : i32
        %convert_element_type3A_262 = arith.extui %lt3A_261 : i1 to i32
        %cond3A_263 = arith.constant 0 : i32
        %cond3A_264 = arith.cmpi ne, %convert_element_type3A_262, %cond3A_263 : i32
        scf.if %cond3A_264 {
          %add3A_287 = arith.constant 6 : i32
          %add3A_288 = arith.addi %add3A_184, %add3A_287 : i32
          %dma_start3A_289 = arith.constant 8 : i32
          %dma_start3A_290 = arith.constant 0 : i32
          %dma_start3A_291 = arith.constant 0 : i32
          %dma_start3A_292 = tpu.memref_slice %arg7[%dma_start3A_289, %dma_start3A_290, %dma_start3A_291] : memref<12x125x16xf32, #tpu.memory_space<vmem>> -> memref<1x125x16xf32, #tpu.memory_space<vmem>>
          %dma_start3A_293 = tpu.memref_squeeze %dma_start3A_292 : memref<1x125x16xf32, #tpu.memory_space<vmem>> -> memref<125x16xf32, #tpu.memory_space<vmem>>
          %dma_start3A_294 = arith.constant 0 : i32
          %dma_start3A_295 = tpu.memref_slice %arg5[%add3A_288, %dma_start3A_294] : memref<80x125xi32, #tpu.memory_space<vmem>> -> memref<1x125xi32, #tpu.memory_space<vmem>>
          %dma_start3A_296 = tpu.memref_squeeze %dma_start3A_295 : memref<1x125xi32, #tpu.memory_space<vmem>> -> memref<125xi32, #tpu.memory_space<vmem>>
          %dma_start3A_297 = arith.constant 0 : i32
          %dma_start3A_298 = arith.constant 0 : i32
          %dma_start3A_299 = tpu.memref_slice %arg2[%dma_start3A_297, %dma_start3A_298] : memref<10240x16xf32, #tpu.memory_space<hbm>> -> memref<10240x16xf32, #tpu.memory_space<hbm>>
          tpu.enqueue_indirect_dma source(%dma_start3A_299 : memref<10240x16xf32, #tpu.memory_space<hbm>>) target(%dma_start3A_293 : memref<125x16xf32, #tpu.memory_space<vmem>>) offsets(%dma_start3A_296 : memref<125xi32, #tpu.memory_space<vmem>>) semaphore(%arg18 : memref<!tpu.dma_semaphore, #tpu.memory_space<semaphore_mem>>)
        } else {
        }
        %dma_wait3A_265 = arith.constant 2 : i32
        %dma_wait3A_266 = arith.constant 0 : i32
        %dma_wait3A_267 = arith.constant 0 : i32
        %dma_wait3A_268 = tpu.memref_slice %arg7[%dma_wait3A_265, %dma_wait3A_266, %dma_wait3A_267] : memref<12x125x16xf32, #tpu.memory_space<vmem>> -> memref<1x125x16xf32, #tpu.memory_space<vmem>>
        %dma_wait3A_269 = tpu.memref_squeeze %dma_wait3A_268 : memref<1x125x16xf32, #tpu.memory_space<vmem>> -> memref<125x16xf32, #tpu.memory_space<vmem>>
        %dma_wait3A_270 = arith.constant 0 : i32
        %dma_wait3A_271 = tpu.memref_slice %arg5[%add3A_184, %dma_wait3A_270] : memref<80x125xi32, #tpu.memory_space<vmem>> -> memref<1x125xi32, #tpu.memory_space<vmem>>
        %dma_wait3A_272 = tpu.memref_squeeze %dma_wait3A_271 : memref<1x125xi32, #tpu.memory_space<vmem>> -> memref<125xi32, #tpu.memory_space<vmem>>
        %dma_wait3A_273 = arith.constant 0 : i32
        %dma_wait3A_274 = arith.constant 0 : i32
        %dma_wait3A_275 = tpu.memref_slice %arg2[%dma_wait3A_273, %dma_wait3A_274] : memref<10240x16xf32, #tpu.memory_space<hbm>> -> memref<10240x16xf32, #tpu.memory_space<hbm>>
        tpu.wait_indirect_dma semaphore(%arg12 : memref<!tpu.dma_semaphore, #tpu.memory_space<semaphore_mem>>) src(%dma_wait3A_275 : memref<10240x16xf32, #tpu.memory_space<hbm>>) dst(%dma_wait3A_269 : memref<125x16xf32, #tpu.memory_space<vmem>>)
        %dma_start3A_276 = arith.constant 2 : i32
        %dma_start3A_277 = arith.constant 0 : i32
        %dma_start3A_278 = arith.constant 0 : i32
        %dma_start3A_279 = tpu.memref_slice %arg7[%dma_start3A_276, %dma_start3A_277, %dma_start3A_278] : memref<12x125x16xf32, #tpu.memory_space<vmem>> -> memref<1x125x16xf32, #tpu.memory_space<vmem>>
        %dma_start3A_280 = tpu.memref_squeeze %dma_start3A_279 : memref<1x125x16xf32, #tpu.memory_space<vmem>> -> memref<125x16xf32, #tpu.memory_space<vmem>>
        %dma_start3A_281 = arith.constant 0 : i32
        %dma_start3A_282 = tpu.memref_slice %arg6[%add3A_184, %dma_start3A_281] : memref<80x125xi32, #tpu.memory_space<vmem>> -> memref<1x125xi32, #tpu.memory_space<vmem>>
        %dma_start3A_283 = tpu.memref_squeeze %dma_start3A_282 : memref<1x125xi32, #tpu.memory_space<vmem>> -> memref<125xi32, #tpu.memory_space<vmem>>
        %dma_start3A_284 = arith.constant 0 : i32
        %dma_start3A_285 = arith.constant 0 : i32
        %dma_start3A_286 = tpu.memref_slice %arg9[%dma_start3A_284, %dma_start3A_285] : memref<10240x16xf32, #tpu.memory_space<vmem_shared>> -> memref<10240x16xf32, #tpu.memory_space<vmem_shared>>
        tpu.enqueue_indirect_dma source(%dma_start3A_280 : memref<125x16xf32, #tpu.memory_space<vmem>>) target(%dma_start3A_286 : memref<10240x16xf32, #tpu.memory_space<vmem_shared>>) offsets(%dma_start3A_283 : memref<125xi32, #tpu.memory_space<vmem>>) semaphore(%arg24 : memref<!tpu.dma_semaphore, #tpu.memory_space<semaphore_mem>>) {add = true}
      } else {
      }
      %add3A_190 = arith.constant 3 : i32
      %add3A_191 = arith.addi %mul3A_169, %add3A_190 : i32
      %lt3A_192 = arith.constant 80 : i32
      %lt3A_193 = arith.cmpi slt, %add3A_191, %lt3A_192 : i32
      %convert_element_type3A_194 = arith.extui %lt3A_193 : i1 to i32
      %cond3A_195 = arith.constant 0 : i32
      %cond3A_196 = arith.cmpi ne, %convert_element_type3A_194, %cond3A_195 : i32
      scf.if %cond3A_196 {
        %ge3A = arith.constant 6 : i32
        %ge3A_254 = arith.cmpi sge, %add3A_191, %ge3A : i32
        %convert_element_type3A_255 = arith.extui %ge3A_254 : i1 to i32
        %cond3A_256 = arith.constant 0 : i32
        %cond3A_257 = arith.cmpi ne, %convert_element_type3A_255, %cond3A_256 : i32
        scf.if %cond3A_257 {
          %sub3A = arith.constant 6 : i32
          %sub3A_287 = arith.subi %add3A_191, %sub3A : i32
          %dma_wait3A_288 = arith.constant 9 : i32
          %dma_wait3A_289 = arith.constant 0 : i32
          %dma_wait3A_290 = arith.constant 0 : i32
          %dma_wait3A_291 = tpu.memref_slice %arg7[%dma_wait3A_288, %dma_wait3A_289, %dma_wait3A_290] : memref<12x125x16xf32, #tpu.memory_space<vmem>> -> memref<1x125x16xf32, #tpu.memory_space<vmem>>
          %dma_wait3A_292 = tpu.memref_squeeze %dma_wait3A_291 : memref<1x125x16xf32, #tpu.memory_space<vmem>> -> memref<125x16xf32, #tpu.memory_space<vmem>>
          %dma_wait3A_293 = arith.constant 0 : i32
          %dma_wait3A_294 = tpu.memref_slice %arg6[%sub3A_287, %dma_wait3A_293] : memref<80x125xi32, #tpu.memory_space<vmem>> -> memref<1x125xi32, #tpu.memory_space<vmem>>
          %dma_wait3A_295 = tpu.memref_squeeze %dma_wait3A_294 : memref<1x125xi32, #tpu.memory_space<vmem>> -> memref<125xi32, #tpu.memory_space<vmem>>
          %dma_wait3A_296 = arith.constant 0 : i32
          %dma_wait3A_297 = arith.constant 0 : i32
          %dma_wait3A_298 = tpu.memref_slice %arg9[%dma_wait3A_296, %dma_wait3A_297] : memref<10240x16xf32, #tpu.memory_space<vmem_shared>> -> memref<10240x16xf32, #tpu.memory_space<vmem_shared>>
          tpu.wait_indirect_dma semaphore(%arg31 : memref<!tpu.dma_semaphore, #tpu.memory_space<semaphore_mem>>) src(%dma_wait3A_292 : memref<125x16xf32, #tpu.memory_space<vmem>>) dst(%dma_wait3A_298 : memref<10240x16xf32, #tpu.memory_space<vmem_shared>>)
        } else {
        }
        %add3A_258 = arith.constant 6 : i32
        %add3A_259 = arith.addi %add3A_191, %add3A_258 : i32
        %lt3A_260 = arith.constant 80 : i32
        %lt3A_261 = arith.cmpi slt, %add3A_259, %lt3A_260 : i32
        %convert_element_type3A_262 = arith.extui %lt3A_261 : i1 to i32
        %cond3A_263 = arith.constant 0 : i32
        %cond3A_264 = arith.cmpi ne, %convert_element_type3A_262, %cond3A_263 : i32
        scf.if %cond3A_264 {
          %add3A_287 = arith.constant 6 : i32
          %add3A_288 = arith.addi %add3A_191, %add3A_287 : i32
          %dma_start3A_289 = arith.constant 9 : i32
          %dma_start3A_290 = arith.constant 0 : i32
          %dma_start3A_291 = arith.constant 0 : i32
          %dma_start3A_292 = tpu.memref_slice %arg7[%dma_start3A_289, %dma_start3A_290, %dma_start3A_291] : memref<12x125x16xf32, #tpu.memory_space<vmem>> -> memref<1x125x16xf32, #tpu.memory_space<vmem>>
          %dma_start3A_293 = tpu.memref_squeeze %dma_start3A_292 : memref<1x125x16xf32, #tpu.memory_space<vmem>> -> memref<125x16xf32, #tpu.memory_space<vmem>>
          %dma_start3A_294 = arith.constant 0 : i32
          %dma_start3A_295 = tpu.memref_slice %arg5[%add3A_288, %dma_start3A_294] : memref<80x125xi32, #tpu.memory_space<vmem>> -> memref<1x125xi32, #tpu.memory_space<vmem>>
          %dma_start3A_296 = tpu.memref_squeeze %dma_start3A_295 : memref<1x125xi32, #tpu.memory_space<vmem>> -> memref<125xi32, #tpu.memory_space<vmem>>
          %dma_start3A_297 = arith.constant 0 : i32
          %dma_start3A_298 = arith.constant 0 : i32
          %dma_start3A_299 = tpu.memref_slice %arg2[%dma_start3A_297, %dma_start3A_298] : memref<10240x16xf32, #tpu.memory_space<hbm>> -> memref<10240x16xf32, #tpu.memory_space<hbm>>
          tpu.enqueue_indirect_dma source(%dma_start3A_299 : memref<10240x16xf32, #tpu.memory_space<hbm>>) target(%dma_start3A_293 : memref<125x16xf32, #tpu.memory_space<vmem>>) offsets(%dma_start3A_296 : memref<125xi32, #tpu.memory_space<vmem>>) semaphore(%arg19 : memref<!tpu.dma_semaphore, #tpu.memory_space<semaphore_mem>>)
        } else {
        }
        %dma_wait3A_265 = arith.constant 3 : i32
        %dma_wait3A_266 = arith.constant 0 : i32
        %dma_wait3A_267 = arith.constant 0 : i32
        %dma_wait3A_268 = tpu.memref_slice %arg7[%dma_wait3A_265, %dma_wait3A_266, %dma_wait3A_267] : memref<12x125x16xf32, #tpu.memory_space<vmem>> -> memref<1x125x16xf32, #tpu.memory_space<vmem>>
        %dma_wait3A_269 = tpu.memref_squeeze %dma_wait3A_268 : memref<1x125x16xf32, #tpu.memory_space<vmem>> -> memref<125x16xf32, #tpu.memory_space<vmem>>
        %dma_wait3A_270 = arith.constant 0 : i32
        %dma_wait3A_271 = tpu.memref_slice %arg5[%add3A_191, %dma_wait3A_270] : memref<80x125xi32, #tpu.memory_space<vmem>> -> memref<1x125xi32, #tpu.memory_space<vmem>>
        %dma_wait3A_272 = tpu.memref_squeeze %dma_wait3A_271 : memref<1x125xi32, #tpu.memory_space<vmem>> -> memref<125xi32, #tpu.memory_space<vmem>>
        %dma_wait3A_273 = arith.constant 0 : i32
        %dma_wait3A_274 = arith.constant 0 : i32
        %dma_wait3A_275 = tpu.memref_slice %arg2[%dma_wait3A_273, %dma_wait3A_274] : memref<10240x16xf32, #tpu.memory_space<hbm>> -> memref<10240x16xf32, #tpu.memory_space<hbm>>
        tpu.wait_indirect_dma semaphore(%arg13 : memref<!tpu.dma_semaphore, #tpu.memory_space<semaphore_mem>>) src(%dma_wait3A_275 : memref<10240x16xf32, #tpu.memory_space<hbm>>) dst(%dma_wait3A_269 : memref<125x16xf32, #tpu.memory_space<vmem>>)
        %dma_start3A_276 = arith.constant 3 : i32
        %dma_start3A_277 = arith.constant 0 : i32
        %dma_start3A_278 = arith.constant 0 : i32
        %dma_start3A_279 = tpu.memref_slice %arg7[%dma_start3A_276, %dma_start3A_277, %dma_start3A_278] : memref<12x125x16xf32, #tpu.memory_space<vmem>> -> memref<1x125x16xf32, #tpu.memory_space<vmem>>
        %dma_start3A_280 = tpu.memref_squeeze %dma_start3A_279 : memref<1x125x16xf32, #tpu.memory_space<vmem>> -> memref<125x16xf32, #tpu.memory_space<vmem>>
        %dma_start3A_281 = arith.constant 0 : i32
        %dma_start3A_282 = tpu.memref_slice %arg6[%add3A_191, %dma_start3A_281] : memref<80x125xi32, #tpu.memory_space<vmem>> -> memref<1x125xi32, #tpu.memory_space<vmem>>
        %dma_start3A_283 = tpu.memref_squeeze %dma_start3A_282 : memref<1x125xi32, #tpu.memory_space<vmem>> -> memref<125xi32, #tpu.memory_space<vmem>>
        %dma_start3A_284 = arith.constant 0 : i32
        %dma_start3A_285 = arith.constant 0 : i32
        %dma_start3A_286 = tpu.memref_slice %arg9[%dma_start3A_284, %dma_start3A_285] : memref<10240x16xf32, #tpu.memory_space<vmem_shared>> -> memref<10240x16xf32, #tpu.memory_space<vmem_shared>>
        tpu.enqueue_indirect_dma source(%dma_start3A_280 : memref<125x16xf32, #tpu.memory_space<vmem>>) target(%dma_start3A_286 : memref<10240x16xf32, #tpu.memory_space<vmem_shared>>) offsets(%dma_start3A_283 : memref<125xi32, #tpu.memory_space<vmem>>) semaphore(%arg25 : memref<!tpu.dma_semaphore, #tpu.memory_space<semaphore_mem>>) {add = true}
      } else {
      }
      %add3A_197 = arith.constant 4 : i32
      %add3A_198 = arith.addi %mul3A_169, %add3A_197 : i32
      %lt3A_199 = arith.constant 80 : i32
      %lt3A_200 = arith.cmpi slt, %add3A_198, %lt3A_199 : i32
      %convert_element_type3A_201 = arith.extui %lt3A_200 : i1 to i32
      %cond3A_202 = arith.constant 0 : i32
      %cond3A_203 = arith.cmpi ne, %convert_element_type3A_201, %cond3A_202 : i32
      scf.if %cond3A_203 {
        %ge3A = arith.constant 6 : i32
        %ge3A_254 = arith.cmpi sge, %add3A_198, %ge3A : i32
        %convert_element_type3A_255 = arith.extui %ge3A_254 : i1 to i32
        %cond3A_256 = arith.constant 0 : i32
        %cond3A_257 = arith.cmpi ne, %convert_element_type3A_255, %cond3A_256 : i32
        scf.if %cond3A_257 {
          %sub3A = arith.constant 6 : i32
          %sub3A_287 = arith.subi %add3A_198, %sub3A : i32
          %dma_wait3A_288 = arith.constant 10 : i32
          %dma_wait3A_289 = arith.constant 0 : i32
          %dma_wait3A_290 = arith.constant 0 : i32
          %dma_wait3A_291 = tpu.memref_slice %arg7[%dma_wait3A_288, %dma_wait3A_289, %dma_wait3A_290] : memref<12x125x16xf32, #tpu.memory_space<vmem>> -> memref<1x125x16xf32, #tpu.memory_space<vmem>>
          %dma_wait3A_292 = tpu.memref_squeeze %dma_wait3A_291 : memref<1x125x16xf32, #tpu.memory_space<vmem>> -> memref<125x16xf32, #tpu.memory_space<vmem>>
          %dma_wait3A_293 = arith.constant 0 : i32
          %dma_wait3A_294 = tpu.memref_slice %arg6[%sub3A_287, %dma_wait3A_293] : memref<80x125xi32, #tpu.memory_space<vmem>> -> memref<1x125xi32, #tpu.memory_space<vmem>>
          %dma_wait3A_295 = tpu.memref_squeeze %dma_wait3A_294 : memref<1x125xi32, #tpu.memory_space<vmem>> -> memref<125xi32, #tpu.memory_space<vmem>>
          %dma_wait3A_296 = arith.constant 0 : i32
          %dma_wait3A_297 = arith.constant 0 : i32
          %dma_wait3A_298 = tpu.memref_slice %arg9[%dma_wait3A_296, %dma_wait3A_297] : memref<10240x16xf32, #tpu.memory_space<vmem_shared>> -> memref<10240x16xf32, #tpu.memory_space<vmem_shared>>
          tpu.wait_indirect_dma semaphore(%arg32 : memref<!tpu.dma_semaphore, #tpu.memory_space<semaphore_mem>>) src(%dma_wait3A_292 : memref<125x16xf32, #tpu.memory_space<vmem>>) dst(%dma_wait3A_298 : memref<10240x16xf32, #tpu.memory_space<vmem_shared>>)
        } else {
        }
        %add3A_258 = arith.constant 6 : i32
        %add3A_259 = arith.addi %add3A_198, %add3A_258 : i32
        %lt3A_260 = arith.constant 80 : i32
        %lt3A_261 = arith.cmpi slt, %add3A_259, %lt3A_260 : i32
        %convert_element_type3A_262 = arith.extui %lt3A_261 : i1 to i32
        %cond3A_263 = arith.constant 0 : i32
        %cond3A_264 = arith.cmpi ne, %convert_element_type3A_262, %cond3A_263 : i32
        scf.if %cond3A_264 {
          %add3A_287 = arith.constant 6 : i32
          %add3A_288 = arith.addi %add3A_198, %add3A_287 : i32
          %dma_start3A_289 = arith.constant 10 : i32
          %dma_start3A_290 = arith.constant 0 : i32
          %dma_start3A_291 = arith.constant 0 : i32
          %dma_start3A_292 = tpu.memref_slice %arg7[%dma_start3A_289, %dma_start3A_290, %dma_start3A_291] : memref<12x125x16xf32, #tpu.memory_space<vmem>> -> memref<1x125x16xf32, #tpu.memory_space<vmem>>
          %dma_start3A_293 = tpu.memref_squeeze %dma_start3A_292 : memref<1x125x16xf32, #tpu.memory_space<vmem>> -> memref<125x16xf32, #tpu.memory_space<vmem>>
          %dma_start3A_294 = arith.constant 0 : i32
          %dma_start3A_295 = tpu.memref_slice %arg5[%add3A_288, %dma_start3A_294] : memref<80x125xi32, #tpu.memory_space<vmem>> -> memref<1x125xi32, #tpu.memory_space<vmem>>
          %dma_start3A_296 = tpu.memref_squeeze %dma_start3A_295 : memref<1x125xi32, #tpu.memory_space<vmem>> -> memref<125xi32, #tpu.memory_space<vmem>>
          %dma_start3A_297 = arith.constant 0 : i32
          %dma_start3A_298 = arith.constant 0 : i32
          %dma_start3A_299 = tpu.memref_slice %arg2[%dma_start3A_297, %dma_start3A_298] : memref<10240x16xf32, #tpu.memory_space<hbm>> -> memref<10240x16xf32, #tpu.memory_space<hbm>>
          tpu.enqueue_indirect_dma source(%dma_start3A_299 : memref<10240x16xf32, #tpu.memory_space<hbm>>) target(%dma_start3A_293 : memref<125x16xf32, #tpu.memory_space<vmem>>) offsets(%dma_start3A_296 : memref<125xi32, #tpu.memory_space<vmem>>) semaphore(%arg20 : memref<!tpu.dma_semaphore, #tpu.memory_space<semaphore_mem>>)
        } else {
        }
        %dma_wait3A_265 = arith.constant 4 : i32
        %dma_wait3A_266 = arith.constant 0 : i32
        %dma_wait3A_267 = arith.constant 0 : i32
        %dma_wait3A_268 = tpu.memref_slice %arg7[%dma_wait3A_265, %dma_wait3A_266, %dma_wait3A_267] : memref<12x125x16xf32, #tpu.memory_space<vmem>> -> memref<1x125x16xf32, #tpu.memory_space<vmem>>
        %dma_wait3A_269 = tpu.memref_squeeze %dma_wait3A_268 : memref<1x125x16xf32, #tpu.memory_space<vmem>> -> memref<125x16xf32, #tpu.memory_space<vmem>>
        %dma_wait3A_270 = arith.constant 0 : i32
        %dma_wait3A_271 = tpu.memref_slice %arg5[%add3A_198, %dma_wait3A_270] : memref<80x125xi32, #tpu.memory_space<vmem>> -> memref<1x125xi32, #tpu.memory_space<vmem>>
        %dma_wait3A_272 = tpu.memref_squeeze %dma_wait3A_271 : memref<1x125xi32, #tpu.memory_space<vmem>> -> memref<125xi32, #tpu.memory_space<vmem>>
        %dma_wait3A_273 = arith.constant 0 : i32
        %dma_wait3A_274 = arith.constant 0 : i32
        %dma_wait3A_275 = tpu.memref_slice %arg2[%dma_wait3A_273, %dma_wait3A_274] : memref<10240x16xf32, #tpu.memory_space<hbm>> -> memref<10240x16xf32, #tpu.memory_space<hbm>>
        tpu.wait_indirect_dma semaphore(%arg14 : memref<!tpu.dma_semaphore, #tpu.memory_space<semaphore_mem>>) src(%dma_wait3A_275 : memref<10240x16xf32, #tpu.memory_space<hbm>>) dst(%dma_wait3A_269 : memref<125x16xf32, #tpu.memory_space<vmem>>)
        %dma_start3A_276 = arith.constant 4 : i32
        %dma_start3A_277 = arith.constant 0 : i32
        %dma_start3A_278 = arith.constant 0 : i32
        %dma_start3A_279 = tpu.memref_slice %arg7[%dma_start3A_276, %dma_start3A_277, %dma_start3A_278] : memref<12x125x16xf32, #tpu.memory_space<vmem>> -> memref<1x125x16xf32, #tpu.memory_space<vmem>>
        %dma_start3A_280 = tpu.memref_squeeze %dma_start3A_279 : memref<1x125x16xf32, #tpu.memory_space<vmem>> -> memref<125x16xf32, #tpu.memory_space<vmem>>
        %dma_start3A_281 = arith.constant 0 : i32
        %dma_start3A_282 = tpu.memref_slice %arg6[%add3A_198, %dma_start3A_281] : memref<80x125xi32, #tpu.memory_space<vmem>> -> memref<1x125xi32, #tpu.memory_space<vmem>>
        %dma_start3A_283 = tpu.memref_squeeze %dma_start3A_282 : memref<1x125xi32, #tpu.memory_space<vmem>> -> memref<125xi32, #tpu.memory_space<vmem>>
        %dma_start3A_284 = arith.constant 0 : i32
        %dma_start3A_285 = arith.constant 0 : i32
        %dma_start3A_286 = tpu.memref_slice %arg9[%dma_start3A_284, %dma_start3A_285] : memref<10240x16xf32, #tpu.memory_space<vmem_shared>> -> memref<10240x16xf32, #tpu.memory_space<vmem_shared>>
        tpu.enqueue_indirect_dma source(%dma_start3A_280 : memref<125x16xf32, #tpu.memory_space<vmem>>) target(%dma_start3A_286 : memref<10240x16xf32, #tpu.memory_space<vmem_shared>>) offsets(%dma_start3A_283 : memref<125xi32, #tpu.memory_space<vmem>>) semaphore(%arg26 : memref<!tpu.dma_semaphore, #tpu.memory_space<semaphore_mem>>) {add = true}
      } else {
      }
      %add3A_204 = arith.constant 5 : i32
      %add3A_205 = arith.addi %mul3A_169, %add3A_204 : i32
      %lt3A_206 = arith.constant 80 : i32
      %lt3A_207 = arith.cmpi slt, %add3A_205, %lt3A_206 : i32
      %convert_element_type3A_208 = arith.extui %lt3A_207 : i1 to i32
      %cond3A_209 = arith.constant 0 : i32
      %cond3A_210 = arith.cmpi ne, %convert_element_type3A_208, %cond3A_209 : i32
      scf.if %cond3A_210 {
        %ge3A = arith.constant 6 : i32
        %ge3A_254 = arith.cmpi sge, %add3A_205, %ge3A : i32
        %convert_element_type3A_255 = arith.extui %ge3A_254 : i1 to i32
        %cond3A_256 = arith.constant 0 : i32
        %cond3A_257 = arith.cmpi ne, %convert_element_type3A_255, %cond3A_256 : i32
        scf.if %cond3A_257 {
          %sub3A = arith.constant 6 : i32
          %sub3A_287 = arith.subi %add3A_205, %sub3A : i32
          %dma_wait3A_288 = arith.constant 11 : i32
          %dma_wait3A_289 = arith.constant 0 : i32
          %dma_wait3A_290 = arith.constant 0 : i32
          %dma_wait3A_291 = tpu.memref_slice %arg7[%dma_wait3A_288, %dma_wait3A_289, %dma_wait3A_290] : memref<12x125x16xf32, #tpu.memory_space<vmem>> -> memref<1x125x16xf32, #tpu.memory_space<vmem>>
          %dma_wait3A_292 = tpu.memref_squeeze %dma_wait3A_291 : memref<1x125x16xf32, #tpu.memory_space<vmem>> -> memref<125x16xf32, #tpu.memory_space<vmem>>
          %dma_wait3A_293 = arith.constant 0 : i32
          %dma_wait3A_294 = tpu.memref_slice %arg6[%sub3A_287, %dma_wait3A_293] : memref<80x125xi32, #tpu.memory_space<vmem>> -> memref<1x125xi32, #tpu.memory_space<vmem>>
          %dma_wait3A_295 = tpu.memref_squeeze %dma_wait3A_294 : memref<1x125xi32, #tpu.memory_space<vmem>> -> memref<125xi32, #tpu.memory_space<vmem>>
          %dma_wait3A_296 = arith.constant 0 : i32
          %dma_wait3A_297 = arith.constant 0 : i32
          %dma_wait3A_298 = tpu.memref_slice %arg9[%dma_wait3A_296, %dma_wait3A_297] : memref<10240x16xf32, #tpu.memory_space<vmem_shared>> -> memref<10240x16xf32, #tpu.memory_space<vmem_shared>>
          tpu.wait_indirect_dma semaphore(%arg33 : memref<!tpu.dma_semaphore, #tpu.memory_space<semaphore_mem>>) src(%dma_wait3A_292 : memref<125x16xf32, #tpu.memory_space<vmem>>) dst(%dma_wait3A_298 : memref<10240x16xf32, #tpu.memory_space<vmem_shared>>)
        } else {
        }
        %add3A_258 = arith.constant 6 : i32
        %add3A_259 = arith.addi %add3A_205, %add3A_258 : i32
        %lt3A_260 = arith.constant 80 : i32
        %lt3A_261 = arith.cmpi slt, %add3A_259, %lt3A_260 : i32
        %convert_element_type3A_262 = arith.extui %lt3A_261 : i1 to i32
        %cond3A_263 = arith.constant 0 : i32
        %cond3A_264 = arith.cmpi ne, %convert_element_type3A_262, %cond3A_263 : i32
        scf.if %cond3A_264 {
          %add3A_287 = arith.constant 6 : i32
          %add3A_288 = arith.addi %add3A_205, %add3A_287 : i32
          %dma_start3A_289 = arith.constant 11 : i32
          %dma_start3A_290 = arith.constant 0 : i32
          %dma_start3A_291 = arith.constant 0 : i32
          %dma_start3A_292 = tpu.memref_slice %arg7[%dma_start3A_289, %dma_start3A_290, %dma_start3A_291] : memref<12x125x16xf32, #tpu.memory_space<vmem>> -> memref<1x125x16xf32, #tpu.memory_space<vmem>>
          %dma_start3A_293 = tpu.memref_squeeze %dma_start3A_292 : memref<1x125x16xf32, #tpu.memory_space<vmem>> -> memref<125x16xf32, #tpu.memory_space<vmem>>
          %dma_start3A_294 = arith.constant 0 : i32
          %dma_start3A_295 = tpu.memref_slice %arg5[%add3A_288, %dma_start3A_294] : memref<80x125xi32, #tpu.memory_space<vmem>> -> memref<1x125xi32, #tpu.memory_space<vmem>>
          %dma_start3A_296 = tpu.memref_squeeze %dma_start3A_295 : memref<1x125xi32, #tpu.memory_space<vmem>> -> memref<125xi32, #tpu.memory_space<vmem>>
          %dma_start3A_297 = arith.constant 0 : i32
          %dma_start3A_298 = arith.constant 0 : i32
          %dma_start3A_299 = tpu.memref_slice %arg2[%dma_start3A_297, %dma_start3A_298] : memref<10240x16xf32, #tpu.memory_space<hbm>> -> memref<10240x16xf32, #tpu.memory_space<hbm>>
          tpu.enqueue_indirect_dma source(%dma_start3A_299 : memref<10240x16xf32, #tpu.memory_space<hbm>>) target(%dma_start3A_293 : memref<125x16xf32, #tpu.memory_space<vmem>>) offsets(%dma_start3A_296 : memref<125xi32, #tpu.memory_space<vmem>>) semaphore(%arg21 : memref<!tpu.dma_semaphore, #tpu.memory_space<semaphore_mem>>)
        } else {
        }
        %dma_wait3A_265 = arith.constant 5 : i32
        %dma_wait3A_266 = arith.constant 0 : i32
        %dma_wait3A_267 = arith.constant 0 : i32
        %dma_wait3A_268 = tpu.memref_slice %arg7[%dma_wait3A_265, %dma_wait3A_266, %dma_wait3A_267] : memref<12x125x16xf32, #tpu.memory_space<vmem>> -> memref<1x125x16xf32, #tpu.memory_space<vmem>>
        %dma_wait3A_269 = tpu.memref_squeeze %dma_wait3A_268 : memref<1x125x16xf32, #tpu.memory_space<vmem>> -> memref<125x16xf32, #tpu.memory_space<vmem>>
        %dma_wait3A_270 = arith.constant 0 : i32
        %dma_wait3A_271 = tpu.memref_slice %arg5[%add3A_205, %dma_wait3A_270] : memref<80x125xi32, #tpu.memory_space<vmem>> -> memref<1x125xi32, #tpu.memory_space<vmem>>
        %dma_wait3A_272 = tpu.memref_squeeze %dma_wait3A_271 : memref<1x125xi32, #tpu.memory_space<vmem>> -> memref<125xi32, #tpu.memory_space<vmem>>
        %dma_wait3A_273 = arith.constant 0 : i32
        %dma_wait3A_274 = arith.constant 0 : i32
        %dma_wait3A_275 = tpu.memref_slice %arg2[%dma_wait3A_273, %dma_wait3A_274] : memref<10240x16xf32, #tpu.memory_space<hbm>> -> memref<10240x16xf32, #tpu.memory_space<hbm>>
        tpu.wait_indirect_dma semaphore(%arg15 : memref<!tpu.dma_semaphore, #tpu.memory_space<semaphore_mem>>) src(%dma_wait3A_275 : memref<10240x16xf32, #tpu.memory_space<hbm>>) dst(%dma_wait3A_269 : memref<125x16xf32, #tpu.memory_space<vmem>>)
        %dma_start3A_276 = arith.constant 5 : i32
        %dma_start3A_277 = arith.constant 0 : i32
        %dma_start3A_278 = arith.constant 0 : i32
        %dma_start3A_279 = tpu.memref_slice %arg7[%dma_start3A_276, %dma_start3A_277, %dma_start3A_278] : memref<12x125x16xf32, #tpu.memory_space<vmem>> -> memref<1x125x16xf32, #tpu.memory_space<vmem>>
        %dma_start3A_280 = tpu.memref_squeeze %dma_start3A_279 : memref<1x125x16xf32, #tpu.memory_space<vmem>> -> memref<125x16xf32, #tpu.memory_space<vmem>>
        %dma_start3A_281 = arith.constant 0 : i32
        %dma_start3A_282 = tpu.memref_slice %arg6[%add3A_205, %dma_start3A_281] : memref<80x125xi32, #tpu.memory_space<vmem>> -> memref<1x125xi32, #tpu.memory_space<vmem>>
        %dma_start3A_283 = tpu.memref_squeeze %dma_start3A_282 : memref<1x125xi32, #tpu.memory_space<vmem>> -> memref<125xi32, #tpu.memory_space<vmem>>
        %dma_start3A_284 = arith.constant 0 : i32
        %dma_start3A_285 = arith.constant 0 : i32
        %dma_start3A_286 = tpu.memref_slice %arg9[%dma_start3A_284, %dma_start3A_285] : memref<10240x16xf32, #tpu.memory_space<vmem_shared>> -> memref<10240x16xf32, #tpu.memory_space<vmem_shared>>
        tpu.enqueue_indirect_dma source(%dma_start3A_280 : memref<125x16xf32, #tpu.memory_space<vmem>>) target(%dma_start3A_286 : memref<10240x16xf32, #tpu.memory_space<vmem_shared>>) offsets(%dma_start3A_283 : memref<125xi32, #tpu.memory_space<vmem>>) semaphore(%arg27 : memref<!tpu.dma_semaphore, #tpu.memory_space<semaphore_mem>>) {add = true}
      } else {
      }
      %add3A_211 = arith.constant 6 : i32
      %add3A_212 = arith.addi %mul3A_169, %add3A_211 : i32
      %lt3A_213 = arith.constant 80 : i32
      %lt3A_214 = arith.cmpi slt, %add3A_212, %lt3A_213 : i32
      %convert_element_type3A_215 = arith.extui %lt3A_214 : i1 to i32
      %cond3A_216 = arith.constant 0 : i32
      %cond3A_217 = arith.cmpi ne, %convert_element_type3A_215, %cond3A_216 : i32
      scf.if %cond3A_217 {
        %ge3A = arith.constant 6 : i32
        %ge3A_254 = arith.cmpi sge, %add3A_212, %ge3A : i32
        %convert_element_type3A_255 = arith.extui %ge3A_254 : i1 to i32
        %cond3A_256 = arith.constant 0 : i32
        %cond3A_257 = arith.cmpi ne, %convert_element_type3A_255, %cond3A_256 : i32
        scf.if %cond3A_257 {
          %sub3A = arith.constant 6 : i32
          %sub3A_287 = arith.subi %add3A_212, %sub3A : i32
          %dma_wait3A_288 = arith.constant 0 : i32
          %dma_wait3A_289 = arith.constant 0 : i32
          %dma_wait3A_290 = arith.constant 0 : i32
          %dma_wait3A_291 = tpu.memref_slice %arg7[%dma_wait3A_288, %dma_wait3A_289, %dma_wait3A_290] : memref<12x125x16xf32, #tpu.memory_space<vmem>> -> memref<1x125x16xf32, #tpu.memory_space<vmem>>
          %dma_wait3A_292 = tpu.memref_squeeze %dma_wait3A_291 : memref<1x125x16xf32, #tpu.memory_space<vmem>> -> memref<125x16xf32, #tpu.memory_space<vmem>>
          %dma_wait3A_293 = arith.constant 0 : i32
          %dma_wait3A_294 = tpu.memref_slice %arg6[%sub3A_287, %dma_wait3A_293] : memref<80x125xi32, #tpu.memory_space<vmem>> -> memref<1x125xi32, #tpu.memory_space<vmem>>
          %dma_wait3A_295 = tpu.memref_squeeze %dma_wait3A_294 : memref<1x125xi32, #tpu.memory_space<vmem>> -> memref<125xi32, #tpu.memory_space<vmem>>
          %dma_wait3A_296 = arith.constant 0 : i32
          %dma_wait3A_297 = arith.constant 0 : i32
          %dma_wait3A_298 = tpu.memref_slice %arg9[%dma_wait3A_296, %dma_wait3A_297] : memref<10240x16xf32, #tpu.memory_space<vmem_shared>> -> memref<10240x16xf32, #tpu.memory_space<vmem_shared>>
          tpu.wait_indirect_dma semaphore(%arg22 : memref<!tpu.dma_semaphore, #tpu.memory_space<semaphore_mem>>) src(%dma_wait3A_292 : memref<125x16xf32, #tpu.memory_space<vmem>>) dst(%dma_wait3A_298 : memref<10240x16xf32, #tpu.memory_space<vmem_shared>>)
        } else {
        }
        %add3A_258 = arith.constant 6 : i32
        %add3A_259 = arith.addi %add3A_212, %add3A_258 : i32
        %lt3A_260 = arith.constant 80 : i32
        %lt3A_261 = arith.cmpi slt, %add3A_259, %lt3A_260 : i32
        %convert_element_type3A_262 = arith.extui %lt3A_261 : i1 to i32
        %cond3A_263 = arith.constant 0 : i32
        %cond3A_264 = arith.cmpi ne, %convert_element_type3A_262, %cond3A_263 : i32
        scf.if %cond3A_264 {
          %add3A_287 = arith.constant 6 : i32
          %add3A_288 = arith.addi %add3A_212, %add3A_287 : i32
          %dma_start3A_289 = arith.constant 0 : i32
          %dma_start3A_290 = arith.constant 0 : i32
          %dma_start3A_291 = arith.constant 0 : i32
          %dma_start3A_292 = tpu.memref_slice %arg7[%dma_start3A_289, %dma_start3A_290, %dma_start3A_291] : memref<12x125x16xf32, #tpu.memory_space<vmem>> -> memref<1x125x16xf32, #tpu.memory_space<vmem>>
          %dma_start3A_293 = tpu.memref_squeeze %dma_start3A_292 : memref<1x125x16xf32, #tpu.memory_space<vmem>> -> memref<125x16xf32, #tpu.memory_space<vmem>>
          %dma_start3A_294 = arith.constant 0 : i32
          %dma_start3A_295 = tpu.memref_slice %arg5[%add3A_288, %dma_start3A_294] : memref<80x125xi32, #tpu.memory_space<vmem>> -> memref<1x125xi32, #tpu.memory_space<vmem>>
          %dma_start3A_296 = tpu.memref_squeeze %dma_start3A_295 : memref<1x125xi32, #tpu.memory_space<vmem>> -> memref<125xi32, #tpu.memory_space<vmem>>
          %dma_start3A_297 = arith.constant 0 : i32
          %dma_start3A_298 = arith.constant 0 : i32
          %dma_start3A_299 = tpu.memref_slice %arg2[%dma_start3A_297, %dma_start3A_298] : memref<10240x16xf32, #tpu.memory_space<hbm>> -> memref<10240x16xf32, #tpu.memory_space<hbm>>
          tpu.enqueue_indirect_dma source(%dma_start3A_299 : memref<10240x16xf32, #tpu.memory_space<hbm>>) target(%dma_start3A_293 : memref<125x16xf32, #tpu.memory_space<vmem>>) offsets(%dma_start3A_296 : memref<125xi32, #tpu.memory_space<vmem>>) semaphore(%arg10 : memref<!tpu.dma_semaphore, #tpu.memory_space<semaphore_mem>>)
        } else {
        }
        %dma_wait3A_265 = arith.constant 6 : i32
        %dma_wait3A_266 = arith.constant 0 : i32
        %dma_wait3A_267 = arith.constant 0 : i32
        %dma_wait3A_268 = tpu.memref_slice %arg7[%dma_wait3A_265, %dma_wait3A_266, %dma_wait3A_267] : memref<12x125x16xf32, #tpu.memory_space<vmem>> -> memref<1x125x16xf32, #tpu.memory_space<vmem>>
        %dma_wait3A_269 = tpu.memref_squeeze %dma_wait3A_268 : memref<1x125x16xf32, #tpu.memory_space<vmem>> -> memref<125x16xf32, #tpu.memory_space<vmem>>
        %dma_wait3A_270 = arith.constant 0 : i32
        %dma_wait3A_271 = tpu.memref_slice %arg5[%add3A_212, %dma_wait3A_270] : memref<80x125xi32, #tpu.memory_space<vmem>> -> memref<1x125xi32, #tpu.memory_space<vmem>>
        %dma_wait3A_272 = tpu.memref_squeeze %dma_wait3A_271 : memref<1x125xi32, #tpu.memory_space<vmem>> -> memref<125xi32, #tpu.memory_space<vmem>>
        %dma_wait3A_273 = arith.constant 0 : i32
        %dma_wait3A_274 = arith.constant 0 : i32
        %dma_wait3A_275 = tpu.memref_slice %arg2[%dma_wait3A_273, %dma_wait3A_274] : memref<10240x16xf32, #tpu.memory_space<hbm>> -> memref<10240x16xf32, #tpu.memory_space<hbm>>
        tpu.wait_indirect_dma semaphore(%arg16 : memref<!tpu.dma_semaphore, #tpu.memory_space<semaphore_mem>>) src(%dma_wait3A_275 : memref<10240x16xf32, #tpu.memory_space<hbm>>) dst(%dma_wait3A_269 : memref<125x16xf32, #tpu.memory_space<vmem>>)
        %dma_start3A_276 = arith.constant 6 : i32
        %dma_start3A_277 = arith.constant 0 : i32
        %dma_start3A_278 = arith.constant 0 : i32
        %dma_start3A_279 = tpu.memref_slice %arg7[%dma_start3A_276, %dma_start3A_277, %dma_start3A_278] : memref<12x125x16xf32, #tpu.memory_space<vmem>> -> memref<1x125x16xf32, #tpu.memory_space<vmem>>
        %dma_start3A_280 = tpu.memref_squeeze %dma_start3A_279 : memref<1x125x16xf32, #tpu.memory_space<vmem>> -> memref<125x16xf32, #tpu.memory_space<vmem>>
        %dma_start3A_281 = arith.constant 0 : i32
        %dma_start3A_282 = tpu.memref_slice %arg6[%add3A_212, %dma_start3A_281] : memref<80x125xi32, #tpu.memory_space<vmem>> -> memref<1x125xi32, #tpu.memory_space<vmem>>
        %dma_start3A_283 = tpu.memref_squeeze %dma_start3A_282 : memref<1x125xi32, #tpu.memory_space<vmem>> -> memref<125xi32, #tpu.memory_space<vmem>>
        %dma_start3A_284 = arith.constant 0 : i32
        %dma_start3A_285 = arith.constant 0 : i32
        %dma_start3A_286 = tpu.memref_slice %arg9[%dma_start3A_284, %dma_start3A_285] : memref<10240x16xf32, #tpu.memory_space<vmem_shared>> -> memref<10240x16xf32, #tpu.memory_space<vmem_shared>>
        tpu.enqueue_indirect_dma source(%dma_start3A_280 : memref<125x16xf32, #tpu.memory_space<vmem>>) target(%dma_start3A_286 : memref<10240x16xf32, #tpu.memory_space<vmem_shared>>) offsets(%dma_start3A_283 : memref<125xi32, #tpu.memory_space<vmem>>) semaphore(%arg28 : memref<!tpu.dma_semaphore, #tpu.memory_space<semaphore_mem>>) {add = true}
      } else {
      }
      %add3A_218 = arith.constant 7 : i32
      %add3A_219 = arith.addi %mul3A_169, %add3A_218 : i32
      %lt3A_220 = arith.constant 80 : i32
      %lt3A_221 = arith.cmpi slt, %add3A_219, %lt3A_220 : i32
      %convert_element_type3A_222 = arith.extui %lt3A_221 : i1 to i32
      %cond3A_223 = arith.constant 0 : i32
      %cond3A_224 = arith.cmpi ne, %convert_element_type3A_222, %cond3A_223 : i32
      scf.if %cond3A_224 {
        %ge3A = arith.constant 6 : i32
        %ge3A_254 = arith.cmpi sge, %add3A_219, %ge3A : i32
        %convert_element_type3A_255 = arith.extui %ge3A_254 : i1 to i32
        %cond3A_256 = arith.constant 0 : i32
        %cond3A_257 = arith.cmpi ne, %convert_element_type3A_255, %cond3A_256 : i32
        scf.if %cond3A_257 {
          %sub3A = arith.constant 6 : i32
          %sub3A_287 = arith.subi %add3A_219, %sub3A : i32
          %dma_wait3A_288 = arith.constant 1 : i32
          %dma_wait3A_289 = arith.constant 0 : i32
          %dma_wait3A_290 = arith.constant 0 : i32
          %dma_wait3A_291 = tpu.memref_slice %arg7[%dma_wait3A_288, %dma_wait3A_289, %dma_wait3A_290] : memref<12x125x16xf32, #tpu.memory_space<vmem>> -> memref<1x125x16xf32, #tpu.memory_space<vmem>>
          %dma_wait3A_292 = tpu.memref_squeeze %dma_wait3A_291 : memref<1x125x16xf32, #tpu.memory_space<vmem>> -> memref<125x16xf32, #tpu.memory_space<vmem>>
          %dma_wait3A_293 = arith.constant 0 : i32
          %dma_wait3A_294 = tpu.memref_slice %arg6[%sub3A_287, %dma_wait3A_293] : memref<80x125xi32, #tpu.memory_space<vmem>> -> memref<1x125xi32, #tpu.memory_space<vmem>>
          %dma_wait3A_295 = tpu.memref_squeeze %dma_wait3A_294 : memref<1x125xi32, #tpu.memory_space<vmem>> -> memref<125xi32, #tpu.memory_space<vmem>>
          %dma_wait3A_296 = arith.constant 0 : i32
          %dma_wait3A_297 = arith.constant 0 : i32
          %dma_wait3A_298 = tpu.memref_slice %arg9[%dma_wait3A_296, %dma_wait3A_297] : memref<10240x16xf32, #tpu.memory_space<vmem_shared>> -> memref<10240x16xf32, #tpu.memory_space<vmem_shared>>
          tpu.wait_indirect_dma semaphore(%arg23 : memref<!tpu.dma_semaphore, #tpu.memory_space<semaphore_mem>>) src(%dma_wait3A_292 : memref<125x16xf32, #tpu.memory_space<vmem>>) dst(%dma_wait3A_298 : memref<10240x16xf32, #tpu.memory_space<vmem_shared>>)
        } else {
        }
        %add3A_258 = arith.constant 6 : i32
        %add3A_259 = arith.addi %add3A_219, %add3A_258 : i32
        %lt3A_260 = arith.constant 80 : i32
        %lt3A_261 = arith.cmpi slt, %add3A_259, %lt3A_260 : i32
        %convert_element_type3A_262 = arith.extui %lt3A_261 : i1 to i32
        %cond3A_263 = arith.constant 0 : i32
        %cond3A_264 = arith.cmpi ne, %convert_element_type3A_262, %cond3A_263 : i32
        scf.if %cond3A_264 {
          %add3A_287 = arith.constant 6 : i32
          %add3A_288 = arith.addi %add3A_219, %add3A_287 : i32
          %dma_start3A_289 = arith.constant 1 : i32
          %dma_start3A_290 = arith.constant 0 : i32
          %dma_start3A_291 = arith.constant 0 : i32
          %dma_start3A_292 = tpu.memref_slice %arg7[%dma_start3A_289, %dma_start3A_290, %dma_start3A_291] : memref<12x125x16xf32, #tpu.memory_space<vmem>> -> memref<1x125x16xf32, #tpu.memory_space<vmem>>
          %dma_start3A_293 = tpu.memref_squeeze %dma_start3A_292 : memref<1x125x16xf32, #tpu.memory_space<vmem>> -> memref<125x16xf32, #tpu.memory_space<vmem>>
          %dma_start3A_294 = arith.constant 0 : i32
          %dma_start3A_295 = tpu.memref_slice %arg5[%add3A_288, %dma_start3A_294] : memref<80x125xi32, #tpu.memory_space<vmem>> -> memref<1x125xi32, #tpu.memory_space<vmem>>
          %dma_start3A_296 = tpu.memref_squeeze %dma_start3A_295 : memref<1x125xi32, #tpu.memory_space<vmem>> -> memref<125xi32, #tpu.memory_space<vmem>>
          %dma_start3A_297 = arith.constant 0 : i32
          %dma_start3A_298 = arith.constant 0 : i32
          %dma_start3A_299 = tpu.memref_slice %arg2[%dma_start3A_297, %dma_start3A_298] : memref<10240x16xf32, #tpu.memory_space<hbm>> -> memref<10240x16xf32, #tpu.memory_space<hbm>>
          tpu.enqueue_indirect_dma source(%dma_start3A_299 : memref<10240x16xf32, #tpu.memory_space<hbm>>) target(%dma_start3A_293 : memref<125x16xf32, #tpu.memory_space<vmem>>) offsets(%dma_start3A_296 : memref<125xi32, #tpu.memory_space<vmem>>) semaphore(%arg11 : memref<!tpu.dma_semaphore, #tpu.memory_space<semaphore_mem>>)
        } else {
        }
        %dma_wait3A_265 = arith.constant 7 : i32
        %dma_wait3A_266 = arith.constant 0 : i32
        %dma_wait3A_267 = arith.constant 0 : i32
        %dma_wait3A_268 = tpu.memref_slice %arg7[%dma_wait3A_265, %dma_wait3A_266, %dma_wait3A_267] : memref<12x125x16xf32, #tpu.memory_space<vmem>> -> memref<1x125x16xf32, #tpu.memory_space<vmem>>
        %dma_wait3A_269 = tpu.memref_squeeze %dma_wait3A_268 : memref<1x125x16xf32, #tpu.memory_space<vmem>> -> memref<125x16xf32, #tpu.memory_space<vmem>>
        %dma_wait3A_270 = arith.constant 0 : i32
        %dma_wait3A_271 = tpu.memref_slice %arg5[%add3A_219, %dma_wait3A_270] : memref<80x125xi32, #tpu.memory_space<vmem>> -> memref<1x125xi32, #tpu.memory_space<vmem>>
        %dma_wait3A_272 = tpu.memref_squeeze %dma_wait3A_271 : memref<1x125xi32, #tpu.memory_space<vmem>> -> memref<125xi32, #tpu.memory_space<vmem>>
        %dma_wait3A_273 = arith.constant 0 : i32
        %dma_wait3A_274 = arith.constant 0 : i32
        %dma_wait3A_275 = tpu.memref_slice %arg2[%dma_wait3A_273, %dma_wait3A_274] : memref<10240x16xf32, #tpu.memory_space<hbm>> -> memref<10240x16xf32, #tpu.memory_space<hbm>>
        tpu.wait_indirect_dma semaphore(%arg17 : memref<!tpu.dma_semaphore, #tpu.memory_space<semaphore_mem>>) src(%dma_wait3A_275 : memref<10240x16xf32, #tpu.memory_space<hbm>>) dst(%dma_wait3A_269 : memref<125x16xf32, #tpu.memory_space<vmem>>)
        %dma_start3A_276 = arith.constant 7 : i32
        %dma_start3A_277 = arith.constant 0 : i32
        %dma_start3A_278 = arith.constant 0 : i32
        %dma_start3A_279 = tpu.memref_slice %arg7[%dma_start3A_276, %dma_start3A_277, %dma_start3A_278] : memref<12x125x16xf32, #tpu.memory_space<vmem>> -> memref<1x125x16xf32, #tpu.memory_space<vmem>>
        %dma_start3A_280 = tpu.memref_squeeze %dma_start3A_279 : memref<1x125x16xf32, #tpu.memory_space<vmem>> -> memref<125x16xf32, #tpu.memory_space<vmem>>
        %dma_start3A_281 = arith.constant 0 : i32
        %dma_start3A_282 = tpu.memref_slice %arg6[%add3A_219, %dma_start3A_281] : memref<80x125xi32, #tpu.memory_space<vmem>> -> memref<1x125xi32, #tpu.memory_space<vmem>>
        %dma_start3A_283 = tpu.memref_squeeze %dma_start3A_282 : memref<1x125xi32, #tpu.memory_space<vmem>> -> memref<125xi32, #tpu.memory_space<vmem>>
        %dma_start3A_284 = arith.constant 0 : i32
        %dma_start3A_285 = arith.constant 0 : i32
        %dma_start3A_286 = tpu.memref_slice %arg9[%dma_start3A_284, %dma_start3A_285] : memref<10240x16xf32, #tpu.memory_space<vmem_shared>> -> memref<10240x16xf32, #tpu.memory_space<vmem_shared>>
        tpu.enqueue_indirect_dma source(%dma_start3A_280 : memref<125x16xf32, #tpu.memory_space<vmem>>) target(%dma_start3A_286 : memref<10240x16xf32, #tpu.memory_space<vmem_shared>>) offsets(%dma_start3A_283 : memref<125xi32, #tpu.memory_space<vmem>>) semaphore(%arg29 : memref<!tpu.dma_semaphore, #tpu.memory_space<semaphore_mem>>) {add = true}
      } else {
      }
      %add3A_225 = arith.constant 8 : i32
      %add3A_226 = arith.addi %mul3A_169, %add3A_225 : i32
      %lt3A_227 = arith.constant 80 : i32
      %lt3A_228 = arith.cmpi slt, %add3A_226, %lt3A_227 : i32
      %convert_element_type3A_229 = arith.extui %lt3A_228 : i1 to i32
      %cond3A_230 = arith.constant 0 : i32
      %cond3A_231 = arith.cmpi ne, %convert_element_type3A_229, %cond3A_230 : i32
      scf.if %cond3A_231 {
        %ge3A = arith.constant 6 : i32
        %ge3A_254 = arith.cmpi sge, %add3A_226, %ge3A : i32
        %convert_element_type3A_255 = arith.extui %ge3A_254 : i1 to i32
        %cond3A_256 = arith.constant 0 : i32
        %cond3A_257 = arith.cmpi ne, %convert_element_type3A_255, %cond3A_256 : i32
        scf.if %cond3A_257 {
          %sub3A = arith.constant 6 : i32
          %sub3A_287 = arith.subi %add3A_226, %sub3A : i32
          %dma_wait3A_288 = arith.constant 2 : i32
          %dma_wait3A_289 = arith.constant 0 : i32
          %dma_wait3A_290 = arith.constant 0 : i32
          %dma_wait3A_291 = tpu.memref_slice %arg7[%dma_wait3A_288, %dma_wait3A_289, %dma_wait3A_290] : memref<12x125x16xf32, #tpu.memory_space<vmem>> -> memref<1x125x16xf32, #tpu.memory_space<vmem>>
          %dma_wait3A_292 = tpu.memref_squeeze %dma_wait3A_291 : memref<1x125x16xf32, #tpu.memory_space<vmem>> -> memref<125x16xf32, #tpu.memory_space<vmem>>
          %dma_wait3A_293 = arith.constant 0 : i32
          %dma_wait3A_294 = tpu.memref_slice %arg6[%sub3A_287, %dma_wait3A_293] : memref<80x125xi32, #tpu.memory_space<vmem>> -> memref<1x125xi32, #tpu.memory_space<vmem>>
          %dma_wait3A_295 = tpu.memref_squeeze %dma_wait3A_294 : memref<1x125xi32, #tpu.memory_space<vmem>> -> memref<125xi32, #tpu.memory_space<vmem>>
          %dma_wait3A_296 = arith.constant 0 : i32
          %dma_wait3A_297 = arith.constant 0 : i32
          %dma_wait3A_298 = tpu.memref_slice %arg9[%dma_wait3A_296, %dma_wait3A_297] : memref<10240x16xf32, #tpu.memory_space<vmem_shared>> -> memref<10240x16xf32, #tpu.memory_space<vmem_shared>>
          tpu.wait_indirect_dma semaphore(%arg24 : memref<!tpu.dma_semaphore, #tpu.memory_space<semaphore_mem>>) src(%dma_wait3A_292 : memref<125x16xf32, #tpu.memory_space<vmem>>) dst(%dma_wait3A_298 : memref<10240x16xf32, #tpu.memory_space<vmem_shared>>)
        } else {
        }
        %add3A_258 = arith.constant 6 : i32
        %add3A_259 = arith.addi %add3A_226, %add3A_258 : i32
        %lt3A_260 = arith.constant 80 : i32
        %lt3A_261 = arith.cmpi slt, %add3A_259, %lt3A_260 : i32
        %convert_element_type3A_262 = arith.extui %lt3A_261 : i1 to i32
        %cond3A_263 = arith.constant 0 : i32
        %cond3A_264 = arith.cmpi ne, %convert_element_type3A_262, %cond3A_263 : i32
        scf.if %cond3A_264 {
          %add3A_287 = arith.constant 6 : i32
          %add3A_288 = arith.addi %add3A_226, %add3A_287 : i32
          %dma_start3A_289 = arith.constant 2 : i32
          %dma_start3A_290 = arith.constant 0 : i32
          %dma_start3A_291 = arith.constant 0 : i32
          %dma_start3A_292 = tpu.memref_slice %arg7[%dma_start3A_289, %dma_start3A_290, %dma_start3A_291] : memref<12x125x16xf32, #tpu.memory_space<vmem>> -> memref<1x125x16xf32, #tpu.memory_space<vmem>>
          %dma_start3A_293 = tpu.memref_squeeze %dma_start3A_292 : memref<1x125x16xf32, #tpu.memory_space<vmem>> -> memref<125x16xf32, #tpu.memory_space<vmem>>
          %dma_start3A_294 = arith.constant 0 : i32
          %dma_start3A_295 = tpu.memref_slice %arg5[%add3A_288, %dma_start3A_294] : memref<80x125xi32, #tpu.memory_space<vmem>> -> memref<1x125xi32, #tpu.memory_space<vmem>>
          %dma_start3A_296 = tpu.memref_squeeze %dma_start3A_295 : memref<1x125xi32, #tpu.memory_space<vmem>> -> memref<125xi32, #tpu.memory_space<vmem>>
          %dma_start3A_297 = arith.constant 0 : i32
          %dma_start3A_298 = arith.constant 0 : i32
          %dma_start3A_299 = tpu.memref_slice %arg2[%dma_start3A_297, %dma_start3A_298] : memref<10240x16xf32, #tpu.memory_space<hbm>> -> memref<10240x16xf32, #tpu.memory_space<hbm>>
          tpu.enqueue_indirect_dma source(%dma_start3A_299 : memref<10240x16xf32, #tpu.memory_space<hbm>>) target(%dma_start3A_293 : memref<125x16xf32, #tpu.memory_space<vmem>>) offsets(%dma_start3A_296 : memref<125xi32, #tpu.memory_space<vmem>>) semaphore(%arg12 : memref<!tpu.dma_semaphore, #tpu.memory_space<semaphore_mem>>)
        } else {
        }
        %dma_wait3A_265 = arith.constant 8 : i32
        %dma_wait3A_266 = arith.constant 0 : i32
        %dma_wait3A_267 = arith.constant 0 : i32
        %dma_wait3A_268 = tpu.memref_slice %arg7[%dma_wait3A_265, %dma_wait3A_266, %dma_wait3A_267] : memref<12x125x16xf32, #tpu.memory_space<vmem>> -> memref<1x125x16xf32, #tpu.memory_space<vmem>>
        %dma_wait3A_269 = tpu.memref_squeeze %dma_wait3A_268 : memref<1x125x16xf32, #tpu.memory_space<vmem>> -> memref<125x16xf32, #tpu.memory_space<vmem>>
        %dma_wait3A_270 = arith.constant 0 : i32
        %dma_wait3A_271 = tpu.memref_slice %arg5[%add3A_226, %dma_wait3A_270] : memref<80x125xi32, #tpu.memory_space<vmem>> -> memref<1x125xi32, #tpu.memory_space<vmem>>
        %dma_wait3A_272 = tpu.memref_squeeze %dma_wait3A_271 : memref<1x125xi32, #tpu.memory_space<vmem>> -> memref<125xi32, #tpu.memory_space<vmem>>
        %dma_wait3A_273 = arith.constant 0 : i32
        %dma_wait3A_274 = arith.constant 0 : i32
        %dma_wait3A_275 = tpu.memref_slice %arg2[%dma_wait3A_273, %dma_wait3A_274] : memref<10240x16xf32, #tpu.memory_space<hbm>> -> memref<10240x16xf32, #tpu.memory_space<hbm>>
        tpu.wait_indirect_dma semaphore(%arg18 : memref<!tpu.dma_semaphore, #tpu.memory_space<semaphore_mem>>) src(%dma_wait3A_275 : memref<10240x16xf32, #tpu.memory_space<hbm>>) dst(%dma_wait3A_269 : memref<125x16xf32, #tpu.memory_space<vmem>>)
        %dma_start3A_276 = arith.constant 8 : i32
        %dma_start3A_277 = arith.constant 0 : i32
        %dma_start3A_278 = arith.constant 0 : i32
        %dma_start3A_279 = tpu.memref_slice %arg7[%dma_start3A_276, %dma_start3A_277, %dma_start3A_278] : memref<12x125x16xf32, #tpu.memory_space<vmem>> -> memref<1x125x16xf32, #tpu.memory_space<vmem>>
        %dma_start3A_280 = tpu.memref_squeeze %dma_start3A_279 : memref<1x125x16xf32, #tpu.memory_space<vmem>> -> memref<125x16xf32, #tpu.memory_space<vmem>>
        %dma_start3A_281 = arith.constant 0 : i32
        %dma_start3A_282 = tpu.memref_slice %arg6[%add3A_226, %dma_start3A_281] : memref<80x125xi32, #tpu.memory_space<vmem>> -> memref<1x125xi32, #tpu.memory_space<vmem>>
        %dma_start3A_283 = tpu.memref_squeeze %dma_start3A_282 : memref<1x125xi32, #tpu.memory_space<vmem>> -> memref<125xi32, #tpu.memory_space<vmem>>
        %dma_start3A_284 = arith.constant 0 : i32
        %dma_start3A_285 = arith.constant 0 : i32
        %dma_start3A_286 = tpu.memref_slice %arg9[%dma_start3A_284, %dma_start3A_285] : memref<10240x16xf32, #tpu.memory_space<vmem_shared>> -> memref<10240x16xf32, #tpu.memory_space<vmem_shared>>
        tpu.enqueue_indirect_dma source(%dma_start3A_280 : memref<125x16xf32, #tpu.memory_space<vmem>>) target(%dma_start3A_286 : memref<10240x16xf32, #tpu.memory_space<vmem_shared>>) offsets(%dma_start3A_283 : memref<125xi32, #tpu.memory_space<vmem>>) semaphore(%arg30 : memref<!tpu.dma_semaphore, #tpu.memory_space<semaphore_mem>>) {add = true}
      } else {
      }
      %add3A_232 = arith.constant 9 : i32
      %add3A_233 = arith.addi %mul3A_169, %add3A_232 : i32
      %lt3A_234 = arith.constant 80 : i32
      %lt3A_235 = arith.cmpi slt, %add3A_233, %lt3A_234 : i32
      %convert_element_type3A_236 = arith.extui %lt3A_235 : i1 to i32
      %cond3A_237 = arith.constant 0 : i32
      %cond3A_238 = arith.cmpi ne, %convert_element_type3A_236, %cond3A_237 : i32
      scf.if %cond3A_238 {
        %ge3A = arith.constant 6 : i32
        %ge3A_254 = arith.cmpi sge, %add3A_233, %ge3A : i32
        %convert_element_type3A_255 = arith.extui %ge3A_254 : i1 to i32
        %cond3A_256 = arith.constant 0 : i32
        %cond3A_257 = arith.cmpi ne, %convert_element_type3A_255, %cond3A_256 : i32
        scf.if %cond3A_257 {
          %sub3A = arith.constant 6 : i32
          %sub3A_287 = arith.subi %add3A_233, %sub3A : i32
          %dma_wait3A_288 = arith.constant 3 : i32
          %dma_wait3A_289 = arith.constant 0 : i32
          %dma_wait3A_290 = arith.constant 0 : i32
          %dma_wait3A_291 = tpu.memref_slice %arg7[%dma_wait3A_288, %dma_wait3A_289, %dma_wait3A_290] : memref<12x125x16xf32, #tpu.memory_space<vmem>> -> memref<1x125x16xf32, #tpu.memory_space<vmem>>
          %dma_wait3A_292 = tpu.memref_squeeze %dma_wait3A_291 : memref<1x125x16xf32, #tpu.memory_space<vmem>> -> memref<125x16xf32, #tpu.memory_space<vmem>>
          %dma_wait3A_293 = arith.constant 0 : i32
          %dma_wait3A_294 = tpu.memref_slice %arg6[%sub3A_287, %dma_wait3A_293] : memref<80x125xi32, #tpu.memory_space<vmem>> -> memref<1x125xi32, #tpu.memory_space<vmem>>
          %dma_wait3A_295 = tpu.memref_squeeze %dma_wait3A_294 : memref<1x125xi32, #tpu.memory_space<vmem>> -> memref<125xi32, #tpu.memory_space<vmem>>
          %dma_wait3A_296 = arith.constant 0 : i32
          %dma_wait3A_297 = arith.constant 0 : i32
          %dma_wait3A_298 = tpu.memref_slice %arg9[%dma_wait3A_296, %dma_wait3A_297] : memref<10240x16xf32, #tpu.memory_space<vmem_shared>> -> memref<10240x16xf32, #tpu.memory_space<vmem_shared>>
          tpu.wait_indirect_dma semaphore(%arg25 : memref<!tpu.dma_semaphore, #tpu.memory_space<semaphore_mem>>) src(%dma_wait3A_292 : memref<125x16xf32, #tpu.memory_space<vmem>>) dst(%dma_wait3A_298 : memref<10240x16xf32, #tpu.memory_space<vmem_shared>>)
        } else {
        }
        %add3A_258 = arith.constant 6 : i32
        %add3A_259 = arith.addi %add3A_233, %add3A_258 : i32
        %lt3A_260 = arith.constant 80 : i32
        %lt3A_261 = arith.cmpi slt, %add3A_259, %lt3A_260 : i32
        %convert_element_type3A_262 = arith.extui %lt3A_261 : i1 to i32
        %cond3A_263 = arith.constant 0 : i32
        %cond3A_264 = arith.cmpi ne, %convert_element_type3A_262, %cond3A_263 : i32
        scf.if %cond3A_264 {
          %add3A_287 = arith.constant 6 : i32
          %add3A_288 = arith.addi %add3A_233, %add3A_287 : i32
          %dma_start3A_289 = arith.constant 3 : i32
          %dma_start3A_290 = arith.constant 0 : i32
          %dma_start3A_291 = arith.constant 0 : i32
          %dma_start3A_292 = tpu.memref_slice %arg7[%dma_start3A_289, %dma_start3A_290, %dma_start3A_291] : memref<12x125x16xf32, #tpu.memory_space<vmem>> -> memref<1x125x16xf32, #tpu.memory_space<vmem>>
          %dma_start3A_293 = tpu.memref_squeeze %dma_start3A_292 : memref<1x125x16xf32, #tpu.memory_space<vmem>> -> memref<125x16xf32, #tpu.memory_space<vmem>>
          %dma_start3A_294 = arith.constant 0 : i32
          %dma_start3A_295 = tpu.memref_slice %arg5[%add3A_288, %dma_start3A_294] : memref<80x125xi32, #tpu.memory_space<vmem>> -> memref<1x125xi32, #tpu.memory_space<vmem>>
          %dma_start3A_296 = tpu.memref_squeeze %dma_start3A_295 : memref<1x125xi32, #tpu.memory_space<vmem>> -> memref<125xi32, #tpu.memory_space<vmem>>
          %dma_start3A_297 = arith.constant 0 : i32
          %dma_start3A_298 = arith.constant 0 : i32
          %dma_start3A_299 = tpu.memref_slice %arg2[%dma_start3A_297, %dma_start3A_298] : memref<10240x16xf32, #tpu.memory_space<hbm>> -> memref<10240x16xf32, #tpu.memory_space<hbm>>
          tpu.enqueue_indirect_dma source(%dma_start3A_299 : memref<10240x16xf32, #tpu.memory_space<hbm>>) target(%dma_start3A_293 : memref<125x16xf32, #tpu.memory_space<vmem>>) offsets(%dma_start3A_296 : memref<125xi32, #tpu.memory_space<vmem>>) semaphore(%arg13 : memref<!tpu.dma_semaphore, #tpu.memory_space<semaphore_mem>>)
        } else {
        }
        %dma_wait3A_265 = arith.constant 9 : i32
        %dma_wait3A_266 = arith.constant 0 : i32
        %dma_wait3A_267 = arith.constant 0 : i32
        %dma_wait3A_268 = tpu.memref_slice %arg7[%dma_wait3A_265, %dma_wait3A_266, %dma_wait3A_267] : memref<12x125x16xf32, #tpu.memory_space<vmem>> -> memref<1x125x16xf32, #tpu.memory_space<vmem>>
        %dma_wait3A_269 = tpu.memref_squeeze %dma_wait3A_268 : memref<1x125x16xf32, #tpu.memory_space<vmem>> -> memref<125x16xf32, #tpu.memory_space<vmem>>
        %dma_wait3A_270 = arith.constant 0 : i32
        %dma_wait3A_271 = tpu.memref_slice %arg5[%add3A_233, %dma_wait3A_270] : memref<80x125xi32, #tpu.memory_space<vmem>> -> memref<1x125xi32, #tpu.memory_space<vmem>>
        %dma_wait3A_272 = tpu.memref_squeeze %dma_wait3A_271 : memref<1x125xi32, #tpu.memory_space<vmem>> -> memref<125xi32, #tpu.memory_space<vmem>>
        %dma_wait3A_273 = arith.constant 0 : i32
        %dma_wait3A_274 = arith.constant 0 : i32
        %dma_wait3A_275 = tpu.memref_slice %arg2[%dma_wait3A_273, %dma_wait3A_274] : memref<10240x16xf32, #tpu.memory_space<hbm>> -> memref<10240x16xf32, #tpu.memory_space<hbm>>
        tpu.wait_indirect_dma semaphore(%arg19 : memref<!tpu.dma_semaphore, #tpu.memory_space<semaphore_mem>>) src(%dma_wait3A_275 : memref<10240x16xf32, #tpu.memory_space<hbm>>) dst(%dma_wait3A_269 : memref<125x16xf32, #tpu.memory_space<vmem>>)
        %dma_start3A_276 = arith.constant 9 : i32
        %dma_start3A_277 = arith.constant 0 : i32
        %dma_start3A_278 = arith.constant 0 : i32
        %dma_start3A_279 = tpu.memref_slice %arg7[%dma_start3A_276, %dma_start3A_277, %dma_start3A_278] : memref<12x125x16xf32, #tpu.memory_space<vmem>> -> memref<1x125x16xf32, #tpu.memory_space<vmem>>
        %dma_start3A_280 = tpu.memref_squeeze %dma_start3A_279 : memref<1x125x16xf32, #tpu.memory_space<vmem>> -> memref<125x16xf32, #tpu.memory_space<vmem>>
        %dma_start3A_281 = arith.constant 0 : i32
        %dma_start3A_282 = tpu.memref_slice %arg6[%add3A_233, %dma_start3A_281] : memref<80x125xi32, #tpu.memory_space<vmem>> -> memref<1x125xi32, #tpu.memory_space<vmem>>
        %dma_start3A_283 = tpu.memref_squeeze %dma_start3A_282 : memref<1x125xi32, #tpu.memory_space<vmem>> -> memref<125xi32, #tpu.memory_space<vmem>>
        %dma_start3A_284 = arith.constant 0 : i32
        %dma_start3A_285 = arith.constant 0 : i32
        %dma_start3A_286 = tpu.memref_slice %arg9[%dma_start3A_284, %dma_start3A_285] : memref<10240x16xf32, #tpu.memory_space<vmem_shared>> -> memref<10240x16xf32, #tpu.memory_space<vmem_shared>>
        tpu.enqueue_indirect_dma source(%dma_start3A_280 : memref<125x16xf32, #tpu.memory_space<vmem>>) target(%dma_start3A_286 : memref<10240x16xf32, #tpu.memory_space<vmem_shared>>) offsets(%dma_start3A_283 : memref<125xi32, #tpu.memory_space<vmem>>) semaphore(%arg31 : memref<!tpu.dma_semaphore, #tpu.memory_space<semaphore_mem>>) {add = true}
      } else {
      }
      %add3A_239 = arith.constant 10 : i32
      %add3A_240 = arith.addi %mul3A_169, %add3A_239 : i32
      %lt3A_241 = arith.constant 80 : i32
      %lt3A_242 = arith.cmpi slt, %add3A_240, %lt3A_241 : i32
      %convert_element_type3A_243 = arith.extui %lt3A_242 : i1 to i32
      %cond3A_244 = arith.constant 0 : i32
      %cond3A_245 = arith.cmpi ne, %convert_element_type3A_243, %cond3A_244 : i32
      scf.if %cond3A_245 {
        %ge3A = arith.constant 6 : i32
        %ge3A_254 = arith.cmpi sge, %add3A_240, %ge3A : i32
        %convert_element_type3A_255 = arith.extui %ge3A_254 : i1 to i32
        %cond3A_256 = arith.constant 0 : i32
        %cond3A_257 = arith.cmpi ne, %convert_element_type3A_255, %cond3A_256 : i32
        scf.if %cond3A_257 {
          %sub3A = arith.constant 6 : i32
          %sub3A_287 = arith.subi %add3A_240, %sub3A : i32
          %dma_wait3A_288 = arith.constant 4 : i32
          %dma_wait3A_289 = arith.constant 0 : i32
          %dma_wait3A_290 = arith.constant 0 : i32
          %dma_wait3A_291 = tpu.memref_slice %arg7[%dma_wait3A_288, %dma_wait3A_289, %dma_wait3A_290] : memref<12x125x16xf32, #tpu.memory_space<vmem>> -> memref<1x125x16xf32, #tpu.memory_space<vmem>>
          %dma_wait3A_292 = tpu.memref_squeeze %dma_wait3A_291 : memref<1x125x16xf32, #tpu.memory_space<vmem>> -> memref<125x16xf32, #tpu.memory_space<vmem>>
          %dma_wait3A_293 = arith.constant 0 : i32
          %dma_wait3A_294 = tpu.memref_slice %arg6[%sub3A_287, %dma_wait3A_293] : memref<80x125xi32, #tpu.memory_space<vmem>> -> memref<1x125xi32, #tpu.memory_space<vmem>>
          %dma_wait3A_295 = tpu.memref_squeeze %dma_wait3A_294 : memref<1x125xi32, #tpu.memory_space<vmem>> -> memref<125xi32, #tpu.memory_space<vmem>>
          %dma_wait3A_296 = arith.constant 0 : i32
          %dma_wait3A_297 = arith.constant 0 : i32
          %dma_wait3A_298 = tpu.memref_slice %arg9[%dma_wait3A_296, %dma_wait3A_297] : memref<10240x16xf32, #tpu.memory_space<vmem_shared>> -> memref<10240x16xf32, #tpu.memory_space<vmem_shared>>
          tpu.wait_indirect_dma semaphore(%arg26 : memref<!tpu.dma_semaphore, #tpu.memory_space<semaphore_mem>>) src(%dma_wait3A_292 : memref<125x16xf32, #tpu.memory_space<vmem>>) dst(%dma_wait3A_298 : memref<10240x16xf32, #tpu.memory_space<vmem_shared>>)
        } else {
        }
        %add3A_258 = arith.constant 6 : i32
        %add3A_259 = arith.addi %add3A_240, %add3A_258 : i32
        %lt3A_260 = arith.constant 80 : i32
        %lt3A_261 = arith.cmpi slt, %add3A_259, %lt3A_260 : i32
        %convert_element_type3A_262 = arith.extui %lt3A_261 : i1 to i32
        %cond3A_263 = arith.constant 0 : i32
        %cond3A_264 = arith.cmpi ne, %convert_element_type3A_262, %cond3A_263 : i32
        scf.if %cond3A_264 {
          %add3A_287 = arith.constant 6 : i32
          %add3A_288 = arith.addi %add3A_240, %add3A_287 : i32
          %dma_start3A_289 = arith.constant 4 : i32
          %dma_start3A_290 = arith.constant 0 : i32
          %dma_start3A_291 = arith.constant 0 : i32
          %dma_start3A_292 = tpu.memref_slice %arg7[%dma_start3A_289, %dma_start3A_290, %dma_start3A_291] : memref<12x125x16xf32, #tpu.memory_space<vmem>> -> memref<1x125x16xf32, #tpu.memory_space<vmem>>
          %dma_start3A_293 = tpu.memref_squeeze %dma_start3A_292 : memref<1x125x16xf32, #tpu.memory_space<vmem>> -> memref<125x16xf32, #tpu.memory_space<vmem>>
          %dma_start3A_294 = arith.constant 0 : i32
          %dma_start3A_295 = tpu.memref_slice %arg5[%add3A_288, %dma_start3A_294] : memref<80x125xi32, #tpu.memory_space<vmem>> -> memref<1x125xi32, #tpu.memory_space<vmem>>
          %dma_start3A_296 = tpu.memref_squeeze %dma_start3A_295 : memref<1x125xi32, #tpu.memory_space<vmem>> -> memref<125xi32, #tpu.memory_space<vmem>>
          %dma_start3A_297 = arith.constant 0 : i32
          %dma_start3A_298 = arith.constant 0 : i32
          %dma_start3A_299 = tpu.memref_slice %arg2[%dma_start3A_297, %dma_start3A_298] : memref<10240x16xf32, #tpu.memory_space<hbm>> -> memref<10240x16xf32, #tpu.memory_space<hbm>>
          tpu.enqueue_indirect_dma source(%dma_start3A_299 : memref<10240x16xf32, #tpu.memory_space<hbm>>) target(%dma_start3A_293 : memref<125x16xf32, #tpu.memory_space<vmem>>) offsets(%dma_start3A_296 : memref<125xi32, #tpu.memory_space<vmem>>) semaphore(%arg14 : memref<!tpu.dma_semaphore, #tpu.memory_space<semaphore_mem>>)
        } else {
        }
        %dma_wait3A_265 = arith.constant 10 : i32
        %dma_wait3A_266 = arith.constant 0 : i32
        %dma_wait3A_267 = arith.constant 0 : i32
        %dma_wait3A_268 = tpu.memref_slice %arg7[%dma_wait3A_265, %dma_wait3A_266, %dma_wait3A_267] : memref<12x125x16xf32, #tpu.memory_space<vmem>> -> memref<1x125x16xf32, #tpu.memory_space<vmem>>
        %dma_wait3A_269 = tpu.memref_squeeze %dma_wait3A_268 : memref<1x125x16xf32, #tpu.memory_space<vmem>> -> memref<125x16xf32, #tpu.memory_space<vmem>>
        %dma_wait3A_270 = arith.constant 0 : i32
        %dma_wait3A_271 = tpu.memref_slice %arg5[%add3A_240, %dma_wait3A_270] : memref<80x125xi32, #tpu.memory_space<vmem>> -> memref<1x125xi32, #tpu.memory_space<vmem>>
        %dma_wait3A_272 = tpu.memref_squeeze %dma_wait3A_271 : memref<1x125xi32, #tpu.memory_space<vmem>> -> memref<125xi32, #tpu.memory_space<vmem>>
        %dma_wait3A_273 = arith.constant 0 : i32
        %dma_wait3A_274 = arith.constant 0 : i32
        %dma_wait3A_275 = tpu.memref_slice %arg2[%dma_wait3A_273, %dma_wait3A_274] : memref<10240x16xf32, #tpu.memory_space<hbm>> -> memref<10240x16xf32, #tpu.memory_space<hbm>>
        tpu.wait_indirect_dma semaphore(%arg20 : memref<!tpu.dma_semaphore, #tpu.memory_space<semaphore_mem>>) src(%dma_wait3A_275 : memref<10240x16xf32, #tpu.memory_space<hbm>>) dst(%dma_wait3A_269 : memref<125x16xf32, #tpu.memory_space<vmem>>)
        %dma_start3A_276 = arith.constant 10 : i32
        %dma_start3A_277 = arith.constant 0 : i32
        %dma_start3A_278 = arith.constant 0 : i32
        %dma_start3A_279 = tpu.memref_slice %arg7[%dma_start3A_276, %dma_start3A_277, %dma_start3A_278] : memref<12x125x16xf32, #tpu.memory_space<vmem>> -> memref<1x125x16xf32, #tpu.memory_space<vmem>>
        %dma_start3A_280 = tpu.memref_squeeze %dma_start3A_279 : memref<1x125x16xf32, #tpu.memory_space<vmem>> -> memref<125x16xf32, #tpu.memory_space<vmem>>
        %dma_start3A_281 = arith.constant 0 : i32
        %dma_start3A_282 = tpu.memref_slice %arg6[%add3A_240, %dma_start3A_281] : memref<80x125xi32, #tpu.memory_space<vmem>> -> memref<1x125xi32, #tpu.memory_space<vmem>>
        %dma_start3A_283 = tpu.memref_squeeze %dma_start3A_282 : memref<1x125xi32, #tpu.memory_space<vmem>> -> memref<125xi32, #tpu.memory_space<vmem>>
        %dma_start3A_284 = arith.constant 0 : i32
        %dma_start3A_285 = arith.constant 0 : i32
        %dma_start3A_286 = tpu.memref_slice %arg9[%dma_start3A_284, %dma_start3A_285] : memref<10240x16xf32, #tpu.memory_space<vmem_shared>> -> memref<10240x16xf32, #tpu.memory_space<vmem_shared>>
        tpu.enqueue_indirect_dma source(%dma_start3A_280 : memref<125x16xf32, #tpu.memory_space<vmem>>) target(%dma_start3A_286 : memref<10240x16xf32, #tpu.memory_space<vmem_shared>>) offsets(%dma_start3A_283 : memref<125xi32, #tpu.memory_space<vmem>>) semaphore(%arg32 : memref<!tpu.dma_semaphore, #tpu.memory_space<semaphore_mem>>) {add = true}
      } else {
      }
      %add3A_246 = arith.constant 11 : i32
      %add3A_247 = arith.addi %mul3A_169, %add3A_246 : i32
      %lt3A_248 = arith.constant 80 : i32
      %lt3A_249 = arith.cmpi slt, %add3A_247, %lt3A_248 : i32
      %convert_element_type3A_250 = arith.extui %lt3A_249 : i1 to i32
      %cond3A_251 = arith.constant 0 : i32
      %cond3A_252 = arith.cmpi ne, %convert_element_type3A_250, %cond3A_251 : i32
      scf.if %cond3A_252 {
        %ge3A = arith.constant 6 : i32
        %ge3A_254 = arith.cmpi sge, %add3A_247, %ge3A : i32
        %convert_element_type3A_255 = arith.extui %ge3A_254 : i1 to i32
        %cond3A_256 = arith.constant 0 : i32
        %cond3A_257 = arith.cmpi ne, %convert_element_type3A_255, %cond3A_256 : i32
        scf.if %cond3A_257 {
          %sub3A = arith.constant 6 : i32
          %sub3A_287 = arith.subi %add3A_247, %sub3A : i32
          %dma_wait3A_288 = arith.constant 5 : i32
          %dma_wait3A_289 = arith.constant 0 : i32
          %dma_wait3A_290 = arith.constant 0 : i32
          %dma_wait3A_291 = tpu.memref_slice %arg7[%dma_wait3A_288, %dma_wait3A_289, %dma_wait3A_290] : memref<12x125x16xf32, #tpu.memory_space<vmem>> -> memref<1x125x16xf32, #tpu.memory_space<vmem>>
          %dma_wait3A_292 = tpu.memref_squeeze %dma_wait3A_291 : memref<1x125x16xf32, #tpu.memory_space<vmem>> -> memref<125x16xf32, #tpu.memory_space<vmem>>
          %dma_wait3A_293 = arith.constant 0 : i32
          %dma_wait3A_294 = tpu.memref_slice %arg6[%sub3A_287, %dma_wait3A_293] : memref<80x125xi32, #tpu.memory_space<vmem>> -> memref<1x125xi32, #tpu.memory_space<vmem>>
          %dma_wait3A_295 = tpu.memref_squeeze %dma_wait3A_294 : memref<1x125xi32, #tpu.memory_space<vmem>> -> memref<125xi32, #tpu.memory_space<vmem>>
          %dma_wait3A_296 = arith.constant 0 : i32
          %dma_wait3A_297 = arith.constant 0 : i32
          %dma_wait3A_298 = tpu.memref_slice %arg9[%dma_wait3A_296, %dma_wait3A_297] : memref<10240x16xf32, #tpu.memory_space<vmem_shared>> -> memref<10240x16xf32, #tpu.memory_space<vmem_shared>>
          tpu.wait_indirect_dma semaphore(%arg27 : memref<!tpu.dma_semaphore, #tpu.memory_space<semaphore_mem>>) src(%dma_wait3A_292 : memref<125x16xf32, #tpu.memory_space<vmem>>) dst(%dma_wait3A_298 : memref<10240x16xf32, #tpu.memory_space<vmem_shared>>)
        } else {
        }
        %add3A_258 = arith.constant 6 : i32
        %add3A_259 = arith.addi %add3A_247, %add3A_258 : i32
        %lt3A_260 = arith.constant 80 : i32
        %lt3A_261 = arith.cmpi slt, %add3A_259, %lt3A_260 : i32
        %convert_element_type3A_262 = arith.extui %lt3A_261 : i1 to i32
        %cond3A_263 = arith.constant 0 : i32
        %cond3A_264 = arith.cmpi ne, %convert_element_type3A_262, %cond3A_263 : i32
        scf.if %cond3A_264 {
          %add3A_287 = arith.constant 6 : i32
          %add3A_288 = arith.addi %add3A_247, %add3A_287 : i32
          %dma_start3A_289 = arith.constant 5 : i32
          %dma_start3A_290 = arith.constant 0 : i32
          %dma_start3A_291 = arith.constant 0 : i32
          %dma_start3A_292 = tpu.memref_slice %arg7[%dma_start3A_289, %dma_start3A_290, %dma_start3A_291] : memref<12x125x16xf32, #tpu.memory_space<vmem>> -> memref<1x125x16xf32, #tpu.memory_space<vmem>>
          %dma_start3A_293 = tpu.memref_squeeze %dma_start3A_292 : memref<1x125x16xf32, #tpu.memory_space<vmem>> -> memref<125x16xf32, #tpu.memory_space<vmem>>
          %dma_start3A_294 = arith.constant 0 : i32
          %dma_start3A_295 = tpu.memref_slice %arg5[%add3A_288, %dma_start3A_294] : memref<80x125xi32, #tpu.memory_space<vmem>> -> memref<1x125xi32, #tpu.memory_space<vmem>>
          %dma_start3A_296 = tpu.memref_squeeze %dma_start3A_295 : memref<1x125xi32, #tpu.memory_space<vmem>> -> memref<125xi32, #tpu.memory_space<vmem>>
          %dma_start3A_297 = arith.constant 0 : i32
          %dma_start3A_298 = arith.constant 0 : i32
          %dma_start3A_299 = tpu.memref_slice %arg2[%dma_start3A_297, %dma_start3A_298] : memref<10240x16xf32, #tpu.memory_space<hbm>> -> memref<10240x16xf32, #tpu.memory_space<hbm>>
          tpu.enqueue_indirect_dma source(%dma_start3A_299 : memref<10240x16xf32, #tpu.memory_space<hbm>>) target(%dma_start3A_293 : memref<125x16xf32, #tpu.memory_space<vmem>>) offsets(%dma_start3A_296 : memref<125xi32, #tpu.memory_space<vmem>>) semaphore(%arg15 : memref<!tpu.dma_semaphore, #tpu.memory_space<semaphore_mem>>)
        } else {
        }
        %dma_wait3A_265 = arith.constant 11 : i32
        %dma_wait3A_266 = arith.constant 0 : i32
        %dma_wait3A_267 = arith.constant 0 : i32
        %dma_wait3A_268 = tpu.memref_slice %arg7[%dma_wait3A_265, %dma_wait3A_266, %dma_wait3A_267] : memref<12x125x16xf32, #tpu.memory_space<vmem>> -> memref<1x125x16xf32, #tpu.memory_space<vmem>>
        %dma_wait3A_269 = tpu.memref_squeeze %dma_wait3A_268 : memref<1x125x16xf32, #tpu.memory_space<vmem>> -> memref<125x16xf32, #tpu.memory_space<vmem>>
        %dma_wait3A_270 = arith.constant 0 : i32
        %dma_wait3A_271 = tpu.memref_slice %arg5[%add3A_247, %dma_wait3A_270] : memref<80x125xi32, #tpu.memory_space<vmem>> -> memref<1x125xi32, #tpu.memory_space<vmem>>
        %dma_wait3A_272 = tpu.memref_squeeze %dma_wait3A_271 : memref<1x125xi32, #tpu.memory_space<vmem>> -> memref<125xi32, #tpu.memory_space<vmem>>
        %dma_wait3A_273 = arith.constant 0 : i32
        %dma_wait3A_274 = arith.constant 0 : i32
        %dma_wait3A_275 = tpu.memref_slice %arg2[%dma_wait3A_273, %dma_wait3A_274] : memref<10240x16xf32, #tpu.memory_space<hbm>> -> memref<10240x16xf32, #tpu.memory_space<hbm>>
        tpu.wait_indirect_dma semaphore(%arg21 : memref<!tpu.dma_semaphore, #tpu.memory_space<semaphore_mem>>) src(%dma_wait3A_275 : memref<10240x16xf32, #tpu.memory_space<hbm>>) dst(%dma_wait3A_269 : memref<125x16xf32, #tpu.memory_space<vmem>>)
        %dma_start3A_276 = arith.constant 11 : i32
        %dma_start3A_277 = arith.constant 0 : i32
        %dma_start3A_278 = arith.constant 0 : i32
        %dma_start3A_279 = tpu.memref_slice %arg7[%dma_start3A_276, %dma_start3A_277, %dma_start3A_278] : memref<12x125x16xf32, #tpu.memory_space<vmem>> -> memref<1x125x16xf32, #tpu.memory_space<vmem>>
        %dma_start3A_280 = tpu.memref_squeeze %dma_start3A_279 : memref<1x125x16xf32, #tpu.memory_space<vmem>> -> memref<125x16xf32, #tpu.memory_space<vmem>>
        %dma_start3A_281 = arith.constant 0 : i32
        %dma_start3A_282 = tpu.memref_slice %arg6[%add3A_247, %dma_start3A_281] : memref<80x125xi32, #tpu.memory_space<vmem>> -> memref<1x125xi32, #tpu.memory_space<vmem>>
        %dma_start3A_283 = tpu.memref_squeeze %dma_start3A_282 : memref<1x125xi32, #tpu.memory_space<vmem>> -> memref<125xi32, #tpu.memory_space<vmem>>
        %dma_start3A_284 = arith.constant 0 : i32
        %dma_start3A_285 = arith.constant 0 : i32
        %dma_start3A_286 = tpu.memref_slice %arg9[%dma_start3A_284, %dma_start3A_285] : memref<10240x16xf32, #tpu.memory_space<vmem_shared>> -> memref<10240x16xf32, #tpu.memory_space<vmem_shared>>
        tpu.enqueue_indirect_dma source(%dma_start3A_280 : memref<125x16xf32, #tpu.memory_space<vmem>>) target(%dma_start3A_286 : memref<10240x16xf32, #tpu.memory_space<vmem_shared>>) offsets(%dma_start3A_283 : memref<125xi32, #tpu.memory_space<vmem>>) semaphore(%arg33 : memref<!tpu.dma_semaphore, #tpu.memory_space<semaphore_mem>>) {add = true}
      } else {
      }
      %scan3A_253 = arith.constant 0 : i32
      scf.yield %scan3A_253 : i32
    }
    %scan3A_89 = arith.constant 7 : i32
    %dma_wait3A = arith.constant 2 : i32
    %dma_wait3A_90 = arith.constant 74 : i32
    %dma_wait3A_91 = arith.constant 0 : i32
    %dma_wait3A_92 = arith.constant 0 : i32
    %dma_wait3A_93 = tpu.memref_slice %arg7[%dma_wait3A, %dma_wait3A_91, %dma_wait3A_92] : memref<12x125x16xf32, #tpu.memory_space<vmem>> -> memref<1x125x16xf32, #tpu.memory_space<vmem>>
    %dma_wait3A_94 = tpu.memref_squeeze %dma_wait3A_93 : memref<1x125x16xf32, #tpu.memory_space<vmem>> -> memref<125x16xf32, #tpu.memory_space<vmem>>
    %dma_wait3A_95 = arith.constant 0 : i32
    %dma_wait3A_96 = tpu.memref_slice %arg6[%dma_wait3A_90, %dma_wait3A_95] : memref<80x125xi32, #tpu.memory_space<vmem>> -> memref<1x125xi32, #tpu.memory_space<vmem>>
    %dma_wait3A_97 = tpu.memref_squeeze %dma_wait3A_96 : memref<1x125xi32, #tpu.memory_space<vmem>> -> memref<125xi32, #tpu.memory_space<vmem>>
    %dma_wait3A_98 = arith.constant 0 : i32
    %dma_wait3A_99 = arith.constant 0 : i32
    %dma_wait3A_100 = tpu.memref_slice %arg9[%dma_wait3A_98, %dma_wait3A_99] : memref<10240x16xf32, #tpu.memory_space<vmem_shared>> -> memref<10240x16xf32, #tpu.memory_space<vmem_shared>>
    tpu.wait_indirect_dma semaphore(%arg24 : memref<!tpu.dma_semaphore, #tpu.memory_space<semaphore_mem>>) src(%dma_wait3A_94 : memref<125x16xf32, #tpu.memory_space<vmem>>) dst(%dma_wait3A_100 : memref<10240x16xf32, #tpu.memory_space<vmem_shared>>)
    %dma_wait3A_101 = arith.constant 3 : i32
    %dma_wait3A_102 = arith.constant 75 : i32
    %dma_wait3A_103 = arith.constant 0 : i32
    %dma_wait3A_104 = arith.constant 0 : i32
    %dma_wait3A_105 = tpu.memref_slice %arg7[%dma_wait3A_101, %dma_wait3A_103, %dma_wait3A_104] : memref<12x125x16xf32, #tpu.memory_space<vmem>> -> memref<1x125x16xf32, #tpu.memory_space<vmem>>
    %dma_wait3A_106 = tpu.memref_squeeze %dma_wait3A_105 : memref<1x125x16xf32, #tpu.memory_space<vmem>> -> memref<125x16xf32, #tpu.memory_space<vmem>>
    %dma_wait3A_107 = arith.constant 0 : i32
    %dma_wait3A_108 = tpu.memref_slice %arg6[%dma_wait3A_102, %dma_wait3A_107] : memref<80x125xi32, #tpu.memory_space<vmem>> -> memref<1x125xi32, #tpu.memory_space<vmem>>
    %dma_wait3A_109 = tpu.memref_squeeze %dma_wait3A_108 : memref<1x125xi32, #tpu.memory_space<vmem>> -> memref<125xi32, #tpu.memory_space<vmem>>
    %dma_wait3A_110 = arith.constant 0 : i32
    %dma_wait3A_111 = arith.constant 0 : i32
    %dma_wait3A_112 = tpu.memref_slice %arg9[%dma_wait3A_110, %dma_wait3A_111] : memref<10240x16xf32, #tpu.memory_space<vmem_shared>> -> memref<10240x16xf32, #tpu.memory_space<vmem_shared>>
    tpu.wait_indirect_dma semaphore(%arg25 : memref<!tpu.dma_semaphore, #tpu.memory_space<semaphore_mem>>) src(%dma_wait3A_106 : memref<125x16xf32, #tpu.memory_space<vmem>>) dst(%dma_wait3A_112 : memref<10240x16xf32, #tpu.memory_space<vmem_shared>>)
    %dma_wait3A_113 = arith.constant 4 : i32
    %dma_wait3A_114 = arith.constant 76 : i32
    %dma_wait3A_115 = arith.constant 0 : i32
    %dma_wait3A_116 = arith.constant 0 : i32
    %dma_wait3A_117 = tpu.memref_slice %arg7[%dma_wait3A_113, %dma_wait3A_115, %dma_wait3A_116] : memref<12x125x16xf32, #tpu.memory_space<vmem>> -> memref<1x125x16xf32, #tpu.memory_space<vmem>>
    %dma_wait3A_118 = tpu.memref_squeeze %dma_wait3A_117 : memref<1x125x16xf32, #tpu.memory_space<vmem>> -> memref<125x16xf32, #tpu.memory_space<vmem>>
    %dma_wait3A_119 = arith.constant 0 : i32
    %dma_wait3A_120 = tpu.memref_slice %arg6[%dma_wait3A_114, %dma_wait3A_119] : memref<80x125xi32, #tpu.memory_space<vmem>> -> memref<1x125xi32, #tpu.memory_space<vmem>>
    %dma_wait3A_121 = tpu.memref_squeeze %dma_wait3A_120 : memref<1x125xi32, #tpu.memory_space<vmem>> -> memref<125xi32, #tpu.memory_space<vmem>>
    %dma_wait3A_122 = arith.constant 0 : i32
    %dma_wait3A_123 = arith.constant 0 : i32
    %dma_wait3A_124 = tpu.memref_slice %arg9[%dma_wait3A_122, %dma_wait3A_123] : memref<10240x16xf32, #tpu.memory_space<vmem_shared>> -> memref<10240x16xf32, #tpu.memory_space<vmem_shared>>
    tpu.wait_indirect_dma semaphore(%arg26 : memref<!tpu.dma_semaphore, #tpu.memory_space<semaphore_mem>>) src(%dma_wait3A_118 : memref<125x16xf32, #tpu.memory_space<vmem>>) dst(%dma_wait3A_124 : memref<10240x16xf32, #tpu.memory_space<vmem_shared>>)
    %dma_wait3A_125 = arith.constant 5 : i32
    %dma_wait3A_126 = arith.constant 77 : i32
    %dma_wait3A_127 = arith.constant 0 : i32
    %dma_wait3A_128 = arith.constant 0 : i32
    %dma_wait3A_129 = tpu.memref_slice %arg7[%dma_wait3A_125, %dma_wait3A_127, %dma_wait3A_128] : memref<12x125x16xf32, #tpu.memory_space<vmem>> -> memref<1x125x16xf32, #tpu.memory_space<vmem>>
    %dma_wait3A_130 = tpu.memref_squeeze %dma_wait3A_129 : memref<1x125x16xf32, #tpu.memory_space<vmem>> -> memref<125x16xf32, #tpu.memory_space<vmem>>
    %dma_wait3A_131 = arith.constant 0 : i32
    %dma_wait3A_132 = tpu.memref_slice %arg6[%dma_wait3A_126, %dma_wait3A_131] : memref<80x125xi32, #tpu.memory_space<vmem>> -> memref<1x125xi32, #tpu.memory_space<vmem>>
    %dma_wait3A_133 = tpu.memref_squeeze %dma_wait3A_132 : memref<1x125xi32, #tpu.memory_space<vmem>> -> memref<125xi32, #tpu.memory_space<vmem>>
    %dma_wait3A_134 = arith.constant 0 : i32
    %dma_wait3A_135 = arith.constant 0 : i32
    %dma_wait3A_136 = tpu.memref_slice %arg9[%dma_wait3A_134, %dma_wait3A_135] : memref<10240x16xf32, #tpu.memory_space<vmem_shared>> -> memref<10240x16xf32, #tpu.memory_space<vmem_shared>>
    tpu.wait_indirect_dma semaphore(%arg27 : memref<!tpu.dma_semaphore, #tpu.memory_space<semaphore_mem>>) src(%dma_wait3A_130 : memref<125x16xf32, #tpu.memory_space<vmem>>) dst(%dma_wait3A_136 : memref<10240x16xf32, #tpu.memory_space<vmem_shared>>)
    %dma_wait3A_137 = arith.constant 6 : i32
    %dma_wait3A_138 = arith.constant 78 : i32
    %dma_wait3A_139 = arith.constant 0 : i32
    %dma_wait3A_140 = arith.constant 0 : i32
    %dma_wait3A_141 = tpu.memref_slice %arg7[%dma_wait3A_137, %dma_wait3A_139, %dma_wait3A_140] : memref<12x125x16xf32, #tpu.memory_space<vmem>> -> memref<1x125x16xf32, #tpu.memory_space<vmem>>
    %dma_wait3A_142 = tpu.memref_squeeze %dma_wait3A_141 : memref<1x125x16xf32, #tpu.memory_space<vmem>> -> memref<125x16xf32, #tpu.memory_space<vmem>>
    %dma_wait3A_143 = arith.constant 0 : i32
    %dma_wait3A_144 = tpu.memref_slice %arg6[%dma_wait3A_138, %dma_wait3A_143] : memref<80x125xi32, #tpu.memory_space<vmem>> -> memref<1x125xi32, #tpu.memory_space<vmem>>
    %dma_wait3A_145 = tpu.memref_squeeze %dma_wait3A_144 : memref<1x125xi32, #tpu.memory_space<vmem>> -> memref<125xi32, #tpu.memory_space<vmem>>
    %dma_wait3A_146 = arith.constant 0 : i32
    %dma_wait3A_147 = arith.constant 0 : i32
    %dma_wait3A_148 = tpu.memref_slice %arg9[%dma_wait3A_146, %dma_wait3A_147] : memref<10240x16xf32, #tpu.memory_space<vmem_shared>> -> memref<10240x16xf32, #tpu.memory_space<vmem_shared>>
    tpu.wait_indirect_dma semaphore(%arg28 : memref<!tpu.dma_semaphore, #tpu.memory_space<semaphore_mem>>) src(%dma_wait3A_142 : memref<125x16xf32, #tpu.memory_space<vmem>>) dst(%dma_wait3A_148 : memref<10240x16xf32, #tpu.memory_space<vmem_shared>>)
    %dma_wait3A_149 = arith.constant 7 : i32
    %dma_wait3A_150 = arith.constant 79 : i32
    %dma_wait3A_151 = arith.constant 0 : i32
    %dma_wait3A_152 = arith.constant 0 : i32
    %dma_wait3A_153 = tpu.memref_slice %arg7[%dma_wait3A_149, %dma_wait3A_151, %dma_wait3A_152] : memref<12x125x16xf32, #tpu.memory_space<vmem>> -> memref<1x125x16xf32, #tpu.memory_space<vmem>>
    %dma_wait3A_154 = tpu.memref_squeeze %dma_wait3A_153 : memref<1x125x16xf32, #tpu.memory_space<vmem>> -> memref<125x16xf32, #tpu.memory_space<vmem>>
    %dma_wait3A_155 = arith.constant 0 : i32
    %dma_wait3A_156 = tpu.memref_slice %arg6[%dma_wait3A_150, %dma_wait3A_155] : memref<80x125xi32, #tpu.memory_space<vmem>> -> memref<1x125xi32, #tpu.memory_space<vmem>>
    %dma_wait3A_157 = tpu.memref_squeeze %dma_wait3A_156 : memref<1x125xi32, #tpu.memory_space<vmem>> -> memref<125xi32, #tpu.memory_space<vmem>>
    %dma_wait3A_158 = arith.constant 0 : i32
    %dma_wait3A_159 = arith.constant 0 : i32
    %dma_wait3A_160 = tpu.memref_slice %arg9[%dma_wait3A_158, %dma_wait3A_159] : memref<10240x16xf32, #tpu.memory_space<vmem_shared>> -> memref<10240x16xf32, #tpu.memory_space<vmem_shared>>
    tpu.wait_indirect_dma semaphore(%arg29 : memref<!tpu.dma_semaphore, #tpu.memory_space<semaphore_mem>>) src(%dma_wait3A_154 : memref<125x16xf32, #tpu.memory_space<vmem>>) dst(%dma_wait3A_160 : memref<10240x16xf32, #tpu.memory_space<vmem_shared>>)
    %barrier3A_161 = arith.constant 0 : index
    tpu.barrier barrier_id(%barrier3A_161)
    %mul3A_162 = arith.constant 640 : i32
    %mul3A_163 = arith.muli %arg1, %mul3A_162 : i32
    %mul3A_164 = arith.constant 640 : i32
    %mul3A_165 = arith.muli %arg1, %mul3A_164 : i32
    "tpu.region"() ({
      %run_scoped3A_166 = tpu.sem_alloc : memref<!tpu.dma_semaphore, #tpu.memory_space<semaphore_mem>>
      %dma_start3A_167 = arith.constant 0 : i32
      %dma_start3A_168 = tpu.memref_slice %arg4[%arg0, %mul3A_165, %dma_start3A_167] : memref<2x10240x16xf32, #tpu.memory_space<hbm>> -> memref<1x640x16xf32, #tpu.memory_space<hbm>>
      %dma_start3A_169 = tpu.memref_squeeze %dma_start3A_168 : memref<1x640x16xf32, #tpu.memory_space<hbm>> -> memref<640x16xf32, #tpu.memory_space<hbm>>
      %dma_start3A_170 = arith.constant 0 : i32
      %dma_start3A_171 = tpu.memref_slice %arg9[%mul3A_163, %dma_start3A_170] : memref<10240x16xf32, #tpu.memory_space<vmem_shared>> -> memref<640x16xf32, #tpu.memory_space<vmem_shared>>
      tpu.enqueue_dma source(%dma_start3A_171 : memref<640x16xf32, #tpu.memory_space<vmem_shared>>) target(%dma_start3A_169 : memref<640x16xf32, #tpu.memory_space<hbm>>) target_semaphore(%run_scoped3A_166 : memref<!tpu.dma_semaphore, #tpu.memory_space<semaphore_mem>>)
      %dma_wait3A_172 = arith.constant 0 : i32
      %dma_wait3A_173 = tpu.memref_slice %arg4[%arg0, %mul3A_165, %dma_wait3A_172] : memref<2x10240x16xf32, #tpu.memory_space<hbm>> -> memref<1x640x16xf32, #tpu.memory_space<hbm>>
      %dma_wait3A_174 = tpu.memref_squeeze %dma_wait3A_173 : memref<1x640x16xf32, #tpu.memory_space<hbm>> -> memref<640x16xf32, #tpu.memory_space<hbm>>
      %dma_wait3A_175 = arith.constant 0 : i32
      %dma_wait3A_176 = tpu.memref_slice %arg9[%mul3A_163, %dma_wait3A_175] : memref<10240x16xf32, #tpu.memory_space<vmem_shared>> -> memref<640x16xf32, #tpu.memory_space<vmem_shared>>
      tpu.wait_dma2 semaphore(%run_scoped3A_166 : memref<!tpu.dma_semaphore, #tpu.memory_space<semaphore_mem>>) src(%dma_wait3A_176 : memref<640x16xf32, #tpu.memory_space<vmem_shared>>) dst(%dma_wait3A_174 : memref<640x16xf32, #tpu.memory_space<hbm>>)
      tpu.yield
    }) : () -> ()
    return
  }
}

module attributes {stable_mosaic.version = 14 : i64} {
  func.func @_mm1_body(%arg0: i32, %arg1: memref<128x8x128xf32, #tpu.memory_space<vmem>>, %arg2: memref<128x16xf32, #tpu.memory_space<vmem>>, %arg3: memref<128x128xf32, #tpu.memory_space<vmem>>) attributes {dimension_semantics = [#tpu.dimension_semantics<arbitrary>], iteration_bounds = array<i64: 10>, scalar_prefetch = 0 : i64, scratch_operands = 0 : i64, tpu.core_type = #tpu.core_type<tc>, window_params = [{transform_indices = @transform_0, window_bounds = array<i64: 128, 8, 128>}, {pipeline_mode = #tpu.pipeline_mode<synchronous>, transform_indices = @transform_1, window_bounds = array<i64: 128, 16>}, {transform_indices = @transform_2, window_bounds = array<i64: 128, 128>}]} {
    %get3A = arith.constant 0 : index
    %get3A_0 = arith.constant 0 : index
    %get3A_1 = arith.constant 0 : index
    %get3A_2 = vector.load %arg1[%get3A, %get3A_0, %get3A_1] : memref<128x8x128xf32, #tpu.memory_space<vmem>>, vector<128x1x128xf32>
    %get3A_3 = vector.shape_cast %get3A_2 : vector<128x1x128xf32> to vector<128x128xf32>
    %get3A_4 = arith.constant 0 : index
    %get3A_5 = arith.constant 0 : index
    %get3A_6 = vector.load %arg2[%get3A_4, %get3A_5] : memref<128x16xf32, #tpu.memory_space<vmem>>, vector<128x16xf32>
    %dot_general3A = arith.constant dense<0.000000e+00> : vector<128x16xf32>
    %dot_general3A_7 = tpu.matmul %get3A_3, %get3A_6, %dot_general3A {dimension_numbers = #tpu.dot_dimension_numbers<[1], [0], [0], [1], [0, 0, 1, 1], [], []>, transpose_lhs_hint = false} : vector<128x128xf32>, vector<128x16xf32>, vector<128x16xf32> -> vector<128x16xf32>
    %get3A_8 = arith.constant 0 : index
    %get3A_9 = arith.constant 1 : index
    %get3A_10 = arith.constant 0 : index
    %get3A_11 = vector.load %arg1[%get3A_8, %get3A_9, %get3A_10] : memref<128x8x128xf32, #tpu.memory_space<vmem>>, vector<128x1x128xf32>
    %get3A_12 = vector.shape_cast %get3A_11 : vector<128x1x128xf32> to vector<128x128xf32>
    %get3A_13 = arith.constant 0 : index
    %get3A_14 = arith.constant 0 : index
    %get3A_15 = vector.load %arg2[%get3A_13, %get3A_14] : memref<128x16xf32, #tpu.memory_space<vmem>>, vector<128x16xf32>
    %dot_general3A_16 = arith.constant dense<0.000000e+00> : vector<128x16xf32>
    %dot_general3A_17 = tpu.matmul %get3A_12, %get3A_15, %dot_general3A_16 {dimension_numbers = #tpu.dot_dimension_numbers<[1], [0], [0], [1], [0, 0, 1, 1], [], []>, transpose_lhs_hint = false} : vector<128x128xf32>, vector<128x16xf32>, vector<128x16xf32> -> vector<128x16xf32>
    %get3A_18 = arith.constant 0 : index
    %get3A_19 = arith.constant 2 : index
    %get3A_20 = arith.constant 0 : index
    %get3A_21 = vector.load %arg1[%get3A_18, %get3A_19, %get3A_20] : memref<128x8x128xf32, #tpu.memory_space<vmem>>, vector<128x1x128xf32>
    %get3A_22 = vector.shape_cast %get3A_21 : vector<128x1x128xf32> to vector<128x128xf32>
    %get3A_23 = arith.constant 0 : index
    %get3A_24 = arith.constant 0 : index
    %get3A_25 = vector.load %arg2[%get3A_23, %get3A_24] : memref<128x16xf32, #tpu.memory_space<vmem>>, vector<128x16xf32>
    %dot_general3A_26 = arith.constant dense<0.000000e+00> : vector<128x16xf32>
    %dot_general3A_27 = tpu.matmul %get3A_22, %get3A_25, %dot_general3A_26 {dimension_numbers = #tpu.dot_dimension_numbers<[1], [0], [0], [1], [0, 0, 1, 1], [], []>, transpose_lhs_hint = false} : vector<128x128xf32>, vector<128x16xf32>, vector<128x16xf32> -> vector<128x16xf32>
    %get3A_28 = arith.constant 0 : index
    %get3A_29 = arith.constant 3 : index
    %get3A_30 = arith.constant 0 : index
    %get3A_31 = vector.load %arg1[%get3A_28, %get3A_29, %get3A_30] : memref<128x8x128xf32, #tpu.memory_space<vmem>>, vector<128x1x128xf32>
    %get3A_32 = vector.shape_cast %get3A_31 : vector<128x1x128xf32> to vector<128x128xf32>
    %get3A_33 = arith.constant 0 : index
    %get3A_34 = arith.constant 0 : index
    %get3A_35 = vector.load %arg2[%get3A_33, %get3A_34] : memref<128x16xf32, #tpu.memory_space<vmem>>, vector<128x16xf32>
    %dot_general3A_36 = arith.constant dense<0.000000e+00> : vector<128x16xf32>
    %dot_general3A_37 = tpu.matmul %get3A_32, %get3A_35, %dot_general3A_36 {dimension_numbers = #tpu.dot_dimension_numbers<[1], [0], [0], [1], [0, 0, 1, 1], [], []>, transpose_lhs_hint = false} : vector<128x128xf32>, vector<128x16xf32>, vector<128x16xf32> -> vector<128x16xf32>
    %get3A_38 = arith.constant 0 : index
    %get3A_39 = arith.constant 4 : index
    %get3A_40 = arith.constant 0 : index
    %get3A_41 = vector.load %arg1[%get3A_38, %get3A_39, %get3A_40] : memref<128x8x128xf32, #tpu.memory_space<vmem>>, vector<128x1x128xf32>
    %get3A_42 = vector.shape_cast %get3A_41 : vector<128x1x128xf32> to vector<128x128xf32>
    %get3A_43 = arith.constant 0 : index
    %get3A_44 = arith.constant 0 : index
    %get3A_45 = vector.load %arg2[%get3A_43, %get3A_44] : memref<128x16xf32, #tpu.memory_space<vmem>>, vector<128x16xf32>
    %dot_general3A_46 = arith.constant dense<0.000000e+00> : vector<128x16xf32>
    %dot_general3A_47 = tpu.matmul %get3A_42, %get3A_45, %dot_general3A_46 {dimension_numbers = #tpu.dot_dimension_numbers<[1], [0], [0], [1], [0, 0, 1, 1], [], []>, transpose_lhs_hint = false} : vector<128x128xf32>, vector<128x16xf32>, vector<128x16xf32> -> vector<128x16xf32>
    %get3A_48 = arith.constant 0 : index
    %get3A_49 = arith.constant 5 : index
    %get3A_50 = arith.constant 0 : index
    %get3A_51 = vector.load %arg1[%get3A_48, %get3A_49, %get3A_50] : memref<128x8x128xf32, #tpu.memory_space<vmem>>, vector<128x1x128xf32>
    %get3A_52 = vector.shape_cast %get3A_51 : vector<128x1x128xf32> to vector<128x128xf32>
    %get3A_53 = arith.constant 0 : index
    %get3A_54 = arith.constant 0 : index
    %get3A_55 = vector.load %arg2[%get3A_53, %get3A_54] : memref<128x16xf32, #tpu.memory_space<vmem>>, vector<128x16xf32>
    %dot_general3A_56 = arith.constant dense<0.000000e+00> : vector<128x16xf32>
    %dot_general3A_57 = tpu.matmul %get3A_52, %get3A_55, %dot_general3A_56 {dimension_numbers = #tpu.dot_dimension_numbers<[1], [0], [0], [1], [0, 0, 1, 1], [], []>, transpose_lhs_hint = false} : vector<128x128xf32>, vector<128x16xf32>, vector<128x16xf32> -> vector<128x16xf32>
    %get3A_58 = arith.constant 0 : index
    %get3A_59 = arith.constant 6 : index
    %get3A_60 = arith.constant 0 : index
    %get3A_61 = vector.load %arg1[%get3A_58, %get3A_59, %get3A_60] : memref<128x8x128xf32, #tpu.memory_space<vmem>>, vector<128x1x128xf32>
    %get3A_62 = vector.shape_cast %get3A_61 : vector<128x1x128xf32> to vector<128x128xf32>
    %get3A_63 = arith.constant 0 : index
    %get3A_64 = arith.constant 0 : index
    %get3A_65 = vector.load %arg2[%get3A_63, %get3A_64] : memref<128x16xf32, #tpu.memory_space<vmem>>, vector<128x16xf32>
    %dot_general3A_66 = arith.constant dense<0.000000e+00> : vector<128x16xf32>
    %dot_general3A_67 = tpu.matmul %get3A_62, %get3A_65, %dot_general3A_66 {dimension_numbers = #tpu.dot_dimension_numbers<[1], [0], [0], [1], [0, 0, 1, 1], [], []>, transpose_lhs_hint = false} : vector<128x128xf32>, vector<128x16xf32>, vector<128x16xf32> -> vector<128x16xf32>
    %get3A_68 = arith.constant 0 : index
    %get3A_69 = arith.constant 7 : index
    %get3A_70 = arith.constant 0 : index
    %get3A_71 = vector.load %arg1[%get3A_68, %get3A_69, %get3A_70] : memref<128x8x128xf32, #tpu.memory_space<vmem>>, vector<128x1x128xf32>
    %get3A_72 = vector.shape_cast %get3A_71 : vector<128x1x128xf32> to vector<128x128xf32>
    %get3A_73 = arith.constant 0 : index
    %get3A_74 = arith.constant 0 : index
    %get3A_75 = vector.load %arg2[%get3A_73, %get3A_74] : memref<128x16xf32, #tpu.memory_space<vmem>>, vector<128x16xf32>
    %dot_general3A_76 = arith.constant dense<0.000000e+00> : vector<128x16xf32>
    %dot_general3A_77 = tpu.matmul %get3A_72, %get3A_75, %dot_general3A_76 {dimension_numbers = #tpu.dot_dimension_numbers<[1], [0], [0], [1], [0, 0, 1, 1], [], []>, transpose_lhs_hint = false} : vector<128x128xf32>, vector<128x16xf32>, vector<128x16xf32> -> vector<128x16xf32>
    %concatenate3A = tpu.concatenate %dot_general3A_7, %dot_general3A_17, %dot_general3A_27, %dot_general3A_37, %dot_general3A_47, %dot_general3A_57, %dot_general3A_67, %dot_general3A_77 in 1 : vector<128x16xf32>, vector<128x16xf32>, vector<128x16xf32>, vector<128x16xf32>, vector<128x16xf32>, vector<128x16xf32>, vector<128x16xf32>, vector<128x16xf32> -> vector<128x128xf32>
    %swap3A = arith.constant 0 : index
    %swap3A_78 = arith.constant 0 : index
    %swap3A_79 = vector.load %arg3[%swap3A, %swap3A_78] : memref<128x128xf32, #tpu.memory_space<vmem>>, vector<128x128xf32>
    tpu.vector_store %arg3[%swap3A, %swap3A_78], %concatenate3A {strides = array<i32>} : memref<128x128xf32, #tpu.memory_space<vmem>>, vector<128x128xf32>,
    return
  }
  func.func @transform_0(%arg0: i32) -> (i32, i32, i32) {
    %c0_i32 = arith.constant 0 : i32
    %c0_i32_0 = arith.constant 0 : i32
    %c0_i32_1 = arith.constant 0 : i32
    return %arg0, %c0_i32, %c0_i32_0 : i32, i32, i32
  }
  func.func @transform_1(%arg0: i32) -> (i32, i32) {
    %c0_i32 = arith.constant 0 : i32
    %c0_i32_0 = arith.constant 0 : i32
    %c0_i32_1 = arith.constant 0 : i32
    return %c0_i32, %c0_i32_0 : i32, i32
  }
  func.func @transform_2(%arg0: i32) -> (i32, i32) {
    %c0_i32 = arith.constant 0 : i32
    %c0_i32_0 = arith.constant 0 : i32
    return %arg0, %c0_i32 : i32, i32
  }
}

module attributes {stable_mosaic.version = 14 : i64} {
  func.func @_mm2_body(%arg0: i32, %arg1: memref<128x128xf32, #tpu.memory_space<vmem>>, %arg2: memref<128x128xf32, #tpu.memory_space<vmem>>, %arg3: memref<128x128xf32, #tpu.memory_space<vmem>>) attributes {dimension_semantics = [#tpu.dimension_semantics<arbitrary>], iteration_bounds = array<i64: 10>, scalar_prefetch = 0 : i64, scratch_operands = 0 : i64, tpu.core_type = #tpu.core_type<tc>, window_params = [{transform_indices = @transform_0, window_bounds = array<i64: 128, 128>}, {pipeline_mode = #tpu.pipeline_mode<synchronous>, transform_indices = @transform_1, window_bounds = array<i64: 128, 128>}, {transform_indices = @transform_2, window_bounds = array<i64: 128, 128>}]} {
    %get3A = arith.constant 0 : index
    %get3A_0 = arith.constant 0 : index
    %get3A_1 = vector.load %arg1[%get3A, %get3A_0] : memref<128x128xf32, #tpu.memory_space<vmem>>, vector<128x128xf32>
    %get3A_2 = arith.constant 0 : index
    %get3A_3 = arith.constant 0 : index
    %get3A_4 = vector.load %arg2[%get3A_2, %get3A_3] : memref<128x128xf32, #tpu.memory_space<vmem>>, vector<128x128xf32>
    %dot_general3A = arith.constant dense<0.000000e+00> : vector<128x128xf32>
    %dot_general3A_5 = tpu.matmul %get3A_1, %get3A_4, %dot_general3A {dimension_numbers = #tpu.dot_dimension_numbers<[1], [0], [0], [1], [0, 0, 1, 1], [], []>, transpose_lhs_hint = false} : vector<128x128xf32>, vector<128x128xf32>, vector<128x128xf32> -> vector<128x128xf32>
    %swap3A = arith.constant 0 : index
    %swap3A_6 = arith.constant 0 : index
    %swap3A_7 = vector.load %arg3[%swap3A, %swap3A_6] : memref<128x128xf32, #tpu.memory_space<vmem>>, vector<128x128xf32>
    tpu.vector_store %arg3[%swap3A, %swap3A_6], %dot_general3A_5 {strides = array<i32>} : memref<128x128xf32, #tpu.memory_space<vmem>>, vector<128x128xf32>,
    return
  }
  func.func @transform_0(%arg0: i32) -> (i32, i32) {
    %c0_i32 = arith.constant 0 : i32
    %c0_i32_0 = arith.constant 0 : i32
    return %arg0, %c0_i32 : i32, i32
  }
  func.func @transform_1(%arg0: i32) -> (i32, i32) {
    %c0_i32 = arith.constant 0 : i32
    %c0_i32_0 = arith.constant 0 : i32
    %c0_i32_1 = arith.constant 0 : i32
    return %c0_i32, %c0_i32_0 : i32, i32
  }
  func.func @transform_2(%arg0: i32) -> (i32, i32) {
    %c0_i32 = arith.constant 0 : i32
    %c0_i32_0 = arith.constant 0 : i32
    return %arg0, %c0_i32 : i32, i32
  }
}

module attributes {stable_mosaic.version = 14 : i64} {
  func.func @_head_body(%arg0: i32, %arg1: memref<1000x16xf32, #tpu.memory_space<vmem>>, %arg2: memref<16x7xf32, #tpu.memory_space<vmem>>, %arg3: memref<1x7xf32, #tpu.memory_space<vmem>>, %arg4: memref<1000x7xf32, #tpu.memory_space<vmem>>) attributes {dimension_semantics = [#tpu.dimension_semantics<arbitrary>], iteration_bounds = array<i64: 10>, scalar_prefetch = 0 : i64, scratch_operands = 0 : i64, tpu.core_type = #tpu.core_type<tc>, window_params = [{transform_indices = @transform_0, window_bounds = array<i64: 1000, 16>}, {pipeline_mode = #tpu.pipeline_mode<synchronous>, transform_indices = @transform_1, window_bounds = array<i64: 16, 7>}, {pipeline_mode = #tpu.pipeline_mode<synchronous>, transform_indices = @transform_2, window_bounds = array<i64: 1, 7>}, {transform_indices = @transform_3, window_bounds = array<i64: 1000, 7>}]} {
    %get3A = arith.constant 0 : index
    %get3A_0 = arith.constant 0 : index
    %get3A_1 = vector.load %arg1[%get3A, %get3A_0] : memref<1000x16xf32, #tpu.memory_space<vmem>>, vector<1000x16xf32>
    %max3A = arith.constant 0.000000e+00 : f32
    %max3A_2 = vector.broadcast %max3A : f32 to vector<1000x16xf32>
    %max3A_3 = arith.maximumf %get3A_1, %max3A_2 : vector<1000x16xf32>
    %get3A_4 = arith.constant 0 : index
    %get3A_5 = arith.constant 0 : index
    %get3A_6 = vector.load %arg2[%get3A_4, %get3A_5] : memref<16x7xf32, #tpu.memory_space<vmem>>, vector<16x7xf32>
    %dot_general3A = arith.constant dense<0.000000e+00> : vector<1000x7xf32>
    %dot_general3A_7 = tpu.matmul %max3A_3, %get3A_6, %dot_general3A {dimension_numbers = #tpu.dot_dimension_numbers<[1], [0], [0], [1], [0, 0, 1, 1], [], []>, transpose_lhs_hint = false} : vector<1000x16xf32>, vector<16x7xf32>, vector<1000x7xf32> -> vector<1000x7xf32>
    %get3A_8 = arith.constant 0 : index
    %get3A_9 = arith.constant 0 : index
    %get3A_10 = vector.load %arg3[%get3A_8, %get3A_9] : memref<1x7xf32, #tpu.memory_space<vmem>>, vector<1x7xf32>
    %add3A = vector.broadcast %get3A_10 : vector<1x7xf32> to vector<1000x7xf32>
    %add3A_11 = arith.addf %dot_general3A_7, %add3A : vector<1000x7xf32>
    %reduce_max3A = arith.constant dense<0xFF800000> : vector<1000xf32>
    %reduce_max3A_12 = vector.multi_reduction <maximumf>, %add3A_11, %reduce_max3A [1] : vector<1000x7xf32> to vector<1000xf32>
    %broadcast_in_dim3A = vector.shape_cast %reduce_max3A_12 : vector<1000xf32> to vector<1000x1xf32>
    %sub3A = vector.broadcast %broadcast_in_dim3A : vector<1000x1xf32> to vector<1000x7xf32>
    %sub3A_13 = arith.subf %add3A_11, %sub3A : vector<1000x7xf32>
    %exp3A = math.exp %sub3A_13 : vector<1000x7xf32>
    %reduce_sum3A = arith.constant dense<0.000000e+00> : vector<1000xf32>
    %reduce_sum3A_14 = vector.multi_reduction <add>, %exp3A, %reduce_sum3A [1] : vector<1000x7xf32> to vector<1000xf32>
    %broadcast_in_dim3A_15 = vector.shape_cast %reduce_sum3A_14 : vector<1000xf32> to vector<1000x1xf32>
    %log3A = math.log %broadcast_in_dim3A_15 : vector<1000x1xf32>
    %add3A_16 = arith.addf %log3A, %broadcast_in_dim3A : vector<1000x1xf32>
    %sub3A_17 = vector.broadcast %add3A_16 : vector<1000x1xf32> to vector<1000x7xf32>
    %sub3A_18 = arith.subf %add3A_11, %sub3A_17 : vector<1000x7xf32>
    %swap3A = arith.constant 0 : index
    %swap3A_19 = arith.constant 0 : index
    %swap3A_20 = vector.load %arg4[%swap3A, %swap3A_19] : memref<1000x7xf32, #tpu.memory_space<vmem>>, vector<1000x7xf32>
    tpu.vector_store %arg4[%swap3A, %swap3A_19], %sub3A_18 {strides = array<i32>} : memref<1000x7xf32, #tpu.memory_space<vmem>>, vector<1000x7xf32>,
    return
  }
  func.func @transform_0(%arg0: i32) -> (i32, i32) {
    %c0_i32 = arith.constant 0 : i32
    %c0_i32_0 = arith.constant 0 : i32
    return %arg0, %c0_i32 : i32, i32
  }
  func.func @transform_1(%arg0: i32) -> (i32, i32) {
    %c0_i32 = arith.constant 0 : i32
    %c0_i32_0 = arith.constant 0 : i32
    %c0_i32_1 = arith.constant 0 : i32
    return %c0_i32, %c0_i32_0 : i32, i32
  }
  func.func @transform_2(%arg0: i32) -> (i32, i32) {
    %c0_i32 = arith.constant 0 : i32
    %c0_i32_0 = arith.constant 0 : i32
    %c0_i32_1 = arith.constant 0 : i32
    return %c0_i32, %c0_i32_0 : i32, i32
  }
  func.func @transform_3(%arg0: i32) -> (i32, i32) {
    %c0_i32 = arith.constant 0 : i32
    %c0_i32_0 = arith.constant 0 : i32
    return %arg0, %c0_i32 : i32, i32
  }
}

</mosaic_0001>

<sc_bundles>
// kernel: kernel.11.cloned.1.call-start
scs
__scs_entry_jumppad:
0x0: {  	(pc) =	sbr.rel $0x88, $3  }
0x1: {  	(tag) =	ssettag $0x0;
	lr =	simm.s32 $0x1  }
0x2: {  	[smem:$0x3F99] =	sst lr;
	_ =	strace $0xD0000000  }
0x3: {  	_ = 	snop  }
0x4: {  	_ = 	snop  }
0x5: {  	_ = 	snop  }
0x6: {  	_ = 	snop  }
0x7: {  	_ = 	snop  }
__scs_overlays_trampoline_lowered:
0x8: {  	[smem:$0x3FA8] =	sst s0  }
0x9: {  	[smem:$0x3FA9] =	sst s1  }
0xa: {  	[smem:$0x3FAA] =	sst s2  }
0xb: {  	[smem:$0x3FAB] =	sst s3  }
0xc: {  	[smem:$0x3FAC] =	sst s4  }
0xd: {  	[smem:$0x3FAD] =	sst s5  }
0xe: {  	[smem:$0x3FAE] =	sst s6  }
0xf: {  	[smem:$0x3FAF] =	sst s7  }
0x10: {  	[smem:$0x3FB0] =	sst s8  }
0x11: {  	[smem:$0x3FB1] =	sst s9;
	s0 =	simm.s32 @!p0 $0x0  }
0x12: {  	s1 =	sld [smem:$0x3F97];
	s0 =	simm.s32 @p0 $0x1  }
0x13: {  	[smem:$0x3FB2] =	sst s0;
	s0 =	simm.s32 @!p1 $0x0  }
0x14: {  	s2 =	sld [smem:$0x3F96];
	s0 =	simm.s32 @p1 $0x1  }
0x15: {  	[smem:$0x3FB3] =	sst s0;
	s0 =	simm.s32 @!p2 $0x0  }
0x16: {  	s3 =	sld [smem:$0x3FDB];
	s0 =	simm.s32 @p2 $0x1  }
0x17: {  	s4 =	simm.s32 $0x1BF5;
	[smem:$0x3FB5] =	sst s0  }
0x18: {  	s0 =	sld [smem:$0x3F98];
	_ =	swait.ge [sflag:s4], $0x0  }
0x19: {  	s7 =	sld [smem:$0x3F99]  }
0x1a: {  	s8 =	sadd.s32 $0xFFFFE003, lr  }
0x1b: {  	s9 =	sadd.s32 $0xFFFFFEF7, lr;
	s5 =	simm.s32 $0xFFFFFFFF;
	p2 =	slt.u32 s8, $0xFFFFF086  }
0x1c: {  	p1 =	slt.u32 s9, $0xF7A;
	s5 =	simm.s32 @!p2 $0x0  }
0x1d: {  	s5 =	simm.s32 @p1 $0x1;
	p0 =	seq.s32 s7, s2  }
0x1e: {  	s7 =	smul.u32 @!p0 $0xF7A, s2;
	p2 =	seq.s32 @!p0 s5, $0x0  }
0x1f: {  	s9 =	smul.u32 $0xF7A, s1;
	s8 =	simm.s32 @!p0 $0x1BF5;
	p2 =	por !p2, p0  }
0x20: {  	[sflag:s8] =	ssyncset.s32 @!p0 $0xFFFFF086;
	s6 =	sadd.s32 @!p0 s3, s7;
	s7 =	simm.s32 @!p0 $0x108  }
0x21: {  	s3 =	sadd.s32 s3, s9;
	s6 =	sadd.s32 @!p0 $0x88, s6;
	s7 =	simm.s32 @p2 $0x1082  }
0x22: {  	[simem:s7], [sflag:s8] =	dma.local @!p0 [hbm:s6], $0xF7A  }
0x23: {  	s9 =	sor.u32 $0xD0000000, s2;
	s6 =	simm.s32 $0x108;
	_ =	swait.ge @!p0 [sflag:s8], $0x0  }
0x24: {  	s3 =	sadd.s32 $0x88, s3;
	s6 =	simm.s32 @!p1 $0x1082;
	[sflag:s4] =	ssyncset.s32 $0xFFFFF086  }
0x25: {  	[simem:s6], [sflag:s4] =	dma.local [hbm:s3], $0xF7A  }
0x26: {  	[smem:$0x3F99] =	sst s1;
	(tag) =	ssettag s2;
	_ =	strace s9  }
0x27: {  	s1 =	sld [smem:$0x3FA9]  }
0x28: {  	s2 =	sld [smem:$0x3FAA]  }
0x29: {  	s4 =	sld [smem:$0x3FAC]  }
0x2a: {  	p0 =	seq.s32 s5, $0x0;
	s5 =	sld [smem:$0x3FAD]  }
0x2b: {  	s6 =	sld [smem:$0x3FAE]  }
0x2c: {  	s7 =	sld [smem:$0x3FAF]  }
0x2d: {  	s3 =	simm.s32 $0x108;
	s8 =	sld [smem:$0x3FB0]  }
0x2e: {  	s3 =	simm.s32 @!p0 $0x1082;
	s9 =	sld [smem:$0x3FB1]  }
0x2f: {  	lr =	sadd.s32 s0, s3;
	s0 =	sld [smem:$0x3FA8]  }
0x30: {  	s3 =	sld [smem:$0x3FAB]  }
0x31: {  	[smem:$0x3FB4] =	sst s10  }
0x32: {  	s10 =	sld [smem:$0x3FB2];
	_ =	sdelay $0x3  }
0x33: {  	p0 =	seq.s32 s10, $0x1;
	s10 =	sld [smem:$0x3FB4];
	_ =	sdelay $0x3  }
0x34: {  	[smem:$0x3FB4] =	sst s10  }
0x35: {  	s10 =	sld [smem:$0x3FB3];
	_ =	sdelay $0x3  }
0x36: {  	p1 =	seq.s32 s10, $0x1;
	s10 =	sld [smem:$0x3FB4];
	_ =	sdelay $0x3  }
0x37: {  	[smem:$0x3FB4] =	sst s10  }
0x38: {  	s10 =	sld [smem:$0x3FB5]  }
0x39: {  	_ = 	snop;
	(pc) =	sbr.ind lr, $3  }
0x3a: {  	_ = 	snop  }
0x3b: {  	_ = 	snop  }
0x3c: {  	p2 =	seq.s32 s10, $0x1;
	s10 =	sld [smem:$0x3FB4]  }
0x3d: {  	_ =	shalt  }
0x3e: {  	_ =	shalt  }
0x3f: {  	_ =	shalt  }
0x40: {  	_ =	shalt  }
0x41: {  	_ =	shalt  }
0x42: {  	_ =	shalt  }
0x43: {  	_ =	shalt  }
0x44: {  	_ =	shalt  }
0x45: {  	_ =	shalt  }
0x46: {  	_ =	shalt  }
0x47: {  	_ =	shalt  }
0x48: {  	_ =	shalt  }
0x49: {  	_ =	shalt  }
0x4a: {  	_ =	shalt  }
0x4b: {  	_ =	shalt  }
0x4c: {  	_ =	shalt  }
0x4d: {  	_ =	shalt  }
0x4e: {  	_ =	shalt  }
0x4f: {  	_ =	shalt  }
0x50: {  	_ =	shalt  }
0x51: {  	_ =	shalt  }
0x52: {  	_ =	shalt  }
0x53: {  	_ =	shalt  }
0x54: {  	_ =	shalt  }
0x55: {  	_ =	shalt  }
0x56: {  	_ =	shalt  }
0x57: {  	_ =	shalt  }
0x58: {  	_ =	shalt  }
0x59: {  	_ =	shalt  }
0x5a: {  	_ =	shalt  }
0x5b: {  	_ =	shalt  }
0x5c: {  	_ =	shalt  }
0x5d: {  	_ =	shalt  }
0x5e: {  	_ =	shalt  }
0x5f: {  	_ =	shalt  }
0x60: {  	_ =	shalt  }
0x61: {  	_ =	shalt  }
0x62: {  	_ =	shalt  }
0x63: {  	_ =	shalt  }
0x64: {  	_ =	shalt  }
0x65: {  	_ =	shalt  }
0x66: {  	_ =	shalt  }
0x67: {  	_ =	shalt  }
0x68: {  	_ =	shalt  }
0x69: {  	_ =	shalt  }
0x6a: {  	_ =	shalt  }
0x6b: {  	_ =	shalt  }
0x6c: {  	_ =	shalt  }
0x6d: {  	_ =	shalt  }
0x6e: {  	_ =	shalt  }
0x6f: {  	_ =	shalt  }
0x70: {  	_ =	shalt  }
0x71: {  	_ =	shalt  }
0x72: {  	_ =	shalt  }
0x73: {  	_ =	shalt  }
0x74: {  	_ =	shalt  }
0x75: {  	_ =	shalt  }
0x76: {  	_ =	shalt  }
0x77: {  	_ =	shalt  }
0x78: {  	_ =	shalt  }
0x79: {  	_ =	shalt  }
0x7a: {  	_ =	shalt  }
0x7b: {  	_ =	shalt  }
0x7c: {  	_ =	shalt  }
0x7d: {  	_ =	shalt  }
0x7e: {  	_ =	shalt  }
0x7f: {  	_ =	shalt  }
0x80: {  	_ =	shalt  }
0x81: {  	_ =	shalt  }
0x82: {  	_ =	shalt  }
0x83: {  	_ =	shalt  }
0x84: {  	_ =	shalt  }
0x85: {  	_ =	shalt  }
0x86: {  	_ =	shalt  }
0x87: {  	_ =	shalt  }
.Lfunc_end0:
.L_simem_size_0:
called_computation.1_lowered:
.L_overlay_start_0:
0x88: {  	s2 =	sld [smem:$0x3FD9]  }
0x89: {  	s3 =	sld [smem:$0x3FFE];
	_ =	sdelay $0x1  }
0x8a: {  	s1 =	srdreg.scid  }
0x8b: {  	s0 =	sand.u32 $0x1, s1  }
0x8c: {  	s16 =	sshll.u32 s0, $0xA;
	s2 =	sadd.s32 s3, s2  }
0x8d: {  	s2 =	sadd.s32 s2, s16  }
0x8e: {  	[smem:$0x3FC0] =	sst s2  }
0x8f: {  	_ = 	snop  }
0x90: {  	(tm) =	ssettm $0x1  }
0x91: {  	s17 =	sld [smem:$0x3FFB];
	_ =	sdelay $0x3  }
0x92: {  	_ =	strace s17  }
0x93: {  	s2 =	sld [smem:$0x3FFC];
	_ =	sdelay $0x3  }
0x94: {  	_ =	strace s2  }
0x95: {  	s2 =	sld [smem:$0x3FFD];
	_ =	sdelay $0x3  }
0x96: {  	_ =	strace s2  }
0x97: {  	_ =	strace $0x8FFFFFFF  }
0x98: {  	s18 =	sld [smem:$0x3FDB];
	_ =	sdelay $0x1  }
0x99: {  	s19 =	simm.s32 $_scs_section_size  }
0x9a: {  	s4 =	simm.s32 $_size__tile_overlayer_lowered;
	s5 =	simm.s32 $_tile_overlayer_lowered  }
0x9b: {  	s22 =	simm.s32 $0x1BFF;
	s21 =	sshll.u32 s5, $0x1;
	s2 =	sadd.s32 s19, s18  }
0x9c: {  	s6 =	simm.s32 $0x0;
	s20 =	sshll.u32 s4, $0x1;
	s4 =	sadd.s32 s21, s2  }
0x9d: {  	[timem:s6], [sflag:s22] =	dma.local [hbm:s4], s20  }
0x9e: {  	_ =	swait.ge [sflag:s22], s20  }
0x9f: {  	s3 =	ssub.s32 $0x0, s20;
	[sflag:s22] =	ssyncset.done $0x0  }
0xa0: {  	[sflag:s22] =	ssyncadd.s32 s3;
	_ =	sdelay $0x1  }
0xa1: {  	s23 =	simm.s32 $0x1B8B  }
0xa2: {  	_ =	swait.ge [sflag:s23], $0x1  }
0xa3: {  	[sflag:s23] =	ssyncset.done $0x0  }
0xa4: {  	s25 =	simm.s32 $0x1B8E;
	s24 =	sld [smem:$0x3FFE];
	[sflag:s23] =	ssyncadd.s32 $0xFFFFFFFF  }
0xa5: {  	s26 =	simm.s32 $execute0_lowered;
	[smem:$0x3FD2] =	sst s25  }
0xa6: {  	s4 =	sshll.u32 s26, $0x1;
	_ =	strace $0x80000049;
	[dreg:$0x1] =	wrdreg $0xFFFFFFFF  }
0xa7: {  	s28 =	simm.s32 $_size_execute0_lowered;
	s2 =	sadd.s32 s2, s4;
	[dreg:$0x0] =	wrdreg $0x0  }
0xa8: {  	s4 =	sshll.u32 s28, $0x1;
	[dreg:$0x2] =	wrdreg s2  }
0xa9: {  	[dreg:$0x3] =	wrdreg s4  }
0xaa: {  	[dreg:$0x4] =	wrdreg $0xC0  }
0xab: {  	_ =	task [dreg:s6], $0x5FFFF  }
0xac: {  	[dreg:$0x1] =	wrdreg $0xFFFFFFFF  }
0xad: {  	[dreg:$0x0] =	wrdreg $0x60  }
0xae: {  	[dreg:$0x2] =	wrdreg s24  }
0xaf: {  	[dreg:$0x3] =	wrdreg $0xD5C00  }
0xb0: {  	[dreg:$0x4] =	wrdreg $0x9  }
0xb1: {  	_ =	task.clear_ibuf [dreg:s6], $0x5FFFF;
	_ =	strace $0x90000049  }
0xb2: {  	s29 =	simm.s32 $0x9;
	_ =	strace $0x8000004B  }
0xb3: {  	_ =	swait.ge [sflag:s29], $0x1  }
0xb4: {  	[sflag:s29] =	ssyncadd.s32 $0xFFFFFFFF  }
0xb5: {  	_ =	strace $0x9000004B  }
0xb6: {  	_ =	sfence  }
0xb7: {  	s30 =	sld [smem:$0x0];
	_ =	sdelay $0x2  }
0xb8: {  	s31 =	sshll.u32 s1, $0xD;
	s1 =	sshrl.u32 s1, $0x2  }
0xb9: {  	s3 =	sand.u32 $0x4000, s31;
	s1 =	sadd.s32 s1, s30  }
0xba: {  	s0 =	sor.u32 s3, s0;
	s1 =	sshll.u32 s1, $0x11  }
0xbb: {  	s0 =	sor.u32 s1, s0  }
0xbc: {  	s0 =	sadd.s32 $0x8F2B, s0  }
0xbd: {  	[sflag:s0] =	ssyncadd.remote.s32 $0x1  }
0xbe: {  	_ =	sfence.sel $0xFFFF  }
0xbf: {  	[dreg:$0x0] =	wrdreg $0xFFFFFFFF;
	(pc) =	sbr.abs _section_cstart, $3  }
0xc0: {  	[dreg:$0x1] =	wrdreg $0xFFFFFFFF  }
0xc1: {  	_ =	task.clear_ibuf [dreg:s6], $0x2FFFF;
	_ =	strace $0x9FFFFFFF  }
0xc2: {  	(tm) =	ssettm $0x7FFFFFFF  }
0xc3: {  	_ =	shalt  }
tec
execute0_lowered:
.L_overlay_start_1:
0x0: {  	(tag) =	ssettag $0x1  }
0x1: {  	s0 =	rddreg [dreg:$0x0]  }
0x2: {  	s2 =	rddreg [dreg:$0x1];
	s6 =	simm.s32 $0x0  }
0x3: {  	s1 =	srdreg.scid;
	s4 =	stileid.u32;
	s16 =	simm.s32 $0x19  }
0x4: {  	s13 =	simm.s32 $0x7D;
	s20 =	simm.s32 $0x57D0;
	s22 =	simm.s32 $0x5FA0  }
0x5: {  	s28 =	simm.s32 $0x86B0;
	s29 =	simm.s32 $0x2;
	s30 =	simm.s32 $0x3  }
0x6: {  	s31 =	simm.s32 $0x4;
	s10 =	simm.s32 $0x6;
	s12 =	simm.s32 $0x7  }
0x7: {  	s15 =	simm.s32 $0xE;
	s17 =	simm.s32 $0x8;
	s19 =	simm.s32 $0xF  }
0x8: {  	s21 =	simm.s32 $0x10;
	s9 =	simm.s32 $0xC;
	s11 =	simm.s32 $0x0  }
0x9: {  	s1 =	sand.u32 $0x1, s1;
	s3 =	sshll.u32 s4, $0x1;
	s5 =	smul.u32 $0x2800, s4  }
0xa: {  	[smem:$0x7FF] =	sst s6;
	s4 =	sadd.s32 $0x16400, s0;
	s3 =	sor.u32 s1, s3  }
0xb: {  	s23 =	smul.u32 $0x28000, s1;
	_ =	strace $0x8000004A;
	s1 =	ssub.s32 $0x2, s1  }
0xc: {  	s7 =	smul.u32 $0x2800, s3;
	s8 =	sshrl.u32 s1, $0x1;
	s14 =	sadd.s32 s5, s2  }
0xd: {  	p0 =	sne.s32 s3, $0x0;
	s3 =	simm.s32 $0x12;
	s6 =	sadd.s32 s5, s23  }
0xe: {  	s1 =	ssub.s32 s1, s8;
	s23 =	simm.s32 $0x11;
	s8 =	simm.s32 $0x9  }
0xf: {  	s5 =	simm.s32 $0xB;
	[dreg:$0x3] =	wrdreg s14;
	s7 =	sshrl.u32 s7, $0x3  }
0x10: {  	s6 =	sshrl.u32 s6, $0x3;
	s26 =	smax.u32 s1, $0x1;
	s7 =	sadd.s32 s7, s0  }
.Ltmp0:
0x11: {  	[dreg:$0x7] =	wrdreg s26;
	s24 =	sadd.s32 $0x2400, s7;
	(pc) =	sbr.rel .LBB2_1-.Ltmp0, $4  }
0x12: {  	s0 =	sadd.s32 s6, s0;
	s25 =	sadd.s32 $0xC400, s7;
	[dreg:$0x4] =	wrdreg s24  }
0x13: {  	s1 =	simm.s32 $0xD;
	s0 =	sadd.s32 $0x1B400, s0;
	[dreg:$0x5] =	wrdreg s25  }
0x14: {  	s26 =	simm.s32 $0x1;
	s6 =	simm.s32 $0xA;
	[dreg:$0x6] =	wrdreg s0  }
0x15: {  	v0 =	vimm.f32 $0.0e+00;
	s24 =	simm.s32 $0x6770;
	s25 =	simm.s32 $0x6F40;
	s0 =	simm.s32 $0x5  }
.LBB2_6:
0x16: {  	_ =	swait.ge [sflag:s17], $0x7D0  }
0x17: {  	[sflag:s17] =	ssyncset.done $0x0  }
0x18: {  	[sflag:s17] =	ssyncadd.s32 $0xFFFFF830  }
0x19: {  	[spmem:s2] =	stream.indirect.scatter.add.f32 [tilespmem:s28], [sflag:$0x14], $0x10, s16, s13, $0xb8;
	[tilespmem:$0xFDC0] =	vst v63  }
0x1a: {  	_ =	swait.ge [sflag:s19], $0x7D0  }
0x1b: {  	[sflag:s19] =	ssyncset.done $0x0  }
0x1c: {  	[sflag:s19] =	ssyncadd.s32 $0xFFFFF830  }
0x1d: {  	_ =	swait.ge [sflag:s21], $0x7D0  }
0x1e: {  	[sflag:s21] =	ssyncset.done $0x0  }
0x1f: {  	[sflag:s21] =	ssyncadd.s32 $0xFFFFF830  }
0x20: {  	_ =	swait.ge [sflag:s23], $0x7D0  }
0x21: {  	[sflag:s23] =	ssyncset.done $0x0  }
0x22: {  	[sflag:s23] =	ssyncadd.s32 $0xFFFFF830  }
0x23: {  	_ =	swait.ge [sflag:s3], $0x7D0  }
0x24: {  	[sflag:s3] =	ssyncset.done $0x0  }
0x25: {  	s7 =	simm.s32 $0x13;
	[sflag:s3] =	ssyncadd.s32 $0xFFFFF830  }
0x26: {  	_ =	swait.ge [sflag:s7], $0x7D0  }
0x27: {  	[sflag:s7] =	ssyncset.done $0x0  }
0x28: {  	s14 =	simm.s32 $0x14;
	[sflag:s7] =	ssyncadd.s32 $0xFFFFF830  }
0x29: {  	_ =	swait.ge [sflag:s14], $0x7D0  }
0x2a: {  	[sflag:s14] =	ssyncset.done $0x0  }
0x2b: {  	[sflag:s14] =	ssyncadd.s32 $0xFFFFF830  }
0x2c: {  	s16 =	stileid.u32;
	[bflag:$0x0] =	sbarrier.arrive $0xFFFF  }
0x2d: {  	s7 =	sshll.u32 s16, $0x6;
	s16 =	simm.s32 $0x19;
	s14 =	rddreg [dreg:$0x3]  }
0x2e: {  	s7 =	sor.u32 $0x1C19, s7;
	s18 =	rddreg [dreg:$0x6];
	s11 =	sshrl.u32 s14, $0x3  }
0x2f: {  	[hbm:s18], [sflag:s7] =	dma.local [spmem:s11], $0x500  }
0x30: {  	_ =	swait.ge [sflag:s16], $0x500  }
0x31: {  	s7 =	rddreg [dreg:$0x8]  }
0x32: {  	s18 =	rddreg [dreg:$0x7];
	s11 =	sadd.s32 $0x1, s7  }
0x33: {  	p1 =	sne.s32 s11, s18  }
.Ltmp1:
0x34: {  	_ = 	snop;
	(pc) =	sbr.rel @!p1 .LBB2_7-.Ltmp1, $3  }
0x35: {  	_ =	sdelay $0x1  }
0x36: {  	[sflag:s16] =	ssyncset.done $0x0  }
0x37: {  	[sflag:s16] =	ssyncadd.s32 $0xFFFFFB00  }
.LBB2_1:
0x38: {  	[dreg:$0x8] =	wrdreg s11;
	s7 =	simm.s32 $0x40;
	s11 =	simm.s32 $0x0  }
.LBB2_2:
0x39: {  	p1 =	sne.s32 s7, $0x9FC0;
	[tilespmem:s11+$0xADC0] =	vst v0;
	s11 =	smov.u32 s7;
	s7 =	sadd.s32 $0x40, s7  }
.Ltmp2:
0x3a: {  	(pc) =	sbr.rel @p1 .LBB2_2-.Ltmp2, $2  }
0x3b: {  	_ =	sdelay $0x2  }
0x3c: {  	s11 =	sshra.s32 s11, $0x2  }
0x3d: {  	[tilespmem:s11+$0xADC0] =	vst v0;
	s7 =	simm.s32 $0xADC0  }
0x3e: {  	[spmem:s14] =	stream.linear.scatter [tilespmem:s7], [sflag:$0x19], $0x2800, $0x38;
	[tilespmem:$0xFDC0] =	vst v63  }
0x3f: {  	_ =	swait.ge [sflag:s16], $0x2800  }
0x40: {  	[sflag:s16] =	ssyncset.done $0x0  }
0x41: {  	s7 =	simm.s32 $0x0;
	s18 =	rddreg [dreg:$0x4];
	[sflag:s16] =	ssyncadd.s32 $0xFFFFD800  }
0x42: {  	[tilespmem:s7], [sflag:$0x19] =	stream.linear.gather [hbm4b:s18+s7], $0x2800, $0x38;
	[tilespmem:$0xFDC0] =	vst v63  }
0x43: {  	_ =	swait.ge [sflag:s16], $0x2800  }
0x44: {  	[sflag:s16] =	ssyncset.done $0x0  }
0x45: {  	s18 =	simm.s32 $0x2800;
	s14 =	rddreg [dreg:$0x5];
	[sflag:s16] =	ssyncadd.s32 $0xFFFFD800  }
0x46: {  	[tilespmem:s18], [sflag:$0x19] =	stream.linear.gather [hbm4b:s14+s7], $0x2800, $0x38;
	[tilespmem:$0xFDC0] =	vst v63  }
0x47: {  	_ =	swait.ge [sflag:s16], $0x2800  }
0x48: {  	[sflag:s16] =	ssyncset.done $0x0  }
0x49: {  	[sflag:s16] =	ssyncadd.s32 $0xFFFFD800  }
0x4a: {  	v1 =	vld @!p0 [tilespmem:$0x0]  }
0x4b: {  	v2 =	vld @!p0 [tilespmem:$0x2800];
	_ =	sdelay $0x1  }
0x4c: {  	v3 =	vlaneseq.u32 @!p0  }
0x4d: {  	vm0 =	veq.s32 @!p0 v3, $0x0  }
0x4e: {  	v1 =	vsel @!p0 vm0, $0x0, v1  }
0x4f: {  	[tilespmem:$0x0] =	vst @!p0 v1;
	v1 =	vsel @!p0 vm0, $0x2720, v2  }
0x50: {  	[tilespmem:$0x2800] =	vst @!p0 v1  }
0x51: {  	s14 =	simm.s32 $0x0;
	s18 =	simm.s32 $0x5000;
	[bflag:$0x0] =	sbarrier.arrive $0xFFFF  }
0x52: {  	[tilespmem:s18], [sflag:$0x1] =	stream.indirect.gather [hbm4b:s4+s13], $0x10, s14, s13, $0xb8;
	[tilespmem:$0xFDC0] =	vst v63  }
0x53: {  	s11 =	simm.s32 $0x80  }
0x54: {  	[tilespmem:s20], [sflag:$0x2] =	stream.indirect.gather [hbm4b:s4+s13], $0x10, s11, s13, $0xb8;
	[tilespmem:$0xFDC0] =	vst v63  }
0x55: {  	s16 =	simm.s32 $0x100  }
0x56: {  	[tilespmem:s22], [sflag:$0x3] =	stream.indirect.gather [hbm4b:s4+s13], $0x10, s16, s13, $0xb8;
	[tilespmem:$0xFDC0] =	vst v63  }
0x57: {  	s18 =	simm.s32 $0x180  }
0x58: {  	[tilespmem:s24], [sflag:$0x4] =	stream.indirect.gather [hbm4b:s4+s13], $0x10, s18, s13, $0xb8;
	[tilespmem:$0xFDC0] =	vst v63  }
0x59: {  	s22 =	simm.s32 $0x200  }
0x5a: {  	[tilespmem:s25], [sflag:$0x5] =	stream.indirect.gather [hbm4b:s4+s13], $0x10, s22, s13, $0xb8;
	[tilespmem:$0xFDC0] =	vst v63  }
0x5b: {  	s24 =	simm.s32 $0x280;
	s25 =	simm.s32 $0x7710  }
0x5c: {  	[tilespmem:s25], [sflag:$0x6] =	stream.indirect.gather [hbm4b:s4+s13], $0x10, s24, s13, $0xb8;
	[tilespmem:$0xFDC0] =	vst v63  }
0x5d: {  	s11 =	simm.s32 $0x3;
	s25 =	simm.s32 $0x6770;
	s24 =	simm.s32 $0x5FA0  }
.LBB2_4:
0x5e: {  	p2 =	seq.s32 s14, $0x0  }
0x5f: {  	s16 =	simm.s32 @!p2 $0x13  }
0x60: {  	_ =	swait.ge @!p2 [sflag:s16], $0x7D0  }
0x61: {  	s7 =	sshra.s32 s14, $0x2;
	[sflag:s16] =	ssyncset.done @!p2 $0x0  }
0x62: {  	s18 =	simm.s32 $0x7EE0;
	s22 =	sadd.s32 $0x300, s7;
	[sflag:s16] =	ssyncadd.s32 @!p2 $0xFFFFF830  }
0x63: {  	[tilespmem:s18], [sflag:$0x7] =	stream.indirect.gather [hbm4b:s4+s13], $0x10, s22, s13, $0xb8;
	[tilespmem:$0xFDC0] =	vst v63  }
0x64: {  	_ =	swait.ge [sflag:s26], $0x7D0  }
0x65: {  	s16 =	simm.s32 @!p2 $0x14;
	[sflag:s26] =	ssyncset.done $0x0  }
0x66: {  	s18 =	sadd.s32 $0x2800, s7;
	s22 =	simm.s32 $0x5000;
	[sflag:s26] =	ssyncadd.s32 $0xFFFFF830  }
0x67: {  	[spmem:s2] =	stream.indirect.scatter.add.f32 [tilespmem:s22], [sflag:$0xD], $0x10, s18, s13, $0xb8;
	[tilespmem:$0xFDC0] =	vst v63  }
0x68: {  	_ =	swait.ge @!p2 [sflag:s16], $0x7D0  }
0x69: {  	[sflag:s16] =	ssyncset.done @!p2 $0x0  }
0x6a: {  	s22 =	sadd.s32 $0x380, s7;
	[sflag:s16] =	ssyncadd.s32 @!p2 $0xFFFFF830  }
0x6b: {  	[tilespmem:s28], [sflag:$0x8] =	stream.indirect.gather [hbm4b:s4+s13], $0x10, s22, s13, $0xb8;
	[tilespmem:$0xFDC0] =	vst v63  }
0x6c: {  	_ =	swait.ge [sflag:s29], $0x7D0  }
0x6d: {  	[sflag:s29] =	ssyncset.done $0x0  }
0x6e: {  	s18 =	sadd.s32 $0x2880, s7;
	[sflag:s29] =	ssyncadd.s32 $0xFFFFF830  }
0x6f: {  	[spmem:s2] =	stream.indirect.scatter.add.f32 [tilespmem:s20], [sflag:$0xE], $0x10, s18, s13, $0xb8;
	[tilespmem:$0xFDC0] =	vst v63  }
0x70: {  	s20 =	sadd.s32 $0xFFFFFFFF, s11  }
0x71: {  	p3 =	slt.u32 s20, $0x6  }
0x72: {  	s16 =	simm.s32 @!p3 $0x15  }
0x73: {  	_ =	swait.ge @!p3 [sflag:s16], $0x7D0  }
0x74: {  	p1 =	seq.s32 s14, $0x9000;
	[sflag:s16] =	ssyncset.done @!p3 $0x0  }
0x75: {  	[sflag:s16] =	ssyncadd.s32 @!p3 $0xFFFFF830;
	s16 =	sshra.s32 @!p1 s14, $0x2  }
0x76: {  	s22 =	simm.s32 @!p1 $0x8E80;
	s20 =	simm.s32 @!p1 $0x7D;
	s18 =	sadd.s32 @!p1 $0x400, s16  }
0x77: {  	[tilespmem:s22], [sflag:$0x9] =	stream.indirect.gather @!p1 [hbm4b:s4+s20], $0x10, s18, s20, $0xb8;
	[tilespmem:$0xFDC0] =	vst v63  }
0x78: {  	_ =	swait.ge [sflag:s30], $0x7D0  }
0x79: {  	p3 =	slt.u32 s11, $0x6;
	[sflag:s30] =	ssyncset.done $0x0  }
0x7a: {  	s22 =	sadd.s32 $0x2900, s7;
	s18 =	simm.s32 @!p3 $0x16;
	[sflag:s30] =	ssyncadd.s32 $0xFFFFF830  }
0x7b: {  	[spmem:s2] =	stream.indirect.scatter.add.f32 [tilespmem:s24], [sflag:$0xF], $0x10, s22, s13, $0xb8;
	[tilespmem:$0xFDC0] =	vst v63  }
0x7c: {  	_ =	swait.ge @!p3 [sflag:s18], $0x7D0  }
0x7d: {  	[sflag:s18] =	ssyncset.done @!p3 $0x0  }
0x7e: {  	s16 =	sadd.s32 @!p1 $0x480, s16;
	[sflag:s18] =	ssyncadd.s32 @!p3 $0xFFFFF830;
	s18 =	simm.s32 @!p1 $0x9650  }
0x7f: {  	[tilespmem:s18], [sflag:$0xA] =	stream.indirect.gather @!p1 [hbm4b:s4+s20], $0x10, s16, s20, $0xb8;
	[tilespmem:$0xFDC0] =	vst v63  }
0x80: {  	_ =	swait.ge [sflag:s31], $0x7D0  }
0x81: {  	[sflag:s31] =	ssyncset.done $0x0  }
0x82: {  	s18 =	sadd.s32 $0x2980, s7;
	s16 =	simm.s32 @!p2 $0x17;
	[sflag:s31] =	ssyncadd.s32 $0xFFFFF830  }
0x83: {  	[spmem:s2] =	stream.indirect.scatter.add.f32 [tilespmem:s25], [sflag:$0x10], $0x10, s18, s13, $0xb8;
	[tilespmem:$0xFDC0] =	vst v63  }
0x84: {  	p3 =	seq.s32 @!p2 s14, $0x9000;
	_ =	swait.ge @!p2 [sflag:s16], $0x7D0  }
0x85: {  	p3 =	por p2, !p3;
	[sflag:s16] =	ssyncset.done @!p2 $0x0  }
0x86: {  	s18 =	simm.s32 @p3 $0x9E20;
	[sflag:s16] =	ssyncadd.s32 @!p2 $0xFFFFF830;
	s16 =	sadd.s32 @p3 $0x500, s7  }
0x87: {  	[tilespmem:s18], [sflag:$0xB] =	stream.indirect.gather @p3 [hbm4b:s4+s13], $0x10, s16, s13, $0xb8;
	[tilespmem:$0xFDC0] =	vst v63  }
0x88: {  	_ =	swait.ge [sflag:s0], $0x7D0  }
0x89: {  	s20 =	sadd.s32 $0x2A00, s7;
	[sflag:s0] =	ssyncset.done $0x0  }
0x8a: {  	s25 =	simm.s32 $0x6F40;
	s16 =	simm.s32 @!p2 $0x18;
	[sflag:s0] =	ssyncadd.s32 $0xFFFFF830  }
0x8b: {  	[spmem:s2] =	stream.indirect.scatter.add.f32 [tilespmem:s25], [sflag:$0x11], $0x10, s20, s13, $0xb8;
	[tilespmem:$0xFDC0] =	vst v63  }
0x8c: {  	_ =	swait.ge @!p2 [sflag:s16], $0x7D0  }
0x8d: {  	[sflag:s16] =	ssyncset.done @!p2 $0x0  }
0x8e: {  	[sflag:s16] =	ssyncadd.s32 @!p2 $0xFFFFF830  }
0x8f: {  	_ =	swait.ge @!p3 [sflag:s10], $0x7D0  }
0x90: {  	[sflag:s10] =	ssyncset.done @!p3 $0x0  }
0x91: {  	s18 =	simm.s32 @!p3 $0x7710;
	s16 =	sadd.s32 $0x2A80, s7;
	[sflag:s10] =	ssyncadd.s32 @!p3 $0xFFFFF830  }
0x92: {  	[spmem:s2] =	stream.indirect.scatter.add.f32 @!p3 [tilespmem:s18], [sflag:$0x12], $0x10, s16, s13, $0xb8;
	[tilespmem:$0xFDC0] =	vst v63  }
0x93: {  	_ =	swait.ge @!p3 [sflag:s1], $0x7D0  }
0x94: {  	[sflag:s1] =	ssyncset.done @!p3 $0x0  }
0x95: {  	s20 =	simm.s32 @p3 $0xA5F0;
	s18 =	sadd.s32 @p3 $0x580, s7;
	[sflag:s1] =	ssyncadd.s32 @!p3 $0xFFFFF830  }
0x96: {  	[tilespmem:s20], [sflag:$0xC] =	stream.indirect.gather @p3 [hbm4b:s4+s13], $0x10, s18, s13, $0xb8;
	[tilespmem:$0xFDC0] =	vst v63  }
0x97: {  	_ =	swait.ge @p3 [sflag:s10], $0x7D0  }
0x98: {  	[sflag:s10] =	ssyncset.done @p3 $0x0  }
0x99: {  	s18 =	simm.s32 @p3 $0x7710;
	[sflag:s10] =	ssyncadd.s32 @p3 $0xFFFFF830  }
0x9a: {  	[spmem:s2] =	stream.indirect.scatter.add.f32 @p3 [tilespmem:s18], [sflag:$0x12], $0x10, s16, s13, $0xb8;
	[tilespmem:$0xFDC0] =	vst v63  }
0x9b: {  	_ =	swait.ge @p3 [sflag:s1], $0x7D0  }
0x9c: {  	[sflag:s1] =	ssyncset.done @p3 $0x0  }
0x9d: {  	s16 =	sadd.s32 @p3 $0x600, s7;
	s18 =	simm.s32 @p3 $0x5000;
	[sflag:s1] =	ssyncadd.s32 @p3 $0xFFFFF830  }
0x9e: {  	[tilespmem:s18], [sflag:$0x1] =	stream.indirect.gather @p3 [hbm4b:s4+s13], $0x10, s16, s13, $0xb8;
	[tilespmem:$0xFDC0] =	vst v63  }
0x9f: {  	_ =	swait.ge [sflag:s12], $0x7D0  }
0xa0: {  	s16 =	sadd.s32 $0x2B00, s7;
	[sflag:s12] =	ssyncset.done $0x0  }
.Ltmp3:
0xa1: {  	s18 =	simm.s32 $0x7EE0;
	[sflag:s12] =	ssyncadd.s32 $0xFFFFF830;
	(pc) =	sbr.rel @p1 .LBB2_6-.Ltmp3, $4  }
0xa2: {  	[spmem:s2] =	stream.indirect.scatter.add.f32 [tilespmem:s18], [sflag:$0x13], $0x10, s16, s13, $0xb8;
	[tilespmem:$0xFDC0] =	vst v63  }
0xa3: {  	_ =	swait.ge [sflag:s15], $0x7D0  }
0xa4: {  	s22 =	simm.s32 $0x5FA0;
	s24 =	simm.s32 $0x6770;
	[sflag:s15] =	ssyncset.done $0x0  }
0xa5: {  	s20 =	simm.s32 $0x57D0;
	s16 =	sadd.s32 $0x2B80, s7;
	[sflag:s15] =	ssyncadd.s32 $0xFFFFF830  }
0xa6: {  	s18 =	sadd.s32 $0x680, s7  }
0xa7: {  	[tilespmem:s20], [sflag:$0x2] =	stream.indirect.gather [hbm4b:s4+s13], $0x10, s18, s13, $0xb8;
	[tilespmem:$0xFDC0] =	vst v63  }
0xa8: {  	_ =	swait.ge [sflag:s17], $0x7D0  }
0xa9: {  	[sflag:s17] =	ssyncset.done $0x0  }
0xaa: {  	[sflag:s17] =	ssyncadd.s32 $0xFFFFF830  }
0xab: {  	[spmem:s2] =	stream.indirect.scatter.add.f32 [tilespmem:s28], [sflag:$0x14], $0x10, s16, s13, $0xb8;
	[tilespmem:$0xFDC0] =	vst v63  }
0xac: {  	_ =	swait.ge [sflag:s19], $0x7D0  }
0xad: {  	[sflag:s19] =	ssyncset.done $0x0  }
0xae: {  	s18 =	sadd.s32 $0x700, s7;
	[sflag:s19] =	ssyncadd.s32 $0xFFFFF830  }
0xaf: {  	[tilespmem:s22], [sflag:$0x3] =	stream.indirect.gather [hbm4b:s4+s13], $0x10, s18, s13, $0xb8;
	[tilespmem:$0xFDC0] =	vst v63  }
0xb0: {  	_ =	swait.ge [sflag:s8], $0x7D0  }
0xb1: {  	[sflag:s8] =	ssyncset.done $0x0  }
0xb2: {  	s18 =	sadd.s32 $0x2C00, s7;
	s22 =	simm.s32 $0x8E80;
	[sflag:s8] =	ssyncadd.s32 $0xFFFFF830  }
0xb3: {  	[spmem:s2] =	stream.indirect.scatter.add.f32 [tilespmem:s22], [sflag:$0x15], $0x10, s18, s13, $0xb8;
	[tilespmem:$0xFDC0] =	vst v63  }
0xb4: {  	_ =	swait.ge [sflag:s21], $0x7D0  }
0xb5: {  	[sflag:s21] =	ssyncset.done $0x0  }
0xb6: {  	s18 =	sadd.s32 $0x780, s7;
	[sflag:s21] =	ssyncadd.s32 $0xFFFFF830  }
0xb7: {  	[tilespmem:s24], [sflag:$0x4] =	stream.indirect.gather [hbm4b:s4+s13], $0x10, s18, s13, $0xb8;
	[tilespmem:$0xFDC0] =	vst v63  }
0xb8: {  	_ =	swait.ge [sflag:s6], $0x7D0  }
0xb9: {  	[sflag:s6] =	ssyncset.done $0x0  }
0xba: {  	s22 =	sadd.s32 $0x2C80, s7;
	s24 =	simm.s32 $0x9650;
	[sflag:s6] =	ssyncadd.s32 $0xFFFFF830  }
0xbb: {  	[spmem:s2] =	stream.indirect.scatter.add.f32 [tilespmem:s24], [sflag:$0x16], $0x10, s22, s13, $0xb8;
	[tilespmem:$0xFDC0] =	vst v63  }
0xbc: {  	_ =	swait.ge [sflag:s23], $0x7D0  }
0xbd: {  	[sflag:s23] =	ssyncset.done $0x0  }
0xbe: {  	s22 =	sadd.s32 $0x800, s7;
	[sflag:s23] =	ssyncadd.s32 $0xFFFFF830  }
0xbf: {  	[tilespmem:s25], [sflag:$0x5] =	stream.indirect.gather [hbm4b:s4+s13], $0x10, s22, s13, $0xb8;
	[tilespmem:$0xFDC0] =	vst v63  }
0xc0: {  	_ =	swait.ge [sflag:s5], $0x7D0  }
0xc1: {  	[sflag:s5] =	ssyncset.done $0x0  }
0xc2: {  	s24 =	sadd.s32 $0x2D00, s7;
	s25 =	simm.s32 $0x9E20;
	[sflag:s5] =	ssyncadd.s32 $0xFFFFF830  }
0xc3: {  	[spmem:s2] =	stream.indirect.scatter.add.f32 [tilespmem:s25], [sflag:$0x17], $0x10, s24, s13, $0xb8;
	[tilespmem:$0xFDC0] =	vst v63  }
0xc4: {  	_ =	swait.ge [sflag:s3], $0x7D0  }
0xc5: {  	[sflag:s3] =	ssyncset.done $0x0  }
0xc6: {  	s18 =	sadd.s32 $0x880, s7;
	s22 =	simm.s32 $0x7710;
	[sflag:s3] =	ssyncadd.s32 $0xFFFFF830  }
0xc7: {  	[tilespmem:s22], [sflag:$0x6] =	stream.indirect.gather [hbm4b:s4+s13], $0x10, s18, s13, $0xb8;
	[tilespmem:$0xFDC0] =	vst v63  }
.Ltmp4:
0xc8: {  	_ =	swait.ge [sflag:s9], $0x7D0;
	(pc) =	sbr.rel .LBB2_4-.Ltmp4, $4  }
0xc9: {  	s11 =	sadd.s32 $0xC, s11;
	[sflag:s9] =	ssyncset.done $0x0  }
0xca: {  	s24 =	sadd.s32 $0x2D80, s7;
	s25 =	simm.s32 $0xA5F0;
	[sflag:s9] =	ssyncadd.s32 $0xFFFFF830  }
0xcb: {  	[spmem:s2] =	stream.indirect.scatter.add.f32 [tilespmem:s25], [sflag:$0x18], $0x10, s24, s13, $0xb8;
	[tilespmem:$0xFDC0] =	vst v63  }
0xcc: {  	s14 =	sadd.s32 $0x1800, s14;
	s25 =	simm.s32 $0x6770;
	s24 =	simm.s32 $0x5FA0  }
.LBB2_7:
0xcd: {  	_ =	sfence.sel $0x180000  }
0xce: {  	[bflag:$0x0] =	sbarrier.arrive $0xFFFF  }
0xcf: {  	_ =	strace $0x9000004A  }
0xd0: {  	s0 =	stileid.u32;
	[bflag:$0x2] =	sbarrier.arrive $0xFFFF  }
0xd1: {  	p0 =	sne.s32 s0, $0x0;
	s0 =	rddreg [dreg:$0x2]  }
0xd2: {  	s0 =	sadd.s32 @!p0 $0x100000, s0  }
0xd3: {  	[sflag:s0] =	ssyncadd.tile.s32 @!p0 $0x1;
	_ =	shalt  }
.Lfunc_end2:
_tile_overlayer_lowered:
.L_overlay_start_2:
0xd4: {  	(tag) =	ssettag $0x2  }
0xd5: {  	s0 =	rddreg [dreg:$0x0];
	s2 =	stileid.u32  }
0xd6: {  	s1 =	rddreg [dreg:$0x1];
	p0 =	sne.s32 s2, $0x0  }
0xd7: {  	s3 =	rddreg [dreg:$0x2];
	[bflag:$0x3] =	sbarrier.arrive $0xFFFF;
	s2 =	simm.s32 @!p0 $0x1C19  }
0xd8: {  	[timem:s3], [sflag:s2] =	dma.local @!p0 [hbm:s0], s1  }
0xd9: {  	s0 =	simm.s32 @!p0 $0x19  }
0xda: {  	_ =	swait.ge @!p0 [sflag:s0], s1  }
0xdb: {  	s1 =	ssub.s32 @!p0 $0x0, s1;
	[sflag:s0] =	ssyncset.done @!p0 $0x0  }
0xdc: {  	[sflag:s0] =	ssyncadd.s32 @!p0 s1  }
0xdd: {  	[bflag:$0x3] =	sbarrier.arrive $0xFFFF  }
0xde: {  	_ =	shalt  }

// kernel: kernel.14.cloned.1.call-start
scs
__scs_entry_jumppad:
0x0: {  	(pc) =	sbr.rel $0x88, $3  }
0x1: {  	(tag) =	ssettag $0x0;
	lr =	simm.s32 $0x1  }
0x2: {  	[smem:$0x3F99] =	sst lr;
	_ =	strace $0xD0000000  }
0x3: {  	_ = 	snop  }
0x4: {  	_ = 	snop  }
0x5: {  	_ = 	snop  }
0x6: {  	_ = 	snop  }
0x7: {  	_ = 	snop  }
__scs_overlays_trampoline_lowered:
0x8: {  	[smem:$0x3FA8] =	sst s0  }
0x9: {  	[smem:$0x3FA9] =	sst s1  }
0xa: {  	[smem:$0x3FAA] =	sst s2  }
0xb: {  	[smem:$0x3FAB] =	sst s3  }
0xc: {  	[smem:$0x3FAC] =	sst s4  }
0xd: {  	[smem:$0x3FAD] =	sst s5  }
0xe: {  	[smem:$0x3FAE] =	sst s6  }
0xf: {  	[smem:$0x3FAF] =	sst s7  }
0x10: {  	[smem:$0x3FB0] =	sst s8  }
0x11: {  	[smem:$0x3FB1] =	sst s9;
	s0 =	simm.s32 @!p0 $0x0  }
0x12: {  	s1 =	sld [smem:$0x3F97];
	s0 =	simm.s32 @p0 $0x1  }
0x13: {  	[smem:$0x3FB2] =	sst s0;
	s0 =	simm.s32 @!p1 $0x0  }
0x14: {  	s2 =	sld [smem:$0x3F96];
	s0 =	simm.s32 @p1 $0x1  }
0x15: {  	[smem:$0x3FB3] =	sst s0;
	s0 =	simm.s32 @!p2 $0x0  }
0x16: {  	s3 =	sld [smem:$0x3FDB];
	s0 =	simm.s32 @p2 $0x1  }
0x17: {  	s4 =	simm.s32 $0x1BF5;
	[smem:$0x3FB5] =	sst s0  }
0x18: {  	s0 =	sld [smem:$0x3F98];
	_ =	swait.ge [sflag:s4], $0x0  }
0x19: {  	s7 =	sld [smem:$0x3F99]  }
0x1a: {  	s8 =	sadd.s32 $0xFFFFE003, lr  }
0x1b: {  	s9 =	sadd.s32 $0xFFFFFEF7, lr;
	s5 =	simm.s32 $0xFFFFFFFF;
	p2 =	slt.u32 s8, $0xFFFFF086  }
0x1c: {  	p1 =	slt.u32 s9, $0xF7A;
	s5 =	simm.s32 @!p2 $0x0  }
0x1d: {  	s5 =	simm.s32 @p1 $0x1;
	p0 =	seq.s32 s7, s2  }
0x1e: {  	s7 =	smul.u32 @!p0 $0xF7A, s2;
	p2 =	seq.s32 @!p0 s5, $0x0  }
0x1f: {  	s9 =	smul.u32 $0xF7A, s1;
	s8 =	simm.s32 @!p0 $0x1BF5;
	p2 =	por !p2, p0  }
0x20: {  	[sflag:s8] =	ssyncset.s32 @!p0 $0xFFFFF086;
	s6 =	sadd.s32 @!p0 s3, s7;
	s7 =	simm.s32 @!p0 $0x108  }
0x21: {  	s3 =	sadd.s32 s3, s9;
	s6 =	sadd.s32 @!p0 $0x88, s6;
	s7 =	simm.s32 @p2 $0x1082  }
0x22: {  	[simem:s7], [sflag:s8] =	dma.local @!p0 [hbm:s6], $0xF7A  }
0x23: {  	s9 =	sor.u32 $0xD0000000, s2;
	s6 =	simm.s32 $0x108;
	_ =	swait.ge @!p0 [sflag:s8], $0x0  }
0x24: {  	s3 =	sadd.s32 $0x88, s3;
	s6 =	simm.s32 @!p1 $0x1082;
	[sflag:s4] =	ssyncset.s32 $0xFFFFF086  }
0x25: {  	[simem:s6], [sflag:s4] =	dma.local [hbm:s3], $0xF7A  }
0x26: {  	[smem:$0x3F99] =	sst s1;
	(tag) =	ssettag s2;
	_ =	strace s9  }
0x27: {  	s1 =	sld [smem:$0x3FA9]  }
0x28: {  	s2 =	sld [smem:$0x3FAA]  }
0x29: {  	s4 =	sld [smem:$0x3FAC]  }
0x2a: {  	p0 =	seq.s32 s5, $0x0;
	s5 =	sld [smem:$0x3FAD]  }
0x2b: {  	s6 =	sld [smem:$0x3FAE]  }
0x2c: {  	s7 =	sld [smem:$0x3FAF]  }
0x2d: {  	s3 =	simm.s32 $0x108;
	s8 =	sld [smem:$0x3FB0]  }
0x2e: {  	s3 =	simm.s32 @!p0 $0x1082;
	s9 =	sld [smem:$0x3FB1]  }
0x2f: {  	lr =	sadd.s32 s0, s3;
	s0 =	sld [smem:$0x3FA8]  }
0x30: {  	s3 =	sld [smem:$0x3FAB]  }
0x31: {  	[smem:$0x3FB4] =	sst s10  }
0x32: {  	s10 =	sld [smem:$0x3FB2];
	_ =	sdelay $0x3  }
0x33: {  	p0 =	seq.s32 s10, $0x1;
	s10 =	sld [smem:$0x3FB4];
	_ =	sdelay $0x3  }
0x34: {  	[smem:$0x3FB4] =	sst s10  }
0x35: {  	s10 =	sld [smem:$0x3FB3];
	_ =	sdelay $0x3  }
0x36: {  	p1 =	seq.s32 s10, $0x1;
	s10 =	sld [smem:$0x3FB4];
	_ =	sdelay $0x3  }
0x37: {  	[smem:$0x3FB4] =	sst s10  }
0x38: {  	s10 =	sld [smem:$0x3FB5]  }
0x39: {  	_ = 	snop;
	(pc) =	sbr.ind lr, $3  }
0x3a: {  	_ = 	snop  }
0x3b: {  	_ = 	snop  }
0x3c: {  	p2 =	seq.s32 s10, $0x1;
	s10 =	sld [smem:$0x3FB4]  }
0x3d: {  	_ =	shalt  }
0x3e: {  	_ =	shalt  }
0x3f: {  	_ =	shalt  }
0x40: {  	_ =	shalt  }
0x41: {  	_ =	shalt  }
0x42: {  	_ =	shalt  }
0x43: {  	_ =	shalt  }
0x44: {  	_ =	shalt  }
0x45: {  	_ =	shalt  }
0x46: {  	_ =	shalt  }
0x47: {  	_ =	shalt  }
0x48: {  	_ =	shalt  }
0x49: {  	_ =	shalt  }
0x4a: {  	_ =	shalt  }
0x4b: {  	_ =	shalt  }
0x4c: {  	_ =	shalt  }
0x4d: {  	_ =	shalt  }
0x4e: {  	_ =	shalt  }
0x4f: {  	_ =	shalt  }
0x50: {  	_ =	shalt  }
0x51: {  	_ =	shalt  }
0x52: {  	_ =	shalt  }
0x53: {  	_ =	shalt  }
0x54: {  	_ =	shalt  }
0x55: {  	_ =	shalt  }
0x56: {  	_ =	shalt  }
0x57: {  	_ =	shalt  }
0x58: {  	_ =	shalt  }
0x59: {  	_ =	shalt  }
0x5a: {  	_ =	shalt  }
0x5b: {  	_ =	shalt  }
0x5c: {  	_ =	shalt  }
0x5d: {  	_ =	shalt  }
0x5e: {  	_ =	shalt  }
0x5f: {  	_ =	shalt  }
0x60: {  	_ =	shalt  }
0x61: {  	_ =	shalt  }
0x62: {  	_ =	shalt  }
0x63: {  	_ =	shalt  }
0x64: {  	_ =	shalt  }
0x65: {  	_ =	shalt  }
0x66: {  	_ =	shalt  }
0x67: {  	_ =	shalt  }
0x68: {  	_ =	shalt  }
0x69: {  	_ =	shalt  }
0x6a: {  	_ =	shalt  }
0x6b: {  	_ =	shalt  }
0x6c: {  	_ =	shalt  }
0x6d: {  	_ =	shalt  }
0x6e: {  	_ =	shalt  }
0x6f: {  	_ =	shalt  }
0x70: {  	_ =	shalt  }
0x71: {  	_ =	shalt  }
0x72: {  	_ =	shalt  }
0x73: {  	_ =	shalt  }
0x74: {  	_ =	shalt  }
0x75: {  	_ =	shalt  }
0x76: {  	_ =	shalt  }
0x77: {  	_ =	shalt  }
0x78: {  	_ =	shalt  }
0x79: {  	_ =	shalt  }
0x7a: {  	_ =	shalt  }
0x7b: {  	_ =	shalt  }
0x7c: {  	_ =	shalt  }
0x7d: {  	_ =	shalt  }
0x7e: {  	_ =	shalt  }
0x7f: {  	_ =	shalt  }
0x80: {  	_ =	shalt  }
0x81: {  	_ =	shalt  }
0x82: {  	_ =	shalt  }
0x83: {  	_ =	shalt  }
0x84: {  	_ =	shalt  }
0x85: {  	_ =	shalt  }
0x86: {  	_ =	shalt  }
0x87: {  	_ =	shalt  }
.Lfunc_end0:
.L_simem_size_0:
called_computation.2_lowered:
.L_overlay_start_0:
0x88: {  	s2 =	sld [smem:$0x3FD9]  }
0x89: {  	s3 =	sld [smem:$0x3FFE];
	_ =	sdelay $0x1  }
0x8a: {  	s1 =	srdreg.scid  }
0x8b: {  	s0 =	sand.u32 $0x1, s1  }
0x8c: {  	s16 =	sshll.u32 s0, $0xA;
	s2 =	sadd.s32 s3, s2  }
0x8d: {  	s2 =	sadd.s32 s2, s16  }
0x8e: {  	[smem:$0x3FC0] =	sst s2  }
0x8f: {  	_ = 	snop  }
0x90: {  	(tm) =	ssettm $0x1  }
0x91: {  	s17 =	sld [smem:$0x3FFB];
	_ =	sdelay $0x3  }
0x92: {  	_ =	strace s17  }
0x93: {  	s2 =	sld [smem:$0x3FFC];
	_ =	sdelay $0x3  }
0x94: {  	_ =	strace s2  }
0x95: {  	s2 =	sld [smem:$0x3FFD];
	_ =	sdelay $0x3  }
0x96: {  	_ =	strace s2  }
0x97: {  	_ =	strace $0x8FFFFFFF  }
0x98: {  	s18 =	sld [smem:$0x3FDB];
	_ =	sdelay $0x1  }
0x99: {  	s19 =	simm.s32 $_scs_section_size  }
0x9a: {  	s4 =	simm.s32 $_size__tile_overlayer_lowered;
	s5 =	simm.s32 $_tile_overlayer_lowered  }
0x9b: {  	s22 =	simm.s32 $0x1BFF;
	s21 =	sshll.u32 s5, $0x1;
	s2 =	sadd.s32 s19, s18  }
0x9c: {  	s6 =	simm.s32 $0x0;
	s20 =	sshll.u32 s4, $0x1;
	s4 =	sadd.s32 s21, s2  }
0x9d: {  	[timem:s6], [sflag:s22] =	dma.local [hbm:s4], s20  }
0x9e: {  	_ =	swait.ge [sflag:s22], s20  }
0x9f: {  	s3 =	ssub.s32 $0x0, s20;
	[sflag:s22] =	ssyncset.done $0x0  }
0xa0: {  	[sflag:s22] =	ssyncadd.s32 s3;
	_ =	sdelay $0x1  }
0xa1: {  	s23 =	simm.s32 $0x1B8B  }
0xa2: {  	_ =	swait.ge [sflag:s23], $0x1  }
0xa3: {  	[sflag:s23] =	ssyncset.done $0x0  }
0xa4: {  	s25 =	simm.s32 $0x1B8E;
	s24 =	sld [smem:$0x3FFE];
	[sflag:s23] =	ssyncadd.s32 $0xFFFFFFFF  }
0xa5: {  	s26 =	simm.s32 $execute0_lowered;
	[smem:$0x3FD2] =	sst s25  }
0xa6: {  	s4 =	sshll.u32 s26, $0x1;
	_ =	strace $0x8000004C;
	[dreg:$0x1] =	wrdreg $0xFFFFFFFF  }
0xa7: {  	s28 =	simm.s32 $_size_execute0_lowered;
	s2 =	sadd.s32 s2, s4;
	[dreg:$0x0] =	wrdreg $0x0  }
0xa8: {  	s4 =	sshll.u32 s28, $0x1;
	[dreg:$0x2] =	wrdreg s2  }
0xa9: {  	[dreg:$0x3] =	wrdreg s4  }
0xaa: {  	[dreg:$0x4] =	wrdreg $0xC0  }
0xab: {  	_ =	task [dreg:s6], $0x5FFFF  }
0xac: {  	[dreg:$0x1] =	wrdreg $0xFFFFFFFF  }
0xad: {  	[dreg:$0x0] =	wrdreg $0x60  }
0xae: {  	[dreg:$0x2] =	wrdreg s24  }
0xaf: {  	[dreg:$0x3] =	wrdreg $0xD5C00  }
0xb0: {  	[dreg:$0x4] =	wrdreg $0x9  }
0xb1: {  	_ =	task.clear_ibuf [dreg:s6], $0x5FFFF;
	_ =	strace $0x9000004C  }
0xb2: {  	s29 =	simm.s32 $0x9;
	_ =	strace $0x8000004E  }
0xb3: {  	_ =	swait.ge [sflag:s29], $0x1  }
0xb4: {  	[sflag:s29] =	ssyncadd.s32 $0xFFFFFFFF  }
0xb5: {  	_ =	strace $0x9000004E  }
0xb6: {  	_ =	sfence  }
0xb7: {  	s30 =	sld [smem:$0x0];
	_ =	sdelay $0x2  }
0xb8: {  	s31 =	sshll.u32 s1, $0xD;
	s1 =	sshrl.u32 s1, $0x2  }
0xb9: {  	s3 =	sand.u32 $0x4000, s31;
	s1 =	sadd.s32 s1, s30  }
0xba: {  	s0 =	sor.u32 s3, s0;
	s1 =	sshll.u32 s1, $0x11  }
0xbb: {  	s0 =	sor.u32 s1, s0  }
0xbc: {  	s0 =	sadd.s32 $0x8F2B, s0  }
0xbd: {  	[sflag:s0] =	ssyncadd.remote.s32 $0x1  }
0xbe: {  	_ =	sfence.sel $0xFFFF  }
0xbf: {  	[dreg:$0x0] =	wrdreg $0xFFFFFFFF;
	(pc) =	sbr.abs _section_cstart, $3  }
0xc0: {  	[dreg:$0x1] =	wrdreg $0xFFFFFFFF  }
0xc1: {  	_ =	task.clear_ibuf [dreg:s6], $0x2FFFF;
	_ =	strace $0x9FFFFFFF  }
0xc2: {  	(tm) =	ssettm $0x7FFFFFFF  }
0xc3: {  	_ =	shalt  }
tec
execute0_lowered:
.L_overlay_start_1:
0x0: {  	(tag) =	ssettag $0x1  }
0x1: {  	s0 =	rddreg [dreg:$0x0]  }
0x2: {  	s2 =	rddreg [dreg:$0x1];
	s6 =	simm.s32 $0x0  }
0x3: {  	s1 =	srdreg.scid;
	s4 =	stileid.u32;
	s16 =	simm.s32 $0x19  }
0x4: {  	s13 =	simm.s32 $0x7D;
	s20 =	simm.s32 $0x57D0;
	s22 =	simm.s32 $0x5FA0  }
0x5: {  	s28 =	simm.s32 $0x86B0;
	s29 =	simm.s32 $0x2;
	s30 =	simm.s32 $0x3  }
0x6: {  	s31 =	simm.s32 $0x4;
	s10 =	simm.s32 $0x6;
	s12 =	simm.s32 $0x7  }
0x7: {  	s15 =	simm.s32 $0xE;
	s17 =	simm.s32 $0x8;
	s19 =	simm.s32 $0xF  }
0x8: {  	s21 =	simm.s32 $0x10;
	s9 =	simm.s32 $0xC;
	s11 =	simm.s32 $0x0  }
0x9: {  	s1 =	sand.u32 $0x1, s1;
	s3 =	sshll.u32 s4, $0x1;
	s5 =	smul.u32 $0x2800, s4  }
0xa: {  	[smem:$0x7FF] =	sst s6;
	s4 =	sadd.s32 $0x16400, s0;
	s3 =	sor.u32 s1, s3  }
0xb: {  	s23 =	smul.u32 $0x28000, s1;
	_ =	strace $0x8000004D;
	s1 =	ssub.s32 $0x2, s1  }
0xc: {  	s7 =	smul.u32 $0x2800, s3;
	s8 =	sshrl.u32 s1, $0x1;
	s14 =	sadd.s32 s5, s2  }
0xd: {  	p0 =	sne.s32 s3, $0x0;
	s3 =	simm.s32 $0x12;
	s6 =	sadd.s32 s5, s23  }
0xe: {  	s1 =	ssub.s32 s1, s8;
	s23 =	simm.s32 $0x11;
	s8 =	simm.s32 $0x9  }
0xf: {  	s5 =	simm.s32 $0xB;
	[dreg:$0x3] =	wrdreg s14;
	s7 =	sshrl.u32 s7, $0x3  }
0x10: {  	s6 =	sshrl.u32 s6, $0x3;
	s26 =	smax.u32 s1, $0x1;
	s7 =	sadd.s32 s7, s0  }
.Ltmp0:
0x11: {  	[dreg:$0x7] =	wrdreg s26;
	s24 =	sadd.s32 $0x2400, s7;
	(pc) =	sbr.rel .LBB2_1-.Ltmp0, $4  }
0x12: {  	s0 =	sadd.s32 s6, s0;
	s25 =	sadd.s32 $0xC400, s7;
	[dreg:$0x4] =	wrdreg s24  }
0x13: {  	s1 =	simm.s32 $0xD;
	s0 =	sadd.s32 $0x1B400, s0;
	[dreg:$0x5] =	wrdreg s25  }
0x14: {  	s26 =	simm.s32 $0x1;
	s6 =	simm.s32 $0xA;
	[dreg:$0x6] =	wrdreg s0  }
0x15: {  	v0 =	vimm.f32 $0.0e+00;
	s24 =	simm.s32 $0x6770;
	s25 =	simm.s32 $0x6F40;
	s0 =	simm.s32 $0x5  }
.LBB2_6:
0x16: {  	_ =	swait.ge [sflag:s17], $0x7D0  }
0x17: {  	[sflag:s17] =	ssyncset.done $0x0  }
0x18: {  	[sflag:s17] =	ssyncadd.s32 $0xFFFFF830  }
0x19: {  	[spmem:s2] =	stream.indirect.scatter.add.f32 [tilespmem:s28], [sflag:$0x14], $0x10, s16, s13, $0xb8;
	[tilespmem:$0xFDC0] =	vst v63  }
0x1a: {  	_ =	swait.ge [sflag:s19], $0x7D0  }
0x1b: {  	[sflag:s19] =	ssyncset.done $0x0  }
0x1c: {  	[sflag:s19] =	ssyncadd.s32 $0xFFFFF830  }
0x1d: {  	_ =	swait.ge [sflag:s21], $0x7D0  }
0x1e: {  	[sflag:s21] =	ssyncset.done $0x0  }
0x1f: {  	[sflag:s21] =	ssyncadd.s32 $0xFFFFF830  }
0x20: {  	_ =	swait.ge [sflag:s23], $0x7D0  }
0x21: {  	[sflag:s23] =	ssyncset.done $0x0  }
0x22: {  	[sflag:s23] =	ssyncadd.s32 $0xFFFFF830  }
0x23: {  	_ =	swait.ge [sflag:s3], $0x7D0  }
0x24: {  	[sflag:s3] =	ssyncset.done $0x0  }
0x25: {  	s7 =	simm.s32 $0x13;
	[sflag:s3] =	ssyncadd.s32 $0xFFFFF830  }
0x26: {  	_ =	swait.ge [sflag:s7], $0x7D0  }
0x27: {  	[sflag:s7] =	ssyncset.done $0x0  }
0x28: {  	s14 =	simm.s32 $0x14;
	[sflag:s7] =	ssyncadd.s32 $0xFFFFF830  }
0x29: {  	_ =	swait.ge [sflag:s14], $0x7D0  }
0x2a: {  	[sflag:s14] =	ssyncset.done $0x0  }
0x2b: {  	[sflag:s14] =	ssyncadd.s32 $0xFFFFF830  }
0x2c: {  	s16 =	stileid.u32;
	[bflag:$0x0] =	sbarrier.arrive $0xFFFF  }
0x2d: {  	s7 =	sshll.u32 s16, $0x6;
	s16 =	simm.s32 $0x19;
	s14 =	rddreg [dreg:$0x3]  }
0x2e: {  	s7 =	sor.u32 $0x1C19, s7;
	s18 =	rddreg [dreg:$0x6];
	s11 =	sshrl.u32 s14, $0x3  }
0x2f: {  	[hbm:s18], [sflag:s7] =	dma.local [spmem:s11], $0x500  }
0x30: {  	_ =	swait.ge [sflag:s16], $0x500  }
0x31: {  	s7 =	rddreg [dreg:$0x8]  }
0x32: {  	s18 =	rddreg [dreg:$0x7];
	s11 =	sadd.s32 $0x1, s7  }
0x33: {  	p1 =	sne.s32 s11, s18  }
.Ltmp1:
0x34: {  	_ = 	snop;
	(pc) =	sbr.rel @!p1 .LBB2_7-.Ltmp1, $3  }
0x35: {  	_ =	sdelay $0x1  }
0x36: {  	[sflag:s16] =	ssyncset.done $0x0  }
0x37: {  	[sflag:s16] =	ssyncadd.s32 $0xFFFFFB00  }
.LBB2_1:
0x38: {  	[dreg:$0x8] =	wrdreg s11;
	s7 =	simm.s32 $0x40;
	s11 =	simm.s32 $0x0  }
.LBB2_2:
0x39: {  	p1 =	sne.s32 s7, $0x9FC0;
	[tilespmem:s11+$0xADC0] =	vst v0;
	s11 =	smov.u32 s7;
	s7 =	sadd.s32 $0x40, s7  }
.Ltmp2:
0x3a: {  	(pc) =	sbr.rel @p1 .LBB2_2-.Ltmp2, $2  }
0x3b: {  	_ =	sdelay $0x2  }
0x3c: {  	s11 =	sshra.s32 s11, $0x2  }
0x3d: {  	[tilespmem:s11+$0xADC0] =	vst v0;
	s7 =	simm.s32 $0xADC0  }
0x3e: {  	[spmem:s14] =	stream.linear.scatter [tilespmem:s7], [sflag:$0x19], $0x2800, $0x38;
	[tilespmem:$0xFDC0] =	vst v63  }
0x3f: {  	_ =	swait.ge [sflag:s16], $0x2800  }
0x40: {  	[sflag:s16] =	ssyncset.done $0x0  }
0x41: {  	s7 =	simm.s32 $0x0;
	s18 =	rddreg [dreg:$0x4];
	[sflag:s16] =	ssyncadd.s32 $0xFFFFD800  }
0x42: {  	[tilespmem:s7], [sflag:$0x19] =	stream.linear.gather [hbm4b:s18+s7], $0x2800, $0x38;
	[tilespmem:$0xFDC0] =	vst v63  }
0x43: {  	_ =	swait.ge [sflag:s16], $0x2800  }
0x44: {  	[sflag:s16] =	ssyncset.done $0x0  }
0x45: {  	s18 =	simm.s32 $0x2800;
	s14 =	rddreg [dreg:$0x5];
	[sflag:s16] =	ssyncadd.s32 $0xFFFFD800  }
0x46: {  	[tilespmem:s18], [sflag:$0x19] =	stream.linear.gather [hbm4b:s14+s7], $0x2800, $0x38;
	[tilespmem:$0xFDC0] =	vst v63  }
0x47: {  	_ =	swait.ge [sflag:s16], $0x2800  }
0x48: {  	[sflag:s16] =	ssyncset.done $0x0  }
0x49: {  	[sflag:s16] =	ssyncadd.s32 $0xFFFFD800  }
0x4a: {  	v1 =	vld @!p0 [tilespmem:$0x0]  }
0x4b: {  	v2 =	vld @!p0 [tilespmem:$0x2800];
	_ =	sdelay $0x1  }
0x4c: {  	v3 =	vlaneseq.u32 @!p0  }
0x4d: {  	vm0 =	veq.s32 @!p0 v3, $0x0  }
0x4e: {  	v1 =	vsel @!p0 vm0, $0x0, v1  }
0x4f: {  	[tilespmem:$0x0] =	vst @!p0 v1;
	v1 =	vsel @!p0 vm0, $0x2720, v2  }
0x50: {  	[tilespmem:$0x2800] =	vst @!p0 v1  }
0x51: {  	s14 =	simm.s32 $0x0;
	s18 =	simm.s32 $0x5000;
	[bflag:$0x0] =	sbarrier.arrive $0xFFFF  }
0x52: {  	[tilespmem:s18], [sflag:$0x1] =	stream.indirect.gather [hbm4b:s4+s13], $0x10, s14, s13, $0xb8;
	[tilespmem:$0xFDC0] =	vst v63  }
0x53: {  	s11 =	simm.s32 $0x80  }
0x54: {  	[tilespmem:s20], [sflag:$0x2] =	stream.indirect.gather [hbm4b:s4+s13], $0x10, s11, s13, $0xb8;
	[tilespmem:$0xFDC0] =	vst v63  }
0x55: {  	s16 =	simm.s32 $0x100  }
0x56: {  	[tilespmem:s22], [sflag:$0x3] =	stream.indirect.gather [hbm4b:s4+s13], $0x10, s16, s13, $0xb8;
	[tilespmem:$0xFDC0] =	vst v63  }
0x57: {  	s18 =	simm.s32 $0x180  }
0x58: {  	[tilespmem:s24], [sflag:$0x4] =	stream.indirect.gather [hbm4b:s4+s13], $0x10, s18, s13, $0xb8;
	[tilespmem:$0xFDC0] =	vst v63  }
0x59: {  	s22 =	simm.s32 $0x200  }
0x5a: {  	[tilespmem:s25], [sflag:$0x5] =	stream.indirect.gather [hbm4b:s4+s13], $0x10, s22, s13, $0xb8;
	[tilespmem:$0xFDC0] =	vst v63  }
0x5b: {  	s24 =	simm.s32 $0x280;
	s25 =	simm.s32 $0x7710  }
0x5c: {  	[tilespmem:s25], [sflag:$0x6] =	stream.indirect.gather [hbm4b:s4+s13], $0x10, s24, s13, $0xb8;
	[tilespmem:$0xFDC0] =	vst v63  }
0x5d: {  	s11 =	simm.s32 $0x3;
	s25 =	simm.s32 $0x6770;
	s24 =	simm.s32 $0x5FA0  }
.LBB2_4:
0x5e: {  	p2 =	seq.s32 s14, $0x0  }
0x5f: {  	s16 =	simm.s32 @!p2 $0x13  }
0x60: {  	_ =	swait.ge @!p2 [sflag:s16], $0x7D0  }
0x61: {  	s7 =	sshra.s32 s14, $0x2;
	[sflag:s16] =	ssyncset.done @!p2 $0x0  }
0x62: {  	s18 =	simm.s32 $0x7EE0;
	s22 =	sadd.s32 $0x300, s7;
	[sflag:s16] =	ssyncadd.s32 @!p2 $0xFFFFF830  }
0x63: {  	[tilespmem:s18], [sflag:$0x7] =	stream.indirect.gather [hbm4b:s4+s13], $0x10, s22, s13, $0xb8;
	[tilespmem:$0xFDC0] =	vst v63  }
0x64: {  	_ =	swait.ge [sflag:s26], $0x7D0  }
0x65: {  	s16 =	simm.s32 @!p2 $0x14;
	[sflag:s26] =	ssyncset.done $0x0  }
0x66: {  	s18 =	sadd.s32 $0x2800, s7;
	s22 =	simm.s32 $0x5000;
	[sflag:s26] =	ssyncadd.s32 $0xFFFFF830  }
0x67: {  	[spmem:s2] =	stream.indirect.scatter.add.f32 [tilespmem:s22], [sflag:$0xD], $0x10, s18, s13, $0xb8;
	[tilespmem:$0xFDC0] =	vst v63  }
0x68: {  	_ =	swait.ge @!p2 [sflag:s16], $0x7D0  }
0x69: {  	[sflag:s16] =	ssyncset.done @!p2 $0x0  }
0x6a: {  	s22 =	sadd.s32 $0x380, s7;
	[sflag:s16] =	ssyncadd.s32 @!p2 $0xFFFFF830  }
0x6b: {  	[tilespmem:s28], [sflag:$0x8] =	stream.indirect.gather [hbm4b:s4+s13], $0x10, s22, s13, $0xb8;
	[tilespmem:$0xFDC0] =	vst v63  }
0x6c: {  	_ =	swait.ge [sflag:s29], $0x7D0  }
0x6d: {  	[sflag:s29] =	ssyncset.done $0x0  }
0x6e: {  	s18 =	sadd.s32 $0x2880, s7;
	[sflag:s29] =	ssyncadd.s32 $0xFFFFF830  }
0x6f: {  	[spmem:s2] =	stream.indirect.scatter.add.f32 [tilespmem:s20], [sflag:$0xE], $0x10, s18, s13, $0xb8;
	[tilespmem:$0xFDC0] =	vst v63  }
0x70: {  	s20 =	sadd.s32 $0xFFFFFFFF, s11  }
0x71: {  	p3 =	slt.u32 s20, $0x6  }
0x72: {  	s16 =	simm.s32 @!p3 $0x15  }
0x73: {  	_ =	swait.ge @!p3 [sflag:s16], $0x7D0  }
0x74: {  	p1 =	seq.s32 s14, $0x9000;
	[sflag:s16] =	ssyncset.done @!p3 $0x0  }
0x75: {  	[sflag:s16] =	ssyncadd.s32 @!p3 $0xFFFFF830;
	s16 =	sshra.s32 @!p1 s14, $0x2  }
0x76: {  	s22 =	simm.s32 @!p1 $0x8E80;
	s20 =	simm.s32 @!p1 $0x7D;
	s18 =	sadd.s32 @!p1 $0x400, s16  }
0x77: {  	[tilespmem:s22], [sflag:$0x9] =	stream.indirect.gather @!p1 [hbm4b:s4+s20], $0x10, s18, s20, $0xb8;
	[tilespmem:$0xFDC0] =	vst v63  }
0x78: {  	_ =	swait.ge [sflag:s30], $0x7D0  }
0x79: {  	p3 =	slt.u32 s11, $0x6;
	[sflag:s30] =	ssyncset.done $0x0  }
0x7a: {  	s22 =	sadd.s32 $0x2900, s7;
	s18 =	simm.s32 @!p3 $0x16;
	[sflag:s30] =	ssyncadd.s32 $0xFFFFF830  }
0x7b: {  	[spmem:s2] =	stream.indirect.scatter.add.f32 [tilespmem:s24], [sflag:$0xF], $0x10, s22, s13, $0xb8;
	[tilespmem:$0xFDC0] =	vst v63  }
0x7c: {  	_ =	swait.ge @!p3 [sflag:s18], $0x7D0  }
0x7d: {  	[sflag:s18] =	ssyncset.done @!p3 $0x0  }
0x7e: {  	s16 =	sadd.s32 @!p1 $0x480, s16;
	[sflag:s18] =	ssyncadd.s32 @!p3 $0xFFFFF830;
	s18 =	simm.s32 @!p1 $0x9650  }
0x7f: {  	[tilespmem:s18], [sflag:$0xA] =	stream.indirect.gather @!p1 [hbm4b:s4+s20], $0x10, s16, s20, $0xb8;
	[tilespmem:$0xFDC0] =	vst v63  }
0x80: {  	_ =	swait.ge [sflag:s31], $0x7D0  }
0x81: {  	[sflag:s31] =	ssyncset.done $0x0  }
0x82: {  	s18 =	sadd.s32 $0x2980, s7;
	s16 =	simm.s32 @!p2 $0x17;
	[sflag:s31] =	ssyncadd.s32 $0xFFFFF830  }
0x83: {  	[spmem:s2] =	stream.indirect.scatter.add.f32 [tilespmem:s25], [sflag:$0x10], $0x10, s18, s13, $0xb8;
	[tilespmem:$0xFDC0] =	vst v63  }
0x84: {  	p3 =	seq.s32 @!p2 s14, $0x9000;
	_ =	swait.ge @!p2 [sflag:s16], $0x7D0  }
0x85: {  	p3 =	por p2, !p3;
	[sflag:s16] =	ssyncset.done @!p2 $0x0  }
0x86: {  	s18 =	simm.s32 @p3 $0x9E20;
	[sflag:s16] =	ssyncadd.s32 @!p2 $0xFFFFF830;
	s16 =	sadd.s32 @p3 $0x500, s7  }
0x87: {  	[tilespmem:s18], [sflag:$0xB] =	stream.indirect.gather @p3 [hbm4b:s4+s13], $0x10, s16, s13, $0xb8;
	[tilespmem:$0xFDC0] =	vst v63  }
0x88: {  	_ =	swait.ge [sflag:s0], $0x7D0  }
0x89: {  	s20 =	sadd.s32 $0x2A00, s7;
	[sflag:s0] =	ssyncset.done $0x0  }
0x8a: {  	s25 =	simm.s32 $0x6F40;
	s16 =	simm.s32 @!p2 $0x18;
	[sflag:s0] =	ssyncadd.s32 $0xFFFFF830  }
0x8b: {  	[spmem:s2] =	stream.indirect.scatter.add.f32 [tilespmem:s25], [sflag:$0x11], $0x10, s20, s13, $0xb8;
	[tilespmem:$0xFDC0] =	vst v63  }
0x8c: {  	_ =	swait.ge @!p2 [sflag:s16], $0x7D0  }
0x8d: {  	[sflag:s16] =	ssyncset.done @!p2 $0x0  }
0x8e: {  	[sflag:s16] =	ssyncadd.s32 @!p2 $0xFFFFF830  }
0x8f: {  	_ =	swait.ge @!p3 [sflag:s10], $0x7D0  }
0x90: {  	[sflag:s10] =	ssyncset.done @!p3 $0x0  }
0x91: {  	s18 =	simm.s32 @!p3 $0x7710;
	s16 =	sadd.s32 $0x2A80, s7;
	[sflag:s10] =	ssyncadd.s32 @!p3 $0xFFFFF830  }
0x92: {  	[spmem:s2] =	stream.indirect.scatter.add.f32 @!p3 [tilespmem:s18], [sflag:$0x12], $0x10, s16, s13, $0xb8;
	[tilespmem:$0xFDC0] =	vst v63  }
0x93: {  	_ =	swait.ge @!p3 [sflag:s1], $0x7D0  }
0x94: {  	[sflag:s1] =	ssyncset.done @!p3 $0x0  }
0x95: {  	s20 =	simm.s32 @p3 $0xA5F0;
	s18 =	sadd.s32 @p3 $0x580, s7;
	[sflag:s1] =	ssyncadd.s32 @!p3 $0xFFFFF830  }
0x96: {  	[tilespmem:s20], [sflag:$0xC] =	stream.indirect.gather @p3 [hbm4b:s4+s13], $0x10, s18, s13, $0xb8;
	[tilespmem:$0xFDC0] =	vst v63  }
0x97: {  	_ =	swait.ge @p3 [sflag:s10], $0x7D0  }
0x98: {  	[sflag:s10] =	ssyncset.done @p3 $0x0  }
0x99: {  	s18 =	simm.s32 @p3 $0x7710;
	[sflag:s10] =	ssyncadd.s32 @p3 $0xFFFFF830  }
0x9a: {  	[spmem:s2] =	stream.indirect.scatter.add.f32 @p3 [tilespmem:s18], [sflag:$0x12], $0x10, s16, s13, $0xb8;
	[tilespmem:$0xFDC0] =	vst v63  }
0x9b: {  	_ =	swait.ge @p3 [sflag:s1], $0x7D0  }
0x9c: {  	[sflag:s1] =	ssyncset.done @p3 $0x0  }
0x9d: {  	s16 =	sadd.s32 @p3 $0x600, s7;
	s18 =	simm.s32 @p3 $0x5000;
	[sflag:s1] =	ssyncadd.s32 @p3 $0xFFFFF830  }
0x9e: {  	[tilespmem:s18], [sflag:$0x1] =	stream.indirect.gather @p3 [hbm4b:s4+s13], $0x10, s16, s13, $0xb8;
	[tilespmem:$0xFDC0] =	vst v63  }
0x9f: {  	_ =	swait.ge [sflag:s12], $0x7D0  }
0xa0: {  	s16 =	sadd.s32 $0x2B00, s7;
	[sflag:s12] =	ssyncset.done $0x0  }
.Ltmp3:
0xa1: {  	s18 =	simm.s32 $0x7EE0;
	[sflag:s12] =	ssyncadd.s32 $0xFFFFF830;
	(pc) =	sbr.rel @p1 .LBB2_6-.Ltmp3, $4  }
0xa2: {  	[spmem:s2] =	stream.indirect.scatter.add.f32 [tilespmem:s18], [sflag:$0x13], $0x10, s16, s13, $0xb8;
	[tilespmem:$0xFDC0] =	vst v63  }
0xa3: {  	_ =	swait.ge [sflag:s15], $0x7D0  }
0xa4: {  	s22 =	simm.s32 $0x5FA0;
	s24 =	simm.s32 $0x6770;
	[sflag:s15] =	ssyncset.done $0x0  }
0xa5: {  	s20 =	simm.s32 $0x57D0;
	s16 =	sadd.s32 $0x2B80, s7;
	[sflag:s15] =	ssyncadd.s32 $0xFFFFF830  }
0xa6: {  	s18 =	sadd.s32 $0x680, s7  }
0xa7: {  	[tilespmem:s20], [sflag:$0x2] =	stream.indirect.gather [hbm4b:s4+s13], $0x10, s18, s13, $0xb8;
	[tilespmem:$0xFDC0] =	vst v63  }
0xa8: {  	_ =	swait.ge [sflag:s17], $0x7D0  }
0xa9: {  	[sflag:s17] =	ssyncset.done $0x0  }
0xaa: {  	[sflag:s17] =	ssyncadd.s32 $0xFFFFF830  }
0xab: {  	[spmem:s2] =	stream.indirect.scatter.add.f32 [tilespmem:s28], [sflag:$0x14], $0x10, s16, s13, $0xb8;
	[tilespmem:$0xFDC0] =	vst v63  }
0xac: {  	_ =	swait.ge [sflag:s19], $0x7D0  }
0xad: {  	[sflag:s19] =	ssyncset.done $0x0  }
0xae: {  	s18 =	sadd.s32 $0x700, s7;
	[sflag:s19] =	ssyncadd.s32 $0xFFFFF830  }
0xaf: {  	[tilespmem:s22], [sflag:$0x3] =	stream.indirect.gather [hbm4b:s4+s13], $0x10, s18, s13, $0xb8;
	[tilespmem:$0xFDC0] =	vst v63  }
0xb0: {  	_ =	swait.ge [sflag:s8], $0x7D0  }
0xb1: {  	[sflag:s8] =	ssyncset.done $0x0  }
0xb2: {  	s18 =	sadd.s32 $0x2C00, s7;
	s22 =	simm.s32 $0x8E80;
	[sflag:s8] =	ssyncadd.s32 $0xFFFFF830  }
0xb3: {  	[spmem:s2] =	stream.indirect.scatter.add.f32 [tilespmem:s22], [sflag:$0x15], $0x10, s18, s13, $0xb8;
	[tilespmem:$0xFDC0] =	vst v63  }
0xb4: {  	_ =	swait.ge [sflag:s21], $0x7D0  }
0xb5: {  	[sflag:s21] =	ssyncset.done $0x0  }
0xb6: {  	s18 =	sadd.s32 $0x780, s7;
	[sflag:s21] =	ssyncadd.s32 $0xFFFFF830  }
0xb7: {  	[tilespmem:s24], [sflag:$0x4] =	stream.indirect.gather [hbm4b:s4+s13], $0x10, s18, s13, $0xb8;
	[tilespmem:$0xFDC0] =	vst v63  }
0xb8: {  	_ =	swait.ge [sflag:s6], $0x7D0  }
0xb9: {  	[sflag:s6] =	ssyncset.done $0x0  }
0xba: {  	s22 =	sadd.s32 $0x2C80, s7;
	s24 =	simm.s32 $0x9650;
	[sflag:s6] =	ssyncadd.s32 $0xFFFFF830  }
0xbb: {  	[spmem:s2] =	stream.indirect.scatter.add.f32 [tilespmem:s24], [sflag:$0x16], $0x10, s22, s13, $0xb8;
	[tilespmem:$0xFDC0] =	vst v63  }
0xbc: {  	_ =	swait.ge [sflag:s23], $0x7D0  }
0xbd: {  	[sflag:s23] =	ssyncset.done $0x0  }
0xbe: {  	s22 =	sadd.s32 $0x800, s7;
	[sflag:s23] =	ssyncadd.s32 $0xFFFFF830  }
0xbf: {  	[tilespmem:s25], [sflag:$0x5] =	stream.indirect.gather [hbm4b:s4+s13], $0x10, s22, s13, $0xb8;
	[tilespmem:$0xFDC0] =	vst v63  }
0xc0: {  	_ =	swait.ge [sflag:s5], $0x7D0  }
0xc1: {  	[sflag:s5] =	ssyncset.done $0x0  }
0xc2: {  	s24 =	sadd.s32 $0x2D00, s7;
	s25 =	simm.s32 $0x9E20;
	[sflag:s5] =	ssyncadd.s32 $0xFFFFF830  }
0xc3: {  	[spmem:s2] =	stream.indirect.scatter.add.f32 [tilespmem:s25], [sflag:$0x17], $0x10, s24, s13, $0xb8;
	[tilespmem:$0xFDC0] =	vst v63  }
0xc4: {  	_ =	swait.ge [sflag:s3], $0x7D0  }
0xc5: {  	[sflag:s3] =	ssyncset.done $0x0  }
0xc6: {  	s18 =	sadd.s32 $0x880, s7;
	s22 =	simm.s32 $0x7710;
	[sflag:s3] =	ssyncadd.s32 $0xFFFFF830  }
0xc7: {  	[tilespmem:s22], [sflag:$0x6] =	stream.indirect.gather [hbm4b:s4+s13], $0x10, s18, s13, $0xb8;
	[tilespmem:$0xFDC0] =	vst v63  }
.Ltmp4:
0xc8: {  	_ =	swait.ge [sflag:s9], $0x7D0;
	(pc) =	sbr.rel .LBB2_4-.Ltmp4, $4  }
0xc9: {  	s11 =	sadd.s32 $0xC, s11;
	[sflag:s9] =	ssyncset.done $0x0  }
0xca: {  	s24 =	sadd.s32 $0x2D80, s7;
	s25 =	simm.s32 $0xA5F0;
	[sflag:s9] =	ssyncadd.s32 $0xFFFFF830  }
0xcb: {  	[spmem:s2] =	stream.indirect.scatter.add.f32 [tilespmem:s25], [sflag:$0x18], $0x10, s24, s13, $0xb8;
	[tilespmem:$0xFDC0] =	vst v63  }
0xcc: {  	s14 =	sadd.s32 $0x1800, s14;
	s25 =	simm.s32 $0x6770;
	s24 =	simm.s32 $0x5FA0  }
.LBB2_7:
0xcd: {  	_ =	sfence.sel $0x180000  }
0xce: {  	[bflag:$0x0] =	sbarrier.arrive $0xFFFF  }
0xcf: {  	_ =	strace $0x9000004D  }
0xd0: {  	s0 =	stileid.u32;
	[bflag:$0x2] =	sbarrier.arrive $0xFFFF  }
0xd1: {  	p0 =	sne.s32 s0, $0x0;
	s0 =	rddreg [dreg:$0x2]  }
0xd2: {  	s0 =	sadd.s32 @!p0 $0x100000, s0  }
0xd3: {  	[sflag:s0] =	ssyncadd.tile.s32 @!p0 $0x1;
	_ =	shalt  }
.Lfunc_end2:
_tile_overlayer_lowered:
.L_overlay_start_2:
0xd4: {  	(tag) =	ssettag $0x2  }
0xd5: {  	s0 =	rddreg [dreg:$0x0];
	s2 =	stileid.u32  }
0xd6: {  	s1 =	rddreg [dreg:$0x1];
	p0 =	sne.s32 s2, $0x0  }
0xd7: {  	s3 =	rddreg [dreg:$0x2];
	[bflag:$0x3] =	sbarrier.arrive $0xFFFF;
	s2 =	simm.s32 @!p0 $0x1C19  }
0xd8: {  	[timem:s3], [sflag:s2] =	dma.local @!p0 [hbm:s0], s1  }
0xd9: {  	s0 =	simm.s32 @!p0 $0x19  }
0xda: {  	_ =	swait.ge @!p0 [sflag:s0], s1  }
0xdb: {  	s1 =	ssub.s32 @!p0 $0x0, s1;
	[sflag:s0] =	ssyncset.done @!p0 $0x0  }
0xdc: {  	[sflag:s0] =	ssyncadd.s32 @!p0 s1  }
0xdd: {  	[bflag:$0x3] =	sbarrier.arrive $0xFFFF  }
0xde: {  	_ =	shalt  }

// kernel: kernel.8.cloned.1.call-start
scs
__scs_entry_jumppad:
0x0: {  	(pc) =	sbr.rel $0x88, $3  }
0x1: {  	(tag) =	ssettag $0x0;
	lr =	simm.s32 $0x1  }
0x2: {  	[smem:$0x3F99] =	sst lr;
	_ =	strace $0xD0000000  }
0x3: {  	_ = 	snop  }
0x4: {  	_ = 	snop  }
0x5: {  	_ = 	snop  }
0x6: {  	_ = 	snop  }
0x7: {  	_ = 	snop  }
__scs_overlays_trampoline_lowered:
0x8: {  	[smem:$0x3FA8] =	sst s0  }
0x9: {  	[smem:$0x3FA9] =	sst s1  }
0xa: {  	[smem:$0x3FAA] =	sst s2  }
0xb: {  	[smem:$0x3FAB] =	sst s3  }
0xc: {  	[smem:$0x3FAC] =	sst s4  }
0xd: {  	[smem:$0x3FAD] =	sst s5  }
0xe: {  	[smem:$0x3FAE] =	sst s6  }
0xf: {  	[smem:$0x3FAF] =	sst s7  }
0x10: {  	[smem:$0x3FB0] =	sst s8  }
0x11: {  	[smem:$0x3FB1] =	sst s9;
	s0 =	simm.s32 @!p0 $0x0  }
0x12: {  	s1 =	sld [smem:$0x3F97];
	s0 =	simm.s32 @p0 $0x1  }
0x13: {  	[smem:$0x3FB2] =	sst s0;
	s0 =	simm.s32 @!p1 $0x0  }
0x14: {  	s2 =	sld [smem:$0x3F96];
	s0 =	simm.s32 @p1 $0x1  }
0x15: {  	[smem:$0x3FB3] =	sst s0;
	s0 =	simm.s32 @!p2 $0x0  }
0x16: {  	s3 =	sld [smem:$0x3FDB];
	s0 =	simm.s32 @p2 $0x1  }
0x17: {  	s4 =	simm.s32 $0x1BF5;
	[smem:$0x3FB5] =	sst s0  }
0x18: {  	s0 =	sld [smem:$0x3F98];
	_ =	swait.ge [sflag:s4], $0x0  }
0x19: {  	s7 =	sld [smem:$0x3F99]  }
0x1a: {  	s8 =	sadd.s32 $0xFFFFE003, lr  }
0x1b: {  	s9 =	sadd.s32 $0xFFFFFEF7, lr;
	s5 =	simm.s32 $0xFFFFFFFF;
	p2 =	slt.u32 s8, $0xFFFFF086  }
0x1c: {  	p1 =	slt.u32 s9, $0xF7A;
	s5 =	simm.s32 @!p2 $0x0  }
0x1d: {  	s5 =	simm.s32 @p1 $0x1;
	p0 =	seq.s32 s7, s2  }
0x1e: {  	s7 =	smul.u32 @!p0 $0xF7A, s2;
	p2 =	seq.s32 @!p0 s5, $0x0  }
0x1f: {  	s9 =	smul.u32 $0xF7A, s1;
	s8 =	simm.s32 @!p0 $0x1BF5;
	p2 =	por !p2, p0  }
0x20: {  	[sflag:s8] =	ssyncset.s32 @!p0 $0xFFFFF086;
	s6 =	sadd.s32 @!p0 s3, s7;
	s7 =	simm.s32 @!p0 $0x108  }
0x21: {  	s3 =	sadd.s32 s3, s9;
	s6 =	sadd.s32 @!p0 $0x88, s6;
	s7 =	simm.s32 @p2 $0x1082  }
0x22: {  	[simem:s7], [sflag:s8] =	dma.local @!p0 [hbm:s6], $0xF7A  }
0x23: {  	s9 =	sor.u32 $0xD0000000, s2;
	s6 =	simm.s32 $0x108;
	_ =	swait.ge @!p0 [sflag:s8], $0x0  }
0x24: {  	s3 =	sadd.s32 $0x88, s3;
	s6 =	simm.s32 @!p1 $0x1082;
	[sflag:s4] =	ssyncset.s32 $0xFFFFF086  }
0x25: {  	[simem:s6], [sflag:s4] =	dma.local [hbm:s3], $0xF7A  }
0x26: {  	[smem:$0x3F99] =	sst s1;
	(tag) =	ssettag s2;
	_ =	strace s9  }
0x27: {  	s1 =	sld [smem:$0x3FA9]  }
0x28: {  	s2 =	sld [smem:$0x3FAA]  }
0x29: {  	s4 =	sld [smem:$0x3FAC]  }
0x2a: {  	p0 =	seq.s32 s5, $0x0;
	s5 =	sld [smem:$0x3FAD]  }
0x2b: {  	s6 =	sld [smem:$0x3FAE]  }
0x2c: {  	s7 =	sld [smem:$0x3FAF]  }
0x2d: {  	s3 =	simm.s32 $0x108;
	s8 =	sld [smem:$0x3FB0]  }
0x2e: {  	s3 =	simm.s32 @!p0 $0x1082;
	s9 =	sld [smem:$0x3FB1]  }
0x2f: {  	lr =	sadd.s32 s0, s3;
	s0 =	sld [smem:$0x3FA8]  }
0x30: {  	s3 =	sld [smem:$0x3FAB]  }
0x31: {  	[smem:$0x3FB4] =	sst s10  }
0x32: {  	s10 =	sld [smem:$0x3FB2];
	_ =	sdelay $0x3  }
0x33: {  	p0 =	seq.s32 s10, $0x1;
	s10 =	sld [smem:$0x3FB4];
	_ =	sdelay $0x3  }
0x34: {  	[smem:$0x3FB4] =	sst s10  }
0x35: {  	s10 =	sld [smem:$0x3FB3];
	_ =	sdelay $0x3  }
0x36: {  	p1 =	seq.s32 s10, $0x1;
	s10 =	sld [smem:$0x3FB4];
	_ =	sdelay $0x3  }
0x37: {  	[smem:$0x3FB4] =	sst s10  }
0x38: {  	s10 =	sld [smem:$0x3FB5]  }
0x39: {  	_ = 	snop;
	(pc) =	sbr.ind lr, $3  }
0x3a: {  	_ = 	snop  }
0x3b: {  	_ = 	snop  }
0x3c: {  	p2 =	seq.s32 s10, $0x1;
	s10 =	sld [smem:$0x3FB4]  }
0x3d: {  	_ =	shalt  }
0x3e: {  	_ =	shalt  }
0x3f: {  	_ =	shalt  }
0x40: {  	_ =	shalt  }
0x41: {  	_ =	shalt  }
0x42: {  	_ =	shalt  }
0x43: {  	_ =	shalt  }
0x44: {  	_ =	shalt  }
0x45: {  	_ =	shalt  }
0x46: {  	_ =	shalt  }
0x47: {  	_ =	shalt  }
0x48: {  	_ =	shalt  }
0x49: {  	_ =	shalt  }
0x4a: {  	_ =	shalt  }
0x4b: {  	_ =	shalt  }
0x4c: {  	_ =	shalt  }
0x4d: {  	_ =	shalt  }
0x4e: {  	_ =	shalt  }
0x4f: {  	_ =	shalt  }
0x50: {  	_ =	shalt  }
0x51: {  	_ =	shalt  }
0x52: {  	_ =	shalt  }
0x53: {  	_ =	shalt  }
0x54: {  	_ =	shalt  }
0x55: {  	_ =	shalt  }
0x56: {  	_ =	shalt  }
0x57: {  	_ =	shalt  }
0x58: {  	_ =	shalt  }
0x59: {  	_ =	shalt  }
0x5a: {  	_ =	shalt  }
0x5b: {  	_ =	shalt  }
0x5c: {  	_ =	shalt  }
0x5d: {  	_ =	shalt  }
0x5e: {  	_ =	shalt  }
0x5f: {  	_ =	shalt  }
0x60: {  	_ =	shalt  }
0x61: {  	_ =	shalt  }
0x62: {  	_ =	shalt  }
0x63: {  	_ =	shalt  }
0x64: {  	_ =	shalt  }
0x65: {  	_ =	shalt  }
0x66: {  	_ =	shalt  }
0x67: {  	_ =	shalt  }
0x68: {  	_ =	shalt  }
0x69: {  	_ =	shalt  }
0x6a: {  	_ =	shalt  }
0x6b: {  	_ =	shalt  }
0x6c: {  	_ =	shalt  }
0x6d: {  	_ =	shalt  }
0x6e: {  	_ =	shalt  }
0x6f: {  	_ =	shalt  }
0x70: {  	_ =	shalt  }
0x71: {  	_ =	shalt  }
0x72: {  	_ =	shalt  }
0x73: {  	_ =	shalt  }
0x74: {  	_ =	shalt  }
0x75: {  	_ =	shalt  }
0x76: {  	_ =	shalt  }
0x77: {  	_ =	shalt  }
0x78: {  	_ =	shalt  }
0x79: {  	_ =	shalt  }
0x7a: {  	_ =	shalt  }
0x7b: {  	_ =	shalt  }
0x7c: {  	_ =	shalt  }
0x7d: {  	_ =	shalt  }
0x7e: {  	_ =	shalt  }
0x7f: {  	_ =	shalt  }
0x80: {  	_ =	shalt  }
0x81: {  	_ =	shalt  }
0x82: {  	_ =	shalt  }
0x83: {  	_ =	shalt  }
0x84: {  	_ =	shalt  }
0x85: {  	_ =	shalt  }
0x86: {  	_ =	shalt  }
0x87: {  	_ =	shalt  }
.Lfunc_end0:
.L_simem_size_0:
called_computation_lowered:
.L_overlay_start_0:
0x88: {  	s2 =	sld [smem:$0x3FD9]  }
0x89: {  	s3 =	sld [smem:$0x3FFE];
	_ =	sdelay $0x1  }
0x8a: {  	s1 =	srdreg.scid  }
0x8b: {  	s0 =	sand.u32 $0x1, s1  }
0x8c: {  	s14 =	sshll.u32 s0, $0xA;
	s2 =	sadd.s32 s3, s2  }
0x8d: {  	s2 =	sadd.s32 s2, s14  }
0x8e: {  	[smem:$0x3FC0] =	sst s2  }
0x8f: {  	_ = 	snop  }
0x90: {  	s2 =	sld [smem:$0x3FD0];
	_ =	sdelay $0x2  }
0x91: {  	s15 =	simm.s32 $0xA;
	s4 =	simm.s32 $0x10  }
0x92: {  	[smem:s4], [sflag:s15] =	dma.local [hbm:s2], $0x1  }
0x93: {  	_ =	swait.eq [sflag:s15], $0x1  }
0x94: {  	[sflag:s15] =	ssyncset.done $0x0  }
0x95: {  	[sflag:s15] =	ssyncadd.s32 $0xFFFFFFFF  }
0x96: {  	s16 =	sld [smem:$0x10];
	(tm) =	ssettm $0x1  }
0x97: {  	s17 =	sld [smem:$0x3FFB];
	_ =	sdelay $0x3  }
0x98: {  	_ =	strace s17  }
0x99: {  	s3 =	sld [smem:$0x3FFC];
	_ =	sdelay $0x3  }
0x9a: {  	_ =	strace s3  }
0x9b: {  	s3 =	sld [smem:$0x3FFD];
	_ =	sdelay $0x3  }
0x9c: {  	_ =	strace s3  }
0x9d: {  	_ =	strace $0x8FFFFFFF  }
0x9e: {  	s18 =	sld [smem:$0x3FDB];
	_ =	sdelay $0x1  }
0x9f: {  	s19 =	simm.s32 $_scs_section_size  }
0xa0: {  	s5 =	simm.s32 $_size__tile_overlayer_lowered;
	s6 =	simm.s32 $_tile_overlayer_lowered  }
0xa1: {  	s22 =	simm.s32 $0x1BFF;
	s21 =	sshll.u32 s6, $0x1;
	s3 =	sadd.s32 s19, s18  }
0xa2: {  	s7 =	simm.s32 $0x0;
	s20 =	sshll.u32 s5, $0x1;
	s5 =	sadd.s32 s21, s3  }
0xa3: {  	[timem:s7], [sflag:s22] =	dma.local [hbm:s5], s20  }
0xa4: {  	_ =	swait.ge [sflag:s22], s20  }
0xa5: {  	s4 =	ssub.s32 $0x0, s20;
	[sflag:s22] =	ssyncset.done $0x0  }
0xa6: {  	[sflag:s22] =	ssyncadd.s32 s4;
	_ =	sdelay $0x1  }
0xa7: {  	s23 =	simm.s32 $0x1B8B  }
0xa8: {  	_ =	swait.ge [sflag:s23], $0x1  }
0xa9: {  	[sflag:s23] =	ssyncset.done $0x0  }
0xaa: {  	s25 =	simm.s32 $0x1B8E;
	s24 =	sld [smem:$0x3FFE];
	[sflag:s23] =	ssyncadd.s32 $0xFFFFFFFF  }
0xab: {  	s26 =	simm.s32 $execute0_lowered;
	[smem:$0x3FD2] =	sst s25  }
0xac: {  	s5 =	sshll.u32 s26, $0x1;
	_ =	strace $0x80000046;
	[dreg:$0x1] =	wrdreg $0xFFFFFFFF  }
0xad: {  	s28 =	simm.s32 $_size_execute0_lowered;
	s3 =	sadd.s32 s3, s5;
	[dreg:$0x0] =	wrdreg $0x0  }
0xae: {  	s5 =	sshll.u32 s28, $0x1;
	[dreg:$0x2] =	wrdreg s3  }
0xaf: {  	[dreg:$0x3] =	wrdreg s5  }
0xb0: {  	[dreg:$0x4] =	wrdreg $0xC0  }
0xb1: {  	_ =	task [dreg:s7], $0x5FFFF  }
0xb2: {  	[dreg:$0x1] =	wrdreg $0xFFFFFFFF  }
0xb3: {  	[dreg:$0x0] =	wrdreg $0x60  }
0xb4: {  	[dreg:$0x2] =	wrdreg s24  }
0xb5: {  	[dreg:$0x3] =	wrdreg s16  }
0xb6: {  	[dreg:$0x4] =	wrdreg $0x2B000  }
0xb7: {  	[dreg:$0x5] =	wrdreg $0x9  }
0xb8: {  	_ =	task.clear_ibuf [dreg:s7], $0x6FFFF;
	_ =	strace $0x90000046  }
0xb9: {  	s29 =	simm.s32 $0x9;
	_ =	strace $0x80000048  }
0xba: {  	_ =	swait.ge [sflag:s29], $0x1  }
0xbb: {  	[sflag:s29] =	ssyncadd.s32 $0xFFFFFFFF  }
0xbc: {  	_ =	strace $0x90000048  }
0xbd: {  	_ =	sfence  }
0xbe: {  	s30 =	sld [smem:$0x0];
	_ =	sdelay $0x2  }
0xbf: {  	s31 =	sshll.u32 s1, $0xD;
	s1 =	sshrl.u32 s1, $0x2  }
0xc0: {  	s3 =	sand.u32 $0x4000, s31;
	s1 =	sadd.s32 s1, s30  }
0xc1: {  	s0 =	sor.u32 s3, s0;
	s1 =	sshll.u32 s1, $0x11  }
0xc2: {  	s0 =	sor.u32 s1, s0  }
0xc3: {  	s0 =	sadd.s32 $0x8F2B, s0  }
0xc4: {  	[sflag:s0] =	ssyncadd.remote.s32 $0x1  }
0xc5: {  	_ =	sfence.sel $0xFFFF  }
0xc6: {  	[dreg:$0x0] =	wrdreg $0xFFFFFFFF;
	(pc) =	sbr.abs _section_cstart, $3  }
0xc7: {  	[dreg:$0x1] =	wrdreg $0xFFFFFFFF  }
0xc8: {  	_ =	task.clear_ibuf [dreg:s7], $0x2FFFF;
	_ =	strace $0x9FFFFFFF  }
0xc9: {  	(tm) =	ssettm $0x7FFFFFFF  }
tec
execute0_lowered:
.L_overlay_start_1:
0x0: {  	(tag) =	ssettag $0x1  }
0x1: {  	s4 =	rddreg [dreg:$0x0]  }
0x2: {  	s1 =	srdreg.scid;
	s6 =	rddreg [dreg:$0x1]  }
0x3: {  	s0 =	stileid.u32;
	s2 =	rddreg [dreg:$0x2];
	s3 =	simm.s32 $0x0  }
0x4: {  	s12 =	simm.s32 $0x1;
	s15 =	simm.s32 $0x0;
	s5 =	sand.u32 $0x1, s1  }
0x5: {  	s29 =	sshll.u32 s0, $0x1;
	s7 =	smul.u32 $0x280, s0;
	s1 =	rddreg [dreg:$0x3]  }
0x6: {  	[smem:$0x7FF] =	sst s3;
	s13 =	sshll.u32 s0, $0x6;
	s8 =	sor.u32 s5, s29  }
0x7: {  	s10 =	ssub.s32 $0x2, s5;
	s5 =	smul.u32 $0x2800, s5;
	_ =	strace $0x80000047  }
0x8: {  	s13 =	sor.u32 $0x1C02, s13;
	s9 =	smul.u32 $0x2800, s8;
	s11 =	sshrl.u32 s10, $0x1  }
0x9: {  	p0 =	sne.s32 s8, $0x0;
	s8 =	simm.s32 $0x2880;
	s10 =	ssub.s32 s10, s11  }
0xa: {  	s30 =	sadd.s32 s7, s5;
	s11 =	simm.s32 $0x2800;
	s9 =	sshrl.u32 s9, $0x3  }
0xb: {  	s31 =	sshrl.u32 s30, $0x3;
	s9 =	sadd.s32 s4, s9;
	s4 =	sadd.s32 s7, s2  }
0xc: {  	s6 =	sadd.s32 s6, s31;
	s7 =	smax.u32 s10, $0x1;
	s10 =	simm.s32 $0x7D  }
0xd: {  	v0 =	vimm.f32 $1.000000000e+00;
	v1 =	vimm.f32 $0.0e+00;
	s5 =	sadd.s32 $0xC400, s9;
	s9 =	simm.s32 $0x2;
	s14 =	sshrl.u32 s4, $0x3  }
.LBB2_1:
0xe: {  	[tilespmem:$0x2800] =	vst v0  }
0xf: {  	[tilespmem:$0x2810] =	vst v0  }
0x10: {  	[tilespmem:$0x2820] =	vst v0  }
0x11: {  	[tilespmem:$0x2830] =	vst v0  }
0x12: {  	[tilespmem:$0x2840] =	vst v0  }
0x13: {  	[tilespmem:$0x2850] =	vst v0  }
0x14: {  	[tilespmem:$0x2860] =	vst v0  }
0x15: {  	[tilespmem:$0x2880] =	vst v1  }
0x16: {  	[tilespmem:$0x2890] =	vst v1  }
0x17: {  	[tilespmem:$0x28A0] =	vst v1  }
0x18: {  	[tilespmem:$0x28B0] =	vst v1  }
0x19: {  	[tilespmem:$0x28C0] =	vst v1  }
0x1a: {  	[tilespmem:$0x28D0] =	vst v1  }
0x1b: {  	[tilespmem:$0x28E0] =	vst v1  }
0x1c: {  	[tilespmem:$0x28F0] =	vst v1  }
0x1d: {  	[tilespmem:$0x2900] =	vst v1  }
0x1e: {  	[tilespmem:$0x2910] =	vst v1  }
0x1f: {  	[tilespmem:$0x2920] =	vst v1  }
0x20: {  	[tilespmem:$0x2930] =	vst v1  }
0x21: {  	[tilespmem:$0x2940] =	vst v1  }
0x22: {  	[tilespmem:$0x2950] =	vst v1  }
0x23: {  	[tilespmem:$0x2960] =	vst v1  }
0x24: {  	[tilespmem:$0x2970] =	vst v1  }
0x25: {  	[tilespmem:$0x2980] =	vst v1  }
0x26: {  	[tilespmem:$0x2990] =	vst v1  }
0x27: {  	[tilespmem:$0x29A0] =	vst v1  }
0x28: {  	[tilespmem:$0x29B0] =	vst v1  }
0x29: {  	[tilespmem:$0x29C0] =	vst v1  }
0x2a: {  	[tilespmem:$0x29D0] =	vst v1  }
0x2b: {  	[tilespmem:$0x29E0] =	vst v1  }
0x2c: {  	[tilespmem:$0x29F0] =	vst v1  }
0x2d: {  	[tilespmem:$0x2A00] =	vst v1  }
0x2e: {  	[tilespmem:$0x2A10] =	vst v1  }
0x2f: {  	[tilespmem:$0x2A20] =	vst v1  }
0x30: {  	[tilespmem:$0x2A30] =	vst v1  }
0x31: {  	[tilespmem:$0x2A40] =	vst v1  }
0x32: {  	[tilespmem:$0x2A50] =	vst v1  }
0x33: {  	[tilespmem:$0x2A60] =	vst v1  }
0x34: {  	[tilespmem:$0x2A70] =	vst v1  }
0x35: {  	[tilespmem:$0x2A80] =	vst v1  }
0x36: {  	[tilespmem:$0x2A90] =	vst v1  }
0x37: {  	[tilespmem:$0x2AA0] =	vst v1  }
0x38: {  	[tilespmem:$0x2AB0] =	vst v1  }
0x39: {  	[tilespmem:$0x2AC0] =	vst v1  }
0x3a: {  	[tilespmem:$0x2AD0] =	vst v1  }
0x3b: {  	[tilespmem:$0x2AE0] =	vst v1  }
0x3c: {  	[tilespmem:$0x2AF0] =	vst v1  }
0x3d: {  	[tilespmem:$0x286D] =	vst v0  }
0x3e: {  	[spmem:s4] =	stream.linear.scatter [tilespmem:s8], [sflag:$0x2], $0x280, $0x38;
	[tilespmem:$0x2D80] =	vst v63  }
0x3f: {  	_ =	swait.ge [sflag:s9], $0x280  }
0x40: {  	[sflag:s9] =	ssyncset.done $0x0  }
0x41: {  	[sflag:s9] =	ssyncadd.s32 $0xFFFFFD80  }
0x42: {  	[tilespmem:s3], [sflag:$0x2] =	stream.linear.gather [hbm4b:s5+s3], $0x2800, $0x38;
	[tilespmem:$0x2D80] =	vst v63  }
0x43: {  	_ =	swait.ge [sflag:s9], $0x2800  }
0x44: {  	[sflag:s9] =	ssyncset.done $0x0  }
0x45: {  	[sflag:s9] =	ssyncadd.s32 $0xFFFFD800  }
0x46: {  	v2 =	vld @!p0 [tilespmem:$0x0];
	_ =	sdelay $0x2  }
0x47: {  	v3 =	vlaneseq.u32 @!p0  }
0x48: {  	vm0 =	veq.s32 @!p0 v3, $0x0  }
0x49: {  	v2 =	vsel @!p0 vm0, $0x2720, v2  }
0x4a: {  	[tilespmem:$0x0] =	vst @!p0 v2  }
0x4b: {  	s16 =	simm.s32 $0x0;
	[bflag:$0x0] =	sbarrier.arrive $0xFFFF  }
.LBB2_2:
0x4c: {  	p1 =	sne.s32 s16, $0x9E00  }
.Ltmp0:
0x4d: {  	_ = 	snop;
	(pc) =	sbr.rel @p1 .LBB2_2-.Ltmp0, $3  }
0x4e: {  	_ =	sdelay $0x1  }
0x4f: {  	s17 =	sshra.s32 s16, $0x2;
	s16 =	sadd.s32 $0x200, s16  }
0x50: {  	[spmem:s2] =	stream.indirect.scatter.add.f32 [tilespmem:s11], [sflag:$0x1], $0x1, s17, s10, $0xb8;
	[tilespmem:$0x2D80] =	vst v63  }
0x51: {  	_ =	swait.ge [sflag:s12], $0x7D  }
0x52: {  	s16 =	simm.s32 $0x4F;
	[sflag:s12] =	ssyncset.done $0x0  }
.LBB2_4:
0x53: {  	p1 =	sne.s32 s16, $0x1;
	s16 =	sadd.s32 $0xFFFFFFFF, s16;
	[sflag:s12] =	ssyncadd.s32 $0xFFFFFF83  }
.Ltmp1:
0x54: {  	(pc) =	sbr.rel @p1 .LBB2_4-.Ltmp1, $3  }
0x55: {  	_ =	sdelay $0x1  }
0x56: {  	_ =	swait.ge [sflag:s12], $0x7D  }
0x57: {  	[sflag:s12] =	ssyncset.done $0x0  }
0x58: {  	s15 =	sadd.s32 $0x1, s15  }
0x59: {  	[sflag:s12] =	ssyncadd.s32 $0xFFFFFF83;
	p1 =	sne.s32 s15, s7  }
.Ltmp2:
0x5a: {  	[bflag:$0x0] =	sbarrier.arrive $0xFFFF;
	(pc) =	sbr.rel @p1 .LBB2_1-.Ltmp2, $4  }
0x5b: {  	[hbm:s6], [sflag:s13] =	dma.local [spmem:s14], $0x50  }
0x5c: {  	_ =	swait.ge [sflag:s9], $0x50  }
0x5d: {  	[sflag:s9] =	ssyncset.done $0x0  }
0x5e: {  	[sflag:s9] =	ssyncadd.s32 $0xFFFFFFB0  }
0x5f: {  	_ =	sfence.sel $0x180000  }
0x60: {  	[bflag:$0x0] =	sbarrier.arrive $0xFFFF  }
0x61: {  	p0 =	sne.s32 s0, $0x0;
	_ =	strace $0x90000047  }
0x62: {  	s0 =	sadd.s32 @!p0 $0x100000, s1;
	[bflag:$0x2] =	sbarrier.arrive $0xFFFF  }
0x63: {  	[sflag:s0] =	ssyncadd.tile.s32 @!p0 $0x1;
	_ =	shalt  }
.Lfunc_end2:
_tile_overlayer_lowered:
.L_overlay_start_2:
0x64: {  	(tag) =	ssettag $0x2  }
0x65: {  	s0 =	rddreg [dreg:$0x0];
	s2 =	stileid.u32  }
0x66: {  	s1 =	rddreg [dreg:$0x1];
	p0 =	sne.s32 s2, $0x0  }
0x67: {  	s3 =	rddreg [dreg:$0x2];
	[bflag:$0x3] =	sbarrier.arrive $0xFFFF;
	s2 =	simm.s32 @!p0 $0x1C02  }
0x68: {  	[timem:s3], [sflag:s2] =	dma.local @!p0 [hbm:s0], s1  }
0x69: {  	s0 =	simm.s32 @!p0 $0x2  }
0x6a: {  	_ =	swait.ge @!p0 [sflag:s0], s1  }
0x6b: {  	s1 =	ssub.s32 @!p0 $0x0, s1;
	[sflag:s0] =	ssyncset.done @!p0 $0x0  }
0x6c: {  	[sflag:s0] =	ssyncadd.s32 @!p0 s1  }
0x6d: {  	[bflag:$0x3] =	sbarrier.arrive $0xFFFF  }
0x6e: {  	_ =	shalt  }

</sc_bundles>
